<compile_context>
chip_gen: v7x
topology: tpu7x:2x2x1
jax: 0.10.2.dev20260603
libtpu: 0.0.44.dev20260713+nightly
codegen_flags: <defaults>
</compile_context>

<pallas_src>
import jax
import jax.numpy as jnp
from jax import lax
from jax.experimental import pallas as pl
from jax.experimental.pallas import tpu as pltpu
from jax.experimental.pallas import tpu_sc as plsc

N = 10000
E = 320000
DF = 128
DE = 128
DH = 256
NPAD = 10112
TRASH = N

NC, NS, L = 2, 16, 16
NW = NC * NS

_SC_MESH = dict(core_axis_name="c", subcore_axis_name="s")


_EPW = E // NW
_EP_CHUNK = 2000


def _cat16(t):
  par = lax.rem(t, 2)
  return jnp.where(t < 5, 0,
                   jnp.where(t < 11, 2 - par, jnp.where(t < 15, 4 - par, 5)))


def _edge_prep_body(src_hbm, dst_hbm, ntypes_hbm,
                    maskf_hbm, idxm_hbm, idxnm_hbm,
                    src_v, dst_v, ts_v, td_v, mf_v, im_v, inm_v, sem):
  wid = lax.axis_index("s") * NC + lax.axis_index("c")
  base = wid * _EPW

  def chunk_body(ci, _):
    off = base + ci * _EP_CHUNK
    pltpu.sync_copy(src_hbm.at[pl.ds(off, _EP_CHUNK)], src_v)
    pltpu.sync_copy(dst_hbm.at[pl.ds(off, _EP_CHUNK)], dst_v)
    pltpu.async_copy(ntypes_hbm.at[src_v], ts_v, sem).wait()
    pltpu.async_copy(ntypes_hbm.at[dst_v], td_v, sem).wait()

    trash = TRASH + lax.iota(jnp.int32, L)

    def vec_body(i, _):
      sl = pl.ds(i * L, L)
      m = _cat16(ts_v[sl]) == _cat16(td_v[sl])
      dv = dst_v[sl]
      mf_v[sl] = jnp.where(m, 1.0, 0.0).astype(jnp.float32)
      im_v[sl] = jnp.where(m, dv, trash).astype(jnp.int32)
      inm_v[sl] = jnp.where(m, trash, dv).astype(jnp.int32)
      return 0

    lax.fori_loop(0, _EP_CHUNK // L, vec_body, 0)
    pltpu.sync_copy(mf_v, maskf_hbm.at[pl.ds(off, _EP_CHUNK)])
    pltpu.sync_copy(im_v, idxm_hbm.at[pl.ds(off, _EP_CHUNK)])
    pltpu.sync_copy(inm_v, idxnm_hbm.at[pl.ds(off, _EP_CHUNK)])
    return 0

  lax.fori_loop(0, _EPW // _EP_CHUNK, chunk_body, 0)


def _edge_prep(src, dst, node_types):
  k = pl.kernel(
      _edge_prep_body,
      mesh=plsc.VectorSubcoreMesh(**_SC_MESH),
      out_type=(
          jax.ShapeDtypeStruct((E,), jnp.float32),
          jax.ShapeDtypeStruct((E,), jnp.int32),
          jax.ShapeDtypeStruct((E,), jnp.int32),
      ),
      scratch_types=[
          pltpu.VMEM((_EP_CHUNK,), jnp.int32),
          pltpu.VMEM((_EP_CHUNK,), jnp.int32),
          pltpu.VMEM((_EP_CHUNK,), jnp.int32),
          pltpu.VMEM((_EP_CHUNK,), jnp.int32),
          pltpu.VMEM((_EP_CHUNK,), jnp.float32),
          pltpu.VMEM((_EP_CHUNK,), jnp.int32),
          pltpu.VMEM((_EP_CHUNK,), jnp.int32),
          pltpu.SemaphoreType.DMA,
      ],
  )
  return k(src, dst, node_types)



_GPW = E // NW
_G_CHUNK = 200


def _gather_body(table_hbm, idxa_hbm, idxb_hbm, outa_hbm, outb_hbm,
                 idxa_v, idxb_v, rowsa_v, rowsb_v, sema, semb):
  wid = lax.axis_index("s") * NC + lax.axis_index("c")
  base = wid * _GPW

  def chunk_body(ci, _):
    off = base + ci * _G_CHUNK
    pltpu.sync_copy(idxa_hbm.at[pl.ds(off, _G_CHUNK)], idxa_v)
    ca = pltpu.async_copy(table_hbm.at[idxa_v], rowsa_v, sema)
    pltpu.sync_copy(idxb_hbm.at[pl.ds(off, _G_CHUNK)], idxb_v)
    cb = pltpu.async_copy(table_hbm.at[idxb_v], rowsb_v, semb)
    ca.wait()
    pltpu.sync_copy(rowsa_v, outa_hbm.at[pl.ds(off, _G_CHUNK)])
    cb.wait()
    pltpu.sync_copy(rowsb_v, outb_hbm.at[pl.ds(off, _G_CHUNK)])
    return 0

  lax.fori_loop(0, _GPW // _G_CHUNK, chunk_body, 0)


def _gather_rows(table, idxa, idxb):
  k = pl.kernel(
      _gather_body,
      mesh=plsc.VectorSubcoreMesh(**_SC_MESH),
      out_type=(
          jax.ShapeDtypeStruct((E, DF), jnp.float32),
          jax.ShapeDtypeStruct((E, DF), jnp.float32),
      ),
      scratch_types=[
          pltpu.VMEM((_G_CHUNK,), jnp.int32),
          pltpu.VMEM((_G_CHUNK,), jnp.int32),
          pltpu.VMEM((_G_CHUNK, DF), jnp.float32),
          pltpu.VMEM((_G_CHUNK, DF), jnp.float32),
          pltpu.SemaphoreType.DMA,
          pltpu.SemaphoreType.DMA,
      ],
  )
  return k(table, idxa, idxb)



_RPT = DF // NW
_S_CHUNK = 10000


def _scatter_body(valt_hbm, idx_hbm, out_hbm, idx_v, buf_v, acc_v, sem):
  wid = lax.axis_index("s") * NC + lax.axis_index("c")
  r0 = wid * _RPT
  z16 = jnp.zeros((L,), jnp.float32)

  def zloop(i, _):
    acc_v[pl.ds(i * L, L)] = z16
    return 0

  lax.fori_loop(0, _RPT * NPAD // L, zloop, 0)

  def chunk_body(ci, _):
    off = ci * _S_CHUNK
    pltpu.sync_copy(idx_hbm.at[pl.ds(off, _S_CHUNK)], idx_v)
    for r in range(_RPT):
      pltpu.sync_copy(valt_hbm.at[pl.ds((r0 + r) * E + off, _S_CHUNK)],
                      buf_v.at[pl.ds(r * _S_CHUNK, _S_CHUNK)])

    def vec_body(i, _):
      sl = pl.ds(i * L, L)
      dd = idx_v[sl]
      for r in range(_RPT):
        plsc.addupdate_scatter(acc_v, [dd + r * NPAD],
                               buf_v[pl.ds(r * _S_CHUNK + i * L, L)])
      return 0

    lax.fori_loop(0, _S_CHUNK // L, vec_body, 0)
    return 0

  lax.fori_loop(0, E // _S_CHUNK, chunk_body, 0)
  pltpu.sync_copy(acc_v, out_hbm.at[pl.ds(r0 * NPAD, _RPT * NPAD)])


def _segment_sum_t(valt, idx):
  k = pl.kernel(
      _scatter_body,
      mesh=plsc.VectorSubcoreMesh(**_SC_MESH),
      compiler_params=pltpu.CompilerParams(needs_layout_passes=False),
      out_type=jax.ShapeDtypeStruct((DF * NPAD,), jnp.float32),
      scratch_types=[
          pltpu.VMEM((_S_CHUNK,), jnp.int32),
          pltpu.VMEM((_RPT * _S_CHUNK,), jnp.float32),
          pltpu.VMEM((_RPT * NPAD,), jnp.float32),
          pltpu.SemaphoreType.DMA,
      ],
  )
  return k(valt.reshape(DF * E), idx).reshape(DF, NPAD)



_BN = 400
_BE = 512


def _dotg(a, b, dims, cast=0):
  if cast == 0:
    a = a.astype(jnp.bfloat16)
  else:
    b = b.astype(jnp.bfloat16)
  return jax.lax.dot_general(a, b, (dims, ((), ())),
                             preferred_element_type=jnp.float32)


def _node_enc_body(x_ref, w0_ref, b0_ref, w1_ref, b1_ref, o_ref):
  h = jnp.maximum(_dotg(x_ref[...], w0_ref[...], ((1,), (0,))) + b0_ref[...],
                  0.0)
  o_ref[...] = _dotg(h, w1_ref[...], ((1,), (0,))) + b1_ref[...]


def _node_enc(x, w0, b0, w1, b1):
  return pl.pallas_call(
      _node_enc_body,
      grid=(N // _BN,),
      in_specs=[
          pl.BlockSpec((_BN, DF), lambda i: (i, 0)),
          pl.BlockSpec((DF, DF), lambda i: (0, 0)),
          pl.BlockSpec((1, DF), lambda i: (0, 0)),
          pl.BlockSpec((DF, DF), lambda i: (0, 0)),
          pl.BlockSpec((1, DF), lambda i: (0, 0)),
      ],
      out_specs=pl.BlockSpec((_BN, DF), lambda i: (i, 0)),
      out_shape=jax.ShapeDtypeStruct((N, DF), jnp.float32),
  )(x, w0, b0[None, :], w1, b1[None, :])


def _edge_enc_body(ea_ref, w0_ref, b0_ref, w1_ref, b1_ref, o_ref):
  h = jnp.maximum(
      _dotg(w0_ref[...], ea_ref[...], ((0,), (1,)), cast=1) + b0_ref[...], 0.0)
  o_ref[...] = _dotg(w1_ref[...], h, ((0,), (0,)), cast=1) + b1_ref[...]


def _edge_enc(ea, w0, b0, w1, b1):
  return pl.pallas_call(
      _edge_enc_body,
      grid=(E // _BE,),
      in_specs=[
          pl.BlockSpec((_BE, 16), lambda i: (i, 0)),
          pl.BlockSpec((16, DE), lambda i: (0, 0)),
          pl.BlockSpec((DE, 1), lambda i: (0, 0)),
          pl.BlockSpec((DE, DE), lambda i: (0, 0)),
          pl.BlockSpec((DE, 1), lambda i: (0, 0)),
      ],
      out_specs=pl.BlockSpec((DE, _BE), lambda i: (0, i)),
      out_shape=jax.ShapeDtypeStruct((DE, E), jnp.float32),
  )(ea, w0, b0[:, None], w1, b1[:, None])


def _edge_mlp_sel_body(gs_ref, gd_ref, ea_ref, eb_ref, m_ref,
                       w1ab_ref, w1c_ref, b1_ref, w2_ref, b2_ref,
                       o_ref):
  m = m_ref[...]
  ef = ea_ref[...] * m + eb_ref[...] * (1.0 - m)
  gsd = jnp.concatenate([gs_ref[...], gd_ref[...]], axis=1)
  h = _dotg(w1ab_ref[...], gsd, ((0,), (1,)), cast=1)
  h += _dotg(w1c_ref[...], ef, ((0,), (0,)), cast=1)
  h = jnp.maximum(h + b1_ref[...], 0.0)
  o_ref[...] = jnp.maximum(_dotg(w2_ref[...], h, ((0,), (0,)), cast=1) + b2_ref[...],
                           0.0)


def _edge_mlp_body(gs_ref, gd_ref, ef_ref,
                   w1ab_ref, w1c_ref, b1_ref, w2_ref, b2_ref,
                   o_ref):
  gsd = jnp.concatenate([gs_ref[...], gd_ref[...]], axis=1)
  h = _dotg(w1ab_ref[...], gsd, ((0,), (1,)), cast=1)
  h += _dotg(w1c_ref[...], ef_ref[...], ((0,), (0,)), cast=1)
  h = jnp.maximum(h + b1_ref[...], 0.0)
  o_ref[...] = jnp.maximum(_dotg(w2_ref[...], h, ((0,), (0,)), cast=1) + b2_ref[...],
                           0.0)


def _edge_mlp(gs, gd, efa_t, efb_t, maskf2, p):
  w1ab = p['Wm1'][:2 * DF]
  w1c = p['Wm1'][2 * DF:]
  weight_specs = [
      pl.BlockSpec((2 * DF, DH), lambda i: (0, 0)),
      pl.BlockSpec((DE, DH), lambda i: (0, 0)),
      pl.BlockSpec((DH, 1), lambda i: (0, 0)),
      pl.BlockSpec((DH, DE), lambda i: (0, 0)),
      pl.BlockSpec((DE, 1), lambda i: (0, 0)),
  ]
  row_spec = pl.BlockSpec((_BE, DF), lambda i: (i, 0))
  et_spec = pl.BlockSpec((DE, _BE), lambda i: (0, i))
  args = (w1ab, w1c, p['bm1'][:, None], p['Wm2'], p['bm2'][:, None])
  if efb_t is None:
    return pl.pallas_call(
        _edge_mlp_body,
        grid=(E // _BE,),
        in_specs=[row_spec, row_spec, et_spec] + weight_specs,
        out_specs=pl.BlockSpec((DE, _BE), lambda i: (0, i)),
        out_shape=jax.ShapeDtypeStruct((DE, E), jnp.float32),
    )(gs, gd, efa_t, *args)
  return pl.pallas_call(
      _edge_mlp_sel_body,
      grid=(E // _BE,),
      in_specs=[row_spec, row_spec, et_spec, et_spec,
                pl.BlockSpec((1, _BE), lambda i: (0, i))] + weight_specs,
      out_specs=pl.BlockSpec((DE, _BE), lambda i: (0, i)),
      out_shape=jax.ShapeDtypeStruct((DE, E), jnp.float32),
  )(gs, gd, efa_t, efb_t, maskf2, *args)


def _node_update_body(nf_ref, aggt_ref, w_ref, b_ref, o_ref):
  agg = aggt_ref[...][:, :N].T
  cat = jnp.concatenate([nf_ref[...], agg], axis=1)
  h = _dotg(cat, w_ref[...], ((1,), (0,)))
  o_ref[...] = jnp.maximum(h + b_ref[...], 0.0)


def _node_update(nf, agg_t, p):
  return pl.pallas_call(
      _node_update_body,
      grid=(1,),
      in_specs=[
          pl.BlockSpec((N, DF), lambda i: (0, 0)),
          pl.BlockSpec((DE, NPAD), lambda i: (0, 0)),
          pl.BlockSpec((DF + DE, DF), lambda i: (0, 0)),
          pl.BlockSpec((1, DF), lambda i: (0, 0)),
      ],
      out_specs=pl.BlockSpec((N, DF), lambda i: (0, 0)),
      out_shape=jax.ShapeDtypeStruct((N, DF), jnp.float32),
  )(nf, agg_t, p['Wnu'], p['bnu'][None, :])


def _edge_head_body(ea_ref, eb_ref, m_ref, w0_ref, b0_ref, w1_ref, b1_ref,
                    o_ref):
  m = m_ref[...]
  ef = ea_ref[...] * m + eb_ref[...] * (1.0 - m)
  h = jnp.maximum(_dotg(w0_ref[...], ef, ((0,), (0,)), cast=1) + b0_ref[...], 0.0)
  o_ref[...] = _dotg(w1_ref[...], h, ((0,), (0,)), cast=1) + b1_ref[...]


def _edge_head(ea_t, eb_t, maskf2, p):
  out = pl.pallas_call(
      _edge_head_body,
      grid=(E // _BE,),
      in_specs=[
          pl.BlockSpec((DE, _BE), lambda i: (0, i)),
          pl.BlockSpec((DE, _BE), lambda i: (0, i)),
          pl.BlockSpec((1, _BE), lambda i: (0, i)),
          pl.BlockSpec((DE, 64), lambda i: (0, 0)),
          pl.BlockSpec((64, 1), lambda i: (0, 0)),
          pl.BlockSpec((64, 1), lambda i: (0, 0)),
          pl.BlockSpec((1, 1), lambda i: (0, 0)),
      ],
      out_specs=pl.BlockSpec((1, _BE), lambda i: (0, i)),
      out_shape=jax.ShapeDtypeStruct((1, E), jnp.float32),
  )(ea_t, eb_t, maskf2, p['Wec0'], p['bec0'][:, None], p['Wec1'],
    p['bec1'][:, None])
  return out[0]


def _node_heads_body(nf_ref, wn0_ref, bn0_ref, wn1_ref, bn1_ref,
                     wc0_ref, bc0_ref, wc1_ref, bc1_ref, on_ref, oc_ref):
  nf = nf_ref[...]
  h1 = jnp.maximum(_dotg(nf, wn0_ref[...], ((1,), (0,))) + bn0_ref[...], 0.0)
  on_ref[...] = _dotg(h1, wn1_ref[...], ((1,), (0,))) + bn1_ref[...]
  h2 = jnp.maximum(_dotg(nf, wc0_ref[...], ((1,), (0,))) + bc0_ref[...], 0.0)
  oc_ref[...] = _dotg(h2, wc1_ref[...], ((1,), (0,))) + bc1_ref[...]


def _node_heads(nf, p):
  return pl.pallas_call(
      _node_heads_body,
      grid=(N // _BN,),
      in_specs=[
          pl.BlockSpec((_BN, DF), lambda i: (i, 0)),
          pl.BlockSpec((DF, 64), lambda i: (0, 0)),
          pl.BlockSpec((1, 64), lambda i: (0, 0)),
          pl.BlockSpec((64, 1), lambda i: (0, 0)),
          pl.BlockSpec((1, 1), lambda i: (0, 0)),
          pl.BlockSpec((DF, 64), lambda i: (0, 0)),
          pl.BlockSpec((1, 64), lambda i: (0, 0)),
          pl.BlockSpec((64, 6), lambda i: (0, 0)),
          pl.BlockSpec((1, 6), lambda i: (0, 0)),
      ],
      out_specs=[
          pl.BlockSpec((_BN, 1), lambda i: (i, 0)),
          pl.BlockSpec((_BN, 6), lambda i: (i, 0)),
      ],
      out_shape=[
          jax.ShapeDtypeStruct((N, 1), jnp.float32),
          jax.ShapeDtypeStruct((N, 6), jnp.float32),
      ],
  )(nf, p['Wnc0'], p['bnc0'][None, :], p['Wnc1'], p['bnc1'][None, :],
    p['Wc0'], p['bc0'][None, :], p['Wc1'], p['bc1'][None, :])



def _layer(nf, efa_t, efb_t, maskf2, idx_scatter, src, dst, p):
  gs, gd = _gather_rows(nf, src, dst)
  new_e_t = _edge_mlp(gs, gd, efa_t, efb_t, maskf2, p)
  agg_t = _segment_sum_t(new_e_t, idx_scatter)
  nf_new = _node_update(nf, agg_t, p)
  return nf_new, new_e_t


def kernel(x, edge_attr, params, edge_index, node_types):
  p = params
  src = edge_index[0]
  dst = edge_index[1]
  maskf, idxm, idxnm = _edge_prep(src, dst, node_types)
  maskf2 = maskf[None, :]

  nf = _node_enc(x, p['Wn0'], p['bn0'], p['Wn1'], p['bn1'])
  ef_t = _edge_enc(edge_attr, p['We0'], p['be0'], p['We1'], p['be1'])

  nf, e1 = _layer(nf, ef_t, None, maskf2, idxm, src, dst, p)
  nf, e2 = _layer(nf, ef_t, None, maskf2, idxnm, src, dst, p)
  nf, e3 = _layer(nf, e1, e2, maskf2, idxm, src, dst, p)
  nf, e4 = _layer(nf, e1, e2, maskf2, idxnm, src, dst, p)

  pred_edge = _edge_head(e3, e4, maskf2, p)

  nf, ef_t = _layer(nf, e3, e4, maskf2, dst, src, dst, p)
  nf, ef_t = _layer(nf, ef_t, None, maskf2, dst, src, dst, p)

  pred_node, pred_cls = _node_heads(nf, p)
  return (pred_edge, pred_node[:, 0], pred_cls)

# --- scband reference (transcript-rebuilt; emitter-appended) ---
"""Pipeline reference for scband-node-classification-mpngroup-based-72464688218489 (READ-ONLY COPY).

The authoritative reference and input builder live on the scoring server;
editing this copy changes nothing except your own understanding.
"""

import jax, jax.numpy as jnp
import numpy as np

N = 10000
E = 320000
DF = 128
DEIN = 16
DE = 128
DH = 256
TYPE_MAP = jnp.array([0, 0, 0, 0, 0, 1, 2, 1, 2, 1, 2, 3, 4, 3, 4, 5, 5], dtype=jnp.int32)


def _mlp2(x, W0, b0, W1, b1):
    return jax.nn.relu(x @ W0 + b0) @ W1 + b1


def _mp_layer(nf, ef, src, dst, p):
    m = jnp.concatenate([nf[src], nf[dst], ef], axis=1)
    h = jax.nn.relu(m @ p['Wm1'] + p['bm1'])
    new_e = jax.nn.relu(h @ p['Wm2'] + p['bm2'])
    agg = jax.ops.segment_sum(new_e, dst, num_segments=nf.shape[0])
    new_n = jax.nn.relu(jnp.concatenate([nf, agg], axis=1) @ p['Wnu'] + p['bnu'])
    return new_n, new_e


def _mp_layer_masked(nf, ef, src, dst, mask, p):
    m = jnp.concatenate([nf[src], nf[dst], ef], axis=1)
    h = jax.nn.relu(m @ p['Wm1'] + p['bm1'])
    new_e = jax.nn.relu(h @ p['Wm2'] + p['bm2'])
    contrib = jnp.where(mask[:, None], new_e, jnp.zeros_like(new_e))
    agg = jax.ops.segment_sum(contrib, dst, num_segments=nf.shape[0])
    new_n = jax.nn.relu(jnp.concatenate([nf, agg], axis=1) @ p['Wnu'] + p['bnu'])
    return new_n, new_e


def setup_inputs(seed: int = 0):
    key = jax.random.key(seed)
    ks = jax.random.split(key, 32)
    def g(i, shape):
        return jax.random.normal(ks[i], shape, jnp.float32) * (1.0 / np.sqrt(shape[0]))
    x = jax.random.normal(ks[0], (N, DF), jnp.float32)
    edge_attr = jax.random.normal(ks[1], (E, DEIN), jnp.float32)
    edge_index = jax.random.randint(ks[2], (2, E), 0, N, jnp.int32)
    node_types = jax.random.randint(ks[3], (N,), 0, 17, jnp.int32)
    params = {
        'Wn0': g(4, (DF, DF)), 'bn0': jnp.zeros((DF,), jnp.float32),
        'Wn1': g(5, (DF, DF)), 'bn1': jnp.zeros((DF,), jnp.float32),
        'We0': g(6, (DEIN, DE)), 'be0': jnp.zeros((DE,), jnp.float32),
        'We1': g(7, (DE, DE)), 'be1': jnp.zeros((DE,), jnp.float32),
        'Wm1': g(8, (DF + DF + DE, DH)), 'bm1': jnp.zeros((DH,), jnp.float32),
        'Wm2': g(9, (DH, DE)), 'bm2': jnp.zeros((DE,), jnp.float32),
        'Wnu': g(10, (DF + DE, DF)), 'bnu': jnp.zeros((DF,), jnp.float32),
        'Wec0': g(11, (DE, 64)), 'bec0': jnp.zeros((64,), jnp.float32),
        'Wec1': g(12, (64, 1)), 'bec1': jnp.zeros((1,), jnp.float32),
        'Wnc0': g(13, (DF, 64)), 'bnc0': jnp.zeros((64,), jnp.float32),
        'Wnc1': g(14, (64, 1)), 'bnc1': jnp.zeros((1,), jnp.float32),
        'Wc0': g(15, (DF, 64)), 'bc0': jnp.zeros((64,), jnp.float32),
        'Wc1': g(16, (64, 6)), 'bc1': jnp.zeros((6,), jnp.float32),
    }
    return {'x': x, 'edge_attr': edge_attr, 'params': params, 'edge_index': edge_index, 'node_types': node_types}


def _forward(x, edge_attr, params, src, dst, mask):
    p = params
    nf = _mlp2(x, p['Wn0'], p['bn0'], p['Wn1'], p['bn1'])
    ef = _mlp2(edge_attr, p['We0'], p['be0'], p['We1'], p['be1'])
    not_mask = jnp.logical_not(mask)
    for _ in range(2):
        nf, e1 = _mp_layer_masked(nf, ef, src, dst, mask, p)
        nf, e2 = _mp_layer_masked(nf, ef, src, dst, not_mask, p)
        ef = jnp.where(mask[:, None], e1, e2)
    pred_edge = _mlp2(ef, p['Wec0'], p['bec0'], p['Wec1'], p['bec1'])[:, 0]
    for _ in range(2):
        nf, ef = _mp_layer(nf, ef, src, dst, p)
    pred_node = _mlp2(nf, p['Wnc0'], p['bnc0'], p['Wnc1'], p['bnc1'])[:, 0]
    pred_cls = _mlp2(nf, p['Wc0'], p['bc0'], p['Wc1'], p['bc1'])
    return (pred_edge, pred_node, pred_cls)


def reference(x, edge_attr, params, edge_index, node_types):
    node_cat = TYPE_MAP[node_types]
    src = edge_index[0]
    dst = edge_index[1]
    mask = node_cat[src] == node_cat[dst]
    return _forward(x, edge_attr, params, src, dst, mask)

if __name__ == "__main__":
    import jax
    _d = setup_inputs()
    print(jax.jit(kernel)(*tuple(_d.values())))

</pallas_src>

<mosaic_0001>
#map = affine_map<(d0, d1) -> (0)>
module attributes {stable_mosaic.version = 14 : i64} {
  func.func @_scatter_body(%arg0: i32, %arg1: i32, %arg2: memref<40960000xf32, #tpu.memory_space<hbm>>, %arg3: memref<320000xi32, #tpu.memory_space<hbm>>, %arg4: memref<1294336xf32, #tpu.memory_space<hbm>>, %arg5: memref<10000xi32, #tpu.memory_space<vmem>>, %arg6: memref<40000xf32, #tpu.memory_space<vmem>>, %arg7: memref<40448xf32, #tpu.memory_space<vmem>>, %arg8: memref<!tpu.dma_semaphore, #tpu.memory_space<semaphore_mem>>) attributes {dimension_semantics = [#tpu.dimension_semantics<core_parallel>, #tpu.dimension_semantics<subcore_parallel>], iteration_bounds = array<i64: 2, 16>, scalar_prefetch = 0 : i64, scratch_operands = 4 : i64, tpu.core_type = #tpu.core_type<sc_vector_subcore>, window_params = [{transform_indices = #map}, {transform_indices = #map}, {transform_indices = #map}]} {
    %mul3A = arith.constant 2 : i32
    %mul3A_0 = arith.muli %arg1, %mul3A : i32
    %add3A = arith.addi %mul3A_0, %arg0 : i32
    %mul3A_1 = arith.constant 4 : i32
    %mul3A_2 = arith.muli %add3A, %mul3A_1 : i32
    %broadcast_in_dim3A = arith.constant 0.000000e+00 : f32
    %broadcast_in_dim3A_3 = vector.broadcast %broadcast_in_dim3A : f32 to vector<16xf32>
    %scan3A = arith.constant 0 : i32
    %scan3A_4 = arith.constant 0 : i32
    %scan3A_5 = arith.constant 2528 : i32
    %scan3A_6 = arith.addi %scan3A_4, %scan3A_5 : i32
    %scan3A_7 = arith.constant 1 : i32
    %scan3A_8 = scf.for %scan3A_19 = %scan3A_4 to %scan3A_6 step %scan3A_7 iter_args(%scan3A_20 = %scan3A) -> (i32)  : i32 {
      %mul3A_21 = arith.constant 16 : i32
      %mul3A_22 = arith.muli %scan3A_19, %mul3A_21 : i32
      %swap3A = arith.index_cast %mul3A_22 : i32 to index
      %swap3A_23 = tpu.vector_load %arg7[%swap3A] {strides = array<i32>} : memref<40448xf32, #tpu.memory_space<vmem>>, vector<16xf32>,
      tpu.vector_store %arg7[%swap3A], %broadcast_in_dim3A_3 {strides = array<i32>} : memref<40448xf32, #tpu.memory_space<vmem>>, vector<16xf32>,
      %scan3A_24 = arith.constant 0 : i32
      scf.yield %scan3A_24 : i32
    }
    %scan3A_9 = arith.constant 2528 : i32
    %scan3A_10 = arith.constant 0 : i32
    %scan3A_11 = arith.constant 0 : i32
    %scan3A_12 = arith.constant 32 : i32
    %scan3A_13 = arith.addi %scan3A_11, %scan3A_12 : i32
    %scan3A_14 = arith.constant 1 : i32
    %scan3A_15 = scf.for %scan3A_19 = %scan3A_11 to %scan3A_13 step %scan3A_14 iter_args(%scan3A_20 = %scan3A_10) -> (i32)  : i32 {
      %mul3A_21 = arith.constant 10000 : i32
      %mul3A_22 = arith.muli %scan3A_19, %mul3A_21 : i32
      "tpu.region"() ({
        %run_scoped3A = tpu.sem_alloc : memref<!tpu.dma_semaphore, #tpu.memory_space<semaphore_mem>>
        %dma_start3A = tpu.memref_slice %arg3[%mul3A_22] : memref<320000xi32, #tpu.memory_space<hbm>> -> memref<10000xi32, #tpu.memory_space<hbm>>
        %dma_start3A_51 = tpu.memref_slice %arg3[%mul3A_22] : memref<320000xi32, #tpu.memory_space<hbm>> -> memref<10000xi32, #tpu.memory_space<hbm>>
        tpu.enqueue_dma source(%dma_start3A_51 : memref<10000xi32, #tpu.memory_space<hbm>>) target(%arg5 : memref<10000xi32, #tpu.memory_space<vmem>>) target_semaphore(%run_scoped3A : memref<!tpu.dma_semaphore, #tpu.memory_space<semaphore_mem>>)
        %dma_wait3A = tpu.memref_slice %arg3[%mul3A_22] : memref<320000xi32, #tpu.memory_space<hbm>> -> memref<10000xi32, #tpu.memory_space<hbm>>
        %dma_wait3A_52 = tpu.memref_slice %arg3[%mul3A_22] : memref<320000xi32, #tpu.memory_space<hbm>> -> memref<10000xi32, #tpu.memory_space<hbm>>
        tpu.wait_dma2 semaphore(%run_scoped3A : memref<!tpu.dma_semaphore, #tpu.memory_space<semaphore_mem>>) src(%dma_wait3A_52 : memref<10000xi32, #tpu.memory_space<hbm>>) dst(%arg5 : memref<10000xi32, #tpu.memory_space<vmem>>)
        tpu.yield
      }) : () -> ()
      %add3A_23 = arith.constant 0 : i32
      %add3A_24 = arith.addi %mul3A_2, %add3A_23 : i32
      %mul3A_25 = arith.constant 320000 : i32
      %mul3A_26 = arith.muli %add3A_24, %mul3A_25 : i32
      %add3A_27 = arith.addi %mul3A_26, %mul3A_22 : i32
      "tpu.region"() ({
        %run_scoped3A = tpu.sem_alloc : memref<!tpu.dma_semaphore, #tpu.memory_space<semaphore_mem>>
        %dma_start3A = arith.constant 0 : i32
        %dma_start3A_51 = tpu.memref_slice %arg6[%dma_start3A] : memref<40000xf32, #tpu.memory_space<vmem>> -> memref<10000xf32, #tpu.memory_space<vmem>>
        %dma_start3A_52 = tpu.memref_slice %arg2[%add3A_27] : memref<40960000xf32, #tpu.memory_space<hbm>> -> memref<10000xf32, #tpu.memory_space<hbm>>
        %dma_start3A_53 = arith.constant 0 : i32
        %dma_start3A_54 = tpu.memref_slice %arg6[%dma_start3A_53] : memref<40000xf32, #tpu.memory_space<vmem>> -> memref<10000xf32, #tpu.memory_space<vmem>>
        %dma_start3A_55 = tpu.memref_slice %arg2[%add3A_27] : memref<40960000xf32, #tpu.memory_space<hbm>> -> memref<10000xf32, #tpu.memory_space<hbm>>
        tpu.enqueue_dma source(%dma_start3A_55 : memref<10000xf32, #tpu.memory_space<hbm>>) target(%dma_start3A_54 : memref<10000xf32, #tpu.memory_space<vmem>>) target_semaphore(%run_scoped3A : memref<!tpu.dma_semaphore, #tpu.memory_space<semaphore_mem>>)
        %dma_wait3A = arith.constant 0 : i32
        %dma_wait3A_56 = tpu.memref_slice %arg6[%dma_wait3A] : memref<40000xf32, #tpu.memory_space<vmem>> -> memref<10000xf32, #tpu.memory_space<vmem>>
        %dma_wait3A_57 = tpu.memref_slice %arg2[%add3A_27] : memref<40960000xf32, #tpu.memory_space<hbm>> -> memref<10000xf32, #tpu.memory_space<hbm>>
        %dma_wait3A_58 = arith.constant 0 : i32
        %dma_wait3A_59 = tpu.memref_slice %arg6[%dma_wait3A_58] : memref<40000xf32, #tpu.memory_space<vmem>> -> memref<10000xf32, #tpu.memory_space<vmem>>
        %dma_wait3A_60 = tpu.memref_slice %arg2[%add3A_27] : memref<40960000xf32, #tpu.memory_space<hbm>> -> memref<10000xf32, #tpu.memory_space<hbm>>
        tpu.wait_dma2 semaphore(%run_scoped3A : memref<!tpu.dma_semaphore, #tpu.memory_space<semaphore_mem>>) src(%dma_wait3A_60 : memref<10000xf32, #tpu.memory_space<hbm>>) dst(%dma_wait3A_59 : memref<10000xf32, #tpu.memory_space<vmem>>)
        tpu.yield
      }) : () -> ()
      %add3A_28 = arith.constant 1 : i32
      %add3A_29 = arith.addi %mul3A_2, %add3A_28 : i32
      %mul3A_30 = arith.constant 320000 : i32
      %mul3A_31 = arith.muli %add3A_29, %mul3A_30 : i32
      %add3A_32 = arith.addi %mul3A_31, %mul3A_22 : i32
      "tpu.region"() ({
        %run_scoped3A = tpu.sem_alloc : memref<!tpu.dma_semaphore, #tpu.memory_space<semaphore_mem>>
        %dma_start3A = arith.constant 10000 : i32
        %dma_start3A_51 = tpu.memref_slice %arg6[%dma_start3A] : memref<40000xf32, #tpu.memory_space<vmem>> -> memref<10000xf32, #tpu.memory_space<vmem>>
        %dma_start3A_52 = tpu.memref_slice %arg2[%add3A_32] : memref<40960000xf32, #tpu.memory_space<hbm>> -> memref<10000xf32, #tpu.memory_space<hbm>>
        %dma_start3A_53 = arith.constant 10000 : i32
        %dma_start3A_54 = tpu.memref_slice %arg6[%dma_start3A_53] : memref<40000xf32, #tpu.memory_space<vmem>> -> memref<10000xf32, #tpu.memory_space<vmem>>
        %dma_start3A_55 = tpu.memref_slice %arg2[%add3A_32] : memref<40960000xf32, #tpu.memory_space<hbm>> -> memref<10000xf32, #tpu.memory_space<hbm>>
        tpu.enqueue_dma source(%dma_start3A_55 : memref<10000xf32, #tpu.memory_space<hbm>>) target(%dma_start3A_54 : memref<10000xf32, #tpu.memory_space<vmem>>) target_semaphore(%run_scoped3A : memref<!tpu.dma_semaphore, #tpu.memory_space<semaphore_mem>>)
        %dma_wait3A = arith.constant 10000 : i32
        %dma_wait3A_56 = tpu.memref_slice %arg6[%dma_wait3A] : memref<40000xf32, #tpu.memory_space<vmem>> -> memref<10000xf32, #tpu.memory_space<vmem>>
        %dma_wait3A_57 = tpu.memref_slice %arg2[%add3A_32] : memref<40960000xf32, #tpu.memory_space<hbm>> -> memref<10000xf32, #tpu.memory_space<hbm>>
        %dma_wait3A_58 = arith.constant 10000 : i32
        %dma_wait3A_59 = tpu.memref_slice %arg6[%dma_wait3A_58] : memref<40000xf32, #tpu.memory_space<vmem>> -> memref<10000xf32, #tpu.memory_space<vmem>>
        %dma_wait3A_60 = tpu.memref_slice %arg2[%add3A_32] : memref<40960000xf32, #tpu.memory_space<hbm>> -> memref<10000xf32, #tpu.memory_space<hbm>>
        tpu.wait_dma2 semaphore(%run_scoped3A : memref<!tpu.dma_semaphore, #tpu.memory_space<semaphore_mem>>) src(%dma_wait3A_60 : memref<10000xf32, #tpu.memory_space<hbm>>) dst(%dma_wait3A_59 : memref<10000xf32, #tpu.memory_space<vmem>>)
        tpu.yield
      }) : () -> ()
      %add3A_33 = arith.constant 2 : i32
      %add3A_34 = arith.addi %mul3A_2, %add3A_33 : i32
      %mul3A_35 = arith.constant 320000 : i32
      %mul3A_36 = arith.muli %add3A_34, %mul3A_35 : i32
      %add3A_37 = arith.addi %mul3A_36, %mul3A_22 : i32
      "tpu.region"() ({
        %run_scoped3A = tpu.sem_alloc : memref<!tpu.dma_semaphore, #tpu.memory_space<semaphore_mem>>
        %dma_start3A = arith.constant 20000 : i32
        %dma_start3A_51 = tpu.memref_slice %arg6[%dma_start3A] : memref<40000xf32, #tpu.memory_space<vmem>> -> memref<10000xf32, #tpu.memory_space<vmem>>
        %dma_start3A_52 = tpu.memref_slice %arg2[%add3A_37] : memref<40960000xf32, #tpu.memory_space<hbm>> -> memref<10000xf32, #tpu.memory_space<hbm>>
        %dma_start3A_53 = arith.constant 20000 : i32
        %dma_start3A_54 = tpu.memref_slice %arg6[%dma_start3A_53] : memref<40000xf32, #tpu.memory_space<vmem>> -> memref<10000xf32, #tpu.memory_space<vmem>>
        %dma_start3A_55 = tpu.memref_slice %arg2[%add3A_37] : memref<40960000xf32, #tpu.memory_space<hbm>> -> memref<10000xf32, #tpu.memory_space<hbm>>
        tpu.enqueue_dma source(%dma_start3A_55 : memref<10000xf32, #tpu.memory_space<hbm>>) target(%dma_start3A_54 : memref<10000xf32, #tpu.memory_space<vmem>>) target_semaphore(%run_scoped3A : memref<!tpu.dma_semaphore, #tpu.memory_space<semaphore_mem>>)
        %dma_wait3A = arith.constant 20000 : i32
        %dma_wait3A_56 = tpu.memref_slice %arg6[%dma_wait3A] : memref<40000xf32, #tpu.memory_space<vmem>> -> memref<10000xf32, #tpu.memory_space<vmem>>
        %dma_wait3A_57 = tpu.memref_slice %arg2[%add3A_37] : memref<40960000xf32, #tpu.memory_space<hbm>> -> memref<10000xf32, #tpu.memory_space<hbm>>
        %dma_wait3A_58 = arith.constant 20000 : i32
        %dma_wait3A_59 = tpu.memref_slice %arg6[%dma_wait3A_58] : memref<40000xf32, #tpu.memory_space<vmem>> -> memref<10000xf32, #tpu.memory_space<vmem>>
        %dma_wait3A_60 = tpu.memref_slice %arg2[%add3A_37] : memref<40960000xf32, #tpu.memory_space<hbm>> -> memref<10000xf32, #tpu.memory_space<hbm>>
        tpu.wait_dma2 semaphore(%run_scoped3A : memref<!tpu.dma_semaphore, #tpu.memory_space<semaphore_mem>>) src(%dma_wait3A_60 : memref<10000xf32, #tpu.memory_space<hbm>>) dst(%dma_wait3A_59 : memref<10000xf32, #tpu.memory_space<vmem>>)
        tpu.yield
      }) : () -> ()
      %add3A_38 = arith.constant 3 : i32
      %add3A_39 = arith.addi %mul3A_2, %add3A_38 : i32
      %mul3A_40 = arith.constant 320000 : i32
      %mul3A_41 = arith.muli %add3A_39, %mul3A_40 : i32
      %add3A_42 = arith.addi %mul3A_41, %mul3A_22 : i32
      "tpu.region"() ({
        %run_scoped3A = tpu.sem_alloc : memref<!tpu.dma_semaphore, #tpu.memory_space<semaphore_mem>>
        %dma_start3A = arith.constant 30000 : i32
        %dma_start3A_51 = tpu.memref_slice %arg6[%dma_start3A] : memref<40000xf32, #tpu.memory_space<vmem>> -> memref<10000xf32, #tpu.memory_space<vmem>>
        %dma_start3A_52 = tpu.memref_slice %arg2[%add3A_42] : memref<40960000xf32, #tpu.memory_space<hbm>> -> memref<10000xf32, #tpu.memory_space<hbm>>
        %dma_start3A_53 = arith.constant 30000 : i32
        %dma_start3A_54 = tpu.memref_slice %arg6[%dma_start3A_53] : memref<40000xf32, #tpu.memory_space<vmem>> -> memref<10000xf32, #tpu.memory_space<vmem>>
        %dma_start3A_55 = tpu.memref_slice %arg2[%add3A_42] : memref<40960000xf32, #tpu.memory_space<hbm>> -> memref<10000xf32, #tpu.memory_space<hbm>>
        tpu.enqueue_dma source(%dma_start3A_55 : memref<10000xf32, #tpu.memory_space<hbm>>) target(%dma_start3A_54 : memref<10000xf32, #tpu.memory_space<vmem>>) target_semaphore(%run_scoped3A : memref<!tpu.dma_semaphore, #tpu.memory_space<semaphore_mem>>)
        %dma_wait3A = arith.constant 30000 : i32
        %dma_wait3A_56 = tpu.memref_slice %arg6[%dma_wait3A] : memref<40000xf32, #tpu.memory_space<vmem>> -> memref<10000xf32, #tpu.memory_space<vmem>>
        %dma_wait3A_57 = tpu.memref_slice %arg2[%add3A_42] : memref<40960000xf32, #tpu.memory_space<hbm>> -> memref<10000xf32, #tpu.memory_space<hbm>>
        %dma_wait3A_58 = arith.constant 30000 : i32
        %dma_wait3A_59 = tpu.memref_slice %arg6[%dma_wait3A_58] : memref<40000xf32, #tpu.memory_space<vmem>> -> memref<10000xf32, #tpu.memory_space<vmem>>
        %dma_wait3A_60 = tpu.memref_slice %arg2[%add3A_42] : memref<40960000xf32, #tpu.memory_space<hbm>> -> memref<10000xf32, #tpu.memory_space<hbm>>
        tpu.wait_dma2 semaphore(%run_scoped3A : memref<!tpu.dma_semaphore, #tpu.memory_space<semaphore_mem>>) src(%dma_wait3A_60 : memref<10000xf32, #tpu.memory_space<hbm>>) dst(%dma_wait3A_59 : memref<10000xf32, #tpu.memory_space<vmem>>)
        tpu.yield
      }) : () -> ()
      %scan3A_43 = arith.constant 0 : i32
      %scan3A_44 = arith.constant 0 : i32
      %scan3A_45 = arith.constant 625 : i32
      %scan3A_46 = arith.addi %scan3A_44, %scan3A_45 : i32
      %scan3A_47 = arith.constant 1 : i32
      %scan3A_48 = scf.for %scan3A_51 = %scan3A_44 to %scan3A_46 step %scan3A_47 iter_args(%scan3A_52 = %scan3A_43) -> (i32)  : i32 {
        %mul3A_53 = arith.constant 16 : i32
        %mul3A_54 = arith.muli %scan3A_51, %mul3A_53 : i32
        %get3A = arith.index_cast %mul3A_54 : i32 to index
        %get3A_55 = tpu.vector_load %arg5[%get3A] {strides = array<i32>} : memref<10000xi32, #tpu.memory_space<vmem>>, vector<16xi32>,
        %add3A_56 = arith.constant 0 : i32
        %add3A_57 = vector.broadcast %add3A_56 : i32 to vector<16xi32>
        %add3A_58 = arith.addi %get3A_55, %add3A_57 : vector<16xi32>
        %mul3A_59 = arith.constant 16 : i32
        %mul3A_60 = arith.muli %scan3A_51, %mul3A_59 : i32
        %add3A_61 = arith.constant 0 : i32
        %add3A_62 = arith.addi %add3A_61, %mul3A_60 : i32
        %get3A_63 = arith.index_cast %add3A_62 : i32 to index
        %get3A_64 = tpu.vector_load %arg6[%get3A_63] {strides = array<i32>} : memref<40000xf32, #tpu.memory_space<vmem>>, vector<16xf32>,
        tpu.vector_store_idx %arg7[%add3A_58], %get3A_64 {add = true} : memref<40448xf32, #tpu.memory_space<vmem>>[vector<16xi32>], vector<16xf32>,
        %add3A_65 = arith.constant 10112 : i32
        %add3A_66 = vector.broadcast %add3A_65 : i32 to vector<16xi32>
        %add3A_67 = arith.addi %get3A_55, %add3A_66 : vector<16xi32>
        %mul3A_68 = arith.constant 16 : i32
        %mul3A_69 = arith.muli %scan3A_51, %mul3A_68 : i32
        %add3A_70 = arith.constant 10000 : i32
        %add3A_71 = arith.addi %add3A_70, %mul3A_69 : i32
        %get3A_72 = arith.index_cast %add3A_71 : i32 to index
        %get3A_73 = tpu.vector_load %arg6[%get3A_72] {strides = array<i32>} : memref<40000xf32, #tpu.memory_space<vmem>>, vector<16xf32>,
        tpu.vector_store_idx %arg7[%add3A_67], %get3A_73 {add = true} : memref<40448xf32, #tpu.memory_space<vmem>>[vector<16xi32>], vector<16xf32>,
        %add3A_74 = arith.constant 20224 : i32
        %add3A_75 = vector.broadcast %add3A_74 : i32 to vector<16xi32>
        %add3A_76 = arith.addi %get3A_55, %add3A_75 : vector<16xi32>
        %mul3A_77 = arith.constant 16 : i32
        %mul3A_78 = arith.muli %scan3A_51, %mul3A_77 : i32
        %add3A_79 = arith.constant 20000 : i32
        %add3A_80 = arith.addi %add3A_79, %mul3A_78 : i32
        %get3A_81 = arith.index_cast %add3A_80 : i32 to index
        %get3A_82 = tpu.vector_load %arg6[%get3A_81] {strides = array<i32>} : memref<40000xf32, #tpu.memory_space<vmem>>, vector<16xf32>,
        tpu.vector_store_idx %arg7[%add3A_76], %get3A_82 {add = true} : memref<40448xf32, #tpu.memory_space<vmem>>[vector<16xi32>], vector<16xf32>,
        %add3A_83 = arith.constant 30336 : i32
        %add3A_84 = vector.broadcast %add3A_83 : i32 to vector<16xi32>
        %add3A_85 = arith.addi %get3A_55, %add3A_84 : vector<16xi32>
        %mul3A_86 = arith.constant 16 : i32
        %mul3A_87 = arith.muli %scan3A_51, %mul3A_86 : i32
        %add3A_88 = arith.constant 30000 : i32
        %add3A_89 = arith.addi %add3A_88, %mul3A_87 : i32
        %get3A_90 = arith.index_cast %add3A_89 : i32 to index
        %get3A_91 = tpu.vector_load %arg6[%get3A_90] {strides = array<i32>} : memref<40000xf32, #tpu.memory_space<vmem>>, vector<16xf32>,
        tpu.vector_store_idx %arg7[%add3A_85], %get3A_91 {add = true} : memref<40448xf32, #tpu.memory_space<vmem>>[vector<16xi32>], vector<16xf32>,
        %scan3A_92 = arith.constant 0 : i32
        scf.yield %scan3A_92 : i32
      }
      %scan3A_49 = arith.constant 625 : i32
      %scan3A_50 = arith.constant 0 : i32
      scf.yield %scan3A_50 : i32
    }
    %scan3A_16 = arith.constant 32 : i32
    %mul3A_17 = arith.constant 10112 : i32
    %mul3A_18 = arith.muli %mul3A_2, %mul3A_17 : i32
    "tpu.region"() ({
      %run_scoped3A = tpu.sem_alloc : memref<!tpu.dma_semaphore, #tpu.memory_space<semaphore_mem>>
      %dma_start3A = tpu.memref_slice %arg4[%mul3A_18] : memref<1294336xf32, #tpu.memory_space<hbm>> -> memref<40448xf32, #tpu.memory_space<hbm>>
      %dma_start3A_19 = tpu.memref_slice %arg4[%mul3A_18] : memref<1294336xf32, #tpu.memory_space<hbm>> -> memref<40448xf32, #tpu.memory_space<hbm>>
      tpu.enqueue_dma source(%arg7 : memref<40448xf32, #tpu.memory_space<vmem>>) target(%dma_start3A_19 : memref<40448xf32, #tpu.memory_space<hbm>>) target_semaphore(%run_scoped3A : memref<!tpu.dma_semaphore, #tpu.memory_space<semaphore_mem>>)
      %dma_wait3A = tpu.memref_slice %arg4[%mul3A_18] : memref<1294336xf32, #tpu.memory_space<hbm>> -> memref<40448xf32, #tpu.memory_space<hbm>>
      %dma_wait3A_20 = tpu.memref_slice %arg4[%mul3A_18] : memref<1294336xf32, #tpu.memory_space<hbm>> -> memref<40448xf32, #tpu.memory_space<hbm>>
      tpu.wait_dma2 semaphore(%run_scoped3A : memref<!tpu.dma_semaphore, #tpu.memory_space<semaphore_mem>>) src(%arg7 : memref<40448xf32, #tpu.memory_space<vmem>>) dst(%dma_wait3A_20 : memref<40448xf32, #tpu.memory_space<hbm>>)
      tpu.yield
    }) : () -> ()
    return
  }
}

#map = affine_map<(d0, d1) -> (0, 0)>
#map1 = affine_map<(d0, d1) -> (0)>
module attributes {stable_mosaic.version = 14 : i64} {
  func.func @_gather_body(%arg0: i32, %arg1: i32, %arg2: memref<10000x128xf32, #tpu.memory_space<hbm>>, %arg3: memref<320000xi32, #tpu.memory_space<hbm>>, %arg4: memref<320000xi32, #tpu.memory_space<hbm>>, %arg5: memref<320000x128xf32, #tpu.memory_space<hbm>>, %arg6: memref<320000x128xf32, #tpu.memory_space<hbm>>, %arg7: memref<200xi32, #tpu.memory_space<vmem>>, %arg8: memref<200xi32, #tpu.memory_space<vmem>>, %arg9: memref<200x128xf32, #tpu.memory_space<vmem>>, %arg10: memref<200x128xf32, #tpu.memory_space<vmem>>, %arg11: memref<!tpu.dma_semaphore, #tpu.memory_space<semaphore_mem>>, %arg12: memref<!tpu.dma_semaphore, #tpu.memory_space<semaphore_mem>>) attributes {dimension_semantics = [#tpu.dimension_semantics<core_parallel>, #tpu.dimension_semantics<subcore_parallel>], iteration_bounds = array<i64: 2, 16>, scalar_prefetch = 0 : i64, scratch_operands = 6 : i64, tpu.core_type = #tpu.core_type<sc_vector_subcore>, window_params = [{transform_indices = #map}, {transform_indices = #map1}, {transform_indices = #map1}, {transform_indices = #map}, {transform_indices = #map}]} {
    %mul3A = arith.constant 2 : i32
    %mul3A_0 = arith.muli %arg1, %mul3A : i32
    %add3A = arith.addi %mul3A_0, %arg0 : i32
    %mul3A_1 = arith.constant 10000 : i32
    %mul3A_2 = arith.muli %add3A, %mul3A_1 : i32
    %scan3A = arith.constant 0 : i32
    %scan3A_3 = arith.constant 0 : i32
    %scan3A_4 = arith.constant 50 : i32
    %scan3A_5 = arith.addi %scan3A_3, %scan3A_4 : i32
    %scan3A_6 = arith.constant 1 : i32
    %scan3A_7 = scf.for %scan3A_9 = %scan3A_3 to %scan3A_5 step %scan3A_6 iter_args(%scan3A_10 = %scan3A) -> (i32)  : i32 {
      %mul3A_11 = arith.constant 200 : i32
      %mul3A_12 = arith.muli %scan3A_9, %mul3A_11 : i32
      %add3A_13 = arith.addi %mul3A_2, %mul3A_12 : i32
      "tpu.region"() ({
        %run_scoped3A = tpu.sem_alloc : memref<!tpu.dma_semaphore, #tpu.memory_space<semaphore_mem>>
        %dma_start3A_25 = tpu.memref_slice %arg3[%add3A_13] : memref<320000xi32, #tpu.memory_space<hbm>> -> memref<200xi32, #tpu.memory_space<hbm>>
        %dma_start3A_26 = tpu.memref_slice %arg3[%add3A_13] : memref<320000xi32, #tpu.memory_space<hbm>> -> memref<200xi32, #tpu.memory_space<hbm>>
        tpu.enqueue_dma source(%dma_start3A_26 : memref<200xi32, #tpu.memory_space<hbm>>) target(%arg7 : memref<200xi32, #tpu.memory_space<vmem>>) target_semaphore(%run_scoped3A : memref<!tpu.dma_semaphore, #tpu.memory_space<semaphore_mem>>)
        %dma_wait3A_27 = tpu.memref_slice %arg3[%add3A_13] : memref<320000xi32, #tpu.memory_space<hbm>> -> memref<200xi32, #tpu.memory_space<hbm>>
        %dma_wait3A_28 = tpu.memref_slice %arg3[%add3A_13] : memref<320000xi32, #tpu.memory_space<hbm>> -> memref<200xi32, #tpu.memory_space<hbm>>
        tpu.wait_dma2 semaphore(%run_scoped3A : memref<!tpu.dma_semaphore, #tpu.memory_space<semaphore_mem>>) src(%dma_wait3A_28 : memref<200xi32, #tpu.memory_space<hbm>>) dst(%arg7 : memref<200xi32, #tpu.memory_space<vmem>>)
        tpu.yield
      }) : () -> ()
      %dma_start3A = arith.constant 0 : i32
      %dma_start3A_14 = arith.constant 0 : i32
      %dma_start3A_15 = tpu.memref_slice %arg2[%dma_start3A, %dma_start3A_14] : memref<10000x128xf32, #tpu.memory_space<hbm>> -> memref<10000x128xf32, #tpu.memory_space<hbm>>
      tpu.enqueue_indirect_dma source(%dma_start3A_15 : memref<10000x128xf32, #tpu.memory_space<hbm>>) target(%arg9 : memref<200x128xf32, #tpu.memory_space<vmem>>) offsets(%arg7 : memref<200xi32, #tpu.memory_space<vmem>>) semaphore(%arg11 : memref<!tpu.dma_semaphore, #tpu.memory_space<semaphore_mem>>)
      "tpu.region"() ({
        %run_scoped3A = tpu.sem_alloc : memref<!tpu.dma_semaphore, #tpu.memory_space<semaphore_mem>>
        %dma_start3A_25 = tpu.memref_slice %arg4[%add3A_13] : memref<320000xi32, #tpu.memory_space<hbm>> -> memref<200xi32, #tpu.memory_space<hbm>>
        %dma_start3A_26 = tpu.memref_slice %arg4[%add3A_13] : memref<320000xi32, #tpu.memory_space<hbm>> -> memref<200xi32, #tpu.memory_space<hbm>>
        tpu.enqueue_dma source(%dma_start3A_26 : memref<200xi32, #tpu.memory_space<hbm>>) target(%arg8 : memref<200xi32, #tpu.memory_space<vmem>>) target_semaphore(%run_scoped3A : memref<!tpu.dma_semaphore, #tpu.memory_space<semaphore_mem>>)
        %dma_wait3A_27 = tpu.memref_slice %arg4[%add3A_13] : memref<320000xi32, #tpu.memory_space<hbm>> -> memref<200xi32, #tpu.memory_space<hbm>>
        %dma_wait3A_28 = tpu.memref_slice %arg4[%add3A_13] : memref<320000xi32, #tpu.memory_space<hbm>> -> memref<200xi32, #tpu.memory_space<hbm>>
        tpu.wait_dma2 semaphore(%run_scoped3A : memref<!tpu.dma_semaphore, #tpu.memory_space<semaphore_mem>>) src(%dma_wait3A_28 : memref<200xi32, #tpu.memory_space<hbm>>) dst(%arg8 : memref<200xi32, #tpu.memory_space<vmem>>)
        tpu.yield
      }) : () -> ()
      %dma_start3A_16 = arith.constant 0 : i32
      %dma_start3A_17 = arith.constant 0 : i32
      %dma_start3A_18 = tpu.memref_slice %arg2[%dma_start3A_16, %dma_start3A_17] : memref<10000x128xf32, #tpu.memory_space<hbm>> -> memref<10000x128xf32, #tpu.memory_space<hbm>>
      tpu.enqueue_indirect_dma source(%dma_start3A_18 : memref<10000x128xf32, #tpu.memory_space<hbm>>) target(%arg10 : memref<200x128xf32, #tpu.memory_space<vmem>>) offsets(%arg8 : memref<200xi32, #tpu.memory_space<vmem>>) semaphore(%arg12 : memref<!tpu.dma_semaphore, #tpu.memory_space<semaphore_mem>>)
      %dma_wait3A = arith.constant 0 : i32
      %dma_wait3A_19 = arith.constant 0 : i32
      %dma_wait3A_20 = tpu.memref_slice %arg2[%dma_wait3A, %dma_wait3A_19] : memref<10000x128xf32, #tpu.memory_space<hbm>> -> memref<10000x128xf32, #tpu.memory_space<hbm>>
      tpu.wait_indirect_dma semaphore(%arg11 : memref<!tpu.dma_semaphore, #tpu.memory_space<semaphore_mem>>) src(%dma_wait3A_20 : memref<10000x128xf32, #tpu.memory_space<hbm>>) dst(%arg9 : memref<200x128xf32, #tpu.memory_space<vmem>>)
      "tpu.region"() ({
        %run_scoped3A = tpu.sem_alloc : memref<!tpu.dma_semaphore, #tpu.memory_space<semaphore_mem>>
        %dma_start3A_25 = arith.constant 0 : i32
        %dma_start3A_26 = tpu.memref_slice %arg5[%add3A_13, %dma_start3A_25] : memref<320000x128xf32, #tpu.memory_space<hbm>> -> memref<200x128xf32, #tpu.memory_space<hbm>>
        %dma_start3A_27 = arith.constant 0 : i32
        %dma_start3A_28 = tpu.memref_slice %arg5[%add3A_13, %dma_start3A_27] : memref<320000x128xf32, #tpu.memory_space<hbm>> -> memref<200x128xf32, #tpu.memory_space<hbm>>
        tpu.enqueue_dma source(%arg9 : memref<200x128xf32, #tpu.memory_space<vmem>>) target(%dma_start3A_28 : memref<200x128xf32, #tpu.memory_space<hbm>>) target_semaphore(%run_scoped3A : memref<!tpu.dma_semaphore, #tpu.memory_space<semaphore_mem>>)
        %dma_wait3A_29 = arith.constant 0 : i32
        %dma_wait3A_30 = tpu.memref_slice %arg5[%add3A_13, %dma_wait3A_29] : memref<320000x128xf32, #tpu.memory_space<hbm>> -> memref<200x128xf32, #tpu.memory_space<hbm>>
        %dma_wait3A_31 = arith.constant 0 : i32
        %dma_wait3A_32 = tpu.memref_slice %arg5[%add3A_13, %dma_wait3A_31] : memref<320000x128xf32, #tpu.memory_space<hbm>> -> memref<200x128xf32, #tpu.memory_space<hbm>>
        tpu.wait_dma2 semaphore(%run_scoped3A : memref<!tpu.dma_semaphore, #tpu.memory_space<semaphore_mem>>) src(%arg9 : memref<200x128xf32, #tpu.memory_space<vmem>>) dst(%dma_wait3A_32 : memref<200x128xf32, #tpu.memory_space<hbm>>)
        tpu.yield
      }) : () -> ()
      %dma_wait3A_21 = arith.constant 0 : i32
      %dma_wait3A_22 = arith.constant 0 : i32
      %dma_wait3A_23 = tpu.memref_slice %arg2[%dma_wait3A_21, %dma_wait3A_22] : memref<10000x128xf32, #tpu.memory_space<hbm>> -> memref<10000x128xf32, #tpu.memory_space<hbm>>
      tpu.wait_indirect_dma semaphore(%arg12 : memref<!tpu.dma_semaphore, #tpu.memory_space<semaphore_mem>>) src(%dma_wait3A_23 : memref<10000x128xf32, #tpu.memory_space<hbm>>) dst(%arg10 : memref<200x128xf32, #tpu.memory_space<vmem>>)
      "tpu.region"() ({
        %run_scoped3A = tpu.sem_alloc : memref<!tpu.dma_semaphore, #tpu.memory_space<semaphore_mem>>
        %dma_start3A_25 = arith.constant 0 : i32
        %dma_start3A_26 = tpu.memref_slice %arg6[%add3A_13, %dma_start3A_25] : memref<320000x128xf32, #tpu.memory_space<hbm>> -> memref<200x128xf32, #tpu.memory_space<hbm>>
        %dma_start3A_27 = arith.constant 0 : i32
        %dma_start3A_28 = tpu.memref_slice %arg6[%add3A_13, %dma_start3A_27] : memref<320000x128xf32, #tpu.memory_space<hbm>> -> memref<200x128xf32, #tpu.memory_space<hbm>>
        tpu.enqueue_dma source(%arg10 : memref<200x128xf32, #tpu.memory_space<vmem>>) target(%dma_start3A_28 : memref<200x128xf32, #tpu.memory_space<hbm>>) target_semaphore(%run_scoped3A : memref<!tpu.dma_semaphore, #tpu.memory_space<semaphore_mem>>)
        %dma_wait3A_29 = arith.constant 0 : i32
        %dma_wait3A_30 = tpu.memref_slice %arg6[%add3A_13, %dma_wait3A_29] : memref<320000x128xf32, #tpu.memory_space<hbm>> -> memref<200x128xf32, #tpu.memory_space<hbm>>
        %dma_wait3A_31 = arith.constant 0 : i32
        %dma_wait3A_32 = tpu.memref_slice %arg6[%add3A_13, %dma_wait3A_31] : memref<320000x128xf32, #tpu.memory_space<hbm>> -> memref<200x128xf32, #tpu.memory_space<hbm>>
        tpu.wait_dma2 semaphore(%run_scoped3A : memref<!tpu.dma_semaphore, #tpu.memory_space<semaphore_mem>>) src(%arg10 : memref<200x128xf32, #tpu.memory_space<vmem>>) dst(%dma_wait3A_32 : memref<200x128xf32, #tpu.memory_space<hbm>>)
        tpu.yield
      }) : () -> ()
      %scan3A_24 = arith.constant 0 : i32
      scf.yield %scan3A_24 : i32
    }
    %scan3A_8 = arith.constant 50 : i32
    return
  }
}

#map = affine_map<(d0, d1) -> (0, 0)>
#map1 = affine_map<(d0, d1) -> (0)>
module attributes {stable_mosaic.version = 14 : i64} {
  func.func @_gather_body(%arg0: i32, %arg1: i32, %arg2: memref<10000x128xf32, #tpu.memory_space<hbm>>, %arg3: memref<320000xi32, #tpu.memory_space<hbm>>, %arg4: memref<320000xi32, #tpu.memory_space<hbm>>, %arg5: memref<320000x128xf32, #tpu.memory_space<hbm>>, %arg6: memref<320000x128xf32, #tpu.memory_space<hbm>>, %arg7: memref<200xi32, #tpu.memory_space<vmem>>, %arg8: memref<200xi32, #tpu.memory_space<vmem>>, %arg9: memref<200x128xf32, #tpu.memory_space<vmem>>, %arg10: memref<200x128xf32, #tpu.memory_space<vmem>>, %arg11: memref<!tpu.dma_semaphore, #tpu.memory_space<semaphore_mem>>, %arg12: memref<!tpu.dma_semaphore, #tpu.memory_space<semaphore_mem>>) attributes {dimension_semantics = [#tpu.dimension_semantics<core_parallel>, #tpu.dimension_semantics<subcore_parallel>], iteration_bounds = array<i64: 2, 16>, scalar_prefetch = 0 : i64, scratch_operands = 6 : i64, tpu.core_type = #tpu.core_type<sc_vector_subcore>, window_params = [{transform_indices = #map}, {transform_indices = #map1}, {transform_indices = #map1}, {transform_indices = #map}, {transform_indices = #map}]} {
    %mul3A = arith.constant 2 : i32
    %mul3A_0 = arith.muli %arg1, %mul3A : i32
    %add3A = arith.addi %mul3A_0, %arg0 : i32
    %mul3A_1 = arith.constant 10000 : i32
    %mul3A_2 = arith.muli %add3A, %mul3A_1 : i32
    %scan3A = arith.constant 0 : i32
    %scan3A_3 = arith.constant 0 : i32
    %scan3A_4 = arith.constant 50 : i32
    %scan3A_5 = arith.addi %scan3A_3, %scan3A_4 : i32
    %scan3A_6 = arith.constant 1 : i32
    %scan3A_7 = scf.for %scan3A_9 = %scan3A_3 to %scan3A_5 step %scan3A_6 iter_args(%scan3A_10 = %scan3A) -> (i32)  : i32 {
      %mul3A_11 = arith.constant 200 : i32
      %mul3A_12 = arith.muli %scan3A_9, %mul3A_11 : i32
      %add3A_13 = arith.addi %mul3A_2, %mul3A_12 : i32
      "tpu.region"() ({
        %run_scoped3A = tpu.sem_alloc : memref<!tpu.dma_semaphore, #tpu.memory_space<semaphore_mem>>
        %dma_start3A_25 = tpu.memref_slice %arg3[%add3A_13] : memref<320000xi32, #tpu.memory_space<hbm>> -> memref<200xi32, #tpu.memory_space<hbm>>
        %dma_start3A_26 = tpu.memref_slice %arg3[%add3A_13] : memref<320000xi32, #tpu.memory_space<hbm>> -> memref<200xi32, #tpu.memory_space<hbm>>
        tpu.enqueue_dma source(%dma_start3A_26 : memref<200xi32, #tpu.memory_space<hbm>>) target(%arg7 : memref<200xi32, #tpu.memory_space<vmem>>) target_semaphore(%run_scoped3A : memref<!tpu.dma_semaphore, #tpu.memory_space<semaphore_mem>>)
        %dma_wait3A_27 = tpu.memref_slice %arg3[%add3A_13] : memref<320000xi32, #tpu.memory_space<hbm>> -> memref<200xi32, #tpu.memory_space<hbm>>
        %dma_wait3A_28 = tpu.memref_slice %arg3[%add3A_13] : memref<320000xi32, #tpu.memory_space<hbm>> -> memref<200xi32, #tpu.memory_space<hbm>>
        tpu.wait_dma2 semaphore(%run_scoped3A : memref<!tpu.dma_semaphore, #tpu.memory_space<semaphore_mem>>) src(%dma_wait3A_28 : memref<200xi32, #tpu.memory_space<hbm>>) dst(%arg7 : memref<200xi32, #tpu.memory_space<vmem>>)
        tpu.yield
      }) : () -> ()
      %dma_start3A = arith.constant 0 : i32
      %dma_start3A_14 = arith.constant 0 : i32
      %dma_start3A_15 = tpu.memref_slice %arg2[%dma_start3A, %dma_start3A_14] : memref<10000x128xf32, #tpu.memory_space<hbm>> -> memref<10000x128xf32, #tpu.memory_space<hbm>>
      tpu.enqueue_indirect_dma source(%dma_start3A_15 : memref<10000x128xf32, #tpu.memory_space<hbm>>) target(%arg9 : memref<200x128xf32, #tpu.memory_space<vmem>>) offsets(%arg7 : memref<200xi32, #tpu.memory_space<vmem>>) semaphore(%arg11 : memref<!tpu.dma_semaphore, #tpu.memory_space<semaphore_mem>>)
      "tpu.region"() ({
        %run_scoped3A = tpu.sem_alloc : memref<!tpu.dma_semaphore, #tpu.memory_space<semaphore_mem>>
        %dma_start3A_25 = tpu.memref_slice %arg4[%add3A_13] : memref<320000xi32, #tpu.memory_space<hbm>> -> memref<200xi32, #tpu.memory_space<hbm>>
        %dma_start3A_26 = tpu.memref_slice %arg4[%add3A_13] : memref<320000xi32, #tpu.memory_space<hbm>> -> memref<200xi32, #tpu.memory_space<hbm>>
        tpu.enqueue_dma source(%dma_start3A_26 : memref<200xi32, #tpu.memory_space<hbm>>) target(%arg8 : memref<200xi32, #tpu.memory_space<vmem>>) target_semaphore(%run_scoped3A : memref<!tpu.dma_semaphore, #tpu.memory_space<semaphore_mem>>)
        %dma_wait3A_27 = tpu.memref_slice %arg4[%add3A_13] : memref<320000xi32, #tpu.memory_space<hbm>> -> memref<200xi32, #tpu.memory_space<hbm>>
        %dma_wait3A_28 = tpu.memref_slice %arg4[%add3A_13] : memref<320000xi32, #tpu.memory_space<hbm>> -> memref<200xi32, #tpu.memory_space<hbm>>
        tpu.wait_dma2 semaphore(%run_scoped3A : memref<!tpu.dma_semaphore, #tpu.memory_space<semaphore_mem>>) src(%dma_wait3A_28 : memref<200xi32, #tpu.memory_space<hbm>>) dst(%arg8 : memref<200xi32, #tpu.memory_space<vmem>>)
        tpu.yield
      }) : () -> ()
      %dma_start3A_16 = arith.constant 0 : i32
      %dma_start3A_17 = arith.constant 0 : i32
      %dma_start3A_18 = tpu.memref_slice %arg2[%dma_start3A_16, %dma_start3A_17] : memref<10000x128xf32, #tpu.memory_space<hbm>> -> memref<10000x128xf32, #tpu.memory_space<hbm>>
      tpu.enqueue_indirect_dma source(%dma_start3A_18 : memref<10000x128xf32, #tpu.memory_space<hbm>>) target(%arg10 : memref<200x128xf32, #tpu.memory_space<vmem>>) offsets(%arg8 : memref<200xi32, #tpu.memory_space<vmem>>) semaphore(%arg12 : memref<!tpu.dma_semaphore, #tpu.memory_space<semaphore_mem>>)
      %dma_wait3A = arith.constant 0 : i32
      %dma_wait3A_19 = arith.constant 0 : i32
      %dma_wait3A_20 = tpu.memref_slice %arg2[%dma_wait3A, %dma_wait3A_19] : memref<10000x128xf32, #tpu.memory_space<hbm>> -> memref<10000x128xf32, #tpu.memory_space<hbm>>
      tpu.wait_indirect_dma semaphore(%arg11 : memref<!tpu.dma_semaphore, #tpu.memory_space<semaphore_mem>>) src(%dma_wait3A_20 : memref<10000x128xf32, #tpu.memory_space<hbm>>) dst(%arg9 : memref<200x128xf32, #tpu.memory_space<vmem>>)
      "tpu.region"() ({
        %run_scoped3A = tpu.sem_alloc : memref<!tpu.dma_semaphore, #tpu.memory_space<semaphore_mem>>
        %dma_start3A_25 = arith.constant 0 : i32
        %dma_start3A_26 = tpu.memref_slice %arg5[%add3A_13, %dma_start3A_25] : memref<320000x128xf32, #tpu.memory_space<hbm>> -> memref<200x128xf32, #tpu.memory_space<hbm>>
        %dma_start3A_27 = arith.constant 0 : i32
        %dma_start3A_28 = tpu.memref_slice %arg5[%add3A_13, %dma_start3A_27] : memref<320000x128xf32, #tpu.memory_space<hbm>> -> memref<200x128xf32, #tpu.memory_space<hbm>>
        tpu.enqueue_dma source(%arg9 : memref<200x128xf32, #tpu.memory_space<vmem>>) target(%dma_start3A_28 : memref<200x128xf32, #tpu.memory_space<hbm>>) target_semaphore(%run_scoped3A : memref<!tpu.dma_semaphore, #tpu.memory_space<semaphore_mem>>)
        %dma_wait3A_29 = arith.constant 0 : i32
        %dma_wait3A_30 = tpu.memref_slice %arg5[%add3A_13, %dma_wait3A_29] : memref<320000x128xf32, #tpu.memory_space<hbm>> -> memref<200x128xf32, #tpu.memory_space<hbm>>
        %dma_wait3A_31 = arith.constant 0 : i32
        %dma_wait3A_32 = tpu.memref_slice %arg5[%add3A_13, %dma_wait3A_31] : memref<320000x128xf32, #tpu.memory_space<hbm>> -> memref<200x128xf32, #tpu.memory_space<hbm>>
        tpu.wait_dma2 semaphore(%run_scoped3A : memref<!tpu.dma_semaphore, #tpu.memory_space<semaphore_mem>>) src(%arg9 : memref<200x128xf32, #tpu.memory_space<vmem>>) dst(%dma_wait3A_32 : memref<200x128xf32, #tpu.memory_space<hbm>>)
        tpu.yield
      }) : () -> ()
      %dma_wait3A_21 = arith.constant 0 : i32
      %dma_wait3A_22 = arith.constant 0 : i32
      %dma_wait3A_23 = tpu.memref_slice %arg2[%dma_wait3A_21, %dma_wait3A_22] : memref<10000x128xf32, #tpu.memory_space<hbm>> -> memref<10000x128xf32, #tpu.memory_space<hbm>>
      tpu.wait_indirect_dma semaphore(%arg12 : memref<!tpu.dma_semaphore, #tpu.memory_space<semaphore_mem>>) src(%dma_wait3A_23 : memref<10000x128xf32, #tpu.memory_space<hbm>>) dst(%arg10 : memref<200x128xf32, #tpu.memory_space<vmem>>)
      "tpu.region"() ({
        %run_scoped3A = tpu.sem_alloc : memref<!tpu.dma_semaphore, #tpu.memory_space<semaphore_mem>>
        %dma_start3A_25 = arith.constant 0 : i32
        %dma_start3A_26 = tpu.memref_slice %arg6[%add3A_13, %dma_start3A_25] : memref<320000x128xf32, #tpu.memory_space<hbm>> -> memref<200x128xf32, #tpu.memory_space<hbm>>
        %dma_start3A_27 = arith.constant 0 : i32
        %dma_start3A_28 = tpu.memref_slice %arg6[%add3A_13, %dma_start3A_27] : memref<320000x128xf32, #tpu.memory_space<hbm>> -> memref<200x128xf32, #tpu.memory_space<hbm>>
        tpu.enqueue_dma source(%arg10 : memref<200x128xf32, #tpu.memory_space<vmem>>) target(%dma_start3A_28 : memref<200x128xf32, #tpu.memory_space<hbm>>) target_semaphore(%run_scoped3A : memref<!tpu.dma_semaphore, #tpu.memory_space<semaphore_mem>>)
        %dma_wait3A_29 = arith.constant 0 : i32
        %dma_wait3A_30 = tpu.memref_slice %arg6[%add3A_13, %dma_wait3A_29] : memref<320000x128xf32, #tpu.memory_space<hbm>> -> memref<200x128xf32, #tpu.memory_space<hbm>>
        %dma_wait3A_31 = arith.constant 0 : i32
        %dma_wait3A_32 = tpu.memref_slice %arg6[%add3A_13, %dma_wait3A_31] : memref<320000x128xf32, #tpu.memory_space<hbm>> -> memref<200x128xf32, #tpu.memory_space<hbm>>
        tpu.wait_dma2 semaphore(%run_scoped3A : memref<!tpu.dma_semaphore, #tpu.memory_space<semaphore_mem>>) src(%arg10 : memref<200x128xf32, #tpu.memory_space<vmem>>) dst(%dma_wait3A_32 : memref<200x128xf32, #tpu.memory_space<hbm>>)
        tpu.yield
      }) : () -> ()
      %scan3A_24 = arith.constant 0 : i32
      scf.yield %scan3A_24 : i32
    }
    %scan3A_8 = arith.constant 50 : i32
    return
  }
}

#map = affine_map<(d0, d1) -> (0)>
module attributes {stable_mosaic.version = 14 : i64} {
  func.func @_edge_prep_body(%arg0: i32, %arg1: i32, %arg2: memref<320000xi32, #tpu.memory_space<hbm>>, %arg3: memref<320000xi32, #tpu.memory_space<hbm>>, %arg4: memref<10000xi32, #tpu.memory_space<hbm>>, %arg5: memref<320000xf32, #tpu.memory_space<hbm>>, %arg6: memref<320000xi32, #tpu.memory_space<hbm>>, %arg7: memref<320000xi32, #tpu.memory_space<hbm>>, %arg8: memref<2000xi32, #tpu.memory_space<vmem>>, %arg9: memref<2000xi32, #tpu.memory_space<vmem>>, %arg10: memref<2000xi32, #tpu.memory_space<vmem>>, %arg11: memref<2000xi32, #tpu.memory_space<vmem>>, %arg12: memref<2000xf32, #tpu.memory_space<vmem>>, %arg13: memref<2000xi32, #tpu.memory_space<vmem>>, %arg14: memref<2000xi32, #tpu.memory_space<vmem>>, %arg15: memref<!tpu.dma_semaphore, #tpu.memory_space<semaphore_mem>>) attributes {dimension_semantics = [#tpu.dimension_semantics<core_parallel>, #tpu.dimension_semantics<subcore_parallel>], iteration_bounds = array<i64: 2, 16>, scalar_prefetch = 0 : i64, scratch_operands = 8 : i64, tpu.core_type = #tpu.core_type<sc_vector_subcore>, window_params = [{transform_indices = #map}, {transform_indices = #map}, {transform_indices = #map}, {transform_indices = #map}, {transform_indices = #map}, {transform_indices = #map}]} {
    %mul3A = arith.constant 2 : i32
    %mul3A_0 = arith.muli %arg1, %mul3A : i32
    %add3A = arith.addi %mul3A_0, %arg0 : i32
    %mul3A_1 = arith.constant 10000 : i32
    %mul3A_2 = arith.muli %add3A, %mul3A_1 : i32
    %scan3A = arith.constant 0 : i32
    %scan3A_3 = arith.constant 0 : i32
    %scan3A_4 = arith.constant 5 : i32
    %scan3A_5 = arith.addi %scan3A_3, %scan3A_4 : i32
    %scan3A_6 = arith.constant 1 : i32
    %scan3A_7 = scf.for %scan3A_9 = %scan3A_3 to %scan3A_5 step %scan3A_6 iter_args(%scan3A_10 = %scan3A) -> (i32)  : i32 {
      %mul3A_11 = arith.constant 2000 : i32
      %mul3A_12 = arith.muli %scan3A_9, %mul3A_11 : i32
      %add3A_13 = arith.addi %mul3A_2, %mul3A_12 : i32
      "tpu.region"() ({
        %run_scoped3A = tpu.sem_alloc : memref<!tpu.dma_semaphore, #tpu.memory_space<semaphore_mem>>
        %dma_start3A_31 = tpu.memref_slice %arg2[%add3A_13] : memref<320000xi32, #tpu.memory_space<hbm>> -> memref<2000xi32, #tpu.memory_space<hbm>>
        %dma_start3A_32 = tpu.memref_slice %arg2[%add3A_13] : memref<320000xi32, #tpu.memory_space<hbm>> -> memref<2000xi32, #tpu.memory_space<hbm>>
        tpu.enqueue_dma source(%dma_start3A_32 : memref<2000xi32, #tpu.memory_space<hbm>>) target(%arg8 : memref<2000xi32, #tpu.memory_space<vmem>>) target_semaphore(%run_scoped3A : memref<!tpu.dma_semaphore, #tpu.memory_space<semaphore_mem>>)
        %dma_wait3A_33 = tpu.memref_slice %arg2[%add3A_13] : memref<320000xi32, #tpu.memory_space<hbm>> -> memref<2000xi32, #tpu.memory_space<hbm>>
        %dma_wait3A_34 = tpu.memref_slice %arg2[%add3A_13] : memref<320000xi32, #tpu.memory_space<hbm>> -> memref<2000xi32, #tpu.memory_space<hbm>>
        tpu.wait_dma2 semaphore(%run_scoped3A : memref<!tpu.dma_semaphore, #tpu.memory_space<semaphore_mem>>) src(%dma_wait3A_34 : memref<2000xi32, #tpu.memory_space<hbm>>) dst(%arg8 : memref<2000xi32, #tpu.memory_space<vmem>>)
        tpu.yield
      }) : () -> ()
      "tpu.region"() ({
        %run_scoped3A = tpu.sem_alloc : memref<!tpu.dma_semaphore, #tpu.memory_space<semaphore_mem>>
        %dma_start3A_31 = tpu.memref_slice %arg3[%add3A_13] : memref<320000xi32, #tpu.memory_space<hbm>> -> memref<2000xi32, #tpu.memory_space<hbm>>
        %dma_start3A_32 = tpu.memref_slice %arg3[%add3A_13] : memref<320000xi32, #tpu.memory_space<hbm>> -> memref<2000xi32, #tpu.memory_space<hbm>>
        tpu.enqueue_dma source(%dma_start3A_32 : memref<2000xi32, #tpu.memory_space<hbm>>) target(%arg9 : memref<2000xi32, #tpu.memory_space<vmem>>) target_semaphore(%run_scoped3A : memref<!tpu.dma_semaphore, #tpu.memory_space<semaphore_mem>>)
        %dma_wait3A_33 = tpu.memref_slice %arg3[%add3A_13] : memref<320000xi32, #tpu.memory_space<hbm>> -> memref<2000xi32, #tpu.memory_space<hbm>>
        %dma_wait3A_34 = tpu.memref_slice %arg3[%add3A_13] : memref<320000xi32, #tpu.memory_space<hbm>> -> memref<2000xi32, #tpu.memory_space<hbm>>
        tpu.wait_dma2 semaphore(%run_scoped3A : memref<!tpu.dma_semaphore, #tpu.memory_space<semaphore_mem>>) src(%dma_wait3A_34 : memref<2000xi32, #tpu.memory_space<hbm>>) dst(%arg9 : memref<2000xi32, #tpu.memory_space<vmem>>)
        tpu.yield
      }) : () -> ()
      %dma_start3A = arith.constant 0 : i32
      %dma_start3A_14 = tpu.memref_slice %arg4[%dma_start3A] : memref<10000xi32, #tpu.memory_space<hbm>> -> memref<10000xi32, #tpu.memory_space<hbm>>
      tpu.enqueue_indirect_dma source(%dma_start3A_14 : memref<10000xi32, #tpu.memory_space<hbm>>) target(%arg10 : memref<2000xi32, #tpu.memory_space<vmem>>) offsets(%arg8 : memref<2000xi32, #tpu.memory_space<vmem>>) semaphore(%arg15 : memref<!tpu.dma_semaphore, #tpu.memory_space<semaphore_mem>>)
      %dma_wait3A = arith.constant 0 : i32
      %dma_wait3A_15 = tpu.memref_slice %arg4[%dma_wait3A] : memref<10000xi32, #tpu.memory_space<hbm>> -> memref<10000xi32, #tpu.memory_space<hbm>>
      tpu.wait_indirect_dma semaphore(%arg15 : memref<!tpu.dma_semaphore, #tpu.memory_space<semaphore_mem>>) src(%dma_wait3A_15 : memref<10000xi32, #tpu.memory_space<hbm>>) dst(%arg10 : memref<2000xi32, #tpu.memory_space<vmem>>)
      %dma_start3A_16 = arith.constant 0 : i32
      %dma_start3A_17 = tpu.memref_slice %arg4[%dma_start3A_16] : memref<10000xi32, #tpu.memory_space<hbm>> -> memref<10000xi32, #tpu.memory_space<hbm>>
      tpu.enqueue_indirect_dma source(%dma_start3A_17 : memref<10000xi32, #tpu.memory_space<hbm>>) target(%arg11 : memref<2000xi32, #tpu.memory_space<vmem>>) offsets(%arg9 : memref<2000xi32, #tpu.memory_space<vmem>>) semaphore(%arg15 : memref<!tpu.dma_semaphore, #tpu.memory_space<semaphore_mem>>)
      %dma_wait3A_18 = arith.constant 0 : i32
      %dma_wait3A_19 = tpu.memref_slice %arg4[%dma_wait3A_18] : memref<10000xi32, #tpu.memory_space<hbm>> -> memref<10000xi32, #tpu.memory_space<hbm>>
      tpu.wait_indirect_dma semaphore(%arg15 : memref<!tpu.dma_semaphore, #tpu.memory_space<semaphore_mem>>) src(%dma_wait3A_19 : memref<10000xi32, #tpu.memory_space<hbm>>) dst(%arg11 : memref<2000xi32, #tpu.memory_space<vmem>>)
      %iota3A = tpu.iota {dimensions = array<i32: 0>} : vector<16xi32>
      %add3A_20 = arith.constant 10000 : i32
      %add3A_21 = vector.broadcast %add3A_20 : i32 to vector<16xi32>
      %add3A_22 = arith.addi %add3A_21, %iota3A : vector<16xi32>
      %scan3A_23 = arith.constant 0 : i32
      %scan3A_24 = arith.constant 0 : i32
      %scan3A_25 = arith.constant 125 : i32
      %scan3A_26 = arith.addi %scan3A_24, %scan3A_25 : i32
      %scan3A_27 = arith.constant 1 : i32
      %scan3A_28 = scf.for %scan3A_31 = %scan3A_24 to %scan3A_26 step %scan3A_27 iter_args(%scan3A_32 = %scan3A_23) -> (i32)  : i32 {
        %mul3A_33 = arith.constant 16 : i32
        %mul3A_34 = arith.muli %scan3A_31, %mul3A_33 : i32
        %get3A = arith.index_cast %mul3A_34 : i32 to index
        %get3A_35 = tpu.vector_load %arg10[%get3A] {strides = array<i32>} : memref<2000xi32, #tpu.memory_space<vmem>>, vector<16xi32>,
        %get3A_36 = vector.shape_cast %get3A_35 : vector<16xi32> to vector<16xi32>
        %rem3A = arith.constant 2 : i32
        %rem3A_37 = vector.broadcast %rem3A : i32 to vector<16xi32>
        %rem3A_38 = arith.remsi %get3A_36, %rem3A_37 : vector<16xi32>
        %lt3A = arith.constant 5 : i32
        %lt3A_39 = vector.broadcast %lt3A : i32 to vector<16xi32>
        %lt3A_40 = arith.cmpi slt, %get3A_36, %lt3A_39 : vector<16xi32>
        %lt3A_41 = arith.constant 11 : i32
        %lt3A_42 = vector.broadcast %lt3A_41 : i32 to vector<16xi32>
        %lt3A_43 = arith.cmpi slt, %get3A_36, %lt3A_42 : vector<16xi32>
        %sub3A = arith.constant 2 : i32
        %sub3A_44 = vector.broadcast %sub3A : i32 to vector<16xi32>
        %sub3A_45 = arith.subi %sub3A_44, %rem3A_38 : vector<16xi32>
        %lt3A_46 = arith.constant 15 : i32
        %lt3A_47 = vector.broadcast %lt3A_46 : i32 to vector<16xi32>
        %lt3A_48 = arith.cmpi slt, %get3A_36, %lt3A_47 : vector<16xi32>
        %sub3A_49 = arith.constant 4 : i32
        %sub3A_50 = vector.broadcast %sub3A_49 : i32 to vector<16xi32>
        %sub3A_51 = arith.subi %sub3A_50, %rem3A_38 : vector<16xi32>
        %jit3A = arith.constant 5 : i32
        %broadcast_in_dim3A = vector.broadcast %jit3A : i32 to vector<16xi32>
        %select_n3A = arith.select %lt3A_48, %sub3A_51, %broadcast_in_dim3A : vector<16xi1>, vector<16xi32>
        %select_n3A_52 = arith.select %lt3A_43, %sub3A_45, %select_n3A : vector<16xi1>, vector<16xi32>
        %jit3A_53 = arith.constant 0 : i32
        %broadcast_in_dim3A_54 = vector.broadcast %jit3A_53 : i32 to vector<16xi32>
        %select_n3A_55 = arith.select %lt3A_40, %broadcast_in_dim3A_54, %select_n3A_52 : vector<16xi1>, vector<16xi32>
        %get3A_56 = arith.index_cast %mul3A_34 : i32 to index
        %get3A_57 = tpu.vector_load %arg11[%get3A_56] {strides = array<i32>} : memref<2000xi32, #tpu.memory_space<vmem>>, vector<16xi32>,
        %get3A_58 = vector.shape_cast %get3A_57 : vector<16xi32> to vector<16xi32>
        %rem3A_59 = arith.constant 2 : i32
        %rem3A_60 = vector.broadcast %rem3A_59 : i32 to vector<16xi32>
        %rem3A_61 = arith.remsi %get3A_58, %rem3A_60 : vector<16xi32>
        %lt3A_62 = arith.constant 5 : i32
        %lt3A_63 = vector.broadcast %lt3A_62 : i32 to vector<16xi32>
        %lt3A_64 = arith.cmpi slt, %get3A_58, %lt3A_63 : vector<16xi32>
        %lt3A_65 = arith.constant 11 : i32
        %lt3A_66 = vector.broadcast %lt3A_65 : i32 to vector<16xi32>
        %lt3A_67 = arith.cmpi slt, %get3A_58, %lt3A_66 : vector<16xi32>
        %sub3A_68 = arith.constant 2 : i32
        %sub3A_69 = vector.broadcast %sub3A_68 : i32 to vector<16xi32>
        %sub3A_70 = arith.subi %sub3A_69, %rem3A_61 : vector<16xi32>
        %lt3A_71 = arith.constant 15 : i32
        %lt3A_72 = vector.broadcast %lt3A_71 : i32 to vector<16xi32>
        %lt3A_73 = arith.cmpi slt, %get3A_58, %lt3A_72 : vector<16xi32>
        %sub3A_74 = arith.constant 4 : i32
        %sub3A_75 = vector.broadcast %sub3A_74 : i32 to vector<16xi32>
        %sub3A_76 = arith.subi %sub3A_75, %rem3A_61 : vector<16xi32>
        %jit3A_77 = arith.constant 5 : i32
        %broadcast_in_dim3A_78 = vector.broadcast %jit3A_77 : i32 to vector<16xi32>
        %select_n3A_79 = arith.select %lt3A_73, %sub3A_76, %broadcast_in_dim3A_78 : vector<16xi1>, vector<16xi32>
        %select_n3A_80 = arith.select %lt3A_67, %sub3A_70, %select_n3A_79 : vector<16xi1>, vector<16xi32>
        %jit3A_81 = arith.constant 0 : i32
        %broadcast_in_dim3A_82 = vector.broadcast %jit3A_81 : i32 to vector<16xi32>
        %select_n3A_83 = arith.select %lt3A_64, %broadcast_in_dim3A_82, %select_n3A_80 : vector<16xi1>, vector<16xi32>
        %eq3A = arith.cmpi eq, %select_n3A_55, %select_n3A_83 : vector<16xi32>
        %get3A_84 = arith.index_cast %mul3A_34 : i32 to index
        %get3A_85 = tpu.vector_load %arg9[%get3A_84] {strides = array<i32>} : memref<2000xi32, #tpu.memory_space<vmem>>, vector<16xi32>,
        %get3A_86 = vector.shape_cast %get3A_85 : vector<16xi32> to vector<16xi32>
        %jit3A_87 = arith.constant 1.000000e+00 : f32
        %jit3A_88 = arith.constant 0.000000e+00 : f32
        %broadcast_in_dim3A_89 = vector.broadcast %jit3A_87 : f32 to vector<16xf32>
        %broadcast_in_dim3A_90 = vector.broadcast %jit3A_88 : f32 to vector<16xf32>
        %select_n3A_91 = arith.select %eq3A, %broadcast_in_dim3A_89, %broadcast_in_dim3A_90 : vector<16xi1>, vector<16xf32>
        %swap3A = arith.index_cast %mul3A_34 : i32 to index
        %swap3A_92 = tpu.vector_load %arg12[%swap3A] {strides = array<i32>} : memref<2000xf32, #tpu.memory_space<vmem>>, vector<16xf32>,
        %swap3A_93 = vector.shape_cast %swap3A_92 : vector<16xf32> to vector<16xf32>
        %swap3A_94 = vector.shape_cast %select_n3A_91 : vector<16xf32> to vector<16xf32>
        tpu.vector_store %arg12[%swap3A], %swap3A_94 {strides = array<i32>} : memref<2000xf32, #tpu.memory_space<vmem>>, vector<16xf32>,
        %select_n3A_95 = arith.select %eq3A, %get3A_86, %add3A_22 : vector<16xi1>, vector<16xi32>
        %swap3A_96 = arith.index_cast %mul3A_34 : i32 to index
        %swap3A_97 = tpu.vector_load %arg13[%swap3A_96] {strides = array<i32>} : memref<2000xi32, #tpu.memory_space<vmem>>, vector<16xi32>,
        %swap3A_98 = vector.shape_cast %swap3A_97 : vector<16xi32> to vector<16xi32>
        %swap3A_99 = vector.shape_cast %select_n3A_95 : vector<16xi32> to vector<16xi32>
        tpu.vector_store %arg13[%swap3A_96], %swap3A_99 {strides = array<i32>} : memref<2000xi32, #tpu.memory_space<vmem>>, vector<16xi32>,
        %select_n3A_100 = arith.select %eq3A, %add3A_22, %get3A_86 : vector<16xi1>, vector<16xi32>
        %swap3A_101 = arith.index_cast %mul3A_34 : i32 to index
        %swap3A_102 = tpu.vector_load %arg14[%swap3A_101] {strides = array<i32>} : memref<2000xi32, #tpu.memory_space<vmem>>, vector<16xi32>,
        %swap3A_103 = vector.shape_cast %swap3A_102 : vector<16xi32> to vector<16xi32>
        %swap3A_104 = vector.shape_cast %select_n3A_100 : vector<16xi32> to vector<16xi32>
        tpu.vector_store %arg14[%swap3A_101], %swap3A_104 {strides = array<i32>} : memref<2000xi32, #tpu.memory_space<vmem>>, vector<16xi32>,
        %scan3A_105 = arith.constant 0 : i32
        scf.yield %scan3A_105 : i32
      }
      %scan3A_29 = arith.constant 125 : i32
      "tpu.region"() ({
        %run_scoped3A = tpu.sem_alloc : memref<!tpu.dma_semaphore, #tpu.memory_space<semaphore_mem>>
        %dma_start3A_31 = tpu.memref_slice %arg5[%add3A_13] : memref<320000xf32, #tpu.memory_space<hbm>> -> memref<2000xf32, #tpu.memory_space<hbm>>
        %dma_start3A_32 = tpu.memref_slice %arg5[%add3A_13] : memref<320000xf32, #tpu.memory_space<hbm>> -> memref<2000xf32, #tpu.memory_space<hbm>>
        tpu.enqueue_dma source(%arg12 : memref<2000xf32, #tpu.memory_space<vmem>>) target(%dma_start3A_32 : memref<2000xf32, #tpu.memory_space<hbm>>) target_semaphore(%run_scoped3A : memref<!tpu.dma_semaphore, #tpu.memory_space<semaphore_mem>>)
        %dma_wait3A_33 = tpu.memref_slice %arg5[%add3A_13] : memref<320000xf32, #tpu.memory_space<hbm>> -> memref<2000xf32, #tpu.memory_space<hbm>>
        %dma_wait3A_34 = tpu.memref_slice %arg5[%add3A_13] : memref<320000xf32, #tpu.memory_space<hbm>> -> memref<2000xf32, #tpu.memory_space<hbm>>
        tpu.wait_dma2 semaphore(%run_scoped3A : memref<!tpu.dma_semaphore, #tpu.memory_space<semaphore_mem>>) src(%arg12 : memref<2000xf32, #tpu.memory_space<vmem>>) dst(%dma_wait3A_34 : memref<2000xf32, #tpu.memory_space<hbm>>)
        tpu.yield
      }) : () -> ()
      "tpu.region"() ({
        %run_scoped3A = tpu.sem_alloc : memref<!tpu.dma_semaphore, #tpu.memory_space<semaphore_mem>>
        %dma_start3A_31 = tpu.memref_slice %arg6[%add3A_13] : memref<320000xi32, #tpu.memory_space<hbm>> -> memref<2000xi32, #tpu.memory_space<hbm>>
        %dma_start3A_32 = tpu.memref_slice %arg6[%add3A_13] : memref<320000xi32, #tpu.memory_space<hbm>> -> memref<2000xi32, #tpu.memory_space<hbm>>
        tpu.enqueue_dma source(%arg13 : memref<2000xi32, #tpu.memory_space<vmem>>) target(%dma_start3A_32 : memref<2000xi32, #tpu.memory_space<hbm>>) target_semaphore(%run_scoped3A : memref<!tpu.dma_semaphore, #tpu.memory_space<semaphore_mem>>)
        %dma_wait3A_33 = tpu.memref_slice %arg6[%add3A_13] : memref<320000xi32, #tpu.memory_space<hbm>> -> memref<2000xi32, #tpu.memory_space<hbm>>
        %dma_wait3A_34 = tpu.memref_slice %arg6[%add3A_13] : memref<320000xi32, #tpu.memory_space<hbm>> -> memref<2000xi32, #tpu.memory_space<hbm>>
        tpu.wait_dma2 semaphore(%run_scoped3A : memref<!tpu.dma_semaphore, #tpu.memory_space<semaphore_mem>>) src(%arg13 : memref<2000xi32, #tpu.memory_space<vmem>>) dst(%dma_wait3A_34 : memref<2000xi32, #tpu.memory_space<hbm>>)
        tpu.yield
      }) : () -> ()
      "tpu.region"() ({
        %run_scoped3A = tpu.sem_alloc : memref<!tpu.dma_semaphore, #tpu.memory_space<semaphore_mem>>
        %dma_start3A_31 = tpu.memref_slice %arg7[%add3A_13] : memref<320000xi32, #tpu.memory_space<hbm>> -> memref<2000xi32, #tpu.memory_space<hbm>>
        %dma_start3A_32 = tpu.memref_slice %arg7[%add3A_13] : memref<320000xi32, #tpu.memory_space<hbm>> -> memref<2000xi32, #tpu.memory_space<hbm>>
        tpu.enqueue_dma source(%arg14 : memref<2000xi32, #tpu.memory_space<vmem>>) target(%dma_start3A_32 : memref<2000xi32, #tpu.memory_space<hbm>>) target_semaphore(%run_scoped3A : memref<!tpu.dma_semaphore, #tpu.memory_space<semaphore_mem>>)
        %dma_wait3A_33 = tpu.memref_slice %arg7[%add3A_13] : memref<320000xi32, #tpu.memory_space<hbm>> -> memref<2000xi32, #tpu.memory_space<hbm>>
        %dma_wait3A_34 = tpu.memref_slice %arg7[%add3A_13] : memref<320000xi32, #tpu.memory_space<hbm>> -> memref<2000xi32, #tpu.memory_space<hbm>>
        tpu.wait_dma2 semaphore(%run_scoped3A : memref<!tpu.dma_semaphore, #tpu.memory_space<semaphore_mem>>) src(%arg14 : memref<2000xi32, #tpu.memory_space<vmem>>) dst(%dma_wait3A_34 : memref<2000xi32, #tpu.memory_space<hbm>>)
        tpu.yield
      }) : () -> ()
      %scan3A_30 = arith.constant 0 : i32
      scf.yield %scan3A_30 : i32
    }
    %scan3A_8 = arith.constant 5 : i32
    return
  }
}

#map = affine_map<(d0, d1) -> (0)>
module attributes {stable_mosaic.version = 14 : i64} {
  func.func @_scatter_body(%arg0: i32, %arg1: i32, %arg2: memref<40960000xf32, #tpu.memory_space<hbm>>, %arg3: memref<320000xi32, #tpu.memory_space<hbm>>, %arg4: memref<1294336xf32, #tpu.memory_space<hbm>>, %arg5: memref<10000xi32, #tpu.memory_space<vmem>>, %arg6: memref<40000xf32, #tpu.memory_space<vmem>>, %arg7: memref<40448xf32, #tpu.memory_space<vmem>>, %arg8: memref<!tpu.dma_semaphore, #tpu.memory_space<semaphore_mem>>) attributes {dimension_semantics = [#tpu.dimension_semantics<core_parallel>, #tpu.dimension_semantics<subcore_parallel>], iteration_bounds = array<i64: 2, 16>, scalar_prefetch = 0 : i64, scratch_operands = 4 : i64, tpu.core_type = #tpu.core_type<sc_vector_subcore>, window_params = [{transform_indices = #map}, {transform_indices = #map}, {transform_indices = #map}]} {
    %mul3A = arith.constant 2 : i32
    %mul3A_0 = arith.muli %arg1, %mul3A : i32
    %add3A = arith.addi %mul3A_0, %arg0 : i32
    %mul3A_1 = arith.constant 4 : i32
    %mul3A_2 = arith.muli %add3A, %mul3A_1 : i32
    %broadcast_in_dim3A = arith.constant 0.000000e+00 : f32
    %broadcast_in_dim3A_3 = vector.broadcast %broadcast_in_dim3A : f32 to vector<16xf32>
    %scan3A = arith.constant 0 : i32
    %scan3A_4 = arith.constant 0 : i32
    %scan3A_5 = arith.constant 2528 : i32
    %scan3A_6 = arith.addi %scan3A_4, %scan3A_5 : i32
    %scan3A_7 = arith.constant 1 : i32
    %scan3A_8 = scf.for %scan3A_19 = %scan3A_4 to %scan3A_6 step %scan3A_7 iter_args(%scan3A_20 = %scan3A) -> (i32)  : i32 {
      %mul3A_21 = arith.constant 16 : i32
      %mul3A_22 = arith.muli %scan3A_19, %mul3A_21 : i32
      %swap3A = arith.index_cast %mul3A_22 : i32 to index
      %swap3A_23 = tpu.vector_load %arg7[%swap3A] {strides = array<i32>} : memref<40448xf32, #tpu.memory_space<vmem>>, vector<16xf32>,
      tpu.vector_store %arg7[%swap3A], %broadcast_in_dim3A_3 {strides = array<i32>} : memref<40448xf32, #tpu.memory_space<vmem>>, vector<16xf32>,
      %scan3A_24 = arith.constant 0 : i32
      scf.yield %scan3A_24 : i32
    }
    %scan3A_9 = arith.constant 2528 : i32
    %scan3A_10 = arith.constant 0 : i32
    %scan3A_11 = arith.constant 0 : i32
    %scan3A_12 = arith.constant 32 : i32
    %scan3A_13 = arith.addi %scan3A_11, %scan3A_12 : i32
    %scan3A_14 = arith.constant 1 : i32
    %scan3A_15 = scf.for %scan3A_19 = %scan3A_11 to %scan3A_13 step %scan3A_14 iter_args(%scan3A_20 = %scan3A_10) -> (i32)  : i32 {
      %mul3A_21 = arith.constant 10000 : i32
      %mul3A_22 = arith.muli %scan3A_19, %mul3A_21 : i32
      "tpu.region"() ({
        %run_scoped3A = tpu.sem_alloc : memref<!tpu.dma_semaphore, #tpu.memory_space<semaphore_mem>>
        %dma_start3A = tpu.memref_slice %arg3[%mul3A_22] : memref<320000xi32, #tpu.memory_space<hbm>> -> memref<10000xi32, #tpu.memory_space<hbm>>
        %dma_start3A_51 = tpu.memref_slice %arg3[%mul3A_22] : memref<320000xi32, #tpu.memory_space<hbm>> -> memref<10000xi32, #tpu.memory_space<hbm>>
        tpu.enqueue_dma source(%dma_start3A_51 : memref<10000xi32, #tpu.memory_space<hbm>>) target(%arg5 : memref<10000xi32, #tpu.memory_space<vmem>>) target_semaphore(%run_scoped3A : memref<!tpu.dma_semaphore, #tpu.memory_space<semaphore_mem>>)
        %dma_wait3A = tpu.memref_slice %arg3[%mul3A_22] : memref<320000xi32, #tpu.memory_space<hbm>> -> memref<10000xi32, #tpu.memory_space<hbm>>
        %dma_wait3A_52 = tpu.memref_slice %arg3[%mul3A_22] : memref<320000xi32, #tpu.memory_space<hbm>> -> memref<10000xi32, #tpu.memory_space<hbm>>
        tpu.wait_dma2 semaphore(%run_scoped3A : memref<!tpu.dma_semaphore, #tpu.memory_space<semaphore_mem>>) src(%dma_wait3A_52 : memref<10000xi32, #tpu.memory_space<hbm>>) dst(%arg5 : memref<10000xi32, #tpu.memory_space<vmem>>)
        tpu.yield
      }) : () -> ()
      %add3A_23 = arith.constant 0 : i32
      %add3A_24 = arith.addi %mul3A_2, %add3A_23 : i32
      %mul3A_25 = arith.constant 320000 : i32
      %mul3A_26 = arith.muli %add3A_24, %mul3A_25 : i32
      %add3A_27 = arith.addi %mul3A_26, %mul3A_22 : i32
      "tpu.region"() ({
        %run_scoped3A = tpu.sem_alloc : memref<!tpu.dma_semaphore, #tpu.memory_space<semaphore_mem>>
        %dma_start3A = arith.constant 0 : i32
        %dma_start3A_51 = tpu.memref_slice %arg6[%dma_start3A] : memref<40000xf32, #tpu.memory_space<vmem>> -> memref<10000xf32, #tpu.memory_space<vmem>>
        %dma_start3A_52 = tpu.memref_slice %arg2[%add3A_27] : memref<40960000xf32, #tpu.memory_space<hbm>> -> memref<10000xf32, #tpu.memory_space<hbm>>
        %dma_start3A_53 = arith.constant 0 : i32
        %dma_start3A_54 = tpu.memref_slice %arg6[%dma_start3A_53] : memref<40000xf32, #tpu.memory_space<vmem>> -> memref<10000xf32, #tpu.memory_space<vmem>>
        %dma_start3A_55 = tpu.memref_slice %arg2[%add3A_27] : memref<40960000xf32, #tpu.memory_space<hbm>> -> memref<10000xf32, #tpu.memory_space<hbm>>
        tpu.enqueue_dma source(%dma_start3A_55 : memref<10000xf32, #tpu.memory_space<hbm>>) target(%dma_start3A_54 : memref<10000xf32, #tpu.memory_space<vmem>>) target_semaphore(%run_scoped3A : memref<!tpu.dma_semaphore, #tpu.memory_space<semaphore_mem>>)
        %dma_wait3A = arith.constant 0 : i32
        %dma_wait3A_56 = tpu.memref_slice %arg6[%dma_wait3A] : memref<40000xf32, #tpu.memory_space<vmem>> -> memref<10000xf32, #tpu.memory_space<vmem>>
        %dma_wait3A_57 = tpu.memref_slice %arg2[%add3A_27] : memref<40960000xf32, #tpu.memory_space<hbm>> -> memref<10000xf32, #tpu.memory_space<hbm>>
        %dma_wait3A_58 = arith.constant 0 : i32
        %dma_wait3A_59 = tpu.memref_slice %arg6[%dma_wait3A_58] : memref<40000xf32, #tpu.memory_space<vmem>> -> memref<10000xf32, #tpu.memory_space<vmem>>
        %dma_wait3A_60 = tpu.memref_slice %arg2[%add3A_27] : memref<40960000xf32, #tpu.memory_space<hbm>> -> memref<10000xf32, #tpu.memory_space<hbm>>
        tpu.wait_dma2 semaphore(%run_scoped3A : memref<!tpu.dma_semaphore, #tpu.memory_space<semaphore_mem>>) src(%dma_wait3A_60 : memref<10000xf32, #tpu.memory_space<hbm>>) dst(%dma_wait3A_59 : memref<10000xf32, #tpu.memory_space<vmem>>)
        tpu.yield
      }) : () -> ()
      %add3A_28 = arith.constant 1 : i32
      %add3A_29 = arith.addi %mul3A_2, %add3A_28 : i32
      %mul3A_30 = arith.constant 320000 : i32
      %mul3A_31 = arith.muli %add3A_29, %mul3A_30 : i32
      %add3A_32 = arith.addi %mul3A_31, %mul3A_22 : i32
      "tpu.region"() ({
        %run_scoped3A = tpu.sem_alloc : memref<!tpu.dma_semaphore, #tpu.memory_space<semaphore_mem>>
        %dma_start3A = arith.constant 10000 : i32
        %dma_start3A_51 = tpu.memref_slice %arg6[%dma_start3A] : memref<40000xf32, #tpu.memory_space<vmem>> -> memref<10000xf32, #tpu.memory_space<vmem>>
        %dma_start3A_52 = tpu.memref_slice %arg2[%add3A_32] : memref<40960000xf32, #tpu.memory_space<hbm>> -> memref<10000xf32, #tpu.memory_space<hbm>>
        %dma_start3A_53 = arith.constant 10000 : i32
        %dma_start3A_54 = tpu.memref_slice %arg6[%dma_start3A_53] : memref<40000xf32, #tpu.memory_space<vmem>> -> memref<10000xf32, #tpu.memory_space<vmem>>
        %dma_start3A_55 = tpu.memref_slice %arg2[%add3A_32] : memref<40960000xf32, #tpu.memory_space<hbm>> -> memref<10000xf32, #tpu.memory_space<hbm>>
        tpu.enqueue_dma source(%dma_start3A_55 : memref<10000xf32, #tpu.memory_space<hbm>>) target(%dma_start3A_54 : memref<10000xf32, #tpu.memory_space<vmem>>) target_semaphore(%run_scoped3A : memref<!tpu.dma_semaphore, #tpu.memory_space<semaphore_mem>>)
        %dma_wait3A = arith.constant 10000 : i32
        %dma_wait3A_56 = tpu.memref_slice %arg6[%dma_wait3A] : memref<40000xf32, #tpu.memory_space<vmem>> -> memref<10000xf32, #tpu.memory_space<vmem>>
        %dma_wait3A_57 = tpu.memref_slice %arg2[%add3A_32] : memref<40960000xf32, #tpu.memory_space<hbm>> -> memref<10000xf32, #tpu.memory_space<hbm>>
        %dma_wait3A_58 = arith.constant 10000 : i32
        %dma_wait3A_59 = tpu.memref_slice %arg6[%dma_wait3A_58] : memref<40000xf32, #tpu.memory_space<vmem>> -> memref<10000xf32, #tpu.memory_space<vmem>>
        %dma_wait3A_60 = tpu.memref_slice %arg2[%add3A_32] : memref<40960000xf32, #tpu.memory_space<hbm>> -> memref<10000xf32, #tpu.memory_space<hbm>>
        tpu.wait_dma2 semaphore(%run_scoped3A : memref<!tpu.dma_semaphore, #tpu.memory_space<semaphore_mem>>) src(%dma_wait3A_60 : memref<10000xf32, #tpu.memory_space<hbm>>) dst(%dma_wait3A_59 : memref<10000xf32, #tpu.memory_space<vmem>>)
        tpu.yield
      }) : () -> ()
      %add3A_33 = arith.constant 2 : i32
      %add3A_34 = arith.addi %mul3A_2, %add3A_33 : i32
      %mul3A_35 = arith.constant 320000 : i32
      %mul3A_36 = arith.muli %add3A_34, %mul3A_35 : i32
      %add3A_37 = arith.addi %mul3A_36, %mul3A_22 : i32
      "tpu.region"() ({
        %run_scoped3A = tpu.sem_alloc : memref<!tpu.dma_semaphore, #tpu.memory_space<semaphore_mem>>
        %dma_start3A = arith.constant 20000 : i32
        %dma_start3A_51 = tpu.memref_slice %arg6[%dma_start3A] : memref<40000xf32, #tpu.memory_space<vmem>> -> memref<10000xf32, #tpu.memory_space<vmem>>
        %dma_start3A_52 = tpu.memref_slice %arg2[%add3A_37] : memref<40960000xf32, #tpu.memory_space<hbm>> -> memref<10000xf32, #tpu.memory_space<hbm>>
        %dma_start3A_53 = arith.constant 20000 : i32
        %dma_start3A_54 = tpu.memref_slice %arg6[%dma_start3A_53] : memref<40000xf32, #tpu.memory_space<vmem>> -> memref<10000xf32, #tpu.memory_space<vmem>>
        %dma_start3A_55 = tpu.memref_slice %arg2[%add3A_37] : memref<40960000xf32, #tpu.memory_space<hbm>> -> memref<10000xf32, #tpu.memory_space<hbm>>
        tpu.enqueue_dma source(%dma_start3A_55 : memref<10000xf32, #tpu.memory_space<hbm>>) target(%dma_start3A_54 : memref<10000xf32, #tpu.memory_space<vmem>>) target_semaphore(%run_scoped3A : memref<!tpu.dma_semaphore, #tpu.memory_space<semaphore_mem>>)
        %dma_wait3A = arith.constant 20000 : i32
        %dma_wait3A_56 = tpu.memref_slice %arg6[%dma_wait3A] : memref<40000xf32, #tpu.memory_space<vmem>> -> memref<10000xf32, #tpu.memory_space<vmem>>
        %dma_wait3A_57 = tpu.memref_slice %arg2[%add3A_37] : memref<40960000xf32, #tpu.memory_space<hbm>> -> memref<10000xf32, #tpu.memory_space<hbm>>
        %dma_wait3A_58 = arith.constant 20000 : i32
        %dma_wait3A_59 = tpu.memref_slice %arg6[%dma_wait3A_58] : memref<40000xf32, #tpu.memory_space<vmem>> -> memref<10000xf32, #tpu.memory_space<vmem>>
        %dma_wait3A_60 = tpu.memref_slice %arg2[%add3A_37] : memref<40960000xf32, #tpu.memory_space<hbm>> -> memref<10000xf32, #tpu.memory_space<hbm>>
        tpu.wait_dma2 semaphore(%run_scoped3A : memref<!tpu.dma_semaphore, #tpu.memory_space<semaphore_mem>>) src(%dma_wait3A_60 : memref<10000xf32, #tpu.memory_space<hbm>>) dst(%dma_wait3A_59 : memref<10000xf32, #tpu.memory_space<vmem>>)
        tpu.yield
      }) : () -> ()
      %add3A_38 = arith.constant 3 : i32
      %add3A_39 = arith.addi %mul3A_2, %add3A_38 : i32
      %mul3A_40 = arith.constant 320000 : i32
      %mul3A_41 = arith.muli %add3A_39, %mul3A_40 : i32
      %add3A_42 = arith.addi %mul3A_41, %mul3A_22 : i32
      "tpu.region"() ({
        %run_scoped3A = tpu.sem_alloc : memref<!tpu.dma_semaphore, #tpu.memory_space<semaphore_mem>>
        %dma_start3A = arith.constant 30000 : i32
        %dma_start3A_51 = tpu.memref_slice %arg6[%dma_start3A] : memref<40000xf32, #tpu.memory_space<vmem>> -> memref<10000xf32, #tpu.memory_space<vmem>>
        %dma_start3A_52 = tpu.memref_slice %arg2[%add3A_42] : memref<40960000xf32, #tpu.memory_space<hbm>> -> memref<10000xf32, #tpu.memory_space<hbm>>
        %dma_start3A_53 = arith.constant 30000 : i32
        %dma_start3A_54 = tpu.memref_slice %arg6[%dma_start3A_53] : memref<40000xf32, #tpu.memory_space<vmem>> -> memref<10000xf32, #tpu.memory_space<vmem>>
        %dma_start3A_55 = tpu.memref_slice %arg2[%add3A_42] : memref<40960000xf32, #tpu.memory_space<hbm>> -> memref<10000xf32, #tpu.memory_space<hbm>>
        tpu.enqueue_dma source(%dma_start3A_55 : memref<10000xf32, #tpu.memory_space<hbm>>) target(%dma_start3A_54 : memref<10000xf32, #tpu.memory_space<vmem>>) target_semaphore(%run_scoped3A : memref<!tpu.dma_semaphore, #tpu.memory_space<semaphore_mem>>)
        %dma_wait3A = arith.constant 30000 : i32
        %dma_wait3A_56 = tpu.memref_slice %arg6[%dma_wait3A] : memref<40000xf32, #tpu.memory_space<vmem>> -> memref<10000xf32, #tpu.memory_space<vmem>>
        %dma_wait3A_57 = tpu.memref_slice %arg2[%add3A_42] : memref<40960000xf32, #tpu.memory_space<hbm>> -> memref<10000xf32, #tpu.memory_space<hbm>>
        %dma_wait3A_58 = arith.constant 30000 : i32
        %dma_wait3A_59 = tpu.memref_slice %arg6[%dma_wait3A_58] : memref<40000xf32, #tpu.memory_space<vmem>> -> memref<10000xf32, #tpu.memory_space<vmem>>
        %dma_wait3A_60 = tpu.memref_slice %arg2[%add3A_42] : memref<40960000xf32, #tpu.memory_space<hbm>> -> memref<10000xf32, #tpu.memory_space<hbm>>
        tpu.wait_dma2 semaphore(%run_scoped3A : memref<!tpu.dma_semaphore, #tpu.memory_space<semaphore_mem>>) src(%dma_wait3A_60 : memref<10000xf32, #tpu.memory_space<hbm>>) dst(%dma_wait3A_59 : memref<10000xf32, #tpu.memory_space<vmem>>)
        tpu.yield
      }) : () -> ()
      %scan3A_43 = arith.constant 0 : i32
      %scan3A_44 = arith.constant 0 : i32
      %scan3A_45 = arith.constant 625 : i32
      %scan3A_46 = arith.addi %scan3A_44, %scan3A_45 : i32
      %scan3A_47 = arith.constant 1 : i32
      %scan3A_48 = scf.for %scan3A_51 = %scan3A_44 to %scan3A_46 step %scan3A_47 iter_args(%scan3A_52 = %scan3A_43) -> (i32)  : i32 {
        %mul3A_53 = arith.constant 16 : i32
        %mul3A_54 = arith.muli %scan3A_51, %mul3A_53 : i32
        %get3A = arith.index_cast %mul3A_54 : i32 to index
        %get3A_55 = tpu.vector_load %arg5[%get3A] {strides = array<i32>} : memref<10000xi32, #tpu.memory_space<vmem>>, vector<16xi32>,
        %add3A_56 = arith.constant 0 : i32
        %add3A_57 = vector.broadcast %add3A_56 : i32 to vector<16xi32>
        %add3A_58 = arith.addi %get3A_55, %add3A_57 : vector<16xi32>
        %mul3A_59 = arith.constant 16 : i32
        %mul3A_60 = arith.muli %scan3A_51, %mul3A_59 : i32
        %add3A_61 = arith.constant 0 : i32
        %add3A_62 = arith.addi %add3A_61, %mul3A_60 : i32
        %get3A_63 = arith.index_cast %add3A_62 : i32 to index
        %get3A_64 = tpu.vector_load %arg6[%get3A_63] {strides = array<i32>} : memref<40000xf32, #tpu.memory_space<vmem>>, vector<16xf32>,
        tpu.vector_store_idx %arg7[%add3A_58], %get3A_64 {add = true} : memref<40448xf32, #tpu.memory_space<vmem>>[vector<16xi32>], vector<16xf32>,
        %add3A_65 = arith.constant 10112 : i32
        %add3A_66 = vector.broadcast %add3A_65 : i32 to vector<16xi32>
        %add3A_67 = arith.addi %get3A_55, %add3A_66 : vector<16xi32>
        %mul3A_68 = arith.constant 16 : i32
        %mul3A_69 = arith.muli %scan3A_51, %mul3A_68 : i32
        %add3A_70 = arith.constant 10000 : i32
        %add3A_71 = arith.addi %add3A_70, %mul3A_69 : i32
        %get3A_72 = arith.index_cast %add3A_71 : i32 to index
        %get3A_73 = tpu.vector_load %arg6[%get3A_72] {strides = array<i32>} : memref<40000xf32, #tpu.memory_space<vmem>>, vector<16xf32>,
        tpu.vector_store_idx %arg7[%add3A_67], %get3A_73 {add = true} : memref<40448xf32, #tpu.memory_space<vmem>>[vector<16xi32>], vector<16xf32>,
        %add3A_74 = arith.constant 20224 : i32
        %add3A_75 = vector.broadcast %add3A_74 : i32 to vector<16xi32>
        %add3A_76 = arith.addi %get3A_55, %add3A_75 : vector<16xi32>
        %mul3A_77 = arith.constant 16 : i32
        %mul3A_78 = arith.muli %scan3A_51, %mul3A_77 : i32
        %add3A_79 = arith.constant 20000 : i32
        %add3A_80 = arith.addi %add3A_79, %mul3A_78 : i32
        %get3A_81 = arith.index_cast %add3A_80 : i32 to index
        %get3A_82 = tpu.vector_load %arg6[%get3A_81] {strides = array<i32>} : memref<40000xf32, #tpu.memory_space<vmem>>, vector<16xf32>,
        tpu.vector_store_idx %arg7[%add3A_76], %get3A_82 {add = true} : memref<40448xf32, #tpu.memory_space<vmem>>[vector<16xi32>], vector<16xf32>,
        %add3A_83 = arith.constant 30336 : i32
        %add3A_84 = vector.broadcast %add3A_83 : i32 to vector<16xi32>
        %add3A_85 = arith.addi %get3A_55, %add3A_84 : vector<16xi32>
        %mul3A_86 = arith.constant 16 : i32
        %mul3A_87 = arith.muli %scan3A_51, %mul3A_86 : i32
        %add3A_88 = arith.constant 30000 : i32
        %add3A_89 = arith.addi %add3A_88, %mul3A_87 : i32
        %get3A_90 = arith.index_cast %add3A_89 : i32 to index
        %get3A_91 = tpu.vector_load %arg6[%get3A_90] {strides = array<i32>} : memref<40000xf32, #tpu.memory_space<vmem>>, vector<16xf32>,
        tpu.vector_store_idx %arg7[%add3A_85], %get3A_91 {add = true} : memref<40448xf32, #tpu.memory_space<vmem>>[vector<16xi32>], vector<16xf32>,
        %scan3A_92 = arith.constant 0 : i32
        scf.yield %scan3A_92 : i32
      }
      %scan3A_49 = arith.constant 625 : i32
      %scan3A_50 = arith.constant 0 : i32
      scf.yield %scan3A_50 : i32
    }
    %scan3A_16 = arith.constant 32 : i32
    %mul3A_17 = arith.constant 10112 : i32
    %mul3A_18 = arith.muli %mul3A_2, %mul3A_17 : i32
    "tpu.region"() ({
      %run_scoped3A = tpu.sem_alloc : memref<!tpu.dma_semaphore, #tpu.memory_space<semaphore_mem>>
      %dma_start3A = tpu.memref_slice %arg4[%mul3A_18] : memref<1294336xf32, #tpu.memory_space<hbm>> -> memref<40448xf32, #tpu.memory_space<hbm>>
      %dma_start3A_19 = tpu.memref_slice %arg4[%mul3A_18] : memref<1294336xf32, #tpu.memory_space<hbm>> -> memref<40448xf32, #tpu.memory_space<hbm>>
      tpu.enqueue_dma source(%arg7 : memref<40448xf32, #tpu.memory_space<vmem>>) target(%dma_start3A_19 : memref<40448xf32, #tpu.memory_space<hbm>>) target_semaphore(%run_scoped3A : memref<!tpu.dma_semaphore, #tpu.memory_space<semaphore_mem>>)
      %dma_wait3A = tpu.memref_slice %arg4[%mul3A_18] : memref<1294336xf32, #tpu.memory_space<hbm>> -> memref<40448xf32, #tpu.memory_space<hbm>>
      %dma_wait3A_20 = tpu.memref_slice %arg4[%mul3A_18] : memref<1294336xf32, #tpu.memory_space<hbm>> -> memref<40448xf32, #tpu.memory_space<hbm>>
      tpu.wait_dma2 semaphore(%run_scoped3A : memref<!tpu.dma_semaphore, #tpu.memory_space<semaphore_mem>>) src(%arg7 : memref<40448xf32, #tpu.memory_space<vmem>>) dst(%dma_wait3A_20 : memref<40448xf32, #tpu.memory_space<hbm>>)
      tpu.yield
    }) : () -> ()
    return
  }
}

#map = affine_map<(d0, d1) -> (0, 0)>
#map1 = affine_map<(d0, d1) -> (0)>
module attributes {stable_mosaic.version = 14 : i64} {
  func.func @_gather_body(%arg0: i32, %arg1: i32, %arg2: memref<10000x128xf32, #tpu.memory_space<hbm>>, %arg3: memref<320000xi32, #tpu.memory_space<hbm>>, %arg4: memref<320000xi32, #tpu.memory_space<hbm>>, %arg5: memref<320000x128xf32, #tpu.memory_space<hbm>>, %arg6: memref<320000x128xf32, #tpu.memory_space<hbm>>, %arg7: memref<200xi32, #tpu.memory_space<vmem>>, %arg8: memref<200xi32, #tpu.memory_space<vmem>>, %arg9: memref<200x128xf32, #tpu.memory_space<vmem>>, %arg10: memref<200x128xf32, #tpu.memory_space<vmem>>, %arg11: memref<!tpu.dma_semaphore, #tpu.memory_space<semaphore_mem>>, %arg12: memref<!tpu.dma_semaphore, #tpu.memory_space<semaphore_mem>>) attributes {dimension_semantics = [#tpu.dimension_semantics<core_parallel>, #tpu.dimension_semantics<subcore_parallel>], iteration_bounds = array<i64: 2, 16>, scalar_prefetch = 0 : i64, scratch_operands = 6 : i64, tpu.core_type = #tpu.core_type<sc_vector_subcore>, window_params = [{transform_indices = #map}, {transform_indices = #map1}, {transform_indices = #map1}, {transform_indices = #map}, {transform_indices = #map}]} {
    %mul3A = arith.constant 2 : i32
    %mul3A_0 = arith.muli %arg1, %mul3A : i32
    %add3A = arith.addi %mul3A_0, %arg0 : i32
    %mul3A_1 = arith.constant 10000 : i32
    %mul3A_2 = arith.muli %add3A, %mul3A_1 : i32
    %scan3A = arith.constant 0 : i32
    %scan3A_3 = arith.constant 0 : i32
    %scan3A_4 = arith.constant 50 : i32
    %scan3A_5 = arith.addi %scan3A_3, %scan3A_4 : i32
    %scan3A_6 = arith.constant 1 : i32
    %scan3A_7 = scf.for %scan3A_9 = %scan3A_3 to %scan3A_5 step %scan3A_6 iter_args(%scan3A_10 = %scan3A) -> (i32)  : i32 {
      %mul3A_11 = arith.constant 200 : i32
      %mul3A_12 = arith.muli %scan3A_9, %mul3A_11 : i32
      %add3A_13 = arith.addi %mul3A_2, %mul3A_12 : i32
      "tpu.region"() ({
        %run_scoped3A = tpu.sem_alloc : memref<!tpu.dma_semaphore, #tpu.memory_space<semaphore_mem>>
        %dma_start3A_25 = tpu.memref_slice %arg3[%add3A_13] : memref<320000xi32, #tpu.memory_space<hbm>> -> memref<200xi32, #tpu.memory_space<hbm>>
        %dma_start3A_26 = tpu.memref_slice %arg3[%add3A_13] : memref<320000xi32, #tpu.memory_space<hbm>> -> memref<200xi32, #tpu.memory_space<hbm>>
        tpu.enqueue_dma source(%dma_start3A_26 : memref<200xi32, #tpu.memory_space<hbm>>) target(%arg7 : memref<200xi32, #tpu.memory_space<vmem>>) target_semaphore(%run_scoped3A : memref<!tpu.dma_semaphore, #tpu.memory_space<semaphore_mem>>)
        %dma_wait3A_27 = tpu.memref_slice %arg3[%add3A_13] : memref<320000xi32, #tpu.memory_space<hbm>> -> memref<200xi32, #tpu.memory_space<hbm>>
        %dma_wait3A_28 = tpu.memref_slice %arg3[%add3A_13] : memref<320000xi32, #tpu.memory_space<hbm>> -> memref<200xi32, #tpu.memory_space<hbm>>
        tpu.wait_dma2 semaphore(%run_scoped3A : memref<!tpu.dma_semaphore, #tpu.memory_space<semaphore_mem>>) src(%dma_wait3A_28 : memref<200xi32, #tpu.memory_space<hbm>>) dst(%arg7 : memref<200xi32, #tpu.memory_space<vmem>>)
        tpu.yield
      }) : () -> ()
      %dma_start3A = arith.constant 0 : i32
      %dma_start3A_14 = arith.constant 0 : i32
      %dma_start3A_15 = tpu.memref_slice %arg2[%dma_start3A, %dma_start3A_14] : memref<10000x128xf32, #tpu.memory_space<hbm>> -> memref<10000x128xf32, #tpu.memory_space<hbm>>
      tpu.enqueue_indirect_dma source(%dma_start3A_15 : memref<10000x128xf32, #tpu.memory_space<hbm>>) target(%arg9 : memref<200x128xf32, #tpu.memory_space<vmem>>) offsets(%arg7 : memref<200xi32, #tpu.memory_space<vmem>>) semaphore(%arg11 : memref<!tpu.dma_semaphore, #tpu.memory_space<semaphore_mem>>)
      "tpu.region"() ({
        %run_scoped3A = tpu.sem_alloc : memref<!tpu.dma_semaphore, #tpu.memory_space<semaphore_mem>>
        %dma_start3A_25 = tpu.memref_slice %arg4[%add3A_13] : memref<320000xi32, #tpu.memory_space<hbm>> -> memref<200xi32, #tpu.memory_space<hbm>>
        %dma_start3A_26 = tpu.memref_slice %arg4[%add3A_13] : memref<320000xi32, #tpu.memory_space<hbm>> -> memref<200xi32, #tpu.memory_space<hbm>>
        tpu.enqueue_dma source(%dma_start3A_26 : memref<200xi32, #tpu.memory_space<hbm>>) target(%arg8 : memref<200xi32, #tpu.memory_space<vmem>>) target_semaphore(%run_scoped3A : memref<!tpu.dma_semaphore, #tpu.memory_space<semaphore_mem>>)
        %dma_wait3A_27 = tpu.memref_slice %arg4[%add3A_13] : memref<320000xi32, #tpu.memory_space<hbm>> -> memref<200xi32, #tpu.memory_space<hbm>>
        %dma_wait3A_28 = tpu.memref_slice %arg4[%add3A_13] : memref<320000xi32, #tpu.memory_space<hbm>> -> memref<200xi32, #tpu.memory_space<hbm>>
        tpu.wait_dma2 semaphore(%run_scoped3A : memref<!tpu.dma_semaphore, #tpu.memory_space<semaphore_mem>>) src(%dma_wait3A_28 : memref<200xi32, #tpu.memory_space<hbm>>) dst(%arg8 : memref<200xi32, #tpu.memory_space<vmem>>)
        tpu.yield
      }) : () -> ()
      %dma_start3A_16 = arith.constant 0 : i32
      %dma_start3A_17 = arith.constant 0 : i32
      %dma_start3A_18 = tpu.memref_slice %arg2[%dma_start3A_16, %dma_start3A_17] : memref<10000x128xf32, #tpu.memory_space<hbm>> -> memref<10000x128xf32, #tpu.memory_space<hbm>>
      tpu.enqueue_indirect_dma source(%dma_start3A_18 : memref<10000x128xf32, #tpu.memory_space<hbm>>) target(%arg10 : memref<200x128xf32, #tpu.memory_space<vmem>>) offsets(%arg8 : memref<200xi32, #tpu.memory_space<vmem>>) semaphore(%arg12 : memref<!tpu.dma_semaphore, #tpu.memory_space<semaphore_mem>>)
      %dma_wait3A = arith.constant 0 : i32
      %dma_wait3A_19 = arith.constant 0 : i32
      %dma_wait3A_20 = tpu.memref_slice %arg2[%dma_wait3A, %dma_wait3A_19] : memref<10000x128xf32, #tpu.memory_space<hbm>> -> memref<10000x128xf32, #tpu.memory_space<hbm>>
      tpu.wait_indirect_dma semaphore(%arg11 : memref<!tpu.dma_semaphore, #tpu.memory_space<semaphore_mem>>) src(%dma_wait3A_20 : memref<10000x128xf32, #tpu.memory_space<hbm>>) dst(%arg9 : memref<200x128xf32, #tpu.memory_space<vmem>>)
      "tpu.region"() ({
        %run_scoped3A = tpu.sem_alloc : memref<!tpu.dma_semaphore, #tpu.memory_space<semaphore_mem>>
        %dma_start3A_25 = arith.constant 0 : i32
        %dma_start3A_26 = tpu.memref_slice %arg5[%add3A_13, %dma_start3A_25] : memref<320000x128xf32, #tpu.memory_space<hbm>> -> memref<200x128xf32, #tpu.memory_space<hbm>>
        %dma_start3A_27 = arith.constant 0 : i32
        %dma_start3A_28 = tpu.memref_slice %arg5[%add3A_13, %dma_start3A_27] : memref<320000x128xf32, #tpu.memory_space<hbm>> -> memref<200x128xf32, #tpu.memory_space<hbm>>
        tpu.enqueue_dma source(%arg9 : memref<200x128xf32, #tpu.memory_space<vmem>>) target(%dma_start3A_28 : memref<200x128xf32, #tpu.memory_space<hbm>>) target_semaphore(%run_scoped3A : memref<!tpu.dma_semaphore, #tpu.memory_space<semaphore_mem>>)
        %dma_wait3A_29 = arith.constant 0 : i32
        %dma_wait3A_30 = tpu.memref_slice %arg5[%add3A_13, %dma_wait3A_29] : memref<320000x128xf32, #tpu.memory_space<hbm>> -> memref<200x128xf32, #tpu.memory_space<hbm>>
        %dma_wait3A_31 = arith.constant 0 : i32
        %dma_wait3A_32 = tpu.memref_slice %arg5[%add3A_13, %dma_wait3A_31] : memref<320000x128xf32, #tpu.memory_space<hbm>> -> memref<200x128xf32, #tpu.memory_space<hbm>>
        tpu.wait_dma2 semaphore(%run_scoped3A : memref<!tpu.dma_semaphore, #tpu.memory_space<semaphore_mem>>) src(%arg9 : memref<200x128xf32, #tpu.memory_space<vmem>>) dst(%dma_wait3A_32 : memref<200x128xf32, #tpu.memory_space<hbm>>)
        tpu.yield
      }) : () -> ()
      %dma_wait3A_21 = arith.constant 0 : i32
      %dma_wait3A_22 = arith.constant 0 : i32
      %dma_wait3A_23 = tpu.memref_slice %arg2[%dma_wait3A_21, %dma_wait3A_22] : memref<10000x128xf32, #tpu.memory_space<hbm>> -> memref<10000x128xf32, #tpu.memory_space<hbm>>
      tpu.wait_indirect_dma semaphore(%arg12 : memref<!tpu.dma_semaphore, #tpu.memory_space<semaphore_mem>>) src(%dma_wait3A_23 : memref<10000x128xf32, #tpu.memory_space<hbm>>) dst(%arg10 : memref<200x128xf32, #tpu.memory_space<vmem>>)
      "tpu.region"() ({
        %run_scoped3A = tpu.sem_alloc : memref<!tpu.dma_semaphore, #tpu.memory_space<semaphore_mem>>
        %dma_start3A_25 = arith.constant 0 : i32
        %dma_start3A_26 = tpu.memref_slice %arg6[%add3A_13, %dma_start3A_25] : memref<320000x128xf32, #tpu.memory_space<hbm>> -> memref<200x128xf32, #tpu.memory_space<hbm>>
        %dma_start3A_27 = arith.constant 0 : i32
        %dma_start3A_28 = tpu.memref_slice %arg6[%add3A_13, %dma_start3A_27] : memref<320000x128xf32, #tpu.memory_space<hbm>> -> memref<200x128xf32, #tpu.memory_space<hbm>>
        tpu.enqueue_dma source(%arg10 : memref<200x128xf32, #tpu.memory_space<vmem>>) target(%dma_start3A_28 : memref<200x128xf32, #tpu.memory_space<hbm>>) target_semaphore(%run_scoped3A : memref<!tpu.dma_semaphore, #tpu.memory_space<semaphore_mem>>)
        %dma_wait3A_29 = arith.constant 0 : i32
        %dma_wait3A_30 = tpu.memref_slice %arg6[%add3A_13, %dma_wait3A_29] : memref<320000x128xf32, #tpu.memory_space<hbm>> -> memref<200x128xf32, #tpu.memory_space<hbm>>
        %dma_wait3A_31 = arith.constant 0 : i32
        %dma_wait3A_32 = tpu.memref_slice %arg6[%add3A_13, %dma_wait3A_31] : memref<320000x128xf32, #tpu.memory_space<hbm>> -> memref<200x128xf32, #tpu.memory_space<hbm>>
        tpu.wait_dma2 semaphore(%run_scoped3A : memref<!tpu.dma_semaphore, #tpu.memory_space<semaphore_mem>>) src(%arg10 : memref<200x128xf32, #tpu.memory_space<vmem>>) dst(%dma_wait3A_32 : memref<200x128xf32, #tpu.memory_space<hbm>>)
        tpu.yield
      }) : () -> ()
      %scan3A_24 = arith.constant 0 : i32
      scf.yield %scan3A_24 : i32
    }
    %scan3A_8 = arith.constant 50 : i32
    return
  }
}

#map = affine_map<(d0, d1) -> (0)>
module attributes {stable_mosaic.version = 14 : i64} {
  func.func @_scatter_body(%arg0: i32, %arg1: i32, %arg2: memref<40960000xf32, #tpu.memory_space<hbm>>, %arg3: memref<320000xi32, #tpu.memory_space<hbm>>, %arg4: memref<1294336xf32, #tpu.memory_space<hbm>>, %arg5: memref<10000xi32, #tpu.memory_space<vmem>>, %arg6: memref<40000xf32, #tpu.memory_space<vmem>>, %arg7: memref<40448xf32, #tpu.memory_space<vmem>>, %arg8: memref<!tpu.dma_semaphore, #tpu.memory_space<semaphore_mem>>) attributes {dimension_semantics = [#tpu.dimension_semantics<core_parallel>, #tpu.dimension_semantics<subcore_parallel>], iteration_bounds = array<i64: 2, 16>, scalar_prefetch = 0 : i64, scratch_operands = 4 : i64, tpu.core_type = #tpu.core_type<sc_vector_subcore>, window_params = [{transform_indices = #map}, {transform_indices = #map}, {transform_indices = #map}]} {
    %mul3A = arith.constant 2 : i32
    %mul3A_0 = arith.muli %arg1, %mul3A : i32
    %add3A = arith.addi %mul3A_0, %arg0 : i32
    %mul3A_1 = arith.constant 4 : i32
    %mul3A_2 = arith.muli %add3A, %mul3A_1 : i32
    %broadcast_in_dim3A = arith.constant 0.000000e+00 : f32
    %broadcast_in_dim3A_3 = vector.broadcast %broadcast_in_dim3A : f32 to vector<16xf32>
    %scan3A = arith.constant 0 : i32
    %scan3A_4 = arith.constant 0 : i32
    %scan3A_5 = arith.constant 2528 : i32
    %scan3A_6 = arith.addi %scan3A_4, %scan3A_5 : i32
    %scan3A_7 = arith.constant 1 : i32
    %scan3A_8 = scf.for %scan3A_19 = %scan3A_4 to %scan3A_6 step %scan3A_7 iter_args(%scan3A_20 = %scan3A) -> (i32)  : i32 {
      %mul3A_21 = arith.constant 16 : i32
      %mul3A_22 = arith.muli %scan3A_19, %mul3A_21 : i32
      %swap3A = arith.index_cast %mul3A_22 : i32 to index
      %swap3A_23 = tpu.vector_load %arg7[%swap3A] {strides = array<i32>} : memref<40448xf32, #tpu.memory_space<vmem>>, vector<16xf32>,
      tpu.vector_store %arg7[%swap3A], %broadcast_in_dim3A_3 {strides = array<i32>} : memref<40448xf32, #tpu.memory_space<vmem>>, vector<16xf32>,
      %scan3A_24 = arith.constant 0 : i32
      scf.yield %scan3A_24 : i32
    }
    %scan3A_9 = arith.constant 2528 : i32
    %scan3A_10 = arith.constant 0 : i32
    %scan3A_11 = arith.constant 0 : i32
    %scan3A_12 = arith.constant 32 : i32
    %scan3A_13 = arith.addi %scan3A_11, %scan3A_12 : i32
    %scan3A_14 = arith.constant 1 : i32
    %scan3A_15 = scf.for %scan3A_19 = %scan3A_11 to %scan3A_13 step %scan3A_14 iter_args(%scan3A_20 = %scan3A_10) -> (i32)  : i32 {
      %mul3A_21 = arith.constant 10000 : i32
      %mul3A_22 = arith.muli %scan3A_19, %mul3A_21 : i32
      "tpu.region"() ({
        %run_scoped3A = tpu.sem_alloc : memref<!tpu.dma_semaphore, #tpu.memory_space<semaphore_mem>>
        %dma_start3A = tpu.memref_slice %arg3[%mul3A_22] : memref<320000xi32, #tpu.memory_space<hbm>> -> memref<10000xi32, #tpu.memory_space<hbm>>
        %dma_start3A_51 = tpu.memref_slice %arg3[%mul3A_22] : memref<320000xi32, #tpu.memory_space<hbm>> -> memref<10000xi32, #tpu.memory_space<hbm>>
        tpu.enqueue_dma source(%dma_start3A_51 : memref<10000xi32, #tpu.memory_space<hbm>>) target(%arg5 : memref<10000xi32, #tpu.memory_space<vmem>>) target_semaphore(%run_scoped3A : memref<!tpu.dma_semaphore, #tpu.memory_space<semaphore_mem>>)
        %dma_wait3A = tpu.memref_slice %arg3[%mul3A_22] : memref<320000xi32, #tpu.memory_space<hbm>> -> memref<10000xi32, #tpu.memory_space<hbm>>
        %dma_wait3A_52 = tpu.memref_slice %arg3[%mul3A_22] : memref<320000xi32, #tpu.memory_space<hbm>> -> memref<10000xi32, #tpu.memory_space<hbm>>
        tpu.wait_dma2 semaphore(%run_scoped3A : memref<!tpu.dma_semaphore, #tpu.memory_space<semaphore_mem>>) src(%dma_wait3A_52 : memref<10000xi32, #tpu.memory_space<hbm>>) dst(%arg5 : memref<10000xi32, #tpu.memory_space<vmem>>)
        tpu.yield
      }) : () -> ()
      %add3A_23 = arith.constant 0 : i32
      %add3A_24 = arith.addi %mul3A_2, %add3A_23 : i32
      %mul3A_25 = arith.constant 320000 : i32
      %mul3A_26 = arith.muli %add3A_24, %mul3A_25 : i32
      %add3A_27 = arith.addi %mul3A_26, %mul3A_22 : i32
      "tpu.region"() ({
        %run_scoped3A = tpu.sem_alloc : memref<!tpu.dma_semaphore, #tpu.memory_space<semaphore_mem>>
        %dma_start3A = arith.constant 0 : i32
        %dma_start3A_51 = tpu.memref_slice %arg6[%dma_start3A] : memref<40000xf32, #tpu.memory_space<vmem>> -> memref<10000xf32, #tpu.memory_space<vmem>>
        %dma_start3A_52 = tpu.memref_slice %arg2[%add3A_27] : memref<40960000xf32, #tpu.memory_space<hbm>> -> memref<10000xf32, #tpu.memory_space<hbm>>
        %dma_start3A_53 = arith.constant 0 : i32
        %dma_start3A_54 = tpu.memref_slice %arg6[%dma_start3A_53] : memref<40000xf32, #tpu.memory_space<vmem>> -> memref<10000xf32, #tpu.memory_space<vmem>>
        %dma_start3A_55 = tpu.memref_slice %arg2[%add3A_27] : memref<40960000xf32, #tpu.memory_space<hbm>> -> memref<10000xf32, #tpu.memory_space<hbm>>
        tpu.enqueue_dma source(%dma_start3A_55 : memref<10000xf32, #tpu.memory_space<hbm>>) target(%dma_start3A_54 : memref<10000xf32, #tpu.memory_space<vmem>>) target_semaphore(%run_scoped3A : memref<!tpu.dma_semaphore, #tpu.memory_space<semaphore_mem>>)
        %dma_wait3A = arith.constant 0 : i32
        %dma_wait3A_56 = tpu.memref_slice %arg6[%dma_wait3A] : memref<40000xf32, #tpu.memory_space<vmem>> -> memref<10000xf32, #tpu.memory_space<vmem>>
        %dma_wait3A_57 = tpu.memref_slice %arg2[%add3A_27] : memref<40960000xf32, #tpu.memory_space<hbm>> -> memref<10000xf32, #tpu.memory_space<hbm>>
        %dma_wait3A_58 = arith.constant 0 : i32
        %dma_wait3A_59 = tpu.memref_slice %arg6[%dma_wait3A_58] : memref<40000xf32, #tpu.memory_space<vmem>> -> memref<10000xf32, #tpu.memory_space<vmem>>
        %dma_wait3A_60 = tpu.memref_slice %arg2[%add3A_27] : memref<40960000xf32, #tpu.memory_space<hbm>> -> memref<10000xf32, #tpu.memory_space<hbm>>
        tpu.wait_dma2 semaphore(%run_scoped3A : memref<!tpu.dma_semaphore, #tpu.memory_space<semaphore_mem>>) src(%dma_wait3A_60 : memref<10000xf32, #tpu.memory_space<hbm>>) dst(%dma_wait3A_59 : memref<10000xf32, #tpu.memory_space<vmem>>)
        tpu.yield
      }) : () -> ()
      %add3A_28 = arith.constant 1 : i32
      %add3A_29 = arith.addi %mul3A_2, %add3A_28 : i32
      %mul3A_30 = arith.constant 320000 : i32
      %mul3A_31 = arith.muli %add3A_29, %mul3A_30 : i32
      %add3A_32 = arith.addi %mul3A_31, %mul3A_22 : i32
      "tpu.region"() ({
        %run_scoped3A = tpu.sem_alloc : memref<!tpu.dma_semaphore, #tpu.memory_space<semaphore_mem>>
        %dma_start3A = arith.constant 10000 : i32
        %dma_start3A_51 = tpu.memref_slice %arg6[%dma_start3A] : memref<40000xf32, #tpu.memory_space<vmem>> -> memref<10000xf32, #tpu.memory_space<vmem>>
        %dma_start3A_52 = tpu.memref_slice %arg2[%add3A_32] : memref<40960000xf32, #tpu.memory_space<hbm>> -> memref<10000xf32, #tpu.memory_space<hbm>>
        %dma_start3A_53 = arith.constant 10000 : i32
        %dma_start3A_54 = tpu.memref_slice %arg6[%dma_start3A_53] : memref<40000xf32, #tpu.memory_space<vmem>> -> memref<10000xf32, #tpu.memory_space<vmem>>
        %dma_start3A_55 = tpu.memref_slice %arg2[%add3A_32] : memref<40960000xf32, #tpu.memory_space<hbm>> -> memref<10000xf32, #tpu.memory_space<hbm>>
        tpu.enqueue_dma source(%dma_start3A_55 : memref<10000xf32, #tpu.memory_space<hbm>>) target(%dma_start3A_54 : memref<10000xf32, #tpu.memory_space<vmem>>) target_semaphore(%run_scoped3A : memref<!tpu.dma_semaphore, #tpu.memory_space<semaphore_mem>>)
        %dma_wait3A = arith.constant 10000 : i32
        %dma_wait3A_56 = tpu.memref_slice %arg6[%dma_wait3A] : memref<40000xf32, #tpu.memory_space<vmem>> -> memref<10000xf32, #tpu.memory_space<vmem>>
        %dma_wait3A_57 = tpu.memref_slice %arg2[%add3A_32] : memref<40960000xf32, #tpu.memory_space<hbm>> -> memref<10000xf32, #tpu.memory_space<hbm>>
        %dma_wait3A_58 = arith.constant 10000 : i32
        %dma_wait3A_59 = tpu.memref_slice %arg6[%dma_wait3A_58] : memref<40000xf32, #tpu.memory_space<vmem>> -> memref<10000xf32, #tpu.memory_space<vmem>>
        %dma_wait3A_60 = tpu.memref_slice %arg2[%add3A_32] : memref<40960000xf32, #tpu.memory_space<hbm>> -> memref<10000xf32, #tpu.memory_space<hbm>>
        tpu.wait_dma2 semaphore(%run_scoped3A : memref<!tpu.dma_semaphore, #tpu.memory_space<semaphore_mem>>) src(%dma_wait3A_60 : memref<10000xf32, #tpu.memory_space<hbm>>) dst(%dma_wait3A_59 : memref<10000xf32, #tpu.memory_space<vmem>>)
        tpu.yield
      }) : () -> ()
      %add3A_33 = arith.constant 2 : i32
      %add3A_34 = arith.addi %mul3A_2, %add3A_33 : i32
      %mul3A_35 = arith.constant 320000 : i32
      %mul3A_36 = arith.muli %add3A_34, %mul3A_35 : i32
      %add3A_37 = arith.addi %mul3A_36, %mul3A_22 : i32
      "tpu.region"() ({
        %run_scoped3A = tpu.sem_alloc : memref<!tpu.dma_semaphore, #tpu.memory_space<semaphore_mem>>
        %dma_start3A = arith.constant 20000 : i32
        %dma_start3A_51 = tpu.memref_slice %arg6[%dma_start3A] : memref<40000xf32, #tpu.memory_space<vmem>> -> memref<10000xf32, #tpu.memory_space<vmem>>
        %dma_start3A_52 = tpu.memref_slice %arg2[%add3A_37] : memref<40960000xf32, #tpu.memory_space<hbm>> -> memref<10000xf32, #tpu.memory_space<hbm>>
        %dma_start3A_53 = arith.constant 20000 : i32
        %dma_start3A_54 = tpu.memref_slice %arg6[%dma_start3A_53] : memref<40000xf32, #tpu.memory_space<vmem>> -> memref<10000xf32, #tpu.memory_space<vmem>>
        %dma_start3A_55 = tpu.memref_slice %arg2[%add3A_37] : memref<40960000xf32, #tpu.memory_space<hbm>> -> memref<10000xf32, #tpu.memory_space<hbm>>
        tpu.enqueue_dma source(%dma_start3A_55 : memref<10000xf32, #tpu.memory_space<hbm>>) target(%dma_start3A_54 : memref<10000xf32, #tpu.memory_space<vmem>>) target_semaphore(%run_scoped3A : memref<!tpu.dma_semaphore, #tpu.memory_space<semaphore_mem>>)
        %dma_wait3A = arith.constant 20000 : i32
        %dma_wait3A_56 = tpu.memref_slice %arg6[%dma_wait3A] : memref<40000xf32, #tpu.memory_space<vmem>> -> memref<10000xf32, #tpu.memory_space<vmem>>
        %dma_wait3A_57 = tpu.memref_slice %arg2[%add3A_37] : memref<40960000xf32, #tpu.memory_space<hbm>> -> memref<10000xf32, #tpu.memory_space<hbm>>
        %dma_wait3A_58 = arith.constant 20000 : i32
        %dma_wait3A_59 = tpu.memref_slice %arg6[%dma_wait3A_58] : memref<40000xf32, #tpu.memory_space<vmem>> -> memref<10000xf32, #tpu.memory_space<vmem>>
        %dma_wait3A_60 = tpu.memref_slice %arg2[%add3A_37] : memref<40960000xf32, #tpu.memory_space<hbm>> -> memref<10000xf32, #tpu.memory_space<hbm>>
        tpu.wait_dma2 semaphore(%run_scoped3A : memref<!tpu.dma_semaphore, #tpu.memory_space<semaphore_mem>>) src(%dma_wait3A_60 : memref<10000xf32, #tpu.memory_space<hbm>>) dst(%dma_wait3A_59 : memref<10000xf32, #tpu.memory_space<vmem>>)
        tpu.yield
      }) : () -> ()
      %add3A_38 = arith.constant 3 : i32
      %add3A_39 = arith.addi %mul3A_2, %add3A_38 : i32
      %mul3A_40 = arith.constant 320000 : i32
      %mul3A_41 = arith.muli %add3A_39, %mul3A_40 : i32
      %add3A_42 = arith.addi %mul3A_41, %mul3A_22 : i32
      "tpu.region"() ({
        %run_scoped3A = tpu.sem_alloc : memref<!tpu.dma_semaphore, #tpu.memory_space<semaphore_mem>>
        %dma_start3A = arith.constant 30000 : i32
        %dma_start3A_51 = tpu.memref_slice %arg6[%dma_start3A] : memref<40000xf32, #tpu.memory_space<vmem>> -> memref<10000xf32, #tpu.memory_space<vmem>>
        %dma_start3A_52 = tpu.memref_slice %arg2[%add3A_42] : memref<40960000xf32, #tpu.memory_space<hbm>> -> memref<10000xf32, #tpu.memory_space<hbm>>
        %dma_start3A_53 = arith.constant 30000 : i32
        %dma_start3A_54 = tpu.memref_slice %arg6[%dma_start3A_53] : memref<40000xf32, #tpu.memory_space<vmem>> -> memref<10000xf32, #tpu.memory_space<vmem>>
        %dma_start3A_55 = tpu.memref_slice %arg2[%add3A_42] : memref<40960000xf32, #tpu.memory_space<hbm>> -> memref<10000xf32, #tpu.memory_space<hbm>>
        tpu.enqueue_dma source(%dma_start3A_55 : memref<10000xf32, #tpu.memory_space<hbm>>) target(%dma_start3A_54 : memref<10000xf32, #tpu.memory_space<vmem>>) target_semaphore(%run_scoped3A : memref<!tpu.dma_semaphore, #tpu.memory_space<semaphore_mem>>)
        %dma_wait3A = arith.constant 30000 : i32
        %dma_wait3A_56 = tpu.memref_slice %arg6[%dma_wait3A] : memref<40000xf32, #tpu.memory_space<vmem>> -> memref<10000xf32, #tpu.memory_space<vmem>>
        %dma_wait3A_57 = tpu.memref_slice %arg2[%add3A_42] : memref<40960000xf32, #tpu.memory_space<hbm>> -> memref<10000xf32, #tpu.memory_space<hbm>>
        %dma_wait3A_58 = arith.constant 30000 : i32
        %dma_wait3A_59 = tpu.memref_slice %arg6[%dma_wait3A_58] : memref<40000xf32, #tpu.memory_space<vmem>> -> memref<10000xf32, #tpu.memory_space<vmem>>
        %dma_wait3A_60 = tpu.memref_slice %arg2[%add3A_42] : memref<40960000xf32, #tpu.memory_space<hbm>> -> memref<10000xf32, #tpu.memory_space<hbm>>
        tpu.wait_dma2 semaphore(%run_scoped3A : memref<!tpu.dma_semaphore, #tpu.memory_space<semaphore_mem>>) src(%dma_wait3A_60 : memref<10000xf32, #tpu.memory_space<hbm>>) dst(%dma_wait3A_59 : memref<10000xf32, #tpu.memory_space<vmem>>)
        tpu.yield
      }) : () -> ()
      %scan3A_43 = arith.constant 0 : i32
      %scan3A_44 = arith.constant 0 : i32
      %scan3A_45 = arith.constant 625 : i32
      %scan3A_46 = arith.addi %scan3A_44, %scan3A_45 : i32
      %scan3A_47 = arith.constant 1 : i32
      %scan3A_48 = scf.for %scan3A_51 = %scan3A_44 to %scan3A_46 step %scan3A_47 iter_args(%scan3A_52 = %scan3A_43) -> (i32)  : i32 {
        %mul3A_53 = arith.constant 16 : i32
        %mul3A_54 = arith.muli %scan3A_51, %mul3A_53 : i32
        %get3A = arith.index_cast %mul3A_54 : i32 to index
        %get3A_55 = tpu.vector_load %arg5[%get3A] {strides = array<i32>} : memref<10000xi32, #tpu.memory_space<vmem>>, vector<16xi32>,
        %add3A_56 = arith.constant 0 : i32
        %add3A_57 = vector.broadcast %add3A_56 : i32 to vector<16xi32>
        %add3A_58 = arith.addi %get3A_55, %add3A_57 : vector<16xi32>
        %mul3A_59 = arith.constant 16 : i32
        %mul3A_60 = arith.muli %scan3A_51, %mul3A_59 : i32
        %add3A_61 = arith.constant 0 : i32
        %add3A_62 = arith.addi %add3A_61, %mul3A_60 : i32
        %get3A_63 = arith.index_cast %add3A_62 : i32 to index
        %get3A_64 = tpu.vector_load %arg6[%get3A_63] {strides = array<i32>} : memref<40000xf32, #tpu.memory_space<vmem>>, vector<16xf32>,
        tpu.vector_store_idx %arg7[%add3A_58], %get3A_64 {add = true} : memref<40448xf32, #tpu.memory_space<vmem>>[vector<16xi32>], vector<16xf32>,
        %add3A_65 = arith.constant 10112 : i32
        %add3A_66 = vector.broadcast %add3A_65 : i32 to vector<16xi32>
        %add3A_67 = arith.addi %get3A_55, %add3A_66 : vector<16xi32>
        %mul3A_68 = arith.constant 16 : i32
        %mul3A_69 = arith.muli %scan3A_51, %mul3A_68 : i32
        %add3A_70 = arith.constant 10000 : i32
        %add3A_71 = arith.addi %add3A_70, %mul3A_69 : i32
        %get3A_72 = arith.index_cast %add3A_71 : i32 to index
        %get3A_73 = tpu.vector_load %arg6[%get3A_72] {strides = array<i32>} : memref<40000xf32, #tpu.memory_space<vmem>>, vector<16xf32>,
        tpu.vector_store_idx %arg7[%add3A_67], %get3A_73 {add = true} : memref<40448xf32, #tpu.memory_space<vmem>>[vector<16xi32>], vector<16xf32>,
        %add3A_74 = arith.constant 20224 : i32
        %add3A_75 = vector.broadcast %add3A_74 : i32 to vector<16xi32>
        %add3A_76 = arith.addi %get3A_55, %add3A_75 : vector<16xi32>
        %mul3A_77 = arith.constant 16 : i32
        %mul3A_78 = arith.muli %scan3A_51, %mul3A_77 : i32
        %add3A_79 = arith.constant 20000 : i32
        %add3A_80 = arith.addi %add3A_79, %mul3A_78 : i32
        %get3A_81 = arith.index_cast %add3A_80 : i32 to index
        %get3A_82 = tpu.vector_load %arg6[%get3A_81] {strides = array<i32>} : memref<40000xf32, #tpu.memory_space<vmem>>, vector<16xf32>,
        tpu.vector_store_idx %arg7[%add3A_76], %get3A_82 {add = true} : memref<40448xf32, #tpu.memory_space<vmem>>[vector<16xi32>], vector<16xf32>,
        %add3A_83 = arith.constant 30336 : i32
        %add3A_84 = vector.broadcast %add3A_83 : i32 to vector<16xi32>
        %add3A_85 = arith.addi %get3A_55, %add3A_84 : vector<16xi32>
        %mul3A_86 = arith.constant 16 : i32
        %mul3A_87 = arith.muli %scan3A_51, %mul3A_86 : i32
        %add3A_88 = arith.constant 30000 : i32
        %add3A_89 = arith.addi %add3A_88, %mul3A_87 : i32
        %get3A_90 = arith.index_cast %add3A_89 : i32 to index
        %get3A_91 = tpu.vector_load %arg6[%get3A_90] {strides = array<i32>} : memref<40000xf32, #tpu.memory_space<vmem>>, vector<16xf32>,
        tpu.vector_store_idx %arg7[%add3A_85], %get3A_91 {add = true} : memref<40448xf32, #tpu.memory_space<vmem>>[vector<16xi32>], vector<16xf32>,
        %scan3A_92 = arith.constant 0 : i32
        scf.yield %scan3A_92 : i32
      }
      %scan3A_49 = arith.constant 625 : i32
      %scan3A_50 = arith.constant 0 : i32
      scf.yield %scan3A_50 : i32
    }
    %scan3A_16 = arith.constant 32 : i32
    %mul3A_17 = arith.constant 10112 : i32
    %mul3A_18 = arith.muli %mul3A_2, %mul3A_17 : i32
    "tpu.region"() ({
      %run_scoped3A = tpu.sem_alloc : memref<!tpu.dma_semaphore, #tpu.memory_space<semaphore_mem>>
      %dma_start3A = tpu.memref_slice %arg4[%mul3A_18] : memref<1294336xf32, #tpu.memory_space<hbm>> -> memref<40448xf32, #tpu.memory_space<hbm>>
      %dma_start3A_19 = tpu.memref_slice %arg4[%mul3A_18] : memref<1294336xf32, #tpu.memory_space<hbm>> -> memref<40448xf32, #tpu.memory_space<hbm>>
      tpu.enqueue_dma source(%arg7 : memref<40448xf32, #tpu.memory_space<vmem>>) target(%dma_start3A_19 : memref<40448xf32, #tpu.memory_space<hbm>>) target_semaphore(%run_scoped3A : memref<!tpu.dma_semaphore, #tpu.memory_space<semaphore_mem>>)
      %dma_wait3A = tpu.memref_slice %arg4[%mul3A_18] : memref<1294336xf32, #tpu.memory_space<hbm>> -> memref<40448xf32, #tpu.memory_space<hbm>>
      %dma_wait3A_20 = tpu.memref_slice %arg4[%mul3A_18] : memref<1294336xf32, #tpu.memory_space<hbm>> -> memref<40448xf32, #tpu.memory_space<hbm>>
      tpu.wait_dma2 semaphore(%run_scoped3A : memref<!tpu.dma_semaphore, #tpu.memory_space<semaphore_mem>>) src(%arg7 : memref<40448xf32, #tpu.memory_space<vmem>>) dst(%dma_wait3A_20 : memref<40448xf32, #tpu.memory_space<hbm>>)
      tpu.yield
    }) : () -> ()
    return
  }
}

#map = affine_map<(d0, d1) -> (0, 0)>
#map1 = affine_map<(d0, d1) -> (0)>
module attributes {stable_mosaic.version = 14 : i64} {
  func.func @_gather_body(%arg0: i32, %arg1: i32, %arg2: memref<10000x128xf32, #tpu.memory_space<hbm>>, %arg3: memref<320000xi32, #tpu.memory_space<hbm>>, %arg4: memref<320000xi32, #tpu.memory_space<hbm>>, %arg5: memref<320000x128xf32, #tpu.memory_space<hbm>>, %arg6: memref<320000x128xf32, #tpu.memory_space<hbm>>, %arg7: memref<200xi32, #tpu.memory_space<vmem>>, %arg8: memref<200xi32, #tpu.memory_space<vmem>>, %arg9: memref<200x128xf32, #tpu.memory_space<vmem>>, %arg10: memref<200x128xf32, #tpu.memory_space<vmem>>, %arg11: memref<!tpu.dma_semaphore, #tpu.memory_space<semaphore_mem>>, %arg12: memref<!tpu.dma_semaphore, #tpu.memory_space<semaphore_mem>>) attributes {dimension_semantics = [#tpu.dimension_semantics<core_parallel>, #tpu.dimension_semantics<subcore_parallel>], iteration_bounds = array<i64: 2, 16>, scalar_prefetch = 0 : i64, scratch_operands = 6 : i64, tpu.core_type = #tpu.core_type<sc_vector_subcore>, window_params = [{transform_indices = #map}, {transform_indices = #map1}, {transform_indices = #map1}, {transform_indices = #map}, {transform_indices = #map}]} {
    %mul3A = arith.constant 2 : i32
    %mul3A_0 = arith.muli %arg1, %mul3A : i32
    %add3A = arith.addi %mul3A_0, %arg0 : i32
    %mul3A_1 = arith.constant 10000 : i32
    %mul3A_2 = arith.muli %add3A, %mul3A_1 : i32
    %scan3A = arith.constant 0 : i32
    %scan3A_3 = arith.constant 0 : i32
    %scan3A_4 = arith.constant 50 : i32
    %scan3A_5 = arith.addi %scan3A_3, %scan3A_4 : i32
    %scan3A_6 = arith.constant 1 : i32
    %scan3A_7 = scf.for %scan3A_9 = %scan3A_3 to %scan3A_5 step %scan3A_6 iter_args(%scan3A_10 = %scan3A) -> (i32)  : i32 {
      %mul3A_11 = arith.constant 200 : i32
      %mul3A_12 = arith.muli %scan3A_9, %mul3A_11 : i32
      %add3A_13 = arith.addi %mul3A_2, %mul3A_12 : i32
      "tpu.region"() ({
        %run_scoped3A = tpu.sem_alloc : memref<!tpu.dma_semaphore, #tpu.memory_space<semaphore_mem>>
        %dma_start3A_25 = tpu.memref_slice %arg3[%add3A_13] : memref<320000xi32, #tpu.memory_space<hbm>> -> memref<200xi32, #tpu.memory_space<hbm>>
        %dma_start3A_26 = tpu.memref_slice %arg3[%add3A_13] : memref<320000xi32, #tpu.memory_space<hbm>> -> memref<200xi32, #tpu.memory_space<hbm>>
        tpu.enqueue_dma source(%dma_start3A_26 : memref<200xi32, #tpu.memory_space<hbm>>) target(%arg7 : memref<200xi32, #tpu.memory_space<vmem>>) target_semaphore(%run_scoped3A : memref<!tpu.dma_semaphore, #tpu.memory_space<semaphore_mem>>)
        %dma_wait3A_27 = tpu.memref_slice %arg3[%add3A_13] : memref<320000xi32, #tpu.memory_space<hbm>> -> memref<200xi32, #tpu.memory_space<hbm>>
        %dma_wait3A_28 = tpu.memref_slice %arg3[%add3A_13] : memref<320000xi32, #tpu.memory_space<hbm>> -> memref<200xi32, #tpu.memory_space<hbm>>
        tpu.wait_dma2 semaphore(%run_scoped3A : memref<!tpu.dma_semaphore, #tpu.memory_space<semaphore_mem>>) src(%dma_wait3A_28 : memref<200xi32, #tpu.memory_space<hbm>>) dst(%arg7 : memref<200xi32, #tpu.memory_space<vmem>>)
        tpu.yield
      }) : () -> ()
      %dma_start3A = arith.constant 0 : i32
      %dma_start3A_14 = arith.constant 0 : i32
      %dma_start3A_15 = tpu.memref_slice %arg2[%dma_start3A, %dma_start3A_14] : memref<10000x128xf32, #tpu.memory_space<hbm>> -> memref<10000x128xf32, #tpu.memory_space<hbm>>
      tpu.enqueue_indirect_dma source(%dma_start3A_15 : memref<10000x128xf32, #tpu.memory_space<hbm>>) target(%arg9 : memref<200x128xf32, #tpu.memory_space<vmem>>) offsets(%arg7 : memref<200xi32, #tpu.memory_space<vmem>>) semaphore(%arg11 : memref<!tpu.dma_semaphore, #tpu.memory_space<semaphore_mem>>)
      "tpu.region"() ({
        %run_scoped3A = tpu.sem_alloc : memref<!tpu.dma_semaphore, #tpu.memory_space<semaphore_mem>>
        %dma_start3A_25 = tpu.memref_slice %arg4[%add3A_13] : memref<320000xi32, #tpu.memory_space<hbm>> -> memref<200xi32, #tpu.memory_space<hbm>>
        %dma_start3A_26 = tpu.memref_slice %arg4[%add3A_13] : memref<320000xi32, #tpu.memory_space<hbm>> -> memref<200xi32, #tpu.memory_space<hbm>>
        tpu.enqueue_dma source(%dma_start3A_26 : memref<200xi32, #tpu.memory_space<hbm>>) target(%arg8 : memref<200xi32, #tpu.memory_space<vmem>>) target_semaphore(%run_scoped3A : memref<!tpu.dma_semaphore, #tpu.memory_space<semaphore_mem>>)
        %dma_wait3A_27 = tpu.memref_slice %arg4[%add3A_13] : memref<320000xi32, #tpu.memory_space<hbm>> -> memref<200xi32, #tpu.memory_space<hbm>>
        %dma_wait3A_28 = tpu.memref_slice %arg4[%add3A_13] : memref<320000xi32, #tpu.memory_space<hbm>> -> memref<200xi32, #tpu.memory_space<hbm>>
        tpu.wait_dma2 semaphore(%run_scoped3A : memref<!tpu.dma_semaphore, #tpu.memory_space<semaphore_mem>>) src(%dma_wait3A_28 : memref<200xi32, #tpu.memory_space<hbm>>) dst(%arg8 : memref<200xi32, #tpu.memory_space<vmem>>)
        tpu.yield
      }) : () -> ()
      %dma_start3A_16 = arith.constant 0 : i32
      %dma_start3A_17 = arith.constant 0 : i32
      %dma_start3A_18 = tpu.memref_slice %arg2[%dma_start3A_16, %dma_start3A_17] : memref<10000x128xf32, #tpu.memory_space<hbm>> -> memref<10000x128xf32, #tpu.memory_space<hbm>>
      tpu.enqueue_indirect_dma source(%dma_start3A_18 : memref<10000x128xf32, #tpu.memory_space<hbm>>) target(%arg10 : memref<200x128xf32, #tpu.memory_space<vmem>>) offsets(%arg8 : memref<200xi32, #tpu.memory_space<vmem>>) semaphore(%arg12 : memref<!tpu.dma_semaphore, #tpu.memory_space<semaphore_mem>>)
      %dma_wait3A = arith.constant 0 : i32
      %dma_wait3A_19 = arith.constant 0 : i32
      %dma_wait3A_20 = tpu.memref_slice %arg2[%dma_wait3A, %dma_wait3A_19] : memref<10000x128xf32, #tpu.memory_space<hbm>> -> memref<10000x128xf32, #tpu.memory_space<hbm>>
      tpu.wait_indirect_dma semaphore(%arg11 : memref<!tpu.dma_semaphore, #tpu.memory_space<semaphore_mem>>) src(%dma_wait3A_20 : memref<10000x128xf32, #tpu.memory_space<hbm>>) dst(%arg9 : memref<200x128xf32, #tpu.memory_space<vmem>>)
      "tpu.region"() ({
        %run_scoped3A = tpu.sem_alloc : memref<!tpu.dma_semaphore, #tpu.memory_space<semaphore_mem>>
        %dma_start3A_25 = arith.constant 0 : i32
        %dma_start3A_26 = tpu.memref_slice %arg5[%add3A_13, %dma_start3A_25] : memref<320000x128xf32, #tpu.memory_space<hbm>> -> memref<200x128xf32, #tpu.memory_space<hbm>>
        %dma_start3A_27 = arith.constant 0 : i32
        %dma_start3A_28 = tpu.memref_slice %arg5[%add3A_13, %dma_start3A_27] : memref<320000x128xf32, #tpu.memory_space<hbm>> -> memref<200x128xf32, #tpu.memory_space<hbm>>
        tpu.enqueue_dma source(%arg9 : memref<200x128xf32, #tpu.memory_space<vmem>>) target(%dma_start3A_28 : memref<200x128xf32, #tpu.memory_space<hbm>>) target_semaphore(%run_scoped3A : memref<!tpu.dma_semaphore, #tpu.memory_space<semaphore_mem>>)
        %dma_wait3A_29 = arith.constant 0 : i32
        %dma_wait3A_30 = tpu.memref_slice %arg5[%add3A_13, %dma_wait3A_29] : memref<320000x128xf32, #tpu.memory_space<hbm>> -> memref<200x128xf32, #tpu.memory_space<hbm>>
        %dma_wait3A_31 = arith.constant 0 : i32
        %dma_wait3A_32 = tpu.memref_slice %arg5[%add3A_13, %dma_wait3A_31] : memref<320000x128xf32, #tpu.memory_space<hbm>> -> memref<200x128xf32, #tpu.memory_space<hbm>>
        tpu.wait_dma2 semaphore(%run_scoped3A : memref<!tpu.dma_semaphore, #tpu.memory_space<semaphore_mem>>) src(%arg9 : memref<200x128xf32, #tpu.memory_space<vmem>>) dst(%dma_wait3A_32 : memref<200x128xf32, #tpu.memory_space<hbm>>)
        tpu.yield
      }) : () -> ()
      %dma_wait3A_21 = arith.constant 0 : i32
      %dma_wait3A_22 = arith.constant 0 : i32
      %dma_wait3A_23 = tpu.memref_slice %arg2[%dma_wait3A_21, %dma_wait3A_22] : memref<10000x128xf32, #tpu.memory_space<hbm>> -> memref<10000x128xf32, #tpu.memory_space<hbm>>
      tpu.wait_indirect_dma semaphore(%arg12 : memref<!tpu.dma_semaphore, #tpu.memory_space<semaphore_mem>>) src(%dma_wait3A_23 : memref<10000x128xf32, #tpu.memory_space<hbm>>) dst(%arg10 : memref<200x128xf32, #tpu.memory_space<vmem>>)
      "tpu.region"() ({
        %run_scoped3A = tpu.sem_alloc : memref<!tpu.dma_semaphore, #tpu.memory_space<semaphore_mem>>
        %dma_start3A_25 = arith.constant 0 : i32
        %dma_start3A_26 = tpu.memref_slice %arg6[%add3A_13, %dma_start3A_25] : memref<320000x128xf32, #tpu.memory_space<hbm>> -> memref<200x128xf32, #tpu.memory_space<hbm>>
        %dma_start3A_27 = arith.constant 0 : i32
        %dma_start3A_28 = tpu.memref_slice %arg6[%add3A_13, %dma_start3A_27] : memref<320000x128xf32, #tpu.memory_space<hbm>> -> memref<200x128xf32, #tpu.memory_space<hbm>>
        tpu.enqueue_dma source(%arg10 : memref<200x128xf32, #tpu.memory_space<vmem>>) target(%dma_start3A_28 : memref<200x128xf32, #tpu.memory_space<hbm>>) target_semaphore(%run_scoped3A : memref<!tpu.dma_semaphore, #tpu.memory_space<semaphore_mem>>)
        %dma_wait3A_29 = arith.constant 0 : i32
        %dma_wait3A_30 = tpu.memref_slice %arg6[%add3A_13, %dma_wait3A_29] : memref<320000x128xf32, #tpu.memory_space<hbm>> -> memref<200x128xf32, #tpu.memory_space<hbm>>
        %dma_wait3A_31 = arith.constant 0 : i32
        %dma_wait3A_32 = tpu.memref_slice %arg6[%add3A_13, %dma_wait3A_31] : memref<320000x128xf32, #tpu.memory_space<hbm>> -> memref<200x128xf32, #tpu.memory_space<hbm>>
        tpu.wait_dma2 semaphore(%run_scoped3A : memref<!tpu.dma_semaphore, #tpu.memory_space<semaphore_mem>>) src(%arg10 : memref<200x128xf32, #tpu.memory_space<vmem>>) dst(%dma_wait3A_32 : memref<200x128xf32, #tpu.memory_space<hbm>>)
        tpu.yield
      }) : () -> ()
      %scan3A_24 = arith.constant 0 : i32
      scf.yield %scan3A_24 : i32
    }
    %scan3A_8 = arith.constant 50 : i32
    return
  }
}

#map = affine_map<(d0, d1) -> (0)>
module attributes {stable_mosaic.version = 14 : i64} {
  func.func @_scatter_body(%arg0: i32, %arg1: i32, %arg2: memref<40960000xf32, #tpu.memory_space<hbm>>, %arg3: memref<320000xi32, #tpu.memory_space<hbm>>, %arg4: memref<1294336xf32, #tpu.memory_space<hbm>>, %arg5: memref<10000xi32, #tpu.memory_space<vmem>>, %arg6: memref<40000xf32, #tpu.memory_space<vmem>>, %arg7: memref<40448xf32, #tpu.memory_space<vmem>>, %arg8: memref<!tpu.dma_semaphore, #tpu.memory_space<semaphore_mem>>) attributes {dimension_semantics = [#tpu.dimension_semantics<core_parallel>, #tpu.dimension_semantics<subcore_parallel>], iteration_bounds = array<i64: 2, 16>, scalar_prefetch = 0 : i64, scratch_operands = 4 : i64, tpu.core_type = #tpu.core_type<sc_vector_subcore>, window_params = [{transform_indices = #map}, {transform_indices = #map}, {transform_indices = #map}]} {
    %mul3A = arith.constant 2 : i32
    %mul3A_0 = arith.muli %arg1, %mul3A : i32
    %add3A = arith.addi %mul3A_0, %arg0 : i32
    %mul3A_1 = arith.constant 4 : i32
    %mul3A_2 = arith.muli %add3A, %mul3A_1 : i32
    %broadcast_in_dim3A = arith.constant 0.000000e+00 : f32
    %broadcast_in_dim3A_3 = vector.broadcast %broadcast_in_dim3A : f32 to vector<16xf32>
    %scan3A = arith.constant 0 : i32
    %scan3A_4 = arith.constant 0 : i32
    %scan3A_5 = arith.constant 2528 : i32
    %scan3A_6 = arith.addi %scan3A_4, %scan3A_5 : i32
    %scan3A_7 = arith.constant 1 : i32
    %scan3A_8 = scf.for %scan3A_19 = %scan3A_4 to %scan3A_6 step %scan3A_7 iter_args(%scan3A_20 = %scan3A) -> (i32)  : i32 {
      %mul3A_21 = arith.constant 16 : i32
      %mul3A_22 = arith.muli %scan3A_19, %mul3A_21 : i32
      %swap3A = arith.index_cast %mul3A_22 : i32 to index
      %swap3A_23 = tpu.vector_load %arg7[%swap3A] {strides = array<i32>} : memref<40448xf32, #tpu.memory_space<vmem>>, vector<16xf32>,
      tpu.vector_store %arg7[%swap3A], %broadcast_in_dim3A_3 {strides = array<i32>} : memref<40448xf32, #tpu.memory_space<vmem>>, vector<16xf32>,
      %scan3A_24 = arith.constant 0 : i32
      scf.yield %scan3A_24 : i32
    }
    %scan3A_9 = arith.constant 2528 : i32
    %scan3A_10 = arith.constant 0 : i32
    %scan3A_11 = arith.constant 0 : i32
    %scan3A_12 = arith.constant 32 : i32
    %scan3A_13 = arith.addi %scan3A_11, %scan3A_12 : i32
    %scan3A_14 = arith.constant 1 : i32
    %scan3A_15 = scf.for %scan3A_19 = %scan3A_11 to %scan3A_13 step %scan3A_14 iter_args(%scan3A_20 = %scan3A_10) -> (i32)  : i32 {
      %mul3A_21 = arith.constant 10000 : i32
      %mul3A_22 = arith.muli %scan3A_19, %mul3A_21 : i32
      "tpu.region"() ({
        %run_scoped3A = tpu.sem_alloc : memref<!tpu.dma_semaphore, #tpu.memory_space<semaphore_mem>>
        %dma_start3A = tpu.memref_slice %arg3[%mul3A_22] : memref<320000xi32, #tpu.memory_space<hbm>> -> memref<10000xi32, #tpu.memory_space<hbm>>
        %dma_start3A_51 = tpu.memref_slice %arg3[%mul3A_22] : memref<320000xi32, #tpu.memory_space<hbm>> -> memref<10000xi32, #tpu.memory_space<hbm>>
        tpu.enqueue_dma source(%dma_start3A_51 : memref<10000xi32, #tpu.memory_space<hbm>>) target(%arg5 : memref<10000xi32, #tpu.memory_space<vmem>>) target_semaphore(%run_scoped3A : memref<!tpu.dma_semaphore, #tpu.memory_space<semaphore_mem>>)
        %dma_wait3A = tpu.memref_slice %arg3[%mul3A_22] : memref<320000xi32, #tpu.memory_space<hbm>> -> memref<10000xi32, #tpu.memory_space<hbm>>
        %dma_wait3A_52 = tpu.memref_slice %arg3[%mul3A_22] : memref<320000xi32, #tpu.memory_space<hbm>> -> memref<10000xi32, #tpu.memory_space<hbm>>
        tpu.wait_dma2 semaphore(%run_scoped3A : memref<!tpu.dma_semaphore, #tpu.memory_space<semaphore_mem>>) src(%dma_wait3A_52 : memref<10000xi32, #tpu.memory_space<hbm>>) dst(%arg5 : memref<10000xi32, #tpu.memory_space<vmem>>)
        tpu.yield
      }) : () -> ()
      %add3A_23 = arith.constant 0 : i32
      %add3A_24 = arith.addi %mul3A_2, %add3A_23 : i32
      %mul3A_25 = arith.constant 320000 : i32
      %mul3A_26 = arith.muli %add3A_24, %mul3A_25 : i32
      %add3A_27 = arith.addi %mul3A_26, %mul3A_22 : i32
      "tpu.region"() ({
        %run_scoped3A = tpu.sem_alloc : memref<!tpu.dma_semaphore, #tpu.memory_space<semaphore_mem>>
        %dma_start3A = arith.constant 0 : i32
        %dma_start3A_51 = tpu.memref_slice %arg6[%dma_start3A] : memref<40000xf32, #tpu.memory_space<vmem>> -> memref<10000xf32, #tpu.memory_space<vmem>>
        %dma_start3A_52 = tpu.memref_slice %arg2[%add3A_27] : memref<40960000xf32, #tpu.memory_space<hbm>> -> memref<10000xf32, #tpu.memory_space<hbm>>
        %dma_start3A_53 = arith.constant 0 : i32
        %dma_start3A_54 = tpu.memref_slice %arg6[%dma_start3A_53] : memref<40000xf32, #tpu.memory_space<vmem>> -> memref<10000xf32, #tpu.memory_space<vmem>>
        %dma_start3A_55 = tpu.memref_slice %arg2[%add3A_27] : memref<40960000xf32, #tpu.memory_space<hbm>> -> memref<10000xf32, #tpu.memory_space<hbm>>
        tpu.enqueue_dma source(%dma_start3A_55 : memref<10000xf32, #tpu.memory_space<hbm>>) target(%dma_start3A_54 : memref<10000xf32, #tpu.memory_space<vmem>>) target_semaphore(%run_scoped3A : memref<!tpu.dma_semaphore, #tpu.memory_space<semaphore_mem>>)
        %dma_wait3A = arith.constant 0 : i32
        %dma_wait3A_56 = tpu.memref_slice %arg6[%dma_wait3A] : memref<40000xf32, #tpu.memory_space<vmem>> -> memref<10000xf32, #tpu.memory_space<vmem>>
        %dma_wait3A_57 = tpu.memref_slice %arg2[%add3A_27] : memref<40960000xf32, #tpu.memory_space<hbm>> -> memref<10000xf32, #tpu.memory_space<hbm>>
        %dma_wait3A_58 = arith.constant 0 : i32
        %dma_wait3A_59 = tpu.memref_slice %arg6[%dma_wait3A_58] : memref<40000xf32, #tpu.memory_space<vmem>> -> memref<10000xf32, #tpu.memory_space<vmem>>
        %dma_wait3A_60 = tpu.memref_slice %arg2[%add3A_27] : memref<40960000xf32, #tpu.memory_space<hbm>> -> memref<10000xf32, #tpu.memory_space<hbm>>
        tpu.wait_dma2 semaphore(%run_scoped3A : memref<!tpu.dma_semaphore, #tpu.memory_space<semaphore_mem>>) src(%dma_wait3A_60 : memref<10000xf32, #tpu.memory_space<hbm>>) dst(%dma_wait3A_59 : memref<10000xf32, #tpu.memory_space<vmem>>)
        tpu.yield
      }) : () -> ()
      %add3A_28 = arith.constant 1 : i32
      %add3A_29 = arith.addi %mul3A_2, %add3A_28 : i32
      %mul3A_30 = arith.constant 320000 : i32
      %mul3A_31 = arith.muli %add3A_29, %mul3A_30 : i32
      %add3A_32 = arith.addi %mul3A_31, %mul3A_22 : i32
      "tpu.region"() ({
        %run_scoped3A = tpu.sem_alloc : memref<!tpu.dma_semaphore, #tpu.memory_space<semaphore_mem>>
        %dma_start3A = arith.constant 10000 : i32
        %dma_start3A_51 = tpu.memref_slice %arg6[%dma_start3A] : memref<40000xf32, #tpu.memory_space<vmem>> -> memref<10000xf32, #tpu.memory_space<vmem>>
        %dma_start3A_52 = tpu.memref_slice %arg2[%add3A_32] : memref<40960000xf32, #tpu.memory_space<hbm>> -> memref<10000xf32, #tpu.memory_space<hbm>>
        %dma_start3A_53 = arith.constant 10000 : i32
        %dma_start3A_54 = tpu.memref_slice %arg6[%dma_start3A_53] : memref<40000xf32, #tpu.memory_space<vmem>> -> memref<10000xf32, #tpu.memory_space<vmem>>
        %dma_start3A_55 = tpu.memref_slice %arg2[%add3A_32] : memref<40960000xf32, #tpu.memory_space<hbm>> -> memref<10000xf32, #tpu.memory_space<hbm>>
        tpu.enqueue_dma source(%dma_start3A_55 : memref<10000xf32, #tpu.memory_space<hbm>>) target(%dma_start3A_54 : memref<10000xf32, #tpu.memory_space<vmem>>) target_semaphore(%run_scoped3A : memref<!tpu.dma_semaphore, #tpu.memory_space<semaphore_mem>>)
        %dma_wait3A = arith.constant 10000 : i32
        %dma_wait3A_56 = tpu.memref_slice %arg6[%dma_wait3A] : memref<40000xf32, #tpu.memory_space<vmem>> -> memref<10000xf32, #tpu.memory_space<vmem>>
        %dma_wait3A_57 = tpu.memref_slice %arg2[%add3A_32] : memref<40960000xf32, #tpu.memory_space<hbm>> -> memref<10000xf32, #tpu.memory_space<hbm>>
        %dma_wait3A_58 = arith.constant 10000 : i32
        %dma_wait3A_59 = tpu.memref_slice %arg6[%dma_wait3A_58] : memref<40000xf32, #tpu.memory_space<vmem>> -> memref<10000xf32, #tpu.memory_space<vmem>>
        %dma_wait3A_60 = tpu.memref_slice %arg2[%add3A_32] : memref<40960000xf32, #tpu.memory_space<hbm>> -> memref<10000xf32, #tpu.memory_space<hbm>>
        tpu.wait_dma2 semaphore(%run_scoped3A : memref<!tpu.dma_semaphore, #tpu.memory_space<semaphore_mem>>) src(%dma_wait3A_60 : memref<10000xf32, #tpu.memory_space<hbm>>) dst(%dma_wait3A_59 : memref<10000xf32, #tpu.memory_space<vmem>>)
        tpu.yield
      }) : () -> ()
      %add3A_33 = arith.constant 2 : i32
      %add3A_34 = arith.addi %mul3A_2, %add3A_33 : i32
      %mul3A_35 = arith.constant 320000 : i32
      %mul3A_36 = arith.muli %add3A_34, %mul3A_35 : i32
      %add3A_37 = arith.addi %mul3A_36, %mul3A_22 : i32
      "tpu.region"() ({
        %run_scoped3A = tpu.sem_alloc : memref<!tpu.dma_semaphore, #tpu.memory_space<semaphore_mem>>
        %dma_start3A = arith.constant 20000 : i32
        %dma_start3A_51 = tpu.memref_slice %arg6[%dma_start3A] : memref<40000xf32, #tpu.memory_space<vmem>> -> memref<10000xf32, #tpu.memory_space<vmem>>
        %dma_start3A_52 = tpu.memref_slice %arg2[%add3A_37] : memref<40960000xf32, #tpu.memory_space<hbm>> -> memref<10000xf32, #tpu.memory_space<hbm>>
        %dma_start3A_53 = arith.constant 20000 : i32
        %dma_start3A_54 = tpu.memref_slice %arg6[%dma_start3A_53] : memref<40000xf32, #tpu.memory_space<vmem>> -> memref<10000xf32, #tpu.memory_space<vmem>>
        %dma_start3A_55 = tpu.memref_slice %arg2[%add3A_37] : memref<40960000xf32, #tpu.memory_space<hbm>> -> memref<10000xf32, #tpu.memory_space<hbm>>
        tpu.enqueue_dma source(%dma_start3A_55 : memref<10000xf32, #tpu.memory_space<hbm>>) target(%dma_start3A_54 : memref<10000xf32, #tpu.memory_space<vmem>>) target_semaphore(%run_scoped3A : memref<!tpu.dma_semaphore, #tpu.memory_space<semaphore_mem>>)
        %dma_wait3A = arith.constant 20000 : i32
        %dma_wait3A_56 = tpu.memref_slice %arg6[%dma_wait3A] : memref<40000xf32, #tpu.memory_space<vmem>> -> memref<10000xf32, #tpu.memory_space<vmem>>
        %dma_wait3A_57 = tpu.memref_slice %arg2[%add3A_37] : memref<40960000xf32, #tpu.memory_space<hbm>> -> memref<10000xf32, #tpu.memory_space<hbm>>
        %dma_wait3A_58 = arith.constant 20000 : i32
        %dma_wait3A_59 = tpu.memref_slice %arg6[%dma_wait3A_58] : memref<40000xf32, #tpu.memory_space<vmem>> -> memref<10000xf32, #tpu.memory_space<vmem>>
        %dma_wait3A_60 = tpu.memref_slice %arg2[%add3A_37] : memref<40960000xf32, #tpu.memory_space<hbm>> -> memref<10000xf32, #tpu.memory_space<hbm>>
        tpu.wait_dma2 semaphore(%run_scoped3A : memref<!tpu.dma_semaphore, #tpu.memory_space<semaphore_mem>>) src(%dma_wait3A_60 : memref<10000xf32, #tpu.memory_space<hbm>>) dst(%dma_wait3A_59 : memref<10000xf32, #tpu.memory_space<vmem>>)
        tpu.yield
      }) : () -> ()
      %add3A_38 = arith.constant 3 : i32
      %add3A_39 = arith.addi %mul3A_2, %add3A_38 : i32
      %mul3A_40 = arith.constant 320000 : i32
      %mul3A_41 = arith.muli %add3A_39, %mul3A_40 : i32
      %add3A_42 = arith.addi %mul3A_41, %mul3A_22 : i32
      "tpu.region"() ({
        %run_scoped3A = tpu.sem_alloc : memref<!tpu.dma_semaphore, #tpu.memory_space<semaphore_mem>>
        %dma_start3A = arith.constant 30000 : i32
        %dma_start3A_51 = tpu.memref_slice %arg6[%dma_start3A] : memref<40000xf32, #tpu.memory_space<vmem>> -> memref<10000xf32, #tpu.memory_space<vmem>>
        %dma_start3A_52 = tpu.memref_slice %arg2[%add3A_42] : memref<40960000xf32, #tpu.memory_space<hbm>> -> memref<10000xf32, #tpu.memory_space<hbm>>
        %dma_start3A_53 = arith.constant 30000 : i32
        %dma_start3A_54 = tpu.memref_slice %arg6[%dma_start3A_53] : memref<40000xf32, #tpu.memory_space<vmem>> -> memref<10000xf32, #tpu.memory_space<vmem>>
        %dma_start3A_55 = tpu.memref_slice %arg2[%add3A_42] : memref<40960000xf32, #tpu.memory_space<hbm>> -> memref<10000xf32, #tpu.memory_space<hbm>>
        tpu.enqueue_dma source(%dma_start3A_55 : memref<10000xf32, #tpu.memory_space<hbm>>) target(%dma_start3A_54 : memref<10000xf32, #tpu.memory_space<vmem>>) target_semaphore(%run_scoped3A : memref<!tpu.dma_semaphore, #tpu.memory_space<semaphore_mem>>)
        %dma_wait3A = arith.constant 30000 : i32
        %dma_wait3A_56 = tpu.memref_slice %arg6[%dma_wait3A] : memref<40000xf32, #tpu.memory_space<vmem>> -> memref<10000xf32, #tpu.memory_space<vmem>>
        %dma_wait3A_57 = tpu.memref_slice %arg2[%add3A_42] : memref<40960000xf32, #tpu.memory_space<hbm>> -> memref<10000xf32, #tpu.memory_space<hbm>>
        %dma_wait3A_58 = arith.constant 30000 : i32
        %dma_wait3A_59 = tpu.memref_slice %arg6[%dma_wait3A_58] : memref<40000xf32, #tpu.memory_space<vmem>> -> memref<10000xf32, #tpu.memory_space<vmem>>
        %dma_wait3A_60 = tpu.memref_slice %arg2[%add3A_42] : memref<40960000xf32, #tpu.memory_space<hbm>> -> memref<10000xf32, #tpu.memory_space<hbm>>
        tpu.wait_dma2 semaphore(%run_scoped3A : memref<!tpu.dma_semaphore, #tpu.memory_space<semaphore_mem>>) src(%dma_wait3A_60 : memref<10000xf32, #tpu.memory_space<hbm>>) dst(%dma_wait3A_59 : memref<10000xf32, #tpu.memory_space<vmem>>)
        tpu.yield
      }) : () -> ()
      %scan3A_43 = arith.constant 0 : i32
      %scan3A_44 = arith.constant 0 : i32
      %scan3A_45 = arith.constant 625 : i32
      %scan3A_46 = arith.addi %scan3A_44, %scan3A_45 : i32
      %scan3A_47 = arith.constant 1 : i32
      %scan3A_48 = scf.for %scan3A_51 = %scan3A_44 to %scan3A_46 step %scan3A_47 iter_args(%scan3A_52 = %scan3A_43) -> (i32)  : i32 {
        %mul3A_53 = arith.constant 16 : i32
        %mul3A_54 = arith.muli %scan3A_51, %mul3A_53 : i32
        %get3A = arith.index_cast %mul3A_54 : i32 to index
        %get3A_55 = tpu.vector_load %arg5[%get3A] {strides = array<i32>} : memref<10000xi32, #tpu.memory_space<vmem>>, vector<16xi32>,
        %add3A_56 = arith.constant 0 : i32
        %add3A_57 = vector.broadcast %add3A_56 : i32 to vector<16xi32>
        %add3A_58 = arith.addi %get3A_55, %add3A_57 : vector<16xi32>
        %mul3A_59 = arith.constant 16 : i32
        %mul3A_60 = arith.muli %scan3A_51, %mul3A_59 : i32
        %add3A_61 = arith.constant 0 : i32
        %add3A_62 = arith.addi %add3A_61, %mul3A_60 : i32
        %get3A_63 = arith.index_cast %add3A_62 : i32 to index
        %get3A_64 = tpu.vector_load %arg6[%get3A_63] {strides = array<i32>} : memref<40000xf32, #tpu.memory_space<vmem>>, vector<16xf32>,
        tpu.vector_store_idx %arg7[%add3A_58], %get3A_64 {add = true} : memref<40448xf32, #tpu.memory_space<vmem>>[vector<16xi32>], vector<16xf32>,
        %add3A_65 = arith.constant 10112 : i32
        %add3A_66 = vector.broadcast %add3A_65 : i32 to vector<16xi32>
        %add3A_67 = arith.addi %get3A_55, %add3A_66 : vector<16xi32>
        %mul3A_68 = arith.constant 16 : i32
        %mul3A_69 = arith.muli %scan3A_51, %mul3A_68 : i32
        %add3A_70 = arith.constant 10000 : i32
        %add3A_71 = arith.addi %add3A_70, %mul3A_69 : i32
        %get3A_72 = arith.index_cast %add3A_71 : i32 to index
        %get3A_73 = tpu.vector_load %arg6[%get3A_72] {strides = array<i32>} : memref<40000xf32, #tpu.memory_space<vmem>>, vector<16xf32>,
        tpu.vector_store_idx %arg7[%add3A_67], %get3A_73 {add = true} : memref<40448xf32, #tpu.memory_space<vmem>>[vector<16xi32>], vector<16xf32>,
        %add3A_74 = arith.constant 20224 : i32
        %add3A_75 = vector.broadcast %add3A_74 : i32 to vector<16xi32>
        %add3A_76 = arith.addi %get3A_55, %add3A_75 : vector<16xi32>
        %mul3A_77 = arith.constant 16 : i32
        %mul3A_78 = arith.muli %scan3A_51, %mul3A_77 : i32
        %add3A_79 = arith.constant 20000 : i32
        %add3A_80 = arith.addi %add3A_79, %mul3A_78 : i32
        %get3A_81 = arith.index_cast %add3A_80 : i32 to index
        %get3A_82 = tpu.vector_load %arg6[%get3A_81] {strides = array<i32>} : memref<40000xf32, #tpu.memory_space<vmem>>, vector<16xf32>,
        tpu.vector_store_idx %arg7[%add3A_76], %get3A_82 {add = true} : memref<40448xf32, #tpu.memory_space<vmem>>[vector<16xi32>], vector<16xf32>,
        %add3A_83 = arith.constant 30336 : i32
        %add3A_84 = vector.broadcast %add3A_83 : i32 to vector<16xi32>
        %add3A_85 = arith.addi %get3A_55, %add3A_84 : vector<16xi32>
        %mul3A_86 = arith.constant 16 : i32
        %mul3A_87 = arith.muli %scan3A_51, %mul3A_86 : i32
        %add3A_88 = arith.constant 30000 : i32
        %add3A_89 = arith.addi %add3A_88, %mul3A_87 : i32
        %get3A_90 = arith.index_cast %add3A_89 : i32 to index
        %get3A_91 = tpu.vector_load %arg6[%get3A_90] {strides = array<i32>} : memref<40000xf32, #tpu.memory_space<vmem>>, vector<16xf32>,
        tpu.vector_store_idx %arg7[%add3A_85], %get3A_91 {add = true} : memref<40448xf32, #tpu.memory_space<vmem>>[vector<16xi32>], vector<16xf32>,
        %scan3A_92 = arith.constant 0 : i32
        scf.yield %scan3A_92 : i32
      }
      %scan3A_49 = arith.constant 625 : i32
      %scan3A_50 = arith.constant 0 : i32
      scf.yield %scan3A_50 : i32
    }
    %scan3A_16 = arith.constant 32 : i32
    %mul3A_17 = arith.constant 10112 : i32
    %mul3A_18 = arith.muli %mul3A_2, %mul3A_17 : i32
    "tpu.region"() ({
      %run_scoped3A = tpu.sem_alloc : memref<!tpu.dma_semaphore, #tpu.memory_space<semaphore_mem>>
      %dma_start3A = tpu.memref_slice %arg4[%mul3A_18] : memref<1294336xf32, #tpu.memory_space<hbm>> -> memref<40448xf32, #tpu.memory_space<hbm>>
      %dma_start3A_19 = tpu.memref_slice %arg4[%mul3A_18] : memref<1294336xf32, #tpu.memory_space<hbm>> -> memref<40448xf32, #tpu.memory_space<hbm>>
      tpu.enqueue_dma source(%arg7 : memref<40448xf32, #tpu.memory_space<vmem>>) target(%dma_start3A_19 : memref<40448xf32, #tpu.memory_space<hbm>>) target_semaphore(%run_scoped3A : memref<!tpu.dma_semaphore, #tpu.memory_space<semaphore_mem>>)
      %dma_wait3A = tpu.memref_slice %arg4[%mul3A_18] : memref<1294336xf32, #tpu.memory_space<hbm>> -> memref<40448xf32, #tpu.memory_space<hbm>>
      %dma_wait3A_20 = tpu.memref_slice %arg4[%mul3A_18] : memref<1294336xf32, #tpu.memory_space<hbm>> -> memref<40448xf32, #tpu.memory_space<hbm>>
      tpu.wait_dma2 semaphore(%run_scoped3A : memref<!tpu.dma_semaphore, #tpu.memory_space<semaphore_mem>>) src(%arg7 : memref<40448xf32, #tpu.memory_space<vmem>>) dst(%dma_wait3A_20 : memref<40448xf32, #tpu.memory_space<hbm>>)
      tpu.yield
    }) : () -> ()
    return
  }
}

#map = affine_map<(d0, d1) -> (0, 0)>
#map1 = affine_map<(d0, d1) -> (0)>
module attributes {stable_mosaic.version = 14 : i64} {
  func.func @_gather_body(%arg0: i32, %arg1: i32, %arg2: memref<10000x128xf32, #tpu.memory_space<hbm>>, %arg3: memref<320000xi32, #tpu.memory_space<hbm>>, %arg4: memref<320000xi32, #tpu.memory_space<hbm>>, %arg5: memref<320000x128xf32, #tpu.memory_space<hbm>>, %arg6: memref<320000x128xf32, #tpu.memory_space<hbm>>, %arg7: memref<200xi32, #tpu.memory_space<vmem>>, %arg8: memref<200xi32, #tpu.memory_space<vmem>>, %arg9: memref<200x128xf32, #tpu.memory_space<vmem>>, %arg10: memref<200x128xf32, #tpu.memory_space<vmem>>, %arg11: memref<!tpu.dma_semaphore, #tpu.memory_space<semaphore_mem>>, %arg12: memref<!tpu.dma_semaphore, #tpu.memory_space<semaphore_mem>>) attributes {dimension_semantics = [#tpu.dimension_semantics<core_parallel>, #tpu.dimension_semantics<subcore_parallel>], iteration_bounds = array<i64: 2, 16>, scalar_prefetch = 0 : i64, scratch_operands = 6 : i64, tpu.core_type = #tpu.core_type<sc_vector_subcore>, window_params = [{transform_indices = #map}, {transform_indices = #map1}, {transform_indices = #map1}, {transform_indices = #map}, {transform_indices = #map}]} {
    %mul3A = arith.constant 2 : i32
    %mul3A_0 = arith.muli %arg1, %mul3A : i32
    %add3A = arith.addi %mul3A_0, %arg0 : i32
    %mul3A_1 = arith.constant 10000 : i32
    %mul3A_2 = arith.muli %add3A, %mul3A_1 : i32
    %scan3A = arith.constant 0 : i32
    %scan3A_3 = arith.constant 0 : i32
    %scan3A_4 = arith.constant 50 : i32
    %scan3A_5 = arith.addi %scan3A_3, %scan3A_4 : i32
    %scan3A_6 = arith.constant 1 : i32
    %scan3A_7 = scf.for %scan3A_9 = %scan3A_3 to %scan3A_5 step %scan3A_6 iter_args(%scan3A_10 = %scan3A) -> (i32)  : i32 {
      %mul3A_11 = arith.constant 200 : i32
      %mul3A_12 = arith.muli %scan3A_9, %mul3A_11 : i32
      %add3A_13 = arith.addi %mul3A_2, %mul3A_12 : i32
      "tpu.region"() ({
        %run_scoped3A = tpu.sem_alloc : memref<!tpu.dma_semaphore, #tpu.memory_space<semaphore_mem>>
        %dma_start3A_25 = tpu.memref_slice %arg3[%add3A_13] : memref<320000xi32, #tpu.memory_space<hbm>> -> memref<200xi32, #tpu.memory_space<hbm>>
        %dma_start3A_26 = tpu.memref_slice %arg3[%add3A_13] : memref<320000xi32, #tpu.memory_space<hbm>> -> memref<200xi32, #tpu.memory_space<hbm>>
        tpu.enqueue_dma source(%dma_start3A_26 : memref<200xi32, #tpu.memory_space<hbm>>) target(%arg7 : memref<200xi32, #tpu.memory_space<vmem>>) target_semaphore(%run_scoped3A : memref<!tpu.dma_semaphore, #tpu.memory_space<semaphore_mem>>)
        %dma_wait3A_27 = tpu.memref_slice %arg3[%add3A_13] : memref<320000xi32, #tpu.memory_space<hbm>> -> memref<200xi32, #tpu.memory_space<hbm>>
        %dma_wait3A_28 = tpu.memref_slice %arg3[%add3A_13] : memref<320000xi32, #tpu.memory_space<hbm>> -> memref<200xi32, #tpu.memory_space<hbm>>
        tpu.wait_dma2 semaphore(%run_scoped3A : memref<!tpu.dma_semaphore, #tpu.memory_space<semaphore_mem>>) src(%dma_wait3A_28 : memref<200xi32, #tpu.memory_space<hbm>>) dst(%arg7 : memref<200xi32, #tpu.memory_space<vmem>>)
        tpu.yield
      }) : () -> ()
      %dma_start3A = arith.constant 0 : i32
      %dma_start3A_14 = arith.constant 0 : i32
      %dma_start3A_15 = tpu.memref_slice %arg2[%dma_start3A, %dma_start3A_14] : memref<10000x128xf32, #tpu.memory_space<hbm>> -> memref<10000x128xf32, #tpu.memory_space<hbm>>
      tpu.enqueue_indirect_dma source(%dma_start3A_15 : memref<10000x128xf32, #tpu.memory_space<hbm>>) target(%arg9 : memref<200x128xf32, #tpu.memory_space<vmem>>) offsets(%arg7 : memref<200xi32, #tpu.memory_space<vmem>>) semaphore(%arg11 : memref<!tpu.dma_semaphore, #tpu.memory_space<semaphore_mem>>)
      "tpu.region"() ({
        %run_scoped3A = tpu.sem_alloc : memref<!tpu.dma_semaphore, #tpu.memory_space<semaphore_mem>>
        %dma_start3A_25 = tpu.memref_slice %arg4[%add3A_13] : memref<320000xi32, #tpu.memory_space<hbm>> -> memref<200xi32, #tpu.memory_space<hbm>>
        %dma_start3A_26 = tpu.memref_slice %arg4[%add3A_13] : memref<320000xi32, #tpu.memory_space<hbm>> -> memref<200xi32, #tpu.memory_space<hbm>>
        tpu.enqueue_dma source(%dma_start3A_26 : memref<200xi32, #tpu.memory_space<hbm>>) target(%arg8 : memref<200xi32, #tpu.memory_space<vmem>>) target_semaphore(%run_scoped3A : memref<!tpu.dma_semaphore, #tpu.memory_space<semaphore_mem>>)
        %dma_wait3A_27 = tpu.memref_slice %arg4[%add3A_13] : memref<320000xi32, #tpu.memory_space<hbm>> -> memref<200xi32, #tpu.memory_space<hbm>>
        %dma_wait3A_28 = tpu.memref_slice %arg4[%add3A_13] : memref<320000xi32, #tpu.memory_space<hbm>> -> memref<200xi32, #tpu.memory_space<hbm>>
        tpu.wait_dma2 semaphore(%run_scoped3A : memref<!tpu.dma_semaphore, #tpu.memory_space<semaphore_mem>>) src(%dma_wait3A_28 : memref<200xi32, #tpu.memory_space<hbm>>) dst(%arg8 : memref<200xi32, #tpu.memory_space<vmem>>)
        tpu.yield
      }) : () -> ()
      %dma_start3A_16 = arith.constant 0 : i32
      %dma_start3A_17 = arith.constant 0 : i32
      %dma_start3A_18 = tpu.memref_slice %arg2[%dma_start3A_16, %dma_start3A_17] : memref<10000x128xf32, #tpu.memory_space<hbm>> -> memref<10000x128xf32, #tpu.memory_space<hbm>>
      tpu.enqueue_indirect_dma source(%dma_start3A_18 : memref<10000x128xf32, #tpu.memory_space<hbm>>) target(%arg10 : memref<200x128xf32, #tpu.memory_space<vmem>>) offsets(%arg8 : memref<200xi32, #tpu.memory_space<vmem>>) semaphore(%arg12 : memref<!tpu.dma_semaphore, #tpu.memory_space<semaphore_mem>>)
      %dma_wait3A = arith.constant 0 : i32
      %dma_wait3A_19 = arith.constant 0 : i32
      %dma_wait3A_20 = tpu.memref_slice %arg2[%dma_wait3A, %dma_wait3A_19] : memref<10000x128xf32, #tpu.memory_space<hbm>> -> memref<10000x128xf32, #tpu.memory_space<hbm>>
      tpu.wait_indirect_dma semaphore(%arg11 : memref<!tpu.dma_semaphore, #tpu.memory_space<semaphore_mem>>) src(%dma_wait3A_20 : memref<10000x128xf32, #tpu.memory_space<hbm>>) dst(%arg9 : memref<200x128xf32, #tpu.memory_space<vmem>>)
      "tpu.region"() ({
        %run_scoped3A = tpu.sem_alloc : memref<!tpu.dma_semaphore, #tpu.memory_space<semaphore_mem>>
        %dma_start3A_25 = arith.constant 0 : i32
        %dma_start3A_26 = tpu.memref_slice %arg5[%add3A_13, %dma_start3A_25] : memref<320000x128xf32, #tpu.memory_space<hbm>> -> memref<200x128xf32, #tpu.memory_space<hbm>>
        %dma_start3A_27 = arith.constant 0 : i32
        %dma_start3A_28 = tpu.memref_slice %arg5[%add3A_13, %dma_start3A_27] : memref<320000x128xf32, #tpu.memory_space<hbm>> -> memref<200x128xf32, #tpu.memory_space<hbm>>
        tpu.enqueue_dma source(%arg9 : memref<200x128xf32, #tpu.memory_space<vmem>>) target(%dma_start3A_28 : memref<200x128xf32, #tpu.memory_space<hbm>>) target_semaphore(%run_scoped3A : memref<!tpu.dma_semaphore, #tpu.memory_space<semaphore_mem>>)
        %dma_wait3A_29 = arith.constant 0 : i32
        %dma_wait3A_30 = tpu.memref_slice %arg5[%add3A_13, %dma_wait3A_29] : memref<320000x128xf32, #tpu.memory_space<hbm>> -> memref<200x128xf32, #tpu.memory_space<hbm>>
        %dma_wait3A_31 = arith.constant 0 : i32
        %dma_wait3A_32 = tpu.memref_slice %arg5[%add3A_13, %dma_wait3A_31] : memref<320000x128xf32, #tpu.memory_space<hbm>> -> memref<200x128xf32, #tpu.memory_space<hbm>>
        tpu.wait_dma2 semaphore(%run_scoped3A : memref<!tpu.dma_semaphore, #tpu.memory_space<semaphore_mem>>) src(%arg9 : memref<200x128xf32, #tpu.memory_space<vmem>>) dst(%dma_wait3A_32 : memref<200x128xf32, #tpu.memory_space<hbm>>)
        tpu.yield
      }) : () -> ()
      %dma_wait3A_21 = arith.constant 0 : i32
      %dma_wait3A_22 = arith.constant 0 : i32
      %dma_wait3A_23 = tpu.memref_slice %arg2[%dma_wait3A_21, %dma_wait3A_22] : memref<10000x128xf32, #tpu.memory_space<hbm>> -> memref<10000x128xf32, #tpu.memory_space<hbm>>
      tpu.wait_indirect_dma semaphore(%arg12 : memref<!tpu.dma_semaphore, #tpu.memory_space<semaphore_mem>>) src(%dma_wait3A_23 : memref<10000x128xf32, #tpu.memory_space<hbm>>) dst(%arg10 : memref<200x128xf32, #tpu.memory_space<vmem>>)
      "tpu.region"() ({
        %run_scoped3A = tpu.sem_alloc : memref<!tpu.dma_semaphore, #tpu.memory_space<semaphore_mem>>
        %dma_start3A_25 = arith.constant 0 : i32
        %dma_start3A_26 = tpu.memref_slice %arg6[%add3A_13, %dma_start3A_25] : memref<320000x128xf32, #tpu.memory_space<hbm>> -> memref<200x128xf32, #tpu.memory_space<hbm>>
        %dma_start3A_27 = arith.constant 0 : i32
        %dma_start3A_28 = tpu.memref_slice %arg6[%add3A_13, %dma_start3A_27] : memref<320000x128xf32, #tpu.memory_space<hbm>> -> memref<200x128xf32, #tpu.memory_space<hbm>>
        tpu.enqueue_dma source(%arg10 : memref<200x128xf32, #tpu.memory_space<vmem>>) target(%dma_start3A_28 : memref<200x128xf32, #tpu.memory_space<hbm>>) target_semaphore(%run_scoped3A : memref<!tpu.dma_semaphore, #tpu.memory_space<semaphore_mem>>)
        %dma_wait3A_29 = arith.constant 0 : i32
        %dma_wait3A_30 = tpu.memref_slice %arg6[%add3A_13, %dma_wait3A_29] : memref<320000x128xf32, #tpu.memory_space<hbm>> -> memref<200x128xf32, #tpu.memory_space<hbm>>
        %dma_wait3A_31 = arith.constant 0 : i32
        %dma_wait3A_32 = tpu.memref_slice %arg6[%add3A_13, %dma_wait3A_31] : memref<320000x128xf32, #tpu.memory_space<hbm>> -> memref<200x128xf32, #tpu.memory_space<hbm>>
        tpu.wait_dma2 semaphore(%run_scoped3A : memref<!tpu.dma_semaphore, #tpu.memory_space<semaphore_mem>>) src(%arg10 : memref<200x128xf32, #tpu.memory_space<vmem>>) dst(%dma_wait3A_32 : memref<200x128xf32, #tpu.memory_space<hbm>>)
        tpu.yield
      }) : () -> ()
      %scan3A_24 = arith.constant 0 : i32
      scf.yield %scan3A_24 : i32
    }
    %scan3A_8 = arith.constant 50 : i32
    return
  }
}

#map = affine_map<(d0, d1) -> (0)>
module attributes {stable_mosaic.version = 14 : i64} {
  func.func @_scatter_body(%arg0: i32, %arg1: i32, %arg2: memref<40960000xf32, #tpu.memory_space<hbm>>, %arg3: memref<320000xi32, #tpu.memory_space<hbm>>, %arg4: memref<1294336xf32, #tpu.memory_space<hbm>>, %arg5: memref<10000xi32, #tpu.memory_space<vmem>>, %arg6: memref<40000xf32, #tpu.memory_space<vmem>>, %arg7: memref<40448xf32, #tpu.memory_space<vmem>>, %arg8: memref<!tpu.dma_semaphore, #tpu.memory_space<semaphore_mem>>) attributes {dimension_semantics = [#tpu.dimension_semantics<core_parallel>, #tpu.dimension_semantics<subcore_parallel>], iteration_bounds = array<i64: 2, 16>, scalar_prefetch = 0 : i64, scratch_operands = 4 : i64, tpu.core_type = #tpu.core_type<sc_vector_subcore>, window_params = [{transform_indices = #map}, {transform_indices = #map}, {transform_indices = #map}]} {
    %mul3A = arith.constant 2 : i32
    %mul3A_0 = arith.muli %arg1, %mul3A : i32
    %add3A = arith.addi %mul3A_0, %arg0 : i32
    %mul3A_1 = arith.constant 4 : i32
    %mul3A_2 = arith.muli %add3A, %mul3A_1 : i32
    %broadcast_in_dim3A = arith.constant 0.000000e+00 : f32
    %broadcast_in_dim3A_3 = vector.broadcast %broadcast_in_dim3A : f32 to vector<16xf32>
    %scan3A = arith.constant 0 : i32
    %scan3A_4 = arith.constant 0 : i32
    %scan3A_5 = arith.constant 2528 : i32
    %scan3A_6 = arith.addi %scan3A_4, %scan3A_5 : i32
    %scan3A_7 = arith.constant 1 : i32
    %scan3A_8 = scf.for %scan3A_19 = %scan3A_4 to %scan3A_6 step %scan3A_7 iter_args(%scan3A_20 = %scan3A) -> (i32)  : i32 {
      %mul3A_21 = arith.constant 16 : i32
      %mul3A_22 = arith.muli %scan3A_19, %mul3A_21 : i32
      %swap3A = arith.index_cast %mul3A_22 : i32 to index
      %swap3A_23 = tpu.vector_load %arg7[%swap3A] {strides = array<i32>} : memref<40448xf32, #tpu.memory_space<vmem>>, vector<16xf32>,
      tpu.vector_store %arg7[%swap3A], %broadcast_in_dim3A_3 {strides = array<i32>} : memref<40448xf32, #tpu.memory_space<vmem>>, vector<16xf32>,
      %scan3A_24 = arith.constant 0 : i32
      scf.yield %scan3A_24 : i32
    }
    %scan3A_9 = arith.constant 2528 : i32
    %scan3A_10 = arith.constant 0 : i32
    %scan3A_11 = arith.constant 0 : i32
    %scan3A_12 = arith.constant 32 : i32
    %scan3A_13 = arith.addi %scan3A_11, %scan3A_12 : i32
    %scan3A_14 = arith.constant 1 : i32
    %scan3A_15 = scf.for %scan3A_19 = %scan3A_11 to %scan3A_13 step %scan3A_14 iter_args(%scan3A_20 = %scan3A_10) -> (i32)  : i32 {
      %mul3A_21 = arith.constant 10000 : i32
      %mul3A_22 = arith.muli %scan3A_19, %mul3A_21 : i32
      "tpu.region"() ({
        %run_scoped3A = tpu.sem_alloc : memref<!tpu.dma_semaphore, #tpu.memory_space<semaphore_mem>>
        %dma_start3A = tpu.memref_slice %arg3[%mul3A_22] : memref<320000xi32, #tpu.memory_space<hbm>> -> memref<10000xi32, #tpu.memory_space<hbm>>
        %dma_start3A_51 = tpu.memref_slice %arg3[%mul3A_22] : memref<320000xi32, #tpu.memory_space<hbm>> -> memref<10000xi32, #tpu.memory_space<hbm>>
        tpu.enqueue_dma source(%dma_start3A_51 : memref<10000xi32, #tpu.memory_space<hbm>>) target(%arg5 : memref<10000xi32, #tpu.memory_space<vmem>>) target_semaphore(%run_scoped3A : memref<!tpu.dma_semaphore, #tpu.memory_space<semaphore_mem>>)
        %dma_wait3A = tpu.memref_slice %arg3[%mul3A_22] : memref<320000xi32, #tpu.memory_space<hbm>> -> memref<10000xi32, #tpu.memory_space<hbm>>
        %dma_wait3A_52 = tpu.memref_slice %arg3[%mul3A_22] : memref<320000xi32, #tpu.memory_space<hbm>> -> memref<10000xi32, #tpu.memory_space<hbm>>
        tpu.wait_dma2 semaphore(%run_scoped3A : memref<!tpu.dma_semaphore, #tpu.memory_space<semaphore_mem>>) src(%dma_wait3A_52 : memref<10000xi32, #tpu.memory_space<hbm>>) dst(%arg5 : memref<10000xi32, #tpu.memory_space<vmem>>)
        tpu.yield
      }) : () -> ()
      %add3A_23 = arith.constant 0 : i32
      %add3A_24 = arith.addi %mul3A_2, %add3A_23 : i32
      %mul3A_25 = arith.constant 320000 : i32
      %mul3A_26 = arith.muli %add3A_24, %mul3A_25 : i32
      %add3A_27 = arith.addi %mul3A_26, %mul3A_22 : i32
      "tpu.region"() ({
        %run_scoped3A = tpu.sem_alloc : memref<!tpu.dma_semaphore, #tpu.memory_space<semaphore_mem>>
        %dma_start3A = arith.constant 0 : i32
        %dma_start3A_51 = tpu.memref_slice %arg6[%dma_start3A] : memref<40000xf32, #tpu.memory_space<vmem>> -> memref<10000xf32, #tpu.memory_space<vmem>>
        %dma_start3A_52 = tpu.memref_slice %arg2[%add3A_27] : memref<40960000xf32, #tpu.memory_space<hbm>> -> memref<10000xf32, #tpu.memory_space<hbm>>
        %dma_start3A_53 = arith.constant 0 : i32
        %dma_start3A_54 = tpu.memref_slice %arg6[%dma_start3A_53] : memref<40000xf32, #tpu.memory_space<vmem>> -> memref<10000xf32, #tpu.memory_space<vmem>>
        %dma_start3A_55 = tpu.memref_slice %arg2[%add3A_27] : memref<40960000xf32, #tpu.memory_space<hbm>> -> memref<10000xf32, #tpu.memory_space<hbm>>
        tpu.enqueue_dma source(%dma_start3A_55 : memref<10000xf32, #tpu.memory_space<hbm>>) target(%dma_start3A_54 : memref<10000xf32, #tpu.memory_space<vmem>>) target_semaphore(%run_scoped3A : memref<!tpu.dma_semaphore, #tpu.memory_space<semaphore_mem>>)
        %dma_wait3A = arith.constant 0 : i32
        %dma_wait3A_56 = tpu.memref_slice %arg6[%dma_wait3A] : memref<40000xf32, #tpu.memory_space<vmem>> -> memref<10000xf32, #tpu.memory_space<vmem>>
        %dma_wait3A_57 = tpu.memref_slice %arg2[%add3A_27] : memref<40960000xf32, #tpu.memory_space<hbm>> -> memref<10000xf32, #tpu.memory_space<hbm>>
        %dma_wait3A_58 = arith.constant 0 : i32
        %dma_wait3A_59 = tpu.memref_slice %arg6[%dma_wait3A_58] : memref<40000xf32, #tpu.memory_space<vmem>> -> memref<10000xf32, #tpu.memory_space<vmem>>
        %dma_wait3A_60 = tpu.memref_slice %arg2[%add3A_27] : memref<40960000xf32, #tpu.memory_space<hbm>> -> memref<10000xf32, #tpu.memory_space<hbm>>
        tpu.wait_dma2 semaphore(%run_scoped3A : memref<!tpu.dma_semaphore, #tpu.memory_space<semaphore_mem>>) src(%dma_wait3A_60 : memref<10000xf32, #tpu.memory_space<hbm>>) dst(%dma_wait3A_59 : memref<10000xf32, #tpu.memory_space<vmem>>)
        tpu.yield
      }) : () -> ()
      %add3A_28 = arith.constant 1 : i32
      %add3A_29 = arith.addi %mul3A_2, %add3A_28 : i32
      %mul3A_30 = arith.constant 320000 : i32
      %mul3A_31 = arith.muli %add3A_29, %mul3A_30 : i32
      %add3A_32 = arith.addi %mul3A_31, %mul3A_22 : i32
      "tpu.region"() ({
        %run_scoped3A = tpu.sem_alloc : memref<!tpu.dma_semaphore, #tpu.memory_space<semaphore_mem>>
        %dma_start3A = arith.constant 10000 : i32
        %dma_start3A_51 = tpu.memref_slice %arg6[%dma_start3A] : memref<40000xf32, #tpu.memory_space<vmem>> -> memref<10000xf32, #tpu.memory_space<vmem>>
        %dma_start3A_52 = tpu.memref_slice %arg2[%add3A_32] : memref<40960000xf32, #tpu.memory_space<hbm>> -> memref<10000xf32, #tpu.memory_space<hbm>>
        %dma_start3A_53 = arith.constant 10000 : i32
        %dma_start3A_54 = tpu.memref_slice %arg6[%dma_start3A_53] : memref<40000xf32, #tpu.memory_space<vmem>> -> memref<10000xf32, #tpu.memory_space<vmem>>
        %dma_start3A_55 = tpu.memref_slice %arg2[%add3A_32] : memref<40960000xf32, #tpu.memory_space<hbm>> -> memref<10000xf32, #tpu.memory_space<hbm>>
        tpu.enqueue_dma source(%dma_start3A_55 : memref<10000xf32, #tpu.memory_space<hbm>>) target(%dma_start3A_54 : memref<10000xf32, #tpu.memory_space<vmem>>) target_semaphore(%run_scoped3A : memref<!tpu.dma_semaphore, #tpu.memory_space<semaphore_mem>>)
        %dma_wait3A = arith.constant 10000 : i32
        %dma_wait3A_56 = tpu.memref_slice %arg6[%dma_wait3A] : memref<40000xf32, #tpu.memory_space<vmem>> -> memref<10000xf32, #tpu.memory_space<vmem>>
        %dma_wait3A_57 = tpu.memref_slice %arg2[%add3A_32] : memref<40960000xf32, #tpu.memory_space<hbm>> -> memref<10000xf32, #tpu.memory_space<hbm>>
        %dma_wait3A_58 = arith.constant 10000 : i32
        %dma_wait3A_59 = tpu.memref_slice %arg6[%dma_wait3A_58] : memref<40000xf32, #tpu.memory_space<vmem>> -> memref<10000xf32, #tpu.memory_space<vmem>>
        %dma_wait3A_60 = tpu.memref_slice %arg2[%add3A_32] : memref<40960000xf32, #tpu.memory_space<hbm>> -> memref<10000xf32, #tpu.memory_space<hbm>>
        tpu.wait_dma2 semaphore(%run_scoped3A : memref<!tpu.dma_semaphore, #tpu.memory_space<semaphore_mem>>) src(%dma_wait3A_60 : memref<10000xf32, #tpu.memory_space<hbm>>) dst(%dma_wait3A_59 : memref<10000xf32, #tpu.memory_space<vmem>>)
        tpu.yield
      }) : () -> ()
      %add3A_33 = arith.constant 2 : i32
      %add3A_34 = arith.addi %mul3A_2, %add3A_33 : i32
      %mul3A_35 = arith.constant 320000 : i32
      %mul3A_36 = arith.muli %add3A_34, %mul3A_35 : i32
      %add3A_37 = arith.addi %mul3A_36, %mul3A_22 : i32
      "tpu.region"() ({
        %run_scoped3A = tpu.sem_alloc : memref<!tpu.dma_semaphore, #tpu.memory_space<semaphore_mem>>
        %dma_start3A = arith.constant 20000 : i32
        %dma_start3A_51 = tpu.memref_slice %arg6[%dma_start3A] : memref<40000xf32, #tpu.memory_space<vmem>> -> memref<10000xf32, #tpu.memory_space<vmem>>
        %dma_start3A_52 = tpu.memref_slice %arg2[%add3A_37] : memref<40960000xf32, #tpu.memory_space<hbm>> -> memref<10000xf32, #tpu.memory_space<hbm>>
        %dma_start3A_53 = arith.constant 20000 : i32
        %dma_start3A_54 = tpu.memref_slice %arg6[%dma_start3A_53] : memref<40000xf32, #tpu.memory_space<vmem>> -> memref<10000xf32, #tpu.memory_space<vmem>>
        %dma_start3A_55 = tpu.memref_slice %arg2[%add3A_37] : memref<40960000xf32, #tpu.memory_space<hbm>> -> memref<10000xf32, #tpu.memory_space<hbm>>
        tpu.enqueue_dma source(%dma_start3A_55 : memref<10000xf32, #tpu.memory_space<hbm>>) target(%dma_start3A_54 : memref<10000xf32, #tpu.memory_space<vmem>>) target_semaphore(%run_scoped3A : memref<!tpu.dma_semaphore, #tpu.memory_space<semaphore_mem>>)
        %dma_wait3A = arith.constant 20000 : i32
        %dma_wait3A_56 = tpu.memref_slice %arg6[%dma_wait3A] : memref<40000xf32, #tpu.memory_space<vmem>> -> memref<10000xf32, #tpu.memory_space<vmem>>
        %dma_wait3A_57 = tpu.memref_slice %arg2[%add3A_37] : memref<40960000xf32, #tpu.memory_space<hbm>> -> memref<10000xf32, #tpu.memory_space<hbm>>
        %dma_wait3A_58 = arith.constant 20000 : i32
        %dma_wait3A_59 = tpu.memref_slice %arg6[%dma_wait3A_58] : memref<40000xf32, #tpu.memory_space<vmem>> -> memref<10000xf32, #tpu.memory_space<vmem>>
        %dma_wait3A_60 = tpu.memref_slice %arg2[%add3A_37] : memref<40960000xf32, #tpu.memory_space<hbm>> -> memref<10000xf32, #tpu.memory_space<hbm>>
        tpu.wait_dma2 semaphore(%run_scoped3A : memref<!tpu.dma_semaphore, #tpu.memory_space<semaphore_mem>>) src(%dma_wait3A_60 : memref<10000xf32, #tpu.memory_space<hbm>>) dst(%dma_wait3A_59 : memref<10000xf32, #tpu.memory_space<vmem>>)
        tpu.yield
      }) : () -> ()
      %add3A_38 = arith.constant 3 : i32
      %add3A_39 = arith.addi %mul3A_2, %add3A_38 : i32
      %mul3A_40 = arith.constant 320000 : i32
      %mul3A_41 = arith.muli %add3A_39, %mul3A_40 : i32
      %add3A_42 = arith.addi %mul3A_41, %mul3A_22 : i32
      "tpu.region"() ({
        %run_scoped3A = tpu.sem_alloc : memref<!tpu.dma_semaphore, #tpu.memory_space<semaphore_mem>>
        %dma_start3A = arith.constant 30000 : i32
        %dma_start3A_51 = tpu.memref_slice %arg6[%dma_start3A] : memref<40000xf32, #tpu.memory_space<vmem>> -> memref<10000xf32, #tpu.memory_space<vmem>>
        %dma_start3A_52 = tpu.memref_slice %arg2[%add3A_42] : memref<40960000xf32, #tpu.memory_space<hbm>> -> memref<10000xf32, #tpu.memory_space<hbm>>
        %dma_start3A_53 = arith.constant 30000 : i32
        %dma_start3A_54 = tpu.memref_slice %arg6[%dma_start3A_53] : memref<40000xf32, #tpu.memory_space<vmem>> -> memref<10000xf32, #tpu.memory_space<vmem>>
        %dma_start3A_55 = tpu.memref_slice %arg2[%add3A_42] : memref<40960000xf32, #tpu.memory_space<hbm>> -> memref<10000xf32, #tpu.memory_space<hbm>>
        tpu.enqueue_dma source(%dma_start3A_55 : memref<10000xf32, #tpu.memory_space<hbm>>) target(%dma_start3A_54 : memref<10000xf32, #tpu.memory_space<vmem>>) target_semaphore(%run_scoped3A : memref<!tpu.dma_semaphore, #tpu.memory_space<semaphore_mem>>)
        %dma_wait3A = arith.constant 30000 : i32
        %dma_wait3A_56 = tpu.memref_slice %arg6[%dma_wait3A] : memref<40000xf32, #tpu.memory_space<vmem>> -> memref<10000xf32, #tpu.memory_space<vmem>>
        %dma_wait3A_57 = tpu.memref_slice %arg2[%add3A_42] : memref<40960000xf32, #tpu.memory_space<hbm>> -> memref<10000xf32, #tpu.memory_space<hbm>>
        %dma_wait3A_58 = arith.constant 30000 : i32
        %dma_wait3A_59 = tpu.memref_slice %arg6[%dma_wait3A_58] : memref<40000xf32, #tpu.memory_space<vmem>> -> memref<10000xf32, #tpu.memory_space<vmem>>
        %dma_wait3A_60 = tpu.memref_slice %arg2[%add3A_42] : memref<40960000xf32, #tpu.memory_space<hbm>> -> memref<10000xf32, #tpu.memory_space<hbm>>
        tpu.wait_dma2 semaphore(%run_scoped3A : memref<!tpu.dma_semaphore, #tpu.memory_space<semaphore_mem>>) src(%dma_wait3A_60 : memref<10000xf32, #tpu.memory_space<hbm>>) dst(%dma_wait3A_59 : memref<10000xf32, #tpu.memory_space<vmem>>)
        tpu.yield
      }) : () -> ()
      %scan3A_43 = arith.constant 0 : i32
      %scan3A_44 = arith.constant 0 : i32
      %scan3A_45 = arith.constant 625 : i32
      %scan3A_46 = arith.addi %scan3A_44, %scan3A_45 : i32
      %scan3A_47 = arith.constant 1 : i32
      %scan3A_48 = scf.for %scan3A_51 = %scan3A_44 to %scan3A_46 step %scan3A_47 iter_args(%scan3A_52 = %scan3A_43) -> (i32)  : i32 {
        %mul3A_53 = arith.constant 16 : i32
        %mul3A_54 = arith.muli %scan3A_51, %mul3A_53 : i32
        %get3A = arith.index_cast %mul3A_54 : i32 to index
        %get3A_55 = tpu.vector_load %arg5[%get3A] {strides = array<i32>} : memref<10000xi32, #tpu.memory_space<vmem>>, vector<16xi32>,
        %add3A_56 = arith.constant 0 : i32
        %add3A_57 = vector.broadcast %add3A_56 : i32 to vector<16xi32>
        %add3A_58 = arith.addi %get3A_55, %add3A_57 : vector<16xi32>
        %mul3A_59 = arith.constant 16 : i32
        %mul3A_60 = arith.muli %scan3A_51, %mul3A_59 : i32
        %add3A_61 = arith.constant 0 : i32
        %add3A_62 = arith.addi %add3A_61, %mul3A_60 : i32
        %get3A_63 = arith.index_cast %add3A_62 : i32 to index
        %get3A_64 = tpu.vector_load %arg6[%get3A_63] {strides = array<i32>} : memref<40000xf32, #tpu.memory_space<vmem>>, vector<16xf32>,
        tpu.vector_store_idx %arg7[%add3A_58], %get3A_64 {add = true} : memref<40448xf32, #tpu.memory_space<vmem>>[vector<16xi32>], vector<16xf32>,
        %add3A_65 = arith.constant 10112 : i32
        %add3A_66 = vector.broadcast %add3A_65 : i32 to vector<16xi32>
        %add3A_67 = arith.addi %get3A_55, %add3A_66 : vector<16xi32>
        %mul3A_68 = arith.constant 16 : i32
        %mul3A_69 = arith.muli %scan3A_51, %mul3A_68 : i32
        %add3A_70 = arith.constant 10000 : i32
        %add3A_71 = arith.addi %add3A_70, %mul3A_69 : i32
        %get3A_72 = arith.index_cast %add3A_71 : i32 to index
        %get3A_73 = tpu.vector_load %arg6[%get3A_72] {strides = array<i32>} : memref<40000xf32, #tpu.memory_space<vmem>>, vector<16xf32>,
        tpu.vector_store_idx %arg7[%add3A_67], %get3A_73 {add = true} : memref<40448xf32, #tpu.memory_space<vmem>>[vector<16xi32>], vector<16xf32>,
        %add3A_74 = arith.constant 20224 : i32
        %add3A_75 = vector.broadcast %add3A_74 : i32 to vector<16xi32>
        %add3A_76 = arith.addi %get3A_55, %add3A_75 : vector<16xi32>
        %mul3A_77 = arith.constant 16 : i32
        %mul3A_78 = arith.muli %scan3A_51, %mul3A_77 : i32
        %add3A_79 = arith.constant 20000 : i32
        %add3A_80 = arith.addi %add3A_79, %mul3A_78 : i32
        %get3A_81 = arith.index_cast %add3A_80 : i32 to index
        %get3A_82 = tpu.vector_load %arg6[%get3A_81] {strides = array<i32>} : memref<40000xf32, #tpu.memory_space<vmem>>, vector<16xf32>,
        tpu.vector_store_idx %arg7[%add3A_76], %get3A_82 {add = true} : memref<40448xf32, #tpu.memory_space<vmem>>[vector<16xi32>], vector<16xf32>,
        %add3A_83 = arith.constant 30336 : i32
        %add3A_84 = vector.broadcast %add3A_83 : i32 to vector<16xi32>
        %add3A_85 = arith.addi %get3A_55, %add3A_84 : vector<16xi32>
        %mul3A_86 = arith.constant 16 : i32
        %mul3A_87 = arith.muli %scan3A_51, %mul3A_86 : i32
        %add3A_88 = arith.constant 30000 : i32
        %add3A_89 = arith.addi %add3A_88, %mul3A_87 : i32
        %get3A_90 = arith.index_cast %add3A_89 : i32 to index
        %get3A_91 = tpu.vector_load %arg6[%get3A_90] {strides = array<i32>} : memref<40000xf32, #tpu.memory_space<vmem>>, vector<16xf32>,
        tpu.vector_store_idx %arg7[%add3A_85], %get3A_91 {add = true} : memref<40448xf32, #tpu.memory_space<vmem>>[vector<16xi32>], vector<16xf32>,
        %scan3A_92 = arith.constant 0 : i32
        scf.yield %scan3A_92 : i32
      }
      %scan3A_49 = arith.constant 625 : i32
      %scan3A_50 = arith.constant 0 : i32
      scf.yield %scan3A_50 : i32
    }
    %scan3A_16 = arith.constant 32 : i32
    %mul3A_17 = arith.constant 10112 : i32
    %mul3A_18 = arith.muli %mul3A_2, %mul3A_17 : i32
    "tpu.region"() ({
      %run_scoped3A = tpu.sem_alloc : memref<!tpu.dma_semaphore, #tpu.memory_space<semaphore_mem>>
      %dma_start3A = tpu.memref_slice %arg4[%mul3A_18] : memref<1294336xf32, #tpu.memory_space<hbm>> -> memref<40448xf32, #tpu.memory_space<hbm>>
      %dma_start3A_19 = tpu.memref_slice %arg4[%mul3A_18] : memref<1294336xf32, #tpu.memory_space<hbm>> -> memref<40448xf32, #tpu.memory_space<hbm>>
      tpu.enqueue_dma source(%arg7 : memref<40448xf32, #tpu.memory_space<vmem>>) target(%dma_start3A_19 : memref<40448xf32, #tpu.memory_space<hbm>>) target_semaphore(%run_scoped3A : memref<!tpu.dma_semaphore, #tpu.memory_space<semaphore_mem>>)
      %dma_wait3A = tpu.memref_slice %arg4[%mul3A_18] : memref<1294336xf32, #tpu.memory_space<hbm>> -> memref<40448xf32, #tpu.memory_space<hbm>>
      %dma_wait3A_20 = tpu.memref_slice %arg4[%mul3A_18] : memref<1294336xf32, #tpu.memory_space<hbm>> -> memref<40448xf32, #tpu.memory_space<hbm>>
      tpu.wait_dma2 semaphore(%run_scoped3A : memref<!tpu.dma_semaphore, #tpu.memory_space<semaphore_mem>>) src(%arg7 : memref<40448xf32, #tpu.memory_space<vmem>>) dst(%dma_wait3A_20 : memref<40448xf32, #tpu.memory_space<hbm>>)
      tpu.yield
    }) : () -> ()
    return
  }
}

#map = affine_map<(d0, d1) -> (0, 0)>
#map1 = affine_map<(d0, d1) -> (0)>
module attributes {stable_mosaic.version = 14 : i64} {
  func.func @_gather_body(%arg0: i32, %arg1: i32, %arg2: memref<10000x128xf32, #tpu.memory_space<hbm>>, %arg3: memref<320000xi32, #tpu.memory_space<hbm>>, %arg4: memref<320000xi32, #tpu.memory_space<hbm>>, %arg5: memref<320000x128xf32, #tpu.memory_space<hbm>>, %arg6: memref<320000x128xf32, #tpu.memory_space<hbm>>, %arg7: memref<200xi32, #tpu.memory_space<vmem>>, %arg8: memref<200xi32, #tpu.memory_space<vmem>>, %arg9: memref<200x128xf32, #tpu.memory_space<vmem>>, %arg10: memref<200x128xf32, #tpu.memory_space<vmem>>, %arg11: memref<!tpu.dma_semaphore, #tpu.memory_space<semaphore_mem>>, %arg12: memref<!tpu.dma_semaphore, #tpu.memory_space<semaphore_mem>>) attributes {dimension_semantics = [#tpu.dimension_semantics<core_parallel>, #tpu.dimension_semantics<subcore_parallel>], iteration_bounds = array<i64: 2, 16>, scalar_prefetch = 0 : i64, scratch_operands = 6 : i64, tpu.core_type = #tpu.core_type<sc_vector_subcore>, window_params = [{transform_indices = #map}, {transform_indices = #map1}, {transform_indices = #map1}, {transform_indices = #map}, {transform_indices = #map}]} {
    %mul3A = arith.constant 2 : i32
    %mul3A_0 = arith.muli %arg1, %mul3A : i32
    %add3A = arith.addi %mul3A_0, %arg0 : i32
    %mul3A_1 = arith.constant 10000 : i32
    %mul3A_2 = arith.muli %add3A, %mul3A_1 : i32
    %scan3A = arith.constant 0 : i32
    %scan3A_3 = arith.constant 0 : i32
    %scan3A_4 = arith.constant 50 : i32
    %scan3A_5 = arith.addi %scan3A_3, %scan3A_4 : i32
    %scan3A_6 = arith.constant 1 : i32
    %scan3A_7 = scf.for %scan3A_9 = %scan3A_3 to %scan3A_5 step %scan3A_6 iter_args(%scan3A_10 = %scan3A) -> (i32)  : i32 {
      %mul3A_11 = arith.constant 200 : i32
      %mul3A_12 = arith.muli %scan3A_9, %mul3A_11 : i32
      %add3A_13 = arith.addi %mul3A_2, %mul3A_12 : i32
      "tpu.region"() ({
        %run_scoped3A = tpu.sem_alloc : memref<!tpu.dma_semaphore, #tpu.memory_space<semaphore_mem>>
        %dma_start3A_25 = tpu.memref_slice %arg3[%add3A_13] : memref<320000xi32, #tpu.memory_space<hbm>> -> memref<200xi32, #tpu.memory_space<hbm>>
        %dma_start3A_26 = tpu.memref_slice %arg3[%add3A_13] : memref<320000xi32, #tpu.memory_space<hbm>> -> memref<200xi32, #tpu.memory_space<hbm>>
        tpu.enqueue_dma source(%dma_start3A_26 : memref<200xi32, #tpu.memory_space<hbm>>) target(%arg7 : memref<200xi32, #tpu.memory_space<vmem>>) target_semaphore(%run_scoped3A : memref<!tpu.dma_semaphore, #tpu.memory_space<semaphore_mem>>)
        %dma_wait3A_27 = tpu.memref_slice %arg3[%add3A_13] : memref<320000xi32, #tpu.memory_space<hbm>> -> memref<200xi32, #tpu.memory_space<hbm>>
        %dma_wait3A_28 = tpu.memref_slice %arg3[%add3A_13] : memref<320000xi32, #tpu.memory_space<hbm>> -> memref<200xi32, #tpu.memory_space<hbm>>
        tpu.wait_dma2 semaphore(%run_scoped3A : memref<!tpu.dma_semaphore, #tpu.memory_space<semaphore_mem>>) src(%dma_wait3A_28 : memref<200xi32, #tpu.memory_space<hbm>>) dst(%arg7 : memref<200xi32, #tpu.memory_space<vmem>>)
        tpu.yield
      }) : () -> ()
      %dma_start3A = arith.constant 0 : i32
      %dma_start3A_14 = arith.constant 0 : i32
      %dma_start3A_15 = tpu.memref_slice %arg2[%dma_start3A, %dma_start3A_14] : memref<10000x128xf32, #tpu.memory_space<hbm>> -> memref<10000x128xf32, #tpu.memory_space<hbm>>
      tpu.enqueue_indirect_dma source(%dma_start3A_15 : memref<10000x128xf32, #tpu.memory_space<hbm>>) target(%arg9 : memref<200x128xf32, #tpu.memory_space<vmem>>) offsets(%arg7 : memref<200xi32, #tpu.memory_space<vmem>>) semaphore(%arg11 : memref<!tpu.dma_semaphore, #tpu.memory_space<semaphore_mem>>)
      "tpu.region"() ({
        %run_scoped3A = tpu.sem_alloc : memref<!tpu.dma_semaphore, #tpu.memory_space<semaphore_mem>>
        %dma_start3A_25 = tpu.memref_slice %arg4[%add3A_13] : memref<320000xi32, #tpu.memory_space<hbm>> -> memref<200xi32, #tpu.memory_space<hbm>>
        %dma_start3A_26 = tpu.memref_slice %arg4[%add3A_13] : memref<320000xi32, #tpu.memory_space<hbm>> -> memref<200xi32, #tpu.memory_space<hbm>>
        tpu.enqueue_dma source(%dma_start3A_26 : memref<200xi32, #tpu.memory_space<hbm>>) target(%arg8 : memref<200xi32, #tpu.memory_space<vmem>>) target_semaphore(%run_scoped3A : memref<!tpu.dma_semaphore, #tpu.memory_space<semaphore_mem>>)
        %dma_wait3A_27 = tpu.memref_slice %arg4[%add3A_13] : memref<320000xi32, #tpu.memory_space<hbm>> -> memref<200xi32, #tpu.memory_space<hbm>>
        %dma_wait3A_28 = tpu.memref_slice %arg4[%add3A_13] : memref<320000xi32, #tpu.memory_space<hbm>> -> memref<200xi32, #tpu.memory_space<hbm>>
        tpu.wait_dma2 semaphore(%run_scoped3A : memref<!tpu.dma_semaphore, #tpu.memory_space<semaphore_mem>>) src(%dma_wait3A_28 : memref<200xi32, #tpu.memory_space<hbm>>) dst(%arg8 : memref<200xi32, #tpu.memory_space<vmem>>)
        tpu.yield
      }) : () -> ()
      %dma_start3A_16 = arith.constant 0 : i32
      %dma_start3A_17 = arith.constant 0 : i32
      %dma_start3A_18 = tpu.memref_slice %arg2[%dma_start3A_16, %dma_start3A_17] : memref<10000x128xf32, #tpu.memory_space<hbm>> -> memref<10000x128xf32, #tpu.memory_space<hbm>>
      tpu.enqueue_indirect_dma source(%dma_start3A_18 : memref<10000x128xf32, #tpu.memory_space<hbm>>) target(%arg10 : memref<200x128xf32, #tpu.memory_space<vmem>>) offsets(%arg8 : memref<200xi32, #tpu.memory_space<vmem>>) semaphore(%arg12 : memref<!tpu.dma_semaphore, #tpu.memory_space<semaphore_mem>>)
      %dma_wait3A = arith.constant 0 : i32
      %dma_wait3A_19 = arith.constant 0 : i32
      %dma_wait3A_20 = tpu.memref_slice %arg2[%dma_wait3A, %dma_wait3A_19] : memref<10000x128xf32, #tpu.memory_space<hbm>> -> memref<10000x128xf32, #tpu.memory_space<hbm>>
      tpu.wait_indirect_dma semaphore(%arg11 : memref<!tpu.dma_semaphore, #tpu.memory_space<semaphore_mem>>) src(%dma_wait3A_20 : memref<10000x128xf32, #tpu.memory_space<hbm>>) dst(%arg9 : memref<200x128xf32, #tpu.memory_space<vmem>>)
      "tpu.region"() ({
        %run_scoped3A = tpu.sem_alloc : memref<!tpu.dma_semaphore, #tpu.memory_space<semaphore_mem>>
        %dma_start3A_25 = arith.constant 0 : i32
        %dma_start3A_26 = tpu.memref_slice %arg5[%add3A_13, %dma_start3A_25] : memref<320000x128xf32, #tpu.memory_space<hbm>> -> memref<200x128xf32, #tpu.memory_space<hbm>>
        %dma_start3A_27 = arith.constant 0 : i32
        %dma_start3A_28 = tpu.memref_slice %arg5[%add3A_13, %dma_start3A_27] : memref<320000x128xf32, #tpu.memory_space<hbm>> -> memref<200x128xf32, #tpu.memory_space<hbm>>
        tpu.enqueue_dma source(%arg9 : memref<200x128xf32, #tpu.memory_space<vmem>>) target(%dma_start3A_28 : memref<200x128xf32, #tpu.memory_space<hbm>>) target_semaphore(%run_scoped3A : memref<!tpu.dma_semaphore, #tpu.memory_space<semaphore_mem>>)
        %dma_wait3A_29 = arith.constant 0 : i32
        %dma_wait3A_30 = tpu.memref_slice %arg5[%add3A_13, %dma_wait3A_29] : memref<320000x128xf32, #tpu.memory_space<hbm>> -> memref<200x128xf32, #tpu.memory_space<hbm>>
        %dma_wait3A_31 = arith.constant 0 : i32
        %dma_wait3A_32 = tpu.memref_slice %arg5[%add3A_13, %dma_wait3A_31] : memref<320000x128xf32, #tpu.memory_space<hbm>> -> memref<200x128xf32, #tpu.memory_space<hbm>>
        tpu.wait_dma2 semaphore(%run_scoped3A : memref<!tpu.dma_semaphore, #tpu.memory_space<semaphore_mem>>) src(%arg9 : memref<200x128xf32, #tpu.memory_space<vmem>>) dst(%dma_wait3A_32 : memref<200x128xf32, #tpu.memory_space<hbm>>)
        tpu.yield
      }) : () -> ()
      %dma_wait3A_21 = arith.constant 0 : i32
      %dma_wait3A_22 = arith.constant 0 : i32
      %dma_wait3A_23 = tpu.memref_slice %arg2[%dma_wait3A_21, %dma_wait3A_22] : memref<10000x128xf32, #tpu.memory_space<hbm>> -> memref<10000x128xf32, #tpu.memory_space<hbm>>
      tpu.wait_indirect_dma semaphore(%arg12 : memref<!tpu.dma_semaphore, #tpu.memory_space<semaphore_mem>>) src(%dma_wait3A_23 : memref<10000x128xf32, #tpu.memory_space<hbm>>) dst(%arg10 : memref<200x128xf32, #tpu.memory_space<vmem>>)
      "tpu.region"() ({
        %run_scoped3A = tpu.sem_alloc : memref<!tpu.dma_semaphore, #tpu.memory_space<semaphore_mem>>
        %dma_start3A_25 = arith.constant 0 : i32
        %dma_start3A_26 = tpu.memref_slice %arg6[%add3A_13, %dma_start3A_25] : memref<320000x128xf32, #tpu.memory_space<hbm>> -> memref<200x128xf32, #tpu.memory_space<hbm>>
        %dma_start3A_27 = arith.constant 0 : i32
        %dma_start3A_28 = tpu.memref_slice %arg6[%add3A_13, %dma_start3A_27] : memref<320000x128xf32, #tpu.memory_space<hbm>> -> memref<200x128xf32, #tpu.memory_space<hbm>>
        tpu.enqueue_dma source(%arg10 : memref<200x128xf32, #tpu.memory_space<vmem>>) target(%dma_start3A_28 : memref<200x128xf32, #tpu.memory_space<hbm>>) target_semaphore(%run_scoped3A : memref<!tpu.dma_semaphore, #tpu.memory_space<semaphore_mem>>)
        %dma_wait3A_29 = arith.constant 0 : i32
        %dma_wait3A_30 = tpu.memref_slice %arg6[%add3A_13, %dma_wait3A_29] : memref<320000x128xf32, #tpu.memory_space<hbm>> -> memref<200x128xf32, #tpu.memory_space<hbm>>
        %dma_wait3A_31 = arith.constant 0 : i32
        %dma_wait3A_32 = tpu.memref_slice %arg6[%add3A_13, %dma_wait3A_31] : memref<320000x128xf32, #tpu.memory_space<hbm>> -> memref<200x128xf32, #tpu.memory_space<hbm>>
        tpu.wait_dma2 semaphore(%run_scoped3A : memref<!tpu.dma_semaphore, #tpu.memory_space<semaphore_mem>>) src(%arg10 : memref<200x128xf32, #tpu.memory_space<vmem>>) dst(%dma_wait3A_32 : memref<200x128xf32, #tpu.memory_space<hbm>>)
        tpu.yield
      }) : () -> ()
      %scan3A_24 = arith.constant 0 : i32
      scf.yield %scan3A_24 : i32
    }
    %scan3A_8 = arith.constant 50 : i32
    return
  }
}

#map = affine_map<(d0, d1) -> (0)>
module attributes {stable_mosaic.version = 14 : i64} {
  func.func @_scatter_body(%arg0: i32, %arg1: i32, %arg2: memref<40960000xf32, #tpu.memory_space<hbm>>, %arg3: memref<320000xi32, #tpu.memory_space<hbm>>, %arg4: memref<1294336xf32, #tpu.memory_space<hbm>>, %arg5: memref<10000xi32, #tpu.memory_space<vmem>>, %arg6: memref<40000xf32, #tpu.memory_space<vmem>>, %arg7: memref<40448xf32, #tpu.memory_space<vmem>>, %arg8: memref<!tpu.dma_semaphore, #tpu.memory_space<semaphore_mem>>) attributes {dimension_semantics = [#tpu.dimension_semantics<core_parallel>, #tpu.dimension_semantics<subcore_parallel>], iteration_bounds = array<i64: 2, 16>, scalar_prefetch = 0 : i64, scratch_operands = 4 : i64, tpu.core_type = #tpu.core_type<sc_vector_subcore>, window_params = [{transform_indices = #map}, {transform_indices = #map}, {transform_indices = #map}]} {
    %mul3A = arith.constant 2 : i32
    %mul3A_0 = arith.muli %arg1, %mul3A : i32
    %add3A = arith.addi %mul3A_0, %arg0 : i32
    %mul3A_1 = arith.constant 4 : i32
    %mul3A_2 = arith.muli %add3A, %mul3A_1 : i32
    %broadcast_in_dim3A = arith.constant 0.000000e+00 : f32
    %broadcast_in_dim3A_3 = vector.broadcast %broadcast_in_dim3A : f32 to vector<16xf32>
    %scan3A = arith.constant 0 : i32
    %scan3A_4 = arith.constant 0 : i32
    %scan3A_5 = arith.constant 2528 : i32
    %scan3A_6 = arith.addi %scan3A_4, %scan3A_5 : i32
    %scan3A_7 = arith.constant 1 : i32
    %scan3A_8 = scf.for %scan3A_19 = %scan3A_4 to %scan3A_6 step %scan3A_7 iter_args(%scan3A_20 = %scan3A) -> (i32)  : i32 {
      %mul3A_21 = arith.constant 16 : i32
      %mul3A_22 = arith.muli %scan3A_19, %mul3A_21 : i32
      %swap3A = arith.index_cast %mul3A_22 : i32 to index
      %swap3A_23 = tpu.vector_load %arg7[%swap3A] {strides = array<i32>} : memref<40448xf32, #tpu.memory_space<vmem>>, vector<16xf32>,
      tpu.vector_store %arg7[%swap3A], %broadcast_in_dim3A_3 {strides = array<i32>} : memref<40448xf32, #tpu.memory_space<vmem>>, vector<16xf32>,
      %scan3A_24 = arith.constant 0 : i32
      scf.yield %scan3A_24 : i32
    }
    %scan3A_9 = arith.constant 2528 : i32
    %scan3A_10 = arith.constant 0 : i32
    %scan3A_11 = arith.constant 0 : i32
    %scan3A_12 = arith.constant 32 : i32
    %scan3A_13 = arith.addi %scan3A_11, %scan3A_12 : i32
    %scan3A_14 = arith.constant 1 : i32
    %scan3A_15 = scf.for %scan3A_19 = %scan3A_11 to %scan3A_13 step %scan3A_14 iter_args(%scan3A_20 = %scan3A_10) -> (i32)  : i32 {
      %mul3A_21 = arith.constant 10000 : i32
      %mul3A_22 = arith.muli %scan3A_19, %mul3A_21 : i32
      "tpu.region"() ({
        %run_scoped3A = tpu.sem_alloc : memref<!tpu.dma_semaphore, #tpu.memory_space<semaphore_mem>>
        %dma_start3A = tpu.memref_slice %arg3[%mul3A_22] : memref<320000xi32, #tpu.memory_space<hbm>> -> memref<10000xi32, #tpu.memory_space<hbm>>
        %dma_start3A_51 = tpu.memref_slice %arg3[%mul3A_22] : memref<320000xi32, #tpu.memory_space<hbm>> -> memref<10000xi32, #tpu.memory_space<hbm>>
        tpu.enqueue_dma source(%dma_start3A_51 : memref<10000xi32, #tpu.memory_space<hbm>>) target(%arg5 : memref<10000xi32, #tpu.memory_space<vmem>>) target_semaphore(%run_scoped3A : memref<!tpu.dma_semaphore, #tpu.memory_space<semaphore_mem>>)
        %dma_wait3A = tpu.memref_slice %arg3[%mul3A_22] : memref<320000xi32, #tpu.memory_space<hbm>> -> memref<10000xi32, #tpu.memory_space<hbm>>
        %dma_wait3A_52 = tpu.memref_slice %arg3[%mul3A_22] : memref<320000xi32, #tpu.memory_space<hbm>> -> memref<10000xi32, #tpu.memory_space<hbm>>
        tpu.wait_dma2 semaphore(%run_scoped3A : memref<!tpu.dma_semaphore, #tpu.memory_space<semaphore_mem>>) src(%dma_wait3A_52 : memref<10000xi32, #tpu.memory_space<hbm>>) dst(%arg5 : memref<10000xi32, #tpu.memory_space<vmem>>)
        tpu.yield
      }) : () -> ()
      %add3A_23 = arith.constant 0 : i32
      %add3A_24 = arith.addi %mul3A_2, %add3A_23 : i32
      %mul3A_25 = arith.constant 320000 : i32
      %mul3A_26 = arith.muli %add3A_24, %mul3A_25 : i32
      %add3A_27 = arith.addi %mul3A_26, %mul3A_22 : i32
      "tpu.region"() ({
        %run_scoped3A = tpu.sem_alloc : memref<!tpu.dma_semaphore, #tpu.memory_space<semaphore_mem>>
        %dma_start3A = arith.constant 0 : i32
        %dma_start3A_51 = tpu.memref_slice %arg6[%dma_start3A] : memref<40000xf32, #tpu.memory_space<vmem>> -> memref<10000xf32, #tpu.memory_space<vmem>>
        %dma_start3A_52 = tpu.memref_slice %arg2[%add3A_27] : memref<40960000xf32, #tpu.memory_space<hbm>> -> memref<10000xf32, #tpu.memory_space<hbm>>
        %dma_start3A_53 = arith.constant 0 : i32
        %dma_start3A_54 = tpu.memref_slice %arg6[%dma_start3A_53] : memref<40000xf32, #tpu.memory_space<vmem>> -> memref<10000xf32, #tpu.memory_space<vmem>>
        %dma_start3A_55 = tpu.memref_slice %arg2[%add3A_27] : memref<40960000xf32, #tpu.memory_space<hbm>> -> memref<10000xf32, #tpu.memory_space<hbm>>
        tpu.enqueue_dma source(%dma_start3A_55 : memref<10000xf32, #tpu.memory_space<hbm>>) target(%dma_start3A_54 : memref<10000xf32, #tpu.memory_space<vmem>>) target_semaphore(%run_scoped3A : memref<!tpu.dma_semaphore, #tpu.memory_space<semaphore_mem>>)
        %dma_wait3A = arith.constant 0 : i32
        %dma_wait3A_56 = tpu.memref_slice %arg6[%dma_wait3A] : memref<40000xf32, #tpu.memory_space<vmem>> -> memref<10000xf32, #tpu.memory_space<vmem>>
        %dma_wait3A_57 = tpu.memref_slice %arg2[%add3A_27] : memref<40960000xf32, #tpu.memory_space<hbm>> -> memref<10000xf32, #tpu.memory_space<hbm>>
        %dma_wait3A_58 = arith.constant 0 : i32
        %dma_wait3A_59 = tpu.memref_slice %arg6[%dma_wait3A_58] : memref<40000xf32, #tpu.memory_space<vmem>> -> memref<10000xf32, #tpu.memory_space<vmem>>
        %dma_wait3A_60 = tpu.memref_slice %arg2[%add3A_27] : memref<40960000xf32, #tpu.memory_space<hbm>> -> memref<10000xf32, #tpu.memory_space<hbm>>
        tpu.wait_dma2 semaphore(%run_scoped3A : memref<!tpu.dma_semaphore, #tpu.memory_space<semaphore_mem>>) src(%dma_wait3A_60 : memref<10000xf32, #tpu.memory_space<hbm>>) dst(%dma_wait3A_59 : memref<10000xf32, #tpu.memory_space<vmem>>)
        tpu.yield
      }) : () -> ()
      %add3A_28 = arith.constant 1 : i32
      %add3A_29 = arith.addi %mul3A_2, %add3A_28 : i32
      %mul3A_30 = arith.constant 320000 : i32
      %mul3A_31 = arith.muli %add3A_29, %mul3A_30 : i32
      %add3A_32 = arith.addi %mul3A_31, %mul3A_22 : i32
      "tpu.region"() ({
        %run_scoped3A = tpu.sem_alloc : memref<!tpu.dma_semaphore, #tpu.memory_space<semaphore_mem>>
        %dma_start3A = arith.constant 10000 : i32
        %dma_start3A_51 = tpu.memref_slice %arg6[%dma_start3A] : memref<40000xf32, #tpu.memory_space<vmem>> -> memref<10000xf32, #tpu.memory_space<vmem>>
        %dma_start3A_52 = tpu.memref_slice %arg2[%add3A_32] : memref<40960000xf32, #tpu.memory_space<hbm>> -> memref<10000xf32, #tpu.memory_space<hbm>>
        %dma_start3A_53 = arith.constant 10000 : i32
        %dma_start3A_54 = tpu.memref_slice %arg6[%dma_start3A_53] : memref<40000xf32, #tpu.memory_space<vmem>> -> memref<10000xf32, #tpu.memory_space<vmem>>
        %dma_start3A_55 = tpu.memref_slice %arg2[%add3A_32] : memref<40960000xf32, #tpu.memory_space<hbm>> -> memref<10000xf32, #tpu.memory_space<hbm>>
        tpu.enqueue_dma source(%dma_start3A_55 : memref<10000xf32, #tpu.memory_space<hbm>>) target(%dma_start3A_54 : memref<10000xf32, #tpu.memory_space<vmem>>) target_semaphore(%run_scoped3A : memref<!tpu.dma_semaphore, #tpu.memory_space<semaphore_mem>>)
        %dma_wait3A = arith.constant 10000 : i32
        %dma_wait3A_56 = tpu.memref_slice %arg6[%dma_wait3A] : memref<40000xf32, #tpu.memory_space<vmem>> -> memref<10000xf32, #tpu.memory_space<vmem>>
        %dma_wait3A_57 = tpu.memref_slice %arg2[%add3A_32] : memref<40960000xf32, #tpu.memory_space<hbm>> -> memref<10000xf32, #tpu.memory_space<hbm>>
        %dma_wait3A_58 = arith.constant 10000 : i32
        %dma_wait3A_59 = tpu.memref_slice %arg6[%dma_wait3A_58] : memref<40000xf32, #tpu.memory_space<vmem>> -> memref<10000xf32, #tpu.memory_space<vmem>>
        %dma_wait3A_60 = tpu.memref_slice %arg2[%add3A_32] : memref<40960000xf32, #tpu.memory_space<hbm>> -> memref<10000xf32, #tpu.memory_space<hbm>>
        tpu.wait_dma2 semaphore(%run_scoped3A : memref<!tpu.dma_semaphore, #tpu.memory_space<semaphore_mem>>) src(%dma_wait3A_60 : memref<10000xf32, #tpu.memory_space<hbm>>) dst(%dma_wait3A_59 : memref<10000xf32, #tpu.memory_space<vmem>>)
        tpu.yield
      }) : () -> ()
      %add3A_33 = arith.constant 2 : i32
      %add3A_34 = arith.addi %mul3A_2, %add3A_33 : i32
      %mul3A_35 = arith.constant 320000 : i32
      %mul3A_36 = arith.muli %add3A_34, %mul3A_35 : i32
      %add3A_37 = arith.addi %mul3A_36, %mul3A_22 : i32
      "tpu.region"() ({
        %run_scoped3A = tpu.sem_alloc : memref<!tpu.dma_semaphore, #tpu.memory_space<semaphore_mem>>
        %dma_start3A = arith.constant 20000 : i32
        %dma_start3A_51 = tpu.memref_slice %arg6[%dma_start3A] : memref<40000xf32, #tpu.memory_space<vmem>> -> memref<10000xf32, #tpu.memory_space<vmem>>
        %dma_start3A_52 = tpu.memref_slice %arg2[%add3A_37] : memref<40960000xf32, #tpu.memory_space<hbm>> -> memref<10000xf32, #tpu.memory_space<hbm>>
        %dma_start3A_53 = arith.constant 20000 : i32
        %dma_start3A_54 = tpu.memref_slice %arg6[%dma_start3A_53] : memref<40000xf32, #tpu.memory_space<vmem>> -> memref<10000xf32, #tpu.memory_space<vmem>>
        %dma_start3A_55 = tpu.memref_slice %arg2[%add3A_37] : memref<40960000xf32, #tpu.memory_space<hbm>> -> memref<10000xf32, #tpu.memory_space<hbm>>
        tpu.enqueue_dma source(%dma_start3A_55 : memref<10000xf32, #tpu.memory_space<hbm>>) target(%dma_start3A_54 : memref<10000xf32, #tpu.memory_space<vmem>>) target_semaphore(%run_scoped3A : memref<!tpu.dma_semaphore, #tpu.memory_space<semaphore_mem>>)
        %dma_wait3A = arith.constant 20000 : i32
        %dma_wait3A_56 = tpu.memref_slice %arg6[%dma_wait3A] : memref<40000xf32, #tpu.memory_space<vmem>> -> memref<10000xf32, #tpu.memory_space<vmem>>
        %dma_wait3A_57 = tpu.memref_slice %arg2[%add3A_37] : memref<40960000xf32, #tpu.memory_space<hbm>> -> memref<10000xf32, #tpu.memory_space<hbm>>
        %dma_wait3A_58 = arith.constant 20000 : i32
        %dma_wait3A_59 = tpu.memref_slice %arg6[%dma_wait3A_58] : memref<40000xf32, #tpu.memory_space<vmem>> -> memref<10000xf32, #tpu.memory_space<vmem>>
        %dma_wait3A_60 = tpu.memref_slice %arg2[%add3A_37] : memref<40960000xf32, #tpu.memory_space<hbm>> -> memref<10000xf32, #tpu.memory_space<hbm>>
        tpu.wait_dma2 semaphore(%run_scoped3A : memref<!tpu.dma_semaphore, #tpu.memory_space<semaphore_mem>>) src(%dma_wait3A_60 : memref<10000xf32, #tpu.memory_space<hbm>>) dst(%dma_wait3A_59 : memref<10000xf32, #tpu.memory_space<vmem>>)
        tpu.yield
      }) : () -> ()
      %add3A_38 = arith.constant 3 : i32
      %add3A_39 = arith.addi %mul3A_2, %add3A_38 : i32
      %mul3A_40 = arith.constant 320000 : i32
      %mul3A_41 = arith.muli %add3A_39, %mul3A_40 : i32
      %add3A_42 = arith.addi %mul3A_41, %mul3A_22 : i32
      "tpu.region"() ({
        %run_scoped3A = tpu.sem_alloc : memref<!tpu.dma_semaphore, #tpu.memory_space<semaphore_mem>>
        %dma_start3A = arith.constant 30000 : i32
        %dma_start3A_51 = tpu.memref_slice %arg6[%dma_start3A] : memref<40000xf32, #tpu.memory_space<vmem>> -> memref<10000xf32, #tpu.memory_space<vmem>>
        %dma_start3A_52 = tpu.memref_slice %arg2[%add3A_42] : memref<40960000xf32, #tpu.memory_space<hbm>> -> memref<10000xf32, #tpu.memory_space<hbm>>
        %dma_start3A_53 = arith.constant 30000 : i32
        %dma_start3A_54 = tpu.memref_slice %arg6[%dma_start3A_53] : memref<40000xf32, #tpu.memory_space<vmem>> -> memref<10000xf32, #tpu.memory_space<vmem>>
        %dma_start3A_55 = tpu.memref_slice %arg2[%add3A_42] : memref<40960000xf32, #tpu.memory_space<hbm>> -> memref<10000xf32, #tpu.memory_space<hbm>>
        tpu.enqueue_dma source(%dma_start3A_55 : memref<10000xf32, #tpu.memory_space<hbm>>) target(%dma_start3A_54 : memref<10000xf32, #tpu.memory_space<vmem>>) target_semaphore(%run_scoped3A : memref<!tpu.dma_semaphore, #tpu.memory_space<semaphore_mem>>)
        %dma_wait3A = arith.constant 30000 : i32
        %dma_wait3A_56 = tpu.memref_slice %arg6[%dma_wait3A] : memref<40000xf32, #tpu.memory_space<vmem>> -> memref<10000xf32, #tpu.memory_space<vmem>>
        %dma_wait3A_57 = tpu.memref_slice %arg2[%add3A_42] : memref<40960000xf32, #tpu.memory_space<hbm>> -> memref<10000xf32, #tpu.memory_space<hbm>>
        %dma_wait3A_58 = arith.constant 30000 : i32
        %dma_wait3A_59 = tpu.memref_slice %arg6[%dma_wait3A_58] : memref<40000xf32, #tpu.memory_space<vmem>> -> memref<10000xf32, #tpu.memory_space<vmem>>
        %dma_wait3A_60 = tpu.memref_slice %arg2[%add3A_42] : memref<40960000xf32, #tpu.memory_space<hbm>> -> memref<10000xf32, #tpu.memory_space<hbm>>
        tpu.wait_dma2 semaphore(%run_scoped3A : memref<!tpu.dma_semaphore, #tpu.memory_space<semaphore_mem>>) src(%dma_wait3A_60 : memref<10000xf32, #tpu.memory_space<hbm>>) dst(%dma_wait3A_59 : memref<10000xf32, #tpu.memory_space<vmem>>)
        tpu.yield
      }) : () -> ()
      %scan3A_43 = arith.constant 0 : i32
      %scan3A_44 = arith.constant 0 : i32
      %scan3A_45 = arith.constant 625 : i32
      %scan3A_46 = arith.addi %scan3A_44, %scan3A_45 : i32
      %scan3A_47 = arith.constant 1 : i32
      %scan3A_48 = scf.for %scan3A_51 = %scan3A_44 to %scan3A_46 step %scan3A_47 iter_args(%scan3A_52 = %scan3A_43) -> (i32)  : i32 {
        %mul3A_53 = arith.constant 16 : i32
        %mul3A_54 = arith.muli %scan3A_51, %mul3A_53 : i32
        %get3A = arith.index_cast %mul3A_54 : i32 to index
        %get3A_55 = tpu.vector_load %arg5[%get3A] {strides = array<i32>} : memref<10000xi32, #tpu.memory_space<vmem>>, vector<16xi32>,
        %add3A_56 = arith.constant 0 : i32
        %add3A_57 = vector.broadcast %add3A_56 : i32 to vector<16xi32>
        %add3A_58 = arith.addi %get3A_55, %add3A_57 : vector<16xi32>
        %mul3A_59 = arith.constant 16 : i32
        %mul3A_60 = arith.muli %scan3A_51, %mul3A_59 : i32
        %add3A_61 = arith.constant 0 : i32
        %add3A_62 = arith.addi %add3A_61, %mul3A_60 : i32
        %get3A_63 = arith.index_cast %add3A_62 : i32 to index
        %get3A_64 = tpu.vector_load %arg6[%get3A_63] {strides = array<i32>} : memref<40000xf32, #tpu.memory_space<vmem>>, vector<16xf32>,
        tpu.vector_store_idx %arg7[%add3A_58], %get3A_64 {add = true} : memref<40448xf32, #tpu.memory_space<vmem>>[vector<16xi32>], vector<16xf32>,
        %add3A_65 = arith.constant 10112 : i32
        %add3A_66 = vector.broadcast %add3A_65 : i32 to vector<16xi32>
        %add3A_67 = arith.addi %get3A_55, %add3A_66 : vector<16xi32>
        %mul3A_68 = arith.constant 16 : i32
        %mul3A_69 = arith.muli %scan3A_51, %mul3A_68 : i32
        %add3A_70 = arith.constant 10000 : i32
        %add3A_71 = arith.addi %add3A_70, %mul3A_69 : i32
        %get3A_72 = arith.index_cast %add3A_71 : i32 to index
        %get3A_73 = tpu.vector_load %arg6[%get3A_72] {strides = array<i32>} : memref<40000xf32, #tpu.memory_space<vmem>>, vector<16xf32>,
        tpu.vector_store_idx %arg7[%add3A_67], %get3A_73 {add = true} : memref<40448xf32, #tpu.memory_space<vmem>>[vector<16xi32>], vector<16xf32>,
        %add3A_74 = arith.constant 20224 : i32
        %add3A_75 = vector.broadcast %add3A_74 : i32 to vector<16xi32>
        %add3A_76 = arith.addi %get3A_55, %add3A_75 : vector<16xi32>
        %mul3A_77 = arith.constant 16 : i32
        %mul3A_78 = arith.muli %scan3A_51, %mul3A_77 : i32
        %add3A_79 = arith.constant 20000 : i32
        %add3A_80 = arith.addi %add3A_79, %mul3A_78 : i32
        %get3A_81 = arith.index_cast %add3A_80 : i32 to index
        %get3A_82 = tpu.vector_load %arg6[%get3A_81] {strides = array<i32>} : memref<40000xf32, #tpu.memory_space<vmem>>, vector<16xf32>,
        tpu.vector_store_idx %arg7[%add3A_76], %get3A_82 {add = true} : memref<40448xf32, #tpu.memory_space<vmem>>[vector<16xi32>], vector<16xf32>,
        %add3A_83 = arith.constant 30336 : i32
        %add3A_84 = vector.broadcast %add3A_83 : i32 to vector<16xi32>
        %add3A_85 = arith.addi %get3A_55, %add3A_84 : vector<16xi32>
        %mul3A_86 = arith.constant 16 : i32
        %mul3A_87 = arith.muli %scan3A_51, %mul3A_86 : i32
        %add3A_88 = arith.constant 30000 : i32
        %add3A_89 = arith.addi %add3A_88, %mul3A_87 : i32
        %get3A_90 = arith.index_cast %add3A_89 : i32 to index
        %get3A_91 = tpu.vector_load %arg6[%get3A_90] {strides = array<i32>} : memref<40000xf32, #tpu.memory_space<vmem>>, vector<16xf32>,
        tpu.vector_store_idx %arg7[%add3A_85], %get3A_91 {add = true} : memref<40448xf32, #tpu.memory_space<vmem>>[vector<16xi32>], vector<16xf32>,
        %scan3A_92 = arith.constant 0 : i32
        scf.yield %scan3A_92 : i32
      }
      %scan3A_49 = arith.constant 625 : i32
      %scan3A_50 = arith.constant 0 : i32
      scf.yield %scan3A_50 : i32
    }
    %scan3A_16 = arith.constant 32 : i32
    %mul3A_17 = arith.constant 10112 : i32
    %mul3A_18 = arith.muli %mul3A_2, %mul3A_17 : i32
    "tpu.region"() ({
      %run_scoped3A = tpu.sem_alloc : memref<!tpu.dma_semaphore, #tpu.memory_space<semaphore_mem>>
      %dma_start3A = tpu.memref_slice %arg4[%mul3A_18] : memref<1294336xf32, #tpu.memory_space<hbm>> -> memref<40448xf32, #tpu.memory_space<hbm>>
      %dma_start3A_19 = tpu.memref_slice %arg4[%mul3A_18] : memref<1294336xf32, #tpu.memory_space<hbm>> -> memref<40448xf32, #tpu.memory_space<hbm>>
      tpu.enqueue_dma source(%arg7 : memref<40448xf32, #tpu.memory_space<vmem>>) target(%dma_start3A_19 : memref<40448xf32, #tpu.memory_space<hbm>>) target_semaphore(%run_scoped3A : memref<!tpu.dma_semaphore, #tpu.memory_space<semaphore_mem>>)
      %dma_wait3A = tpu.memref_slice %arg4[%mul3A_18] : memref<1294336xf32, #tpu.memory_space<hbm>> -> memref<40448xf32, #tpu.memory_space<hbm>>
      %dma_wait3A_20 = tpu.memref_slice %arg4[%mul3A_18] : memref<1294336xf32, #tpu.memory_space<hbm>> -> memref<40448xf32, #tpu.memory_space<hbm>>
      tpu.wait_dma2 semaphore(%run_scoped3A : memref<!tpu.dma_semaphore, #tpu.memory_space<semaphore_mem>>) src(%arg7 : memref<40448xf32, #tpu.memory_space<vmem>>) dst(%dma_wait3A_20 : memref<40448xf32, #tpu.memory_space<hbm>>)
      tpu.yield
    }) : () -> ()
    return
  }
}

module attributes {stable_mosaic.version = 14 : i64} {
  func.func @_node_enc_body(%arg0: i32, %arg1: memref<400x128xf32, #tpu.memory_space<vmem>>, %arg2: memref<128x128xf32, #tpu.memory_space<vmem>>, %arg3: memref<1x128xf32, #tpu.memory_space<vmem>>, %arg4: memref<128x128xf32, #tpu.memory_space<vmem>>, %arg5: memref<1x128xf32, #tpu.memory_space<vmem>>, %arg6: memref<400x128xf32, #tpu.memory_space<vmem>>) attributes {dimension_semantics = [#tpu.dimension_semantics<arbitrary>], iteration_bounds = array<i64: 25>, scalar_prefetch = 0 : i64, scratch_operands = 0 : i64, tpu.core_type = #tpu.core_type<tc>, window_params = [{transform_indices = @transform_0, window_bounds = array<i64: 400, 128>}, {pipeline_mode = #tpu.pipeline_mode<synchronous>, transform_indices = @transform_1, window_bounds = array<i64: 128, 128>}, {pipeline_mode = #tpu.pipeline_mode<synchronous>, transform_indices = @transform_2, window_bounds = array<i64: 1, 128>}, {pipeline_mode = #tpu.pipeline_mode<synchronous>, transform_indices = @transform_3, window_bounds = array<i64: 128, 128>}, {pipeline_mode = #tpu.pipeline_mode<synchronous>, transform_indices = @transform_4, window_bounds = array<i64: 1, 128>}, {transform_indices = @transform_5, window_bounds = array<i64: 400, 128>}]} {
    %get3A = arith.constant 0 : index
    %get3A_0 = arith.constant 0 : index
    %get3A_1 = vector.load %arg1[%get3A, %get3A_0] : memref<400x128xf32, #tpu.memory_space<vmem>>, vector<400x128xf32>
    %get3A_2 = arith.constant 0 : index
    %get3A_3 = arith.constant 0 : index
    %get3A_4 = vector.load %arg2[%get3A_2, %get3A_3] : memref<128x128xf32, #tpu.memory_space<vmem>>, vector<128x128xf32>
    %convert_element_type3A = arith.truncf %get3A_1 : vector<400x128xf32> to vector<400x128xbf16>
    %dot_general3A = arith.constant dense<0.000000e+00> : vector<400x128xf32>
    %dot_general3A_5 = tpu.matmul %convert_element_type3A, %get3A_4, %dot_general3A {dimension_numbers = #tpu.dot_dimension_numbers<[1], [0], [0], [1], [0, 0, 1, 1], [], []>, transpose_lhs_hint = false} : vector<400x128xbf16>, vector<128x128xf32>, vector<400x128xf32> -> vector<400x128xf32>
    %get3A_6 = arith.constant 0 : index
    %get3A_7 = arith.constant 0 : index
    %get3A_8 = vector.load %arg3[%get3A_6, %get3A_7] : memref<1x128xf32, #tpu.memory_space<vmem>>, vector<1x128xf32>
    %add3A = vector.broadcast %get3A_8 : vector<1x128xf32> to vector<400x128xf32>
    %add3A_9 = arith.addf %dot_general3A_5, %add3A : vector<400x128xf32>
    %max3A = arith.constant 0.000000e+00 : f32
    %max3A_10 = vector.broadcast %max3A : f32 to vector<400x128xf32>
    %max3A_11 = arith.maximumf %add3A_9, %max3A_10 : vector<400x128xf32>
    %get3A_12 = arith.constant 0 : index
    %get3A_13 = arith.constant 0 : index
    %get3A_14 = vector.load %arg4[%get3A_12, %get3A_13] : memref<128x128xf32, #tpu.memory_space<vmem>>, vector<128x128xf32>
    %convert_element_type3A_15 = arith.truncf %max3A_11 : vector<400x128xf32> to vector<400x128xbf16>
    %dot_general3A_16 = arith.constant dense<0.000000e+00> : vector<400x128xf32>
    %dot_general3A_17 = tpu.matmul %convert_element_type3A_15, %get3A_14, %dot_general3A_16 {dimension_numbers = #tpu.dot_dimension_numbers<[1], [0], [0], [1], [0, 0, 1, 1], [], []>, transpose_lhs_hint = false} : vector<400x128xbf16>, vector<128x128xf32>, vector<400x128xf32> -> vector<400x128xf32>
    %get3A_18 = arith.constant 0 : index
    %get3A_19 = arith.constant 0 : index
    %get3A_20 = vector.load %arg5[%get3A_18, %get3A_19] : memref<1x128xf32, #tpu.memory_space<vmem>>, vector<1x128xf32>
    %add3A_21 = vector.broadcast %get3A_20 : vector<1x128xf32> to vector<400x128xf32>
    %add3A_22 = arith.addf %dot_general3A_17, %add3A_21 : vector<400x128xf32>
    %swap3A = arith.constant 0 : index
    %swap3A_23 = arith.constant 0 : index
    %swap3A_24 = vector.load %arg6[%swap3A, %swap3A_23] : memref<400x128xf32, #tpu.memory_space<vmem>>, vector<400x128xf32>
    tpu.vector_store %arg6[%swap3A, %swap3A_23], %add3A_22 {strides = array<i32>} : memref<400x128xf32, #tpu.memory_space<vmem>>, vector<400x128xf32>,
    return
  }
  func.func @transform_0(%arg0: i32) -> (i32, i32) {
    %c0_i32 = arith.constant 0 : i32
    %c0_i32_0 = arith.constant 0 : i32
    return %arg0, %c0_i32 : i32, i32
  }
  func.func @transform_1(%arg0: i32) -> (i32, i32) {
    %c0_i32 = arith.constant 0 : i32
    %c0_i32_0 = arith.constant 0 : i32
    %c0_i32_1 = arith.constant 0 : i32
    return %c0_i32, %c0_i32_0 : i32, i32
  }
  func.func @transform_2(%arg0: i32) -> (i32, i32) {
    %c0_i32 = arith.constant 0 : i32
    %c0_i32_0 = arith.constant 0 : i32
    %c0_i32_1 = arith.constant 0 : i32
    return %c0_i32, %c0_i32_0 : i32, i32
  }
  func.func @transform_3(%arg0: i32) -> (i32, i32) {
    %c0_i32 = arith.constant 0 : i32
    %c0_i32_0 = arith.constant 0 : i32
    %c0_i32_1 = arith.constant 0 : i32
    return %c0_i32, %c0_i32_0 : i32, i32
  }
  func.func @transform_4(%arg0: i32) -> (i32, i32) {
    %c0_i32 = arith.constant 0 : i32
    %c0_i32_0 = arith.constant 0 : i32
    %c0_i32_1 = arith.constant 0 : i32
    return %c0_i32, %c0_i32_0 : i32, i32
  }
  func.func @transform_5(%arg0: i32) -> (i32, i32) {
    %c0_i32 = arith.constant 0 : i32
    %c0_i32_0 = arith.constant 0 : i32
    return %arg0, %c0_i32 : i32, i32
  }
}

module attributes {stable_mosaic.version = 14 : i64} {
  func.func @_edge_enc_body(%arg0: i32, %arg1: memref<512x16xf32, #tpu.memory_space<vmem>>, %arg2: memref<16x128xf32, #tpu.memory_space<vmem>>, %arg3: memref<128x1xf32, #tpu.memory_space<vmem>>, %arg4: memref<128x128xf32, #tpu.memory_space<vmem>>, %arg5: memref<128x1xf32, #tpu.memory_space<vmem>>, %arg6: memref<128x512xf32, #tpu.memory_space<vmem>>) attributes {dimension_semantics = [#tpu.dimension_semantics<arbitrary>], iteration_bounds = array<i64: 625>, scalar_prefetch = 0 : i64, scratch_operands = 0 : i64, tpu.core_type = #tpu.core_type<tc>, window_params = [{transform_indices = @transform_0, window_bounds = array<i64: 512, 16>}, {pipeline_mode = #tpu.pipeline_mode<synchronous>, transform_indices = @transform_1, window_bounds = array<i64: 16, 128>}, {pipeline_mode = #tpu.pipeline_mode<synchronous>, transform_indices = @transform_2, window_bounds = array<i64: 128, 1>}, {pipeline_mode = #tpu.pipeline_mode<synchronous>, transform_indices = @transform_3, window_bounds = array<i64: 128, 128>}, {pipeline_mode = #tpu.pipeline_mode<synchronous>, transform_indices = @transform_4, window_bounds = array<i64: 128, 1>}, {transform_indices = @transform_5, window_bounds = array<i64: 128, 512>}]} {
    %get3A = arith.constant 0 : index
    %get3A_0 = arith.constant 0 : index
    %get3A_1 = vector.load %arg2[%get3A, %get3A_0] : memref<16x128xf32, #tpu.memory_space<vmem>>, vector<16x128xf32>
    %get3A_2 = arith.constant 0 : index
    %get3A_3 = arith.constant 0 : index
    %get3A_4 = vector.load %arg1[%get3A_2, %get3A_3] : memref<512x16xf32, #tpu.memory_space<vmem>>, vector<512x16xf32>
    %convert_element_type3A = arith.truncf %get3A_4 : vector<512x16xf32> to vector<512x16xbf16>
    %dot_general3A = arith.constant dense<0.000000e+00> : vector<128x512xf32>
    %dot_general3A_5 = tpu.matmul %get3A_1, %convert_element_type3A, %dot_general3A {dimension_numbers = #tpu.dot_dimension_numbers<[0], [1], [1], [0], [0, 1, 1, 0], [], []>, transpose_lhs_hint = false} : vector<16x128xf32>, vector<512x16xbf16>, vector<128x512xf32> -> vector<128x512xf32>
    %get3A_6 = arith.constant 0 : index
    %get3A_7 = arith.constant 0 : index
    %get3A_8 = vector.load %arg3[%get3A_6, %get3A_7] : memref<128x1xf32, #tpu.memory_space<vmem>>, vector<128x1xf32>
    %add3A = vector.broadcast %get3A_8 : vector<128x1xf32> to vector<128x512xf32>
    %add3A_9 = arith.addf %dot_general3A_5, %add3A : vector<128x512xf32>
    %max3A = arith.constant 0.000000e+00 : f32
    %max3A_10 = vector.broadcast %max3A : f32 to vector<128x512xf32>
    %max3A_11 = arith.maximumf %add3A_9, %max3A_10 : vector<128x512xf32>
    %get3A_12 = arith.constant 0 : index
    %get3A_13 = arith.constant 0 : index
    %get3A_14 = vector.load %arg4[%get3A_12, %get3A_13] : memref<128x128xf32, #tpu.memory_space<vmem>>, vector<128x128xf32>
    %convert_element_type3A_15 = arith.truncf %max3A_11 : vector<128x512xf32> to vector<128x512xbf16>
    %dot_general3A_16 = arith.constant dense<0.000000e+00> : vector<128x512xf32>
    %dot_general3A_17 = tpu.matmul %get3A_14, %convert_element_type3A_15, %dot_general3A_16 {dimension_numbers = #tpu.dot_dimension_numbers<[0], [0], [1], [1], [0, 1, 1, 1], [], []>, transpose_lhs_hint = false} : vector<128x128xf32>, vector<128x512xbf16>, vector<128x512xf32> -> vector<128x512xf32>
    %get3A_18 = arith.constant 0 : index
    %get3A_19 = arith.constant 0 : index
    %get3A_20 = vector.load %arg5[%get3A_18, %get3A_19] : memref<128x1xf32, #tpu.memory_space<vmem>>, vector<128x1xf32>
    %add3A_21 = vector.broadcast %get3A_20 : vector<128x1xf32> to vector<128x512xf32>
    %add3A_22 = arith.addf %dot_general3A_17, %add3A_21 : vector<128x512xf32>
    %swap3A = arith.constant 0 : index
    %swap3A_23 = arith.constant 0 : index
    %swap3A_24 = vector.load %arg6[%swap3A, %swap3A_23] : memref<128x512xf32, #tpu.memory_space<vmem>>, vector<128x512xf32>
    tpu.vector_store %arg6[%swap3A, %swap3A_23], %add3A_22 {strides = array<i32>} : memref<128x512xf32, #tpu.memory_space<vmem>>, vector<128x512xf32>,
    return
  }
  func.func @transform_0(%arg0: i32) -> (i32, i32) {
    %c0_i32 = arith.constant 0 : i32
    %c0_i32_0 = arith.constant 0 : i32
    return %arg0, %c0_i32 : i32, i32
  }
  func.func @transform_1(%arg0: i32) -> (i32, i32) {
    %c0_i32 = arith.constant 0 : i32
    %c0_i32_0 = arith.constant 0 : i32
    %c0_i32_1 = arith.constant 0 : i32
    return %c0_i32, %c0_i32_0 : i32, i32
  }
  func.func @transform_2(%arg0: i32) -> (i32, i32) {
    %c0_i32 = arith.constant 0 : i32
    %c0_i32_0 = arith.constant 0 : i32
    %c0_i32_1 = arith.constant 0 : i32
    return %c0_i32, %c0_i32_0 : i32, i32
  }
  func.func @transform_3(%arg0: i32) -> (i32, i32) {
    %c0_i32 = arith.constant 0 : i32
    %c0_i32_0 = arith.constant 0 : i32
    %c0_i32_1 = arith.constant 0 : i32
    return %c0_i32, %c0_i32_0 : i32, i32
  }
  func.func @transform_4(%arg0: i32) -> (i32, i32) {
    %c0_i32 = arith.constant 0 : i32
    %c0_i32_0 = arith.constant 0 : i32
    %c0_i32_1 = arith.constant 0 : i32
    return %c0_i32, %c0_i32_0 : i32, i32
  }
  func.func @transform_5(%arg0: i32) -> (i32, i32) {
    %c0_i32 = arith.constant 0 : i32
    %c0_i32_0 = arith.constant 0 : i32
    return %c0_i32, %arg0 : i32, i32
  }
}

module attributes {stable_mosaic.version = 14 : i64} {
  func.func @_edge_mlp_body(%arg0: i32, %arg1: memref<512x128xf32, #tpu.memory_space<vmem>>, %arg2: memref<512x128xf32, #tpu.memory_space<vmem>>, %arg3: memref<128x512xf32, #tpu.memory_space<vmem>>, %arg4: memref<256x256xf32, #tpu.memory_space<vmem>>, %arg5: memref<128x256xf32, #tpu.memory_space<vmem>>, %arg6: memref<256x1xf32, #tpu.memory_space<vmem>>, %arg7: memref<256x128xf32, #tpu.memory_space<vmem>>, %arg8: memref<128x1xf32, #tpu.memory_space<vmem>>, %arg9: memref<128x512xf32, #tpu.memory_space<vmem>>) attributes {dimension_semantics = [#tpu.dimension_semantics<arbitrary>], iteration_bounds = array<i64: 625>, scalar_prefetch = 0 : i64, scratch_operands = 0 : i64, tpu.core_type = #tpu.core_type<tc>, window_params = [{transform_indices = @transform_0, window_bounds = array<i64: 512, 128>}, {transform_indices = @transform_1, window_bounds = array<i64: 512, 128>}, {transform_indices = @transform_2, window_bounds = array<i64: 128, 512>}, {pipeline_mode = #tpu.pipeline_mode<synchronous>, transform_indices = @transform_3, window_bounds = array<i64: 256, 256>}, {pipeline_mode = #tpu.pipeline_mode<synchronous>, transform_indices = @transform_4, window_bounds = array<i64: 128, 256>}, {pipeline_mode = #tpu.pipeline_mode<synchronous>, transform_indices = @transform_5, window_bounds = array<i64: 256, 1>}, {pipeline_mode = #tpu.pipeline_mode<synchronous>, transform_indices = @transform_6, window_bounds = array<i64: 256, 128>}, {pipeline_mode = #tpu.pipeline_mode<synchronous>, transform_indices = @transform_7, window_bounds = array<i64: 128, 1>}, {transform_indices = @transform_8, window_bounds = array<i64: 128, 512>}]} {
    %get3A = arith.constant 0 : index
    %get3A_0 = arith.constant 0 : index
    %get3A_1 = vector.load %arg1[%get3A, %get3A_0] : memref<512x128xf32, #tpu.memory_space<vmem>>, vector<512x128xf32>
    %get3A_2 = arith.constant 0 : index
    %get3A_3 = arith.constant 0 : index
    %get3A_4 = vector.load %arg2[%get3A_2, %get3A_3] : memref<512x128xf32, #tpu.memory_space<vmem>>, vector<512x128xf32>
    %concatenate3A = tpu.concatenate %get3A_1, %get3A_4 in 1 : vector<512x128xf32>, vector<512x128xf32> -> vector<512x256xf32>
    %get3A_5 = arith.constant 0 : index
    %get3A_6 = arith.constant 0 : index
    %get3A_7 = vector.load %arg4[%get3A_5, %get3A_6] : memref<256x256xf32, #tpu.memory_space<vmem>>, vector<256x256xf32>
    %convert_element_type3A = arith.truncf %concatenate3A : vector<512x256xf32> to vector<512x256xbf16>
    %dot_general3A = arith.constant dense<0.000000e+00> : vector<256x512xf32>
    %dot_general3A_8 = tpu.matmul %get3A_7, %convert_element_type3A, %dot_general3A {dimension_numbers = #tpu.dot_dimension_numbers<[0], [1], [1], [0], [0, 1, 1, 0], [], []>, transpose_lhs_hint = false} : vector<256x256xf32>, vector<512x256xbf16>, vector<256x512xf32> -> vector<256x512xf32>
    %get3A_9 = arith.constant 0 : index
    %get3A_10 = arith.constant 0 : index
    %get3A_11 = vector.load %arg5[%get3A_9, %get3A_10] : memref<128x256xf32, #tpu.memory_space<vmem>>, vector<128x256xf32>
    %get3A_12 = arith.constant 0 : index
    %get3A_13 = arith.constant 0 : index
    %get3A_14 = vector.load %arg3[%get3A_12, %get3A_13] : memref<128x512xf32, #tpu.memory_space<vmem>>, vector<128x512xf32>
    %convert_element_type3A_15 = arith.truncf %get3A_14 : vector<128x512xf32> to vector<128x512xbf16>
    %dot_general3A_16 = arith.constant dense<0.000000e+00> : vector<256x512xf32>
    %dot_general3A_17 = tpu.matmul %get3A_11, %convert_element_type3A_15, %dot_general3A_16 {dimension_numbers = #tpu.dot_dimension_numbers<[0], [0], [1], [1], [0, 1, 1, 1], [], []>, transpose_lhs_hint = false} : vector<128x256xf32>, vector<128x512xbf16>, vector<256x512xf32> -> vector<256x512xf32>
    %add3A = arith.addf %dot_general3A_8, %dot_general3A_17 : vector<256x512xf32>
    %get3A_18 = arith.constant 0 : index
    %get3A_19 = arith.constant 0 : index
    %get3A_20 = vector.load %arg6[%get3A_18, %get3A_19] : memref<256x1xf32, #tpu.memory_space<vmem>>, vector<256x1xf32>
    %add3A_21 = vector.broadcast %get3A_20 : vector<256x1xf32> to vector<256x512xf32>
    %add3A_22 = arith.addf %add3A, %add3A_21 : vector<256x512xf32>
    %max3A = arith.constant 0.000000e+00 : f32
    %max3A_23 = vector.broadcast %max3A : f32 to vector<256x512xf32>
    %max3A_24 = arith.maximumf %add3A_22, %max3A_23 : vector<256x512xf32>
    %get3A_25 = arith.constant 0 : index
    %get3A_26 = arith.constant 0 : index
    %get3A_27 = vector.load %arg7[%get3A_25, %get3A_26] : memref<256x128xf32, #tpu.memory_space<vmem>>, vector<256x128xf32>
    %convert_element_type3A_28 = arith.truncf %max3A_24 : vector<256x512xf32> to vector<256x512xbf16>
    %dot_general3A_29 = arith.constant dense<0.000000e+00> : vector<128x512xf32>
    %dot_general3A_30 = tpu.matmul %get3A_27, %convert_element_type3A_28, %dot_general3A_29 {dimension_numbers = #tpu.dot_dimension_numbers<[0], [0], [1], [1], [0, 1, 1, 1], [], []>, transpose_lhs_hint = false} : vector<256x128xf32>, vector<256x512xbf16>, vector<128x512xf32> -> vector<128x512xf32>
    %get3A_31 = arith.constant 0 : index
    %get3A_32 = arith.constant 0 : index
    %get3A_33 = vector.load %arg8[%get3A_31, %get3A_32] : memref<128x1xf32, #tpu.memory_space<vmem>>, vector<128x1xf32>
    %add3A_34 = vector.broadcast %get3A_33 : vector<128x1xf32> to vector<128x512xf32>
    %add3A_35 = arith.addf %dot_general3A_30, %add3A_34 : vector<128x512xf32>
    %max3A_36 = arith.constant 0.000000e+00 : f32
    %max3A_37 = vector.broadcast %max3A_36 : f32 to vector<128x512xf32>
    %max3A_38 = arith.maximumf %add3A_35, %max3A_37 : vector<128x512xf32>
    %swap3A = arith.constant 0 : index
    %swap3A_39 = arith.constant 0 : index
    %swap3A_40 = vector.load %arg9[%swap3A, %swap3A_39] : memref<128x512xf32, #tpu.memory_space<vmem>>, vector<128x512xf32>
    tpu.vector_store %arg9[%swap3A, %swap3A_39], %max3A_38 {strides = array<i32>} : memref<128x512xf32, #tpu.memory_space<vmem>>, vector<128x512xf32>,
    return
  }
  func.func @transform_0(%arg0: i32) -> (i32, i32) {
    %c0_i32 = arith.constant 0 : i32
    %c0_i32_0 = arith.constant 0 : i32
    return %arg0, %c0_i32 : i32, i32
  }
  func.func @transform_1(%arg0: i32) -> (i32, i32) {
    %c0_i32 = arith.constant 0 : i32
    %c0_i32_0 = arith.constant 0 : i32
    return %arg0, %c0_i32 : i32, i32
  }
  func.func @transform_2(%arg0: i32) -> (i32, i32) {
    %c0_i32 = arith.constant 0 : i32
    %c0_i32_0 = arith.constant 0 : i32
    return %c0_i32, %arg0 : i32, i32
  }
  func.func @transform_3(%arg0: i32) -> (i32, i32) {
    %c0_i32 = arith.constant 0 : i32
    %c0_i32_0 = arith.constant 0 : i32
    %c0_i32_1 = arith.constant 0 : i32
    return %c0_i32, %c0_i32_0 : i32, i32
  }
  func.func @transform_4(%arg0: i32) -> (i32, i32) {
    %c0_i32 = arith.constant 0 : i32
    %c0_i32_0 = arith.constant 0 : i32
    %c0_i32_1 = arith.constant 0 : i32
    return %c0_i32, %c0_i32_0 : i32, i32
  }
  func.func @transform_5(%arg0: i32) -> (i32, i32) {
    %c0_i32 = arith.constant 0 : i32
    %c0_i32_0 = arith.constant 0 : i32
    %c0_i32_1 = arith.constant 0 : i32
    return %c0_i32, %c0_i32_0 : i32, i32
  }
  func.func @transform_6(%arg0: i32) -> (i32, i32) {
    %c0_i32 = arith.constant 0 : i32
    %c0_i32_0 = arith.constant 0 : i32
    %c0_i32_1 = arith.constant 0 : i32
    return %c0_i32, %c0_i32_0 : i32, i32
  }
  func.func @transform_7(%arg0: i32) -> (i32, i32) {
    %c0_i32 = arith.constant 0 : i32
    %c0_i32_0 = arith.constant 0 : i32
    %c0_i32_1 = arith.constant 0 : i32
    return %c0_i32, %c0_i32_0 : i32, i32
  }
  func.func @transform_8(%arg0: i32) -> (i32, i32) {
    %c0_i32 = arith.constant 0 : i32
    %c0_i32_0 = arith.constant 0 : i32
    return %c0_i32, %arg0 : i32, i32
  }
}

module attributes {stable_mosaic.version = 14 : i64} {
  func.func @_node_update_body(%arg0: i32, %arg1: memref<10000x128xf32, #tpu.memory_space<vmem>>, %arg2: memref<128x10112xf32, #tpu.memory_space<vmem>>, %arg3: memref<256x128xf32, #tpu.memory_space<vmem>>, %arg4: memref<1x128xf32, #tpu.memory_space<vmem>>, %arg5: memref<10000x128xf32, #tpu.memory_space<vmem>>) attributes {dimension_semantics = [#tpu.dimension_semantics<arbitrary>], iteration_bounds = array<i64: 1>, scalar_prefetch = 0 : i64, scratch_operands = 0 : i64, tpu.core_type = #tpu.core_type<tc>, window_params = [{pipeline_mode = #tpu.pipeline_mode<synchronous>, transform_indices = @transform_0, window_bounds = array<i64: 10000, 128>}, {pipeline_mode = #tpu.pipeline_mode<synchronous>, transform_indices = @transform_1, window_bounds = array<i64: 128, 10112>}, {pipeline_mode = #tpu.pipeline_mode<synchronous>, transform_indices = @transform_2, window_bounds = array<i64: 256, 128>}, {pipeline_mode = #tpu.pipeline_mode<synchronous>, transform_indices = @transform_3, window_bounds = array<i64: 1, 128>}, {pipeline_mode = #tpu.pipeline_mode<synchronous>, transform_indices = @transform_4, window_bounds = array<i64: 10000, 128>}]} {
    %get3A = arith.constant 0 : index
    %get3A_0 = arith.constant 0 : index
    %get3A_1 = vector.load %arg2[%get3A, %get3A_0] : memref<128x10112xf32, #tpu.memory_space<vmem>>, vector<128x10112xf32>
    %slice3A = vector.extract_strided_slice %get3A_1 {offsets = [0, 0], sizes = [128, 10000], strides = [1, 1]} : vector<128x10112xf32> to vector<128x10000xf32>
    %transpose3A = tpu.transpose %slice3A, [1, 0] : vector<128x10000xf32> -> vector<10000x128xf32>
    %get3A_2 = arith.constant 0 : index
    %get3A_3 = arith.constant 0 : index
    %get3A_4 = vector.load %arg1[%get3A_2, %get3A_3] : memref<10000x128xf32, #tpu.memory_space<vmem>>, vector<10000x128xf32>
    %concatenate3A = tpu.concatenate %get3A_4, %transpose3A in 1 : vector<10000x128xf32>, vector<10000x128xf32> -> vector<10000x256xf32>
    %get3A_5 = arith.constant 0 : index
    %get3A_6 = arith.constant 0 : index
    %get3A_7 = vector.load %arg3[%get3A_5, %get3A_6] : memref<256x128xf32, #tpu.memory_space<vmem>>, vector<256x128xf32>
    %convert_element_type3A = arith.truncf %concatenate3A : vector<10000x256xf32> to vector<10000x256xbf16>
    %dot_general3A = arith.constant dense<0.000000e+00> : vector<10000x128xf32>
    %dot_general3A_8 = tpu.matmul %convert_element_type3A, %get3A_7, %dot_general3A {dimension_numbers = #tpu.dot_dimension_numbers<[1], [0], [0], [1], [0, 0, 1, 1], [], []>, transpose_lhs_hint = false} : vector<10000x256xbf16>, vector<256x128xf32>, vector<10000x128xf32> -> vector<10000x128xf32>
    %get3A_9 = arith.constant 0 : index
    %get3A_10 = arith.constant 0 : index
    %get3A_11 = vector.load %arg4[%get3A_9, %get3A_10] : memref<1x128xf32, #tpu.memory_space<vmem>>, vector<1x128xf32>
    %add3A = vector.broadcast %get3A_11 : vector<1x128xf32> to vector<10000x128xf32>
    %add3A_12 = arith.addf %dot_general3A_8, %add3A : vector<10000x128xf32>
    %max3A = arith.constant 0.000000e+00 : f32
    %max3A_13 = vector.broadcast %max3A : f32 to vector<10000x128xf32>
    %max3A_14 = arith.maximumf %add3A_12, %max3A_13 : vector<10000x128xf32>
    %swap3A = arith.constant 0 : index
    %swap3A_15 = arith.constant 0 : index
    %swap3A_16 = vector.load %arg5[%swap3A, %swap3A_15] : memref<10000x128xf32, #tpu.memory_space<vmem>>, vector<10000x128xf32>
    tpu.vector_store %arg5[%swap3A, %swap3A_15], %max3A_14 {strides = array<i32>} : memref<10000x128xf32, #tpu.memory_space<vmem>>, vector<10000x128xf32>,
    return
  }
  func.func @transform_0(%arg0: i32) -> (i32, i32) {
    %c0_i32 = arith.constant 0 : i32
    %c0_i32_0 = arith.constant 0 : i32
    %c0_i32_1 = arith.constant 0 : i32
    return %c0_i32, %c0_i32_0 : i32, i32
  }
  func.func @transform_1(%arg0: i32) -> (i32, i32) {
    %c0_i32 = arith.constant 0 : i32
    %c0_i32_0 = arith.constant 0 : i32
    %c0_i32_1 = arith.constant 0 : i32
    return %c0_i32, %c0_i32_0 : i32, i32
  }
  func.func @transform_2(%arg0: i32) -> (i32, i32) {
    %c0_i32 = arith.constant 0 : i32
    %c0_i32_0 = arith.constant 0 : i32
    %c0_i32_1 = arith.constant 0 : i32
    return %c0_i32, %c0_i32_0 : i32, i32
  }
  func.func @transform_3(%arg0: i32) -> (i32, i32) {
    %c0_i32 = arith.constant 0 : i32
    %c0_i32_0 = arith.constant 0 : i32
    %c0_i32_1 = arith.constant 0 : i32
    return %c0_i32, %c0_i32_0 : i32, i32
  }
  func.func @transform_4(%arg0: i32) -> (i32, i32) {
    %c0_i32 = arith.constant 0 : i32
    %c0_i32_0 = arith.constant 0 : i32
    %c0_i32_1 = arith.constant 0 : i32
    return %c0_i32, %c0_i32_0 : i32, i32
  }
}

module attributes {stable_mosaic.version = 14 : i64} {
  func.func @_edge_mlp_sel_body(%arg0: i32, %arg1: memref<512x128xf32, #tpu.memory_space<vmem>>, %arg2: memref<512x128xf32, #tpu.memory_space<vmem>>, %arg3: memref<128x512xf32, #tpu.memory_space<vmem>>, %arg4: memref<128x512xf32, #tpu.memory_space<vmem>>, %arg5: memref<1x512xf32, #tpu.memory_space<vmem>>, %arg6: memref<256x256xf32, #tpu.memory_space<vmem>>, %arg7: memref<128x256xf32, #tpu.memory_space<vmem>>, %arg8: memref<256x1xf32, #tpu.memory_space<vmem>>, %arg9: memref<256x128xf32, #tpu.memory_space<vmem>>, %arg10: memref<128x1xf32, #tpu.memory_space<vmem>>, %arg11: memref<128x512xf32, #tpu.memory_space<vmem>>) attributes {dimension_semantics = [#tpu.dimension_semantics<arbitrary>], iteration_bounds = array<i64: 625>, scalar_prefetch = 0 : i64, scratch_operands = 0 : i64, tpu.core_type = #tpu.core_type<tc>, window_params = [{transform_indices = @transform_0, window_bounds = array<i64: 512, 128>}, {transform_indices = @transform_1, window_bounds = array<i64: 512, 128>}, {transform_indices = @transform_2, window_bounds = array<i64: 128, 512>}, {transform_indices = @transform_3, window_bounds = array<i64: 128, 512>}, {transform_indices = @transform_4, window_bounds = array<i64: 1, 512>}, {pipeline_mode = #tpu.pipeline_mode<synchronous>, transform_indices = @transform_5, window_bounds = array<i64: 256, 256>}, {pipeline_mode = #tpu.pipeline_mode<synchronous>, transform_indices = @transform_6, window_bounds = array<i64: 128, 256>}, {pipeline_mode = #tpu.pipeline_mode<synchronous>, transform_indices = @transform_7, window_bounds = array<i64: 256, 1>}, {pipeline_mode = #tpu.pipeline_mode<synchronous>, transform_indices = @transform_8, window_bounds = array<i64: 256, 128>}, {pipeline_mode = #tpu.pipeline_mode<synchronous>, transform_indices = @transform_9, window_bounds = array<i64: 128, 1>}, {transform_indices = @transform_10, window_bounds = array<i64: 128, 512>}]} {
    %get3A = arith.constant 0 : index
    %get3A_0 = arith.constant 0 : index
    %get3A_1 = vector.load %arg5[%get3A, %get3A_0] : memref<1x512xf32, #tpu.memory_space<vmem>>, vector<1x512xf32>
    %get3A_2 = arith.constant 0 : index
    %get3A_3 = arith.constant 0 : index
    %get3A_4 = vector.load %arg3[%get3A_2, %get3A_3] : memref<128x512xf32, #tpu.memory_space<vmem>>, vector<128x512xf32>
    %mul3A = vector.broadcast %get3A_1 : vector<1x512xf32> to vector<128x512xf32>
    %mul3A_5 = arith.mulf %get3A_4, %mul3A : vector<128x512xf32>
    %get3A_6 = arith.constant 0 : index
    %get3A_7 = arith.constant 0 : index
    %get3A_8 = vector.load %arg4[%get3A_6, %get3A_7] : memref<128x512xf32, #tpu.memory_space<vmem>>, vector<128x512xf32>
    %sub3A = arith.constant 1.000000e+00 : f32
    %sub3A_9 = vector.broadcast %sub3A : f32 to vector<1x512xf32>
    %sub3A_10 = arith.subf %sub3A_9, %get3A_1 : vector<1x512xf32>
    %mul3A_11 = vector.broadcast %sub3A_10 : vector<1x512xf32> to vector<128x512xf32>
    %mul3A_12 = arith.mulf %get3A_8, %mul3A_11 : vector<128x512xf32>
    %add3A = arith.addf %mul3A_5, %mul3A_12 : vector<128x512xf32>
    %get3A_13 = arith.constant 0 : index
    %get3A_14 = arith.constant 0 : index
    %get3A_15 = vector.load %arg1[%get3A_13, %get3A_14] : memref<512x128xf32, #tpu.memory_space<vmem>>, vector<512x128xf32>
    %get3A_16 = arith.constant 0 : index
    %get3A_17 = arith.constant 0 : index
    %get3A_18 = vector.load %arg2[%get3A_16, %get3A_17] : memref<512x128xf32, #tpu.memory_space<vmem>>, vector<512x128xf32>
    %concatenate3A = tpu.concatenate %get3A_15, %get3A_18 in 1 : vector<512x128xf32>, vector<512x128xf32> -> vector<512x256xf32>
    %get3A_19 = arith.constant 0 : index
    %get3A_20 = arith.constant 0 : index
    %get3A_21 = vector.load %arg6[%get3A_19, %get3A_20] : memref<256x256xf32, #tpu.memory_space<vmem>>, vector<256x256xf32>
    %convert_element_type3A = arith.truncf %concatenate3A : vector<512x256xf32> to vector<512x256xbf16>
    %dot_general3A = arith.constant dense<0.000000e+00> : vector<256x512xf32>
    %dot_general3A_22 = tpu.matmul %get3A_21, %convert_element_type3A, %dot_general3A {dimension_numbers = #tpu.dot_dimension_numbers<[0], [1], [1], [0], [0, 1, 1, 0], [], []>, transpose_lhs_hint = false} : vector<256x256xf32>, vector<512x256xbf16>, vector<256x512xf32> -> vector<256x512xf32>
    %get3A_23 = arith.constant 0 : index
    %get3A_24 = arith.constant 0 : index
    %get3A_25 = vector.load %arg7[%get3A_23, %get3A_24] : memref<128x256xf32, #tpu.memory_space<vmem>>, vector<128x256xf32>
    %convert_element_type3A_26 = arith.truncf %add3A : vector<128x512xf32> to vector<128x512xbf16>
    %dot_general3A_27 = arith.constant dense<0.000000e+00> : vector<256x512xf32>
    %dot_general3A_28 = tpu.matmul %get3A_25, %convert_element_type3A_26, %dot_general3A_27 {dimension_numbers = #tpu.dot_dimension_numbers<[0], [0], [1], [1], [0, 1, 1, 1], [], []>, transpose_lhs_hint = false} : vector<128x256xf32>, vector<128x512xbf16>, vector<256x512xf32> -> vector<256x512xf32>
    %add3A_29 = arith.addf %dot_general3A_22, %dot_general3A_28 : vector<256x512xf32>
    %get3A_30 = arith.constant 0 : index
    %get3A_31 = arith.constant 0 : index
    %get3A_32 = vector.load %arg8[%get3A_30, %get3A_31] : memref<256x1xf32, #tpu.memory_space<vmem>>, vector<256x1xf32>
    %add3A_33 = vector.broadcast %get3A_32 : vector<256x1xf32> to vector<256x512xf32>
    %add3A_34 = arith.addf %add3A_29, %add3A_33 : vector<256x512xf32>
    %max3A = arith.constant 0.000000e+00 : f32
    %max3A_35 = vector.broadcast %max3A : f32 to vector<256x512xf32>
    %max3A_36 = arith.maximumf %add3A_34, %max3A_35 : vector<256x512xf32>
    %get3A_37 = arith.constant 0 : index
    %get3A_38 = arith.constant 0 : index
    %get3A_39 = vector.load %arg9[%get3A_37, %get3A_38] : memref<256x128xf32, #tpu.memory_space<vmem>>, vector<256x128xf32>
    %convert_element_type3A_40 = arith.truncf %max3A_36 : vector<256x512xf32> to vector<256x512xbf16>
    %dot_general3A_41 = arith.constant dense<0.000000e+00> : vector<128x512xf32>
    %dot_general3A_42 = tpu.matmul %get3A_39, %convert_element_type3A_40, %dot_general3A_41 {dimension_numbers = #tpu.dot_dimension_numbers<[0], [0], [1], [1], [0, 1, 1, 1], [], []>, transpose_lhs_hint = false} : vector<256x128xf32>, vector<256x512xbf16>, vector<128x512xf32> -> vector<128x512xf32>
    %get3A_43 = arith.constant 0 : index
    %get3A_44 = arith.constant 0 : index
    %get3A_45 = vector.load %arg10[%get3A_43, %get3A_44] : memref<128x1xf32, #tpu.memory_space<vmem>>, vector<128x1xf32>
    %add3A_46 = vector.broadcast %get3A_45 : vector<128x1xf32> to vector<128x512xf32>
    %add3A_47 = arith.addf %dot_general3A_42, %add3A_46 : vector<128x512xf32>
    %max3A_48 = arith.constant 0.000000e+00 : f32
    %max3A_49 = vector.broadcast %max3A_48 : f32 to vector<128x512xf32>
    %max3A_50 = arith.maximumf %add3A_47, %max3A_49 : vector<128x512xf32>
    %swap3A = arith.constant 0 : index
    %swap3A_51 = arith.constant 0 : index
    %swap3A_52 = vector.load %arg11[%swap3A, %swap3A_51] : memref<128x512xf32, #tpu.memory_space<vmem>>, vector<128x512xf32>
    tpu.vector_store %arg11[%swap3A, %swap3A_51], %max3A_50 {strides = array<i32>} : memref<128x512xf32, #tpu.memory_space<vmem>>, vector<128x512xf32>,
    return
  }
  func.func @transform_0(%arg0: i32) -> (i32, i32) {
    %c0_i32 = arith.constant 0 : i32
    %c0_i32_0 = arith.constant 0 : i32
    return %arg0, %c0_i32 : i32, i32
  }
  func.func @transform_1(%arg0: i32) -> (i32, i32) {
    %c0_i32 = arith.constant 0 : i32
    %c0_i32_0 = arith.constant 0 : i32
    return %arg0, %c0_i32 : i32, i32
  }
  func.func @transform_2(%arg0: i32) -> (i32, i32) {
    %c0_i32 = arith.constant 0 : i32
    %c0_i32_0 = arith.constant 0 : i32
    return %c0_i32, %arg0 : i32, i32
  }
  func.func @transform_3(%arg0: i32) -> (i32, i32) {
    %c0_i32 = arith.constant 0 : i32
    %c0_i32_0 = arith.constant 0 : i32
    return %c0_i32, %arg0 : i32, i32
  }
  func.func @transform_4(%arg0: i32) -> (i32, i32) {
    %c0_i32 = arith.constant 0 : i32
    %c0_i32_0 = arith.constant 0 : i32
    return %c0_i32, %arg0 : i32, i32
  }
  func.func @transform_5(%arg0: i32) -> (i32, i32) {
    %c0_i32 = arith.constant 0 : i32
    %c0_i32_0 = arith.constant 0 : i32
    %c0_i32_1 = arith.constant 0 : i32
    return %c0_i32, %c0_i32_0 : i32, i32
  }
  func.func @transform_6(%arg0: i32) -> (i32, i32) {
    %c0_i32 = arith.constant 0 : i32
    %c0_i32_0 = arith.constant 0 : i32
    %c0_i32_1 = arith.constant 0 : i32
    return %c0_i32, %c0_i32_0 : i32, i32
  }
  func.func @transform_7(%arg0: i32) -> (i32, i32) {
    %c0_i32 = arith.constant 0 : i32
    %c0_i32_0 = arith.constant 0 : i32
    %c0_i32_1 = arith.constant 0 : i32
    return %c0_i32, %c0_i32_0 : i32, i32
  }
  func.func @transform_8(%arg0: i32) -> (i32, i32) {
    %c0_i32 = arith.constant 0 : i32
    %c0_i32_0 = arith.constant 0 : i32
    %c0_i32_1 = arith.constant 0 : i32
    return %c0_i32, %c0_i32_0 : i32, i32
  }
  func.func @transform_9(%arg0: i32) -> (i32, i32) {
    %c0_i32 = arith.constant 0 : i32
    %c0_i32_0 = arith.constant 0 : i32
    %c0_i32_1 = arith.constant 0 : i32
    return %c0_i32, %c0_i32_0 : i32, i32
  }
  func.func @transform_10(%arg0: i32) -> (i32, i32) {
    %c0_i32 = arith.constant 0 : i32
    %c0_i32_0 = arith.constant 0 : i32
    return %c0_i32, %arg0 : i32, i32
  }
}

module attributes {stable_mosaic.version = 14 : i64} {
  func.func @_edge_head_body(%arg0: i32, %arg1: memref<128x512xf32, #tpu.memory_space<vmem>>, %arg2: memref<128x512xf32, #tpu.memory_space<vmem>>, %arg3: memref<1x512xf32, #tpu.memory_space<vmem>>, %arg4: memref<128x64xf32, #tpu.memory_space<vmem>>, %arg5: memref<64x1xf32, #tpu.memory_space<vmem>>, %arg6: memref<64x1xf32, #tpu.memory_space<vmem>>, %arg7: memref<1x1xf32, #tpu.memory_space<vmem>>, %arg8: memref<1x512xf32, #tpu.memory_space<vmem>>) attributes {dimension_semantics = [#tpu.dimension_semantics<arbitrary>], iteration_bounds = array<i64: 625>, scalar_prefetch = 0 : i64, scratch_operands = 0 : i64, tpu.core_type = #tpu.core_type<tc>, window_params = [{transform_indices = @transform_0, window_bounds = array<i64: 128, 512>}, {transform_indices = @transform_1, window_bounds = array<i64: 128, 512>}, {transform_indices = @transform_2, window_bounds = array<i64: 1, 512>}, {pipeline_mode = #tpu.pipeline_mode<synchronous>, transform_indices = @transform_3, window_bounds = array<i64: 128, 64>}, {pipeline_mode = #tpu.pipeline_mode<synchronous>, transform_indices = @transform_4, window_bounds = array<i64: 64, 1>}, {pipeline_mode = #tpu.pipeline_mode<synchronous>, transform_indices = @transform_5, window_bounds = array<i64: 64, 1>}, {pipeline_mode = #tpu.pipeline_mode<synchronous>, transform_indices = @transform_6, window_bounds = array<i64: 1, 1>}, {transform_indices = @transform_7, window_bounds = array<i64: 1, 512>}]} {
    %get3A = arith.constant 0 : index
    %get3A_0 = arith.constant 0 : index
    %get3A_1 = vector.load %arg3[%get3A, %get3A_0] : memref<1x512xf32, #tpu.memory_space<vmem>>, vector<1x512xf32>
    %get3A_2 = arith.constant 0 : index
    %get3A_3 = arith.constant 0 : index
    %get3A_4 = vector.load %arg1[%get3A_2, %get3A_3] : memref<128x512xf32, #tpu.memory_space<vmem>>, vector<128x512xf32>
    %mul3A = vector.broadcast %get3A_1 : vector<1x512xf32> to vector<128x512xf32>
    %mul3A_5 = arith.mulf %get3A_4, %mul3A : vector<128x512xf32>
    %get3A_6 = arith.constant 0 : index
    %get3A_7 = arith.constant 0 : index
    %get3A_8 = vector.load %arg2[%get3A_6, %get3A_7] : memref<128x512xf32, #tpu.memory_space<vmem>>, vector<128x512xf32>
    %sub3A = arith.constant 1.000000e+00 : f32
    %sub3A_9 = vector.broadcast %sub3A : f32 to vector<1x512xf32>
    %sub3A_10 = arith.subf %sub3A_9, %get3A_1 : vector<1x512xf32>
    %mul3A_11 = vector.broadcast %sub3A_10 : vector<1x512xf32> to vector<128x512xf32>
    %mul3A_12 = arith.mulf %get3A_8, %mul3A_11 : vector<128x512xf32>
    %add3A = arith.addf %mul3A_5, %mul3A_12 : vector<128x512xf32>
    %get3A_13 = arith.constant 0 : index
    %get3A_14 = arith.constant 0 : index
    %get3A_15 = vector.load %arg4[%get3A_13, %get3A_14] : memref<128x64xf32, #tpu.memory_space<vmem>>, vector<128x64xf32>
    %convert_element_type3A = arith.truncf %add3A : vector<128x512xf32> to vector<128x512xbf16>
    %dot_general3A = arith.constant dense<0.000000e+00> : vector<64x512xf32>
    %dot_general3A_16 = tpu.matmul %get3A_15, %convert_element_type3A, %dot_general3A {dimension_numbers = #tpu.dot_dimension_numbers<[0], [0], [1], [1], [0, 1, 1, 1], [], []>, transpose_lhs_hint = false} : vector<128x64xf32>, vector<128x512xbf16>, vector<64x512xf32> -> vector<64x512xf32>
    %get3A_17 = arith.constant 0 : index
    %get3A_18 = arith.constant 0 : index
    %get3A_19 = vector.load %arg5[%get3A_17, %get3A_18] : memref<64x1xf32, #tpu.memory_space<vmem>>, vector<64x1xf32>
    %add3A_20 = vector.broadcast %get3A_19 : vector<64x1xf32> to vector<64x512xf32>
    %add3A_21 = arith.addf %dot_general3A_16, %add3A_20 : vector<64x512xf32>
    %max3A = arith.constant 0.000000e+00 : f32
    %max3A_22 = vector.broadcast %max3A : f32 to vector<64x512xf32>
    %max3A_23 = arith.maximumf %add3A_21, %max3A_22 : vector<64x512xf32>
    %get3A_24 = arith.constant 0 : index
    %get3A_25 = arith.constant 0 : index
    %get3A_26 = vector.load %arg6[%get3A_24, %get3A_25] : memref<64x1xf32, #tpu.memory_space<vmem>>, vector<64x1xf32>
    %convert_element_type3A_27 = arith.truncf %max3A_23 : vector<64x512xf32> to vector<64x512xbf16>
    %dot_general3A_28 = arith.constant dense<0.000000e+00> : vector<1x512xf32>
    %dot_general3A_29 = tpu.matmul %get3A_26, %convert_element_type3A_27, %dot_general3A_28 {dimension_numbers = #tpu.dot_dimension_numbers<[0], [0], [1], [1], [0, 1, 1, 1], [], []>, transpose_lhs_hint = false} : vector<64x1xf32>, vector<64x512xbf16>, vector<1x512xf32> -> vector<1x512xf32>
    %get3A_30 = arith.constant 0 : index
    %get3A_31 = arith.constant 0 : index
    %get3A_32 = vector.load %arg7[%get3A_30, %get3A_31] : memref<1x1xf32, #tpu.memory_space<vmem>>, vector<1x1xf32>
    %add3A_33 = vector.broadcast %get3A_32 : vector<1x1xf32> to vector<1x512xf32>
    %add3A_34 = arith.addf %dot_general3A_29, %add3A_33 : vector<1x512xf32>
    %swap3A = arith.constant 0 : index
    %swap3A_35 = arith.constant 0 : index
    %swap3A_36 = vector.load %arg8[%swap3A, %swap3A_35] : memref<1x512xf32, #tpu.memory_space<vmem>>, vector<1x512xf32>
    tpu.vector_store %arg8[%swap3A, %swap3A_35], %add3A_34 {strides = array<i32>} : memref<1x512xf32, #tpu.memory_space<vmem>>, vector<1x512xf32>,
    return
  }
  func.func @transform_0(%arg0: i32) -> (i32, i32) {
    %c0_i32 = arith.constant 0 : i32
    %c0_i32_0 = arith.constant 0 : i32
    return %c0_i32, %arg0 : i32, i32
  }
  func.func @transform_1(%arg0: i32) -> (i32, i32) {
    %c0_i32 = arith.constant 0 : i32
    %c0_i32_0 = arith.constant 0 : i32
    return %c0_i32, %arg0 : i32, i32
  }
  func.func @transform_2(%arg0: i32) -> (i32, i32) {
    %c0_i32 = arith.constant 0 : i32
    %c0_i32_0 = arith.constant 0 : i32
    return %c0_i32, %arg0 : i32, i32
  }
  func.func @transform_3(%arg0: i32) -> (i32, i32) {
    %c0_i32 = arith.constant 0 : i32
    %c0_i32_0 = arith.constant 0 : i32
    %c0_i32_1 = arith.constant 0 : i32
    return %c0_i32, %c0_i32_0 : i32, i32
  }
  func.func @transform_4(%arg0: i32) -> (i32, i32) {
    %c0_i32 = arith.constant 0 : i32
    %c0_i32_0 = arith.constant 0 : i32
    %c0_i32_1 = arith.constant 0 : i32
    return %c0_i32, %c0_i32_0 : i32, i32
  }
  func.func @transform_5(%arg0: i32) -> (i32, i32) {
    %c0_i32 = arith.constant 0 : i32
    %c0_i32_0 = arith.constant 0 : i32
    %c0_i32_1 = arith.constant 0 : i32
    return %c0_i32, %c0_i32_0 : i32, i32
  }
  func.func @transform_6(%arg0: i32) -> (i32, i32) {
    %c0_i32 = arith.constant 0 : i32
    %c0_i32_0 = arith.constant 0 : i32
    %c0_i32_1 = arith.constant 0 : i32
    return %c0_i32, %c0_i32_0 : i32, i32
  }
  func.func @transform_7(%arg0: i32) -> (i32, i32) {
    %c0_i32 = arith.constant 0 : i32
    %c0_i32_0 = arith.constant 0 : i32
    return %c0_i32, %arg0 : i32, i32
  }
}

module attributes {stable_mosaic.version = 14 : i64} {
  func.func @_node_heads_body(%arg0: i32, %arg1: memref<400x128xf32, #tpu.memory_space<vmem>>, %arg2: memref<128x64xf32, #tpu.memory_space<vmem>>, %arg3: memref<1x64xf32, #tpu.memory_space<vmem>>, %arg4: memref<64x1xf32, #tpu.memory_space<vmem>>, %arg5: memref<1x1xf32, #tpu.memory_space<vmem>>, %arg6: memref<128x64xf32, #tpu.memory_space<vmem>>, %arg7: memref<1x64xf32, #tpu.memory_space<vmem>>, %arg8: memref<64x6xf32, #tpu.memory_space<vmem>>, %arg9: memref<1x6xf32, #tpu.memory_space<vmem>>, %arg10: memref<400x1xf32, #tpu.memory_space<vmem>>, %arg11: memref<400x6xf32, #tpu.memory_space<vmem>>) attributes {dimension_semantics = [#tpu.dimension_semantics<arbitrary>], iteration_bounds = array<i64: 25>, scalar_prefetch = 0 : i64, scratch_operands = 0 : i64, tpu.core_type = #tpu.core_type<tc>, window_params = [{transform_indices = @transform_0, window_bounds = array<i64: 400, 128>}, {pipeline_mode = #tpu.pipeline_mode<synchronous>, transform_indices = @transform_1, window_bounds = array<i64: 128, 64>}, {pipeline_mode = #tpu.pipeline_mode<synchronous>, transform_indices = @transform_2, window_bounds = array<i64: 1, 64>}, {pipeline_mode = #tpu.pipeline_mode<synchronous>, transform_indices = @transform_3, window_bounds = array<i64: 64, 1>}, {pipeline_mode = #tpu.pipeline_mode<synchronous>, transform_indices = @transform_4, window_bounds = array<i64: 1, 1>}, {pipeline_mode = #tpu.pipeline_mode<synchronous>, transform_indices = @transform_5, window_bounds = array<i64: 128, 64>}, {pipeline_mode = #tpu.pipeline_mode<synchronous>, transform_indices = @transform_6, window_bounds = array<i64: 1, 64>}, {pipeline_mode = #tpu.pipeline_mode<synchronous>, transform_indices = @transform_7, window_bounds = array<i64: 64, 6>}, {pipeline_mode = #tpu.pipeline_mode<synchronous>, transform_indices = @transform_8, window_bounds = array<i64: 1, 6>}, {transform_indices = @transform_9, window_bounds = array<i64: 400, 1>}, {transform_indices = @transform_10, window_bounds = array<i64: 400, 6>}]} {
    %get3A = arith.constant 0 : index
    %get3A_0 = arith.constant 0 : index
    %get3A_1 = vector.load %arg1[%get3A, %get3A_0] : memref<400x128xf32, #tpu.memory_space<vmem>>, vector<400x128xf32>
    %get3A_2 = arith.constant 0 : index
    %get3A_3 = arith.constant 0 : index
    %get3A_4 = vector.load %arg2[%get3A_2, %get3A_3] : memref<128x64xf32, #tpu.memory_space<vmem>>, vector<128x64xf32>
    %convert_element_type3A = arith.truncf %get3A_1 : vector<400x128xf32> to vector<400x128xbf16>
    %dot_general3A = arith.constant dense<0.000000e+00> : vector<400x64xf32>
    %dot_general3A_5 = tpu.matmul %convert_element_type3A, %get3A_4, %dot_general3A {dimension_numbers = #tpu.dot_dimension_numbers<[1], [0], [0], [1], [0, 0, 1, 1], [], []>, transpose_lhs_hint = false} : vector<400x128xbf16>, vector<128x64xf32>, vector<400x64xf32> -> vector<400x64xf32>
    %get3A_6 = arith.constant 0 : index
    %get3A_7 = arith.constant 0 : index
    %get3A_8 = vector.load %arg3[%get3A_6, %get3A_7] : memref<1x64xf32, #tpu.memory_space<vmem>>, vector<1x64xf32>
    %add3A = vector.broadcast %get3A_8 : vector<1x64xf32> to vector<400x64xf32>
    %add3A_9 = arith.addf %dot_general3A_5, %add3A : vector<400x64xf32>
    %max3A = arith.constant 0.000000e+00 : f32
    %max3A_10 = vector.broadcast %max3A : f32 to vector<400x64xf32>
    %max3A_11 = arith.maximumf %add3A_9, %max3A_10 : vector<400x64xf32>
    %get3A_12 = arith.constant 0 : index
    %get3A_13 = arith.constant 0 : index
    %get3A_14 = vector.load %arg4[%get3A_12, %get3A_13] : memref<64x1xf32, #tpu.memory_space<vmem>>, vector<64x1xf32>
    %convert_element_type3A_15 = arith.truncf %max3A_11 : vector<400x64xf32> to vector<400x64xbf16>
    %dot_general3A_16 = arith.constant dense<0.000000e+00> : vector<400x1xf32>
    %dot_general3A_17 = tpu.matmul %convert_element_type3A_15, %get3A_14, %dot_general3A_16 {dimension_numbers = #tpu.dot_dimension_numbers<[1], [0], [0], [1], [0, 0, 1, 1], [], []>, transpose_lhs_hint = false} : vector<400x64xbf16>, vector<64x1xf32>, vector<400x1xf32> -> vector<400x1xf32>
    %get3A_18 = arith.constant 0 : index
    %get3A_19 = arith.constant 0 : index
    %get3A_20 = vector.load %arg5[%get3A_18, %get3A_19] : memref<1x1xf32, #tpu.memory_space<vmem>>, vector<1x1xf32>
    %add3A_21 = vector.broadcast %get3A_20 : vector<1x1xf32> to vector<400x1xf32>
    %add3A_22 = arith.addf %dot_general3A_17, %add3A_21 : vector<400x1xf32>
    %swap3A = arith.constant 0 : index
    %swap3A_23 = arith.constant 0 : index
    %swap3A_24 = vector.load %arg10[%swap3A, %swap3A_23] : memref<400x1xf32, #tpu.memory_space<vmem>>, vector<400x1xf32>
    tpu.vector_store %arg10[%swap3A, %swap3A_23], %add3A_22 {strides = array<i32>} : memref<400x1xf32, #tpu.memory_space<vmem>>, vector<400x1xf32>,
    %get3A_25 = arith.constant 0 : index
    %get3A_26 = arith.constant 0 : index
    %get3A_27 = vector.load %arg6[%get3A_25, %get3A_26] : memref<128x64xf32, #tpu.memory_space<vmem>>, vector<128x64xf32>
    %convert_element_type3A_28 = arith.truncf %get3A_1 : vector<400x128xf32> to vector<400x128xbf16>
    %dot_general3A_29 = arith.constant dense<0.000000e+00> : vector<400x64xf32>
    %dot_general3A_30 = tpu.matmul %convert_element_type3A_28, %get3A_27, %dot_general3A_29 {dimension_numbers = #tpu.dot_dimension_numbers<[1], [0], [0], [1], [0, 0, 1, 1], [], []>, transpose_lhs_hint = false} : vector<400x128xbf16>, vector<128x64xf32>, vector<400x64xf32> -> vector<400x64xf32>
    %get3A_31 = arith.constant 0 : index
    %get3A_32 = arith.constant 0 : index
    %get3A_33 = vector.load %arg7[%get3A_31, %get3A_32] : memref<1x64xf32, #tpu.memory_space<vmem>>, vector<1x64xf32>
    %add3A_34 = vector.broadcast %get3A_33 : vector<1x64xf32> to vector<400x64xf32>
    %add3A_35 = arith.addf %dot_general3A_30, %add3A_34 : vector<400x64xf32>
    %max3A_36 = arith.constant 0.000000e+00 : f32
    %max3A_37 = vector.broadcast %max3A_36 : f32 to vector<400x64xf32>
    %max3A_38 = arith.maximumf %add3A_35, %max3A_37 : vector<400x64xf32>
    %get3A_39 = arith.constant 0 : index
    %get3A_40 = arith.constant 0 : index
    %get3A_41 = vector.load %arg8[%get3A_39, %get3A_40] : memref<64x6xf32, #tpu.memory_space<vmem>>, vector<64x6xf32>
    %convert_element_type3A_42 = arith.truncf %max3A_38 : vector<400x64xf32> to vector<400x64xbf16>
    %dot_general3A_43 = arith.constant dense<0.000000e+00> : vector<400x6xf32>
    %dot_general3A_44 = tpu.matmul %convert_element_type3A_42, %get3A_41, %dot_general3A_43 {dimension_numbers = #tpu.dot_dimension_numbers<[1], [0], [0], [1], [0, 0, 1, 1], [], []>, transpose_lhs_hint = false} : vector<400x64xbf16>, vector<64x6xf32>, vector<400x6xf32> -> vector<400x6xf32>
    %get3A_45 = arith.constant 0 : index
    %get3A_46 = arith.constant 0 : index
    %get3A_47 = vector.load %arg9[%get3A_45, %get3A_46] : memref<1x6xf32, #tpu.memory_space<vmem>>, vector<1x6xf32>
    %add3A_48 = vector.broadcast %get3A_47 : vector<1x6xf32> to vector<400x6xf32>
    %add3A_49 = arith.addf %dot_general3A_44, %add3A_48 : vector<400x6xf32>
    %swap3A_50 = arith.constant 0 : index
    %swap3A_51 = arith.constant 0 : index
    %swap3A_52 = vector.load %arg11[%swap3A_50, %swap3A_51] : memref<400x6xf32, #tpu.memory_space<vmem>>, vector<400x6xf32>
    tpu.vector_store %arg11[%swap3A_50, %swap3A_51], %add3A_49 {strides = array<i32>} : memref<400x6xf32, #tpu.memory_space<vmem>>, vector<400x6xf32>,
    return
  }
  func.func @transform_0(%arg0: i32) -> (i32, i32) {
    %c0_i32 = arith.constant 0 : i32
    %c0_i32_0 = arith.constant 0 : i32
    return %arg0, %c0_i32 : i32, i32
  }
  func.func @transform_1(%arg0: i32) -> (i32, i32) {
    %c0_i32 = arith.constant 0 : i32
    %c0_i32_0 = arith.constant 0 : i32
    %c0_i32_1 = arith.constant 0 : i32
    return %c0_i32, %c0_i32_0 : i32, i32
  }
  func.func @transform_2(%arg0: i32) -> (i32, i32) {
    %c0_i32 = arith.constant 0 : i32
    %c0_i32_0 = arith.constant 0 : i32
    %c0_i32_1 = arith.constant 0 : i32
    return %c0_i32, %c0_i32_0 : i32, i32
  }
  func.func @transform_3(%arg0: i32) -> (i32, i32) {
    %c0_i32 = arith.constant 0 : i32
    %c0_i32_0 = arith.constant 0 : i32
    %c0_i32_1 = arith.constant 0 : i32
    return %c0_i32, %c0_i32_0 : i32, i32
  }
  func.func @transform_4(%arg0: i32) -> (i32, i32) {
    %c0_i32 = arith.constant 0 : i32
    %c0_i32_0 = arith.constant 0 : i32
    %c0_i32_1 = arith.constant 0 : i32
    return %c0_i32, %c0_i32_0 : i32, i32
  }
  func.func @transform_5(%arg0: i32) -> (i32, i32) {
    %c0_i32 = arith.constant 0 : i32
    %c0_i32_0 = arith.constant 0 : i32
    %c0_i32_1 = arith.constant 0 : i32
    return %c0_i32, %c0_i32_0 : i32, i32
  }
  func.func @transform_6(%arg0: i32) -> (i32, i32) {
    %c0_i32 = arith.constant 0 : i32
    %c0_i32_0 = arith.constant 0 : i32
    %c0_i32_1 = arith.constant 0 : i32
    return %c0_i32, %c0_i32_0 : i32, i32
  }
  func.func @transform_7(%arg0: i32) -> (i32, i32) {
    %c0_i32 = arith.constant 0 : i32
    %c0_i32_0 = arith.constant 0 : i32
    %c0_i32_1 = arith.constant 0 : i32
    return %c0_i32, %c0_i32_0 : i32, i32
  }
  func.func @transform_8(%arg0: i32) -> (i32, i32) {
    %c0_i32 = arith.constant 0 : i32
    %c0_i32_0 = arith.constant 0 : i32
    %c0_i32_1 = arith.constant 0 : i32
    return %c0_i32, %c0_i32_0 : i32, i32
  }
  func.func @transform_9(%arg0: i32) -> (i32, i32) {
    %c0_i32 = arith.constant 0 : i32
    %c0_i32_0 = arith.constant 0 : i32
    return %arg0, %c0_i32 : i32, i32
  }
  func.func @transform_10(%arg0: i32) -> (i32, i32) {
    %c0_i32 = arith.constant 0 : i32
    %c0_i32_0 = arith.constant 0 : i32
    return %arg0, %c0_i32 : i32, i32
  }
}

</mosaic_0001>

<sc_bundles>
// kernel: kernel.31.cloned.1.call-start
scs
__scs_entry_jumppad:
0x0: {  	(pc) =	sbr.rel $0x88, $3  }
0x1: {  	(tag) =	ssettag $0x0;
	lr =	simm.s32 $0x1  }
0x2: {  	[smem:$0x3F83] =	sst lr;
	_ =	strace $0xD0000000  }
0x3: {  	_ = 	snop  }
0x4: {  	_ = 	snop  }
0x5: {  	_ = 	snop  }
0x6: {  	_ = 	snop  }
0x7: {  	_ = 	snop  }
__scs_overlays_trampoline_lowered:
0x8: {  	[smem:$0x3F92] =	sst s0  }
0x9: {  	[smem:$0x3F93] =	sst s1  }
0xa: {  	[smem:$0x3F94] =	sst s2  }
0xb: {  	[smem:$0x3F95] =	sst s3  }
0xc: {  	[smem:$0x3F96] =	sst s4  }
0xd: {  	[smem:$0x3F97] =	sst s5  }
0xe: {  	[smem:$0x3F98] =	sst s6  }
0xf: {  	[smem:$0x3F99] =	sst s7  }
0x10: {  	[smem:$0x3F9A] =	sst s8  }
0x11: {  	[smem:$0x3F9B] =	sst s9;
	s0 =	simm.s32 @!p0 $0x0  }
0x12: {  	s1 =	sld [smem:$0x3F81];
	s0 =	simm.s32 @p0 $0x1  }
0x13: {  	[smem:$0x3F9C] =	sst s0;
	s0 =	simm.s32 @!p1 $0x0  }
0x14: {  	s2 =	sld [smem:$0x3F80];
	s0 =	simm.s32 @p1 $0x1  }
0x15: {  	[smem:$0x3F9D] =	sst s0;
	s0 =	simm.s32 @!p2 $0x0  }
0x16: {  	s3 =	sld [smem:$0x3FDB];
	s0 =	simm.s32 @p2 $0x1  }
0x17: {  	s4 =	simm.s32 $0x1BF5;
	[smem:$0x3F9F] =	sst s0  }
0x18: {  	s0 =	sld [smem:$0x3F82];
	_ =	swait.ge [sflag:s4], $0x0  }
0x19: {  	s7 =	sld [smem:$0x3F83]  }
0x1a: {  	s8 =	sadd.s32 $0xFFFFE003, lr  }
0x1b: {  	s9 =	sadd.s32 $0xFFFFFEF7, lr;
	s5 =	simm.s32 $0xFFFFFFFF;
	p2 =	slt.u32 s8, $0xFFFFF086  }
0x1c: {  	p1 =	slt.u32 s9, $0xF7A;
	s5 =	simm.s32 @!p2 $0x0  }
0x1d: {  	s5 =	simm.s32 @p1 $0x1;
	p0 =	seq.s32 s7, s2  }
0x1e: {  	s7 =	smul.u32 @!p0 $0xF7A, s2;
	p2 =	seq.s32 @!p0 s5, $0x0  }
0x1f: {  	s9 =	smul.u32 $0xF7A, s1;
	s8 =	simm.s32 @!p0 $0x1BF5;
	p2 =	por !p2, p0  }
0x20: {  	[sflag:s8] =	ssyncset.s32 @!p0 $0xFFFFF086;
	s6 =	sadd.s32 @!p0 s3, s7;
	s7 =	simm.s32 @!p0 $0x108  }
0x21: {  	s3 =	sadd.s32 s3, s9;
	s6 =	sadd.s32 @!p0 $0x88, s6;
	s7 =	simm.s32 @p2 $0x1082  }
0x22: {  	[simem:s7], [sflag:s8] =	dma.local @!p0 [hbm:s6], $0xF7A  }
0x23: {  	s9 =	sor.u32 $0xD0000000, s2;
	s6 =	simm.s32 $0x108;
	_ =	swait.ge @!p0 [sflag:s8], $0x0  }
0x24: {  	s3 =	sadd.s32 $0x88, s3;
	s6 =	simm.s32 @!p1 $0x1082;
	[sflag:s4] =	ssyncset.s32 $0xFFFFF086  }
0x25: {  	[simem:s6], [sflag:s4] =	dma.local [hbm:s3], $0xF7A  }
0x26: {  	[smem:$0x3F83] =	sst s1;
	(tag) =	ssettag s2;
	_ =	strace s9  }
0x27: {  	s1 =	sld [smem:$0x3F93]  }
0x28: {  	s2 =	sld [smem:$0x3F94]  }
0x29: {  	s4 =	sld [smem:$0x3F96]  }
0x2a: {  	p0 =	seq.s32 s5, $0x0;
	s5 =	sld [smem:$0x3F97]  }
0x2b: {  	s6 =	sld [smem:$0x3F98]  }
0x2c: {  	s7 =	sld [smem:$0x3F99]  }
0x2d: {  	s3 =	simm.s32 $0x108;
	s8 =	sld [smem:$0x3F9A]  }
0x2e: {  	s3 =	simm.s32 @!p0 $0x1082;
	s9 =	sld [smem:$0x3F9B]  }
0x2f: {  	lr =	sadd.s32 s0, s3;
	s0 =	sld [smem:$0x3F92]  }
0x30: {  	s3 =	sld [smem:$0x3F95]  }
0x31: {  	[smem:$0x3F9E] =	sst s10  }
0x32: {  	s10 =	sld [smem:$0x3F9C];
	_ =	sdelay $0x3  }
0x33: {  	p0 =	seq.s32 s10, $0x1;
	s10 =	sld [smem:$0x3F9E];
	_ =	sdelay $0x3  }
0x34: {  	[smem:$0x3F9E] =	sst s10  }
0x35: {  	s10 =	sld [smem:$0x3F9D];
	_ =	sdelay $0x3  }
0x36: {  	p1 =	seq.s32 s10, $0x1;
	s10 =	sld [smem:$0x3F9E];
	_ =	sdelay $0x3  }
0x37: {  	[smem:$0x3F9E] =	sst s10  }
0x38: {  	s10 =	sld [smem:$0x3F9F]  }
0x39: {  	_ = 	snop;
	(pc) =	sbr.ind lr, $3  }
0x3a: {  	_ = 	snop  }
0x3b: {  	_ = 	snop  }
0x3c: {  	p2 =	seq.s32 s10, $0x1;
	s10 =	sld [smem:$0x3F9E]  }
0x3d: {  	_ =	shalt  }
0x3e: {  	_ =	shalt  }
0x3f: {  	_ =	shalt  }
0x40: {  	_ =	shalt  }
0x41: {  	_ =	shalt  }
0x42: {  	_ =	shalt  }
0x43: {  	_ =	shalt  }
0x44: {  	_ =	shalt  }
0x45: {  	_ =	shalt  }
0x46: {  	_ =	shalt  }
0x47: {  	_ =	shalt  }
0x48: {  	_ =	shalt  }
0x49: {  	_ =	shalt  }
0x4a: {  	_ =	shalt  }
0x4b: {  	_ =	shalt  }
0x4c: {  	_ =	shalt  }
0x4d: {  	_ =	shalt  }
0x4e: {  	_ =	shalt  }
0x4f: {  	_ =	shalt  }
0x50: {  	_ =	shalt  }
0x51: {  	_ =	shalt  }
0x52: {  	_ =	shalt  }
0x53: {  	_ =	shalt  }
0x54: {  	_ =	shalt  }
0x55: {  	_ =	shalt  }
0x56: {  	_ =	shalt  }
0x57: {  	_ =	shalt  }
0x58: {  	_ =	shalt  }
0x59: {  	_ =	shalt  }
0x5a: {  	_ =	shalt  }
0x5b: {  	_ =	shalt  }
0x5c: {  	_ =	shalt  }
0x5d: {  	_ =	shalt  }
0x5e: {  	_ =	shalt  }
0x5f: {  	_ =	shalt  }
0x60: {  	_ =	shalt  }
0x61: {  	_ =	shalt  }
0x62: {  	_ =	shalt  }
0x63: {  	_ =	shalt  }
0x64: {  	_ =	shalt  }
0x65: {  	_ =	shalt  }
0x66: {  	_ =	shalt  }
0x67: {  	_ =	shalt  }
0x68: {  	_ =	shalt  }
0x69: {  	_ =	shalt  }
0x6a: {  	_ =	shalt  }
0x6b: {  	_ =	shalt  }
0x6c: {  	_ =	shalt  }
0x6d: {  	_ =	shalt  }
0x6e: {  	_ =	shalt  }
0x6f: {  	_ =	shalt  }
0x70: {  	_ =	shalt  }
0x71: {  	_ =	shalt  }
0x72: {  	_ =	shalt  }
0x73: {  	_ =	shalt  }
0x74: {  	_ =	shalt  }
0x75: {  	_ =	shalt  }
0x76: {  	_ =	shalt  }
0x77: {  	_ =	shalt  }
0x78: {  	_ =	shalt  }
0x79: {  	_ =	shalt  }
0x7a: {  	_ =	shalt  }
0x7b: {  	_ =	shalt  }
0x7c: {  	_ =	shalt  }
0x7d: {  	_ =	shalt  }
0x7e: {  	_ =	shalt  }
0x7f: {  	_ =	shalt  }
0x80: {  	_ =	shalt  }
0x81: {  	_ =	shalt  }
0x82: {  	_ =	shalt  }
0x83: {  	_ =	shalt  }
0x84: {  	_ =	shalt  }
0x85: {  	_ =	shalt  }
0x86: {  	_ =	shalt  }
0x87: {  	_ =	shalt  }
.Lfunc_end0:
.L_simem_size_0:
called_computation_lowered:
.L_overlay_start_0:
0x88: {  	s2 =	sld [smem:$0x3FD9]  }
0x89: {  	s3 =	sld [smem:$0x3FFE];
	_ =	sdelay $0x1  }
0x8a: {  	s1 =	srdreg.scid  }
0x8b: {  	s0 =	sand.u32 $0x1, s1  }
0x8c: {  	s15 =	sshll.u32 s0, $0xA;
	s2 =	sadd.s32 s3, s2  }
0x8d: {  	s2 =	sadd.s32 s2, s15  }
0x8e: {  	[smem:$0x3FAA] =	sst s2  }
0x8f: {  	_ = 	snop  }
0x90: {  	s16 =	sld [smem:$0x3FD0];
	_ =	sdelay $0x2  }
0x91: {  	s4 =	simm.s32 $0xB;
	s5 =	simm.s32 $0x10;
	s2 =	sld [smem:$0x3FAC]  }
0x92: {  	[smem:s5], [sflag:s4] =	dma.local [hbm:s16], $0x1  }
0x93: {  	_ =	swait.eq [sflag:s4], $0x1  }
0x94: {  	[sflag:s4] =	ssyncset.done $0x0  }
0x95: {  	[sflag:s4] =	ssyncadd.s32 $0xFFFFFFFF  }
0x96: {  	s17 =	sld [smem:$0x10];
	(tm) =	ssettm $0x1  }
0x97: {  	s18 =	sld [smem:$0x3FFB];
	_ =	sdelay $0x3  }
0x98: {  	_ =	strace s18  }
0x99: {  	s3 =	sld [smem:$0x3FFC];
	_ =	sdelay $0x3  }
0x9a: {  	_ =	strace s3  }
0x9b: {  	s3 =	sld [smem:$0x3FFD];
	_ =	sdelay $0x3  }
0x9c: {  	_ =	strace s3  }
0x9d: {  	_ =	strace $0x8FFFFFFF  }
0x9e: {  	s19 =	sld [smem:$0x3FDB];
	_ =	sdelay $0x1  }
0x9f: {  	s20 =	simm.s32 $_scs_section_size  }
0xa0: {  	s6 =	simm.s32 $_size__tile_overlayer_lowered;
	s7 =	simm.s32 $_tile_overlayer_lowered  }
0xa1: {  	s8 =	simm.s32 $0x1BFF;
	s21 =	sshll.u32 s7, $0x1;
	s5 =	sadd.s32 s20, s19  }
0xa2: {  	s22 =	simm.s32 $0x0;
	s6 =	sshll.u32 s6, $0x1;
	s7 =	sadd.s32 s21, s5  }
0xa3: {  	[timem:s22], [sflag:s8] =	dma.local [hbm:s7], s6  }
0xa4: {  	_ =	swait.ge [sflag:s8], s6  }
0xa5: {  	s6 =	ssub.s32 $0x0, s6;
	[sflag:s8] =	ssyncset.done $0x0  }
0xa6: {  	[sflag:s8] =	ssyncadd.s32 s6;
	_ =	sdelay $0x1  }
0xa7: {  	s23 =	simm.s32 $0x1B8B  }
0xa8: {  	_ =	swait.ge [sflag:s23], $0x1  }
0xa9: {  	[sflag:s23] =	ssyncset.done $0x0  }
0xaa: {  	[sflag:s23] =	ssyncadd.s32 $0xFFFFFFFF  }
0xab: {  	s6 =	sld [smem:$0x0]  }
0xac: {  	s7 =	sand.u32 $0xFFFFFFFE, s1  }
0xad: {  	p0 =	sne.s32 s1, s7  }
0xae: {  	s7 =	sshll.u32 @p0 s7, $0xE  }
0xaf: {  	s7 =	sadd.s32 @p0 $0x11B8D, s7;
	s8 =	sshll.u32 @p0 s6, $0x11  }
0xb0: {  	s7 =	sor.u32 @p0 s8, s7  }
0xb1: {  	[sflag:s7] =	ssyncadd.remote.s32 @p0 $0x1;
	_ =	sdelay $0x1  }
0xb2: {  	s7 =	simm.s32 @p0 $0x1B8D  }
0xb3: {  	_ =	swait.eq @p0 [sflag:s7], $0x1  }
0xb4: {  	[sflag:s7] =	ssyncadd.s32 @p0 $0xFFFFFFFF  }
0xb5: {  	s8 =	sshll.u32 @!p0 s1, $0xE  }
0xb6: {  	s8 =	sor.u32 @!p0 $0x4000, s8;
	s7 =	simm.s32 @!p0 $0x1B8D  }
0xb7: {  	s6 =	sshll.u32 @!p0 s6, $0x11;
	s8 =	sadd.s32 @!p0 $0x11B8D, s8;
	_ =	swait.eq @!p0 [sflag:s7], $0x1  }
0xb8: {  	s6 =	sor.u32 @!p0 s6, s8;
	[sflag:s7] =	ssyncadd.s32 @!p0 $0xFFFFFFFF  }
0xb9: {  	s25 =	simm.s32 $0x1B8E;
	s24 =	sld [smem:$0x3FFE];
	[sflag:s6] =	ssyncadd.remote.s32 @!p0 $0x1  }
0xba: {  	s26 =	simm.s32 $execute0_lowered;
	[smem:$0x3FD2] =	sst s25  }
0xbb: {  	s7 =	sshll.u32 s26, $0x1;
	_ =	strace $0x80000049;
	[dreg:$0x1] =	wrdreg $0xFFFFFFFF  }
0xbc: {  	s28 =	simm.s32 $_size_execute0_lowered;
	s5 =	sadd.s32 s5, s7;
	[dreg:$0x0] =	wrdreg $0x0  }
0xbd: {  	s7 =	sshll.u32 s28, $0x1;
	[dreg:$0x2] =	wrdreg s5  }
0xbe: {  	[dreg:$0x3] =	wrdreg s7  }
0xbf: {  	[dreg:$0x4] =	wrdreg $0xC0  }
0xc0: {  	_ =	task [dreg:s22], $0x5FFFF  }
0xc1: {  	[dreg:$0x1] =	wrdreg $0xFFFFFFFF  }
0xc2: {  	[dreg:$0x0] =	wrdreg $0x60  }
0xc3: {  	[dreg:$0x2] =	wrdreg s17  }
0xc4: {  	[dreg:$0x3] =	wrdreg s24  }
0xc5: {  	[dreg:$0x4] =	wrdreg s2  }
0xc6: {  	[dreg:$0x5] =	wrdreg $0x9  }
0xc7: {  	_ =	task.clear_ibuf [dreg:s22], $0x6FFFF;
	_ =	strace $0x90000049  }
0xc8: {  	s29 =	simm.s32 $0x9;
	_ =	strace $0x8000004B  }
0xc9: {  	_ =	swait.ge [sflag:s29], $0x1  }
0xca: {  	[sflag:s29] =	ssyncadd.s32 $0xFFFFFFFF  }
0xcb: {  	_ =	strace $0x9000004B  }
0xcc: {  	_ =	sfence  }
0xcd: {  	s30 =	sld [smem:$0x0];
	_ =	sdelay $0x2  }
0xce: {  	s31 =	sshll.u32 s1, $0xD;
	s1 =	sshrl.u32 s1, $0x2  }
0xcf: {  	s4 =	sand.u32 $0x4000, s31;
	s1 =	sadd.s32 s1, s30  }
0xd0: {  	s0 =	sor.u32 s4, s0;
	s1 =	sshll.u32 s1, $0x11  }
0xd1: {  	s0 =	sor.u32 s1, s0  }
0xd2: {  	s0 =	sadd.s32 $0x8F2B, s0  }
0xd3: {  	[sflag:s0] =	ssyncadd.remote.s32 $0x1  }
0xd4: {  	_ =	sfence.sel $0xFFFF  }
0xd5: {  	[dreg:$0x0] =	wrdreg $0xFFFFFFFF;
	(pc) =	sbr.abs _section_cstart, $3  }
0xd6: {  	[dreg:$0x1] =	wrdreg $0xFFFFFFFF  }
0xd7: {  	_ =	task.clear_ibuf [dreg:s22], $0x2FFFF;
	_ =	strace $0x9FFFFFFF  }
0xd8: {  	(tm) =	ssettm $0x7FFFFFFF  }
0xd9: {  	_ =	shalt  }
tec
execute0_lowered:
.L_overlay_start_1:
0x0: {  	(tag) =	ssettag $0x1  }
0x1: {  	s1 =	rddreg [dreg:$0x0]  }
0x2: {  	s8 =	rddreg [dreg:$0x1]  }
0x3: {  	s2 =	rddreg [dreg:$0x2]  }
0x4: {  	s0 =	rddreg [dreg:$0x3]  }
0x5: {  	s3 =	simm.s32 $0x0;
	s4 =	srdreg.scid;
	s13 =	simm.s32 $0x7D0  }
0x6: {  	s14 =	simm.s32 $0x1000;
	s15 =	simm.s32 $0x1;
	s16 =	simm.s32 $0x1800  }
0x7: {  	s17 =	simm.s32 $0x2000;
	s18 =	simm.s32 $0x2800;
	s19 =	simm.s32 $0x3000  }
0x8: {  	s20 =	simm.s32 $0x0;
	[smem:$0x7FF] =	sst s3;
	s5 =	sadd.s32 $0x11800, s8  }
0x9: {  	s9 =	sand.u32 $0x1, s4;
	s6 =	sadd.s32 $0xA06800, s8;
	s4 =	stileid.u32  }
0xa: {  	s7 =	sadd.s32 $0xA10600, s8;
	s8 =	sadd.s32 $0xA1A400, s8;
	s10 =	ssub.s32 $0x2, s9  }
0xb: {  	_ =	strace $0x8000004A;
	s12 =	sshll.u32 s4, $0x1;
	s11 =	sshrl.u32 s10, $0x1  }
0xc: {  	v1 =	vlaneseq.u32;
	s9 =	sor.u32 s9, s12;
	s12 =	simm.s32 $0x800;
	s10 =	ssub.s32 s10, s11  }
0xd: {  	v0 =	vimm.f32 $0.0e+00;
	v1 =	vor.u32 $0x2710, v1;
	s9 =	smul.u32 $0x2710, s9;
	s11 =	simm.s32 $0x2;
	s10 =	smax.u32 s10, $0x1  }
.LBB2_1:
0xe: {  	s21 =	simm.s32 $0x0  }
.LBB2_2:
0xf: {  	s22 =	smul.u32 $0x7D0, s21;
	_ =	sdelay $0x1  }
0x10: {  	s22 =	sadd.s32 s9, s22  }
0x11: {  	s22 =	sshrl.u32 s22, $0x3  }
0x12: {  	s24 =	simm.s32 $0x0;
	s23 =	sadd.s32 s1, s22  }
0x13: {  	[tilespmem:s24], [sflag:$0x2] =	stream.linear.gather [hbm4b:s23+s24], $0x7D0, $0x38;
	[tilespmem:$0x3800] =	vst v63  }
0x14: {  	_ =	swait.ge [sflag:s11], $0x7D0  }
0x15: {  	[sflag:s11] =	ssyncset.done $0x0  }
0x16: {  	s31 =	sadd.s32 s5, s22;
	[sflag:s11] =	ssyncadd.s32 $0xFFFFF830  }
0x17: {  	[tilespmem:s12], [sflag:$0x2] =	stream.linear.gather [hbm4b:s31+s24], $0x7D0, $0x38;
	[tilespmem:$0x3800] =	vst v63  }
0x18: {  	_ =	swait.ge [sflag:s11], $0x7D0  }
0x19: {  	[sflag:s11] =	ssyncset.done $0x0  }
0x1a: {  	[sflag:s11] =	ssyncadd.s32 $0xFFFFF830  }
0x1b: {  	[tilespmem:s14], [sflag:$0x1] =	stream.indirect.gather [hbm4b:s2+s13], $0x1, s24, s13, $0xb8;
	[tilespmem:$0x3800] =	vst v63  }
0x1c: {  	_ =	swait.ge [sflag:s15], $0x7D0  }
0x1d: {  	[sflag:s15] =	ssyncset.done $0x0  }
0x1e: {  	[sflag:s15] =	ssyncadd.s32 $0xFFFFF830  }
0x1f: {  	[tilespmem:s16], [sflag:$0x1] =	stream.indirect.gather [hbm4b:s2+s13], $0x1, s12, s13, $0xb8;
	[tilespmem:$0x3800] =	vst v63  }
0x20: {  	_ =	swait.ge [sflag:s15], $0x7D0  }
0x21: {  	[sflag:s15] =	ssyncset.done $0x0  }
0x22: {  	s24 =	simm.s32 $0x0;
	[sflag:s15] =	ssyncadd.s32 $0xFFFFF830  }
0x23: {  	v2 =	vld [tilespmem:s24+$0x1000]  }
0x24: {  	v3 =	vld [tilespmem:s24+$0x1800];
	_ =	sdelay $0x3  }
0x25: {  	vm0 =	vlt.s32 v2, $0x5  }
0x26: {  	v4 =	vshrl.u32 v2, $0x1F;
	vm1 =	vlt.s32 v2, $0xB;
	v5 =	vshrl.u32 v3, $0x1F  }
0x27: {  	s23 =	simm.s32 $0x10;
	vm2 =	vlt.s32 v3, $0xB;
	v4 =	vadd.s32 v4, v2;
	v5 =	vadd.s32 v5, v3  }
0x28: {  	v7 =	vld [tilespmem:s23+$0x1000];
	vm3 =	vlt.s32 v2, $0xF;
	v4 =	vand.u32 $0xFFFFFFFE, v4;
	v5 =	vand.u32 $0xFFFFFFFE, v5  }
0x29: {  	vm4 =	vlt.s32 v3, $0xF;
	v4 =	vsub.s32 v2, v4;
	v6 =	vsub.s32 v3, v5;
	v2 =	vld [tilespmem:s24+$0x800]  }
0x2a: {  	v5 =	vld [tilespmem:s23+$0x1800];
	v8 =	vsub.s32 $0x2, v4;
	v4 =	vsub.s32 $0x4, v4;
	v9 =	vsub.s32 $0x4, v6  }
0x2b: {  	v6 =	vsub.s32 $0x2, v6;
	v4 =	vnsel vm3, $0x5, v4;
	v9 =	vnsel vm4, $0x5, v9  }
0x2c: {  	v4 =	vsel vm1, v8, v4;
	vm1 =	vlt.s32 v3, $0x5;
	v3 =	vsel vm2, v6, v9  }
0x2d: {  	vm4 =	vlt.s32 v7, $0xF;
	v4 =	vsel vm0, $0x0, v4;
	v3 =	vsel vm1, $0x0, v3  }
0x2e: {  	v6 =	vshrl.u32 v7, $0x1F;
	vm2 =	vlt.s32 v7, $0xB;
	vm0 =	veq.s32 v4, v3  }
0x2f: {  	vm1 =	vlt.s32 v7, $0x5;
	v8 =	vshrl.u32 v5, $0x1F;
	v4 =	vsel vm0, v1, v2  }
0x30: {  	v3 =	vsel vm0, $0x3F800000, v0;
	[tilespmem:s24+$0x3000] =	vst v4;
	v4 =	vadd.s32 v6, v7;
	v6 =	vadd.s32 v8, v5  }
0x31: {  	vm3 =	vlt.s32 v5, $0xB;
	[tilespmem:s24+$0x2000] =	vst v3;
	v3 =	vand.u32 $0xFFFFFFFE, v4;
	v4 =	vand.u32 $0xFFFFFFFE, v6  }
0x32: {  	s25 =	simm.s32 $0x20;
	vm5 =	vlt.s32 v5, $0xF;
	v8 =	vsub.s32 v7, v3;
	v6 =	vsub.s32 v5, v4;
	v4 =	vld [tilespmem:s23+$0x800]  }
0x33: {  	s26 =	simm.s32 $0xC0;
	v3 =	vld [tilespmem:s25+$0x1000];
	v7 =	vsub.s32 $0x2, v8;
	v9 =	vsub.s32 $0x4, v8;
	v8 =	vsub.s32 $0x4, v6  }
.LBB2_3:
0x34: {  	p0 =	sne.s32 s26, $0x1F00;
	v10 =	vld [tilespmem:s25+$0x1800];
	v9 =	vnsel vm4, $0x5, v9;
	v6 =	vsub.s32 $0x2, v6;
	v8 =	vnsel vm5, $0x5, v8  }
0x35: {  	v7 =	vsel vm2, v7, v9;
	vm2 =	vlt.s32 v5, $0x5;
	v5 =	vsel vm3, v6, v8  }
0x36: {  	v6 =	vsel vm1, $0x0, v7;
	v5 =	vsel vm2, $0x0, v5;
	v7 =	vsel vm0, v2, v1  }
0x37: {  	vm0 =	veq.s32 v6, v5;
	[tilespmem:s24+$0x2800] =	vst v7;
	v2 =	vmov v4;
	s24 =	smov.u32 s23;
	s23 =	smov.u32 s25  }
0x38: {  	vm1 =	vlt.s32 v3, $0x5;
	v4 =	vsel vm0, $0x3F800000, v0;
	v8 =	vsel vm0, v1, v2  }
.Ltmp0:
0x39: {  	v6 =	vshrl.u32 v3, $0x1F;
	vm2 =	vlt.s32 v3, $0xB;
	v7 =	vshrl.u32 v10, $0x1F;
	[tilespmem:s24+$0x3000] =	vst v8;
	v5 =	vmovc v10;
	(pc) =	sbr.rel @p0 .LBB2_3-.Ltmp0, $4  }
0x3a: {  	v6 =	vadd.s32 v6, v3;
	v7 =	vadd.s32 v7, v5;
	vm3 =	vlt.s32 v5, $0xB;
	[tilespmem:s24+$0x2000] =	vst v4  }
0x3b: {  	vm4 =	vlt.s32 v3, $0xF;
	v4 =	vand.u32 $0xFFFFFFFE, v6;
	v6 =	vand.u32 $0xFFFFFFFE, v7  }
0x3c: {  	s25 =	sshra.s32 s26, $0x2;
	vm5 =	vlt.s32 v5, $0xF;
	v8 =	vsub.s32 v3, v4;
	v6 =	vsub.s32 v5, v6;
	v4 =	vld [tilespmem:s23+$0x800]  }
0x3d: {  	s26 =	sadd.s32 $0x40, s26;
	v7 =	vsub.s32 $0x2, v8;
	v9 =	vsub.s32 $0x4, v8;
	v3 =	vld [tilespmem:s25+$0x1000];
	v8 =	vsub.s32 $0x4, v6  }
0x3e: {  	v10 =	vld [tilespmem:s25+$0x1800];
	v9 =	vnsel vm4, $0x5, v9;
	v6 =	vsub.s32 $0x2, v6;
	v8 =	vnsel vm5, $0x5, v8  }
0x3f: {  	vm7 =	vlt.s32 v5, $0x5;
	v7 =	vsel vm2, v7, v9;
	v55 =	vsel vm3, v6, v8  }
0x40: {  	v56 =	vsel vm1, $0x0, v7;
	v5 =	vsel vm7, $0x0, v55  }
0x41: {  	v2 =	vsel vm0, v2, v1;
	vm8 =	veq.s32 v56, v5  }
0x42: {  	vm9 =	vlt.s32 v3, $0x5;
	v5 =	vsel vm8, $0x3F800000, v0;
	v6 =	vsel vm8, v1, v4  }
0x43: {  	v57 =	vshrl.u32 v3, $0x1F;
	vm10 =	vlt.s32 v3, $0xB;
	v58 =	vshrl.u32 v10, $0x1F  }
0x44: {  	[tilespmem:s24+$0x2800] =	vst v2;
	vm12 =	vlt.s32 v3, $0xF;
	v2 =	vadd.s32 v57, v3;
	v59 =	vadd.s32 v58, v10  }
0x45: {  	vm11 =	vlt.s32 v10, $0xB;
	[tilespmem:s23+$0x3000] =	vst v6;
	v2 =	vand.u32 $0xFFFFFFFE, v2;
	v60 =	vand.u32 $0xFFFFFFFE, v59  }
0x46: {  	[tilespmem:s23+$0x2000] =	vst v5;
	vm13 =	vlt.s32 v10, $0xF;
	v2 =	vsub.s32 v3, v2;
	v3 =	vsub.s32 v10, v60  }
0x47: {  	v5 =	vld [tilespmem:s25+$0x800];
	v61 =	vsub.s32 $0x2, v2;
	v2 =	vsub.s32 $0x4, v2;
	v62 =	vsub.s32 $0x4, v3  }
0x48: {  	v2 =	vnsel vm12, $0x5, v2;
	v3 =	vsub.s32 $0x2, v3;
	v7 =	vnsel vm13, $0x5, v62  }
0x49: {  	vm14 =	vlt.s32 v10, $0x5;
	v2 =	vsel vm10, v61, v2;
	v3 =	vsel vm11, v3, v7  }
0x4a: {  	v2 =	vsel vm9, $0x0, v2;
	v3 =	vsel vm14, $0x0, v3  }
0x4b: {  	v63 =	vsel vm8, v4, v1;
	vm15 =	veq.s32 v2, v3  }
0x4c: {  	[tilespmem:s23+$0x2800] =	vst v63;
	v2 =	vsel vm15, v1, v5  }
0x4d: {  	v3 =	vsel vm15, $0x3F800000, v0;
	[tilespmem:s25+$0x3000] =	vst v2  }
0x4e: {  	[tilespmem:s25+$0x2000] =	vst v3;
	v2 =	vsel vm15, v5, v1  }
0x4f: {  	s29 =	sadd.s32 s6, s22;
	[tilespmem:s25+$0x2800] =	vst v2  }
0x50: {  	[hbm4b:s29+s3] =	stream.linear.scatter [tilespmem:s17], [sflag:$0x2], $0x7D0, $0x38;
	[tilespmem:$0x3800] =	vst v63  }
0x51: {  	_ =	swait.ge [sflag:s11], $0x7D0  }
0x52: {  	[sflag:s11] =	ssyncset.done $0x0  }
0x53: {  	s30 =	sadd.s32 s7, s22;
	[sflag:s11] =	ssyncadd.s32 $0xFFFFF830  }
0x54: {  	[hbm4b:s30+s3] =	stream.linear.scatter [tilespmem:s18], [sflag:$0x2], $0x7D0, $0x38;
	[tilespmem:$0x3800] =	vst v63  }
0x55: {  	s21 =	sadd.s32 $0x1, s21;
	_ =	swait.ge [sflag:s11], $0x7D0  }
0x56: {  	p0 =	sne.s32 s21, $0x5;
	[sflag:s11] =	ssyncset.done $0x0  }
.Ltmp1:
0x57: {  	s31 =	sadd.s32 s8, s22;
	[sflag:s11] =	ssyncadd.s32 $0xFFFFF830;
	(pc) =	sbr.rel @p0 .LBB2_2-.Ltmp1, $4  }
0x58: {  	[hbm4b:s31+s3] =	stream.linear.scatter [tilespmem:s19], [sflag:$0x2], $0x7D0, $0x38;
	[tilespmem:$0x3800] =	vst v63  }
0x59: {  	_ =	swait.ge [sflag:s11], $0x7D0  }
0x5a: {  	[sflag:s11] =	ssyncset.done $0x0  }
0x5b: {  	[sflag:s11] =	ssyncadd.s32 $0xFFFFF830  }
0x5c: {  	s20 =	sadd.s32 $0x1, s20  }
0x5d: {  	p0 =	sne.s32 s20, s10  }
.Ltmp2:
0x5e: {  	_ = 	snop;
	(pc) =	sbr.rel @p0 .LBB2_1-.Ltmp2, $1  }
0x5f: {  	_ =	sdelay $0x3  }
0x60: {  	_ =	sfence.sel $0x180000  }
0x61: {  	[bflag:$0x0] =	sbarrier.arrive $0xFFFF  }
0x62: {  	p0 =	sne.s32 s4, $0x0;
	_ =	strace $0x9000004A  }
0x63: {  	s0 =	sadd.s32 @!p0 $0x100000, s0;
	[bflag:$0x2] =	sbarrier.arrive $0xFFFF  }
0x64: {  	[sflag:s0] =	ssyncadd.tile.s32 @!p0 $0x1;
	_ =	shalt  }
.Lfunc_end2:
_tile_overlayer_lowered:
.L_overlay_start_2:
0x65: {  	(tag) =	ssettag $0x2  }
0x66: {  	s0 =	rddreg [dreg:$0x0];
	s2 =	stileid.u32  }
0x67: {  	s1 =	rddreg [dreg:$0x1];
	p0 =	sne.s32 s2, $0x0  }
0x68: {  	s3 =	rddreg [dreg:$0x2];
	[bflag:$0x3] =	sbarrier.arrive $0xFFFF;
	s2 =	simm.s32 @!p0 $0x1C02  }
0x69: {  	[timem:s3], [sflag:s2] =	dma.local @!p0 [hbm:s0], s1  }
0x6a: {  	s0 =	simm.s32 @!p0 $0x2  }
0x6b: {  	_ =	swait.ge @!p0 [sflag:s0], s1  }
0x6c: {  	s1 =	ssub.s32 @!p0 $0x0, s1;
	[sflag:s0] =	ssyncset.done @!p0 $0x0  }
0x6d: {  	[sflag:s0] =	ssyncadd.s32 @!p0 s1  }
0x6e: {  	[bflag:$0x3] =	sbarrier.arrive $0xFFFF  }
0x6f: {  	_ =	shalt  }

// kernel: kernel.34.cloned.1.call-start
scs
__scs_entry_jumppad:
0x0: {  	(pc) =	sbr.rel $0x88, $3  }
0x1: {  	(tag) =	ssettag $0x0;
	lr =	simm.s32 $0x1  }
0x2: {  	[smem:$0x3F83] =	sst lr;
	_ =	strace $0xD0000000  }
0x3: {  	_ = 	snop  }
0x4: {  	_ = 	snop  }
0x5: {  	_ = 	snop  }
0x6: {  	_ = 	snop  }
0x7: {  	_ = 	snop  }
__scs_overlays_trampoline_lowered:
0x8: {  	[smem:$0x3F92] =	sst s0  }
0x9: {  	[smem:$0x3F93] =	sst s1  }
0xa: {  	[smem:$0x3F94] =	sst s2  }
0xb: {  	[smem:$0x3F95] =	sst s3  }
0xc: {  	[smem:$0x3F96] =	sst s4  }
0xd: {  	[smem:$0x3F97] =	sst s5  }
0xe: {  	[smem:$0x3F98] =	sst s6  }
0xf: {  	[smem:$0x3F99] =	sst s7  }
0x10: {  	[smem:$0x3F9A] =	sst s8  }
0x11: {  	[smem:$0x3F9B] =	sst s9;
	s0 =	simm.s32 @!p0 $0x0  }
0x12: {  	s1 =	sld [smem:$0x3F81];
	s0 =	simm.s32 @p0 $0x1  }
0x13: {  	[smem:$0x3F9C] =	sst s0;
	s0 =	simm.s32 @!p1 $0x0  }
0x14: {  	s2 =	sld [smem:$0x3F80];
	s0 =	simm.s32 @p1 $0x1  }
0x15: {  	[smem:$0x3F9D] =	sst s0;
	s0 =	simm.s32 @!p2 $0x0  }
0x16: {  	s3 =	sld [smem:$0x3FDB];
	s0 =	simm.s32 @p2 $0x1  }
0x17: {  	s4 =	simm.s32 $0x1BF5;
	[smem:$0x3F9F] =	sst s0  }
0x18: {  	s0 =	sld [smem:$0x3F82];
	_ =	swait.ge [sflag:s4], $0x0  }
0x19: {  	s7 =	sld [smem:$0x3F83]  }
0x1a: {  	s8 =	sadd.s32 $0xFFFFE003, lr  }
0x1b: {  	s9 =	sadd.s32 $0xFFFFFEF7, lr;
	s5 =	simm.s32 $0xFFFFFFFF;
	p2 =	slt.u32 s8, $0xFFFFF086  }
0x1c: {  	p1 =	slt.u32 s9, $0xF7A;
	s5 =	simm.s32 @!p2 $0x0  }
0x1d: {  	s5 =	simm.s32 @p1 $0x1;
	p0 =	seq.s32 s7, s2  }
0x1e: {  	s7 =	smul.u32 @!p0 $0xF7A, s2;
	p2 =	seq.s32 @!p0 s5, $0x0  }
0x1f: {  	s9 =	smul.u32 $0xF7A, s1;
	s8 =	simm.s32 @!p0 $0x1BF5;
	p2 =	por !p2, p0  }
0x20: {  	[sflag:s8] =	ssyncset.s32 @!p0 $0xFFFFF086;
	s6 =	sadd.s32 @!p0 s3, s7;
	s7 =	simm.s32 @!p0 $0x108  }
0x21: {  	s3 =	sadd.s32 s3, s9;
	s6 =	sadd.s32 @!p0 $0x88, s6;
	s7 =	simm.s32 @p2 $0x1082  }
0x22: {  	[simem:s7], [sflag:s8] =	dma.local @!p0 [hbm:s6], $0xF7A  }
0x23: {  	s9 =	sor.u32 $0xD0000000, s2;
	s6 =	simm.s32 $0x108;
	_ =	swait.ge @!p0 [sflag:s8], $0x0  }
0x24: {  	s3 =	sadd.s32 $0x88, s3;
	s6 =	simm.s32 @!p1 $0x1082;
	[sflag:s4] =	ssyncset.s32 $0xFFFFF086  }
0x25: {  	[simem:s6], [sflag:s4] =	dma.local [hbm:s3], $0xF7A  }
0x26: {  	[smem:$0x3F83] =	sst s1;
	(tag) =	ssettag s2;
	_ =	strace s9  }
0x27: {  	s1 =	sld [smem:$0x3F93]  }
0x28: {  	s2 =	sld [smem:$0x3F94]  }
0x29: {  	s4 =	sld [smem:$0x3F96]  }
0x2a: {  	p0 =	seq.s32 s5, $0x0;
	s5 =	sld [smem:$0x3F97]  }
0x2b: {  	s6 =	sld [smem:$0x3F98]  }
0x2c: {  	s7 =	sld [smem:$0x3F99]  }
0x2d: {  	s3 =	simm.s32 $0x108;
	s8 =	sld [smem:$0x3F9A]  }
0x2e: {  	s3 =	simm.s32 @!p0 $0x1082;
	s9 =	sld [smem:$0x3F9B]  }
0x2f: {  	lr =	sadd.s32 s0, s3;
	s0 =	sld [smem:$0x3F92]  }
0x30: {  	s3 =	sld [smem:$0x3F95]  }
0x31: {  	[smem:$0x3F9E] =	sst s10  }
0x32: {  	s10 =	sld [smem:$0x3F9C];
	_ =	sdelay $0x3  }
0x33: {  	p0 =	seq.s32 s10, $0x1;
	s10 =	sld [smem:$0x3F9E];
	_ =	sdelay $0x3  }
0x34: {  	[smem:$0x3F9E] =	sst s10  }
0x35: {  	s10 =	sld [smem:$0x3F9D];
	_ =	sdelay $0x3  }
0x36: {  	p1 =	seq.s32 s10, $0x1;
	s10 =	sld [smem:$0x3F9E];
	_ =	sdelay $0x3  }
0x37: {  	[smem:$0x3F9E] =	sst s10  }
0x38: {  	s10 =	sld [smem:$0x3F9F]  }
0x39: {  	_ = 	snop;
	(pc) =	sbr.ind lr, $3  }
0x3a: {  	_ = 	snop  }
0x3b: {  	_ = 	snop  }
0x3c: {  	p2 =	seq.s32 s10, $0x1;
	s10 =	sld [smem:$0x3F9E]  }
0x3d: {  	_ =	shalt  }
0x3e: {  	_ =	shalt  }
0x3f: {  	_ =	shalt  }
0x40: {  	_ =	shalt  }
0x41: {  	_ =	shalt  }
0x42: {  	_ =	shalt  }
0x43: {  	_ =	shalt  }
0x44: {  	_ =	shalt  }
0x45: {  	_ =	shalt  }
0x46: {  	_ =	shalt  }
0x47: {  	_ =	shalt  }
0x48: {  	_ =	shalt  }
0x49: {  	_ =	shalt  }
0x4a: {  	_ =	shalt  }
0x4b: {  	_ =	shalt  }
0x4c: {  	_ =	shalt  }
0x4d: {  	_ =	shalt  }
0x4e: {  	_ =	shalt  }
0x4f: {  	_ =	shalt  }
0x50: {  	_ =	shalt  }
0x51: {  	_ =	shalt  }
0x52: {  	_ =	shalt  }
0x53: {  	_ =	shalt  }
0x54: {  	_ =	shalt  }
0x55: {  	_ =	shalt  }
0x56: {  	_ =	shalt  }
0x57: {  	_ =	shalt  }
0x58: {  	_ =	shalt  }
0x59: {  	_ =	shalt  }
0x5a: {  	_ =	shalt  }
0x5b: {  	_ =	shalt  }
0x5c: {  	_ =	shalt  }
0x5d: {  	_ =	shalt  }
0x5e: {  	_ =	shalt  }
0x5f: {  	_ =	shalt  }
0x60: {  	_ =	shalt  }
0x61: {  	_ =	shalt  }
0x62: {  	_ =	shalt  }
0x63: {  	_ =	shalt  }
0x64: {  	_ =	shalt  }
0x65: {  	_ =	shalt  }
0x66: {  	_ =	shalt  }
0x67: {  	_ =	shalt  }
0x68: {  	_ =	shalt  }
0x69: {  	_ =	shalt  }
0x6a: {  	_ =	shalt  }
0x6b: {  	_ =	shalt  }
0x6c: {  	_ =	shalt  }
0x6d: {  	_ =	shalt  }
0x6e: {  	_ =	shalt  }
0x6f: {  	_ =	shalt  }
0x70: {  	_ =	shalt  }
0x71: {  	_ =	shalt  }
0x72: {  	_ =	shalt  }
0x73: {  	_ =	shalt  }
0x74: {  	_ =	shalt  }
0x75: {  	_ =	shalt  }
0x76: {  	_ =	shalt  }
0x77: {  	_ =	shalt  }
0x78: {  	_ =	shalt  }
0x79: {  	_ =	shalt  }
0x7a: {  	_ =	shalt  }
0x7b: {  	_ =	shalt  }
0x7c: {  	_ =	shalt  }
0x7d: {  	_ =	shalt  }
0x7e: {  	_ =	shalt  }
0x7f: {  	_ =	shalt  }
0x80: {  	_ =	shalt  }
0x81: {  	_ =	shalt  }
0x82: {  	_ =	shalt  }
0x83: {  	_ =	shalt  }
0x84: {  	_ =	shalt  }
0x85: {  	_ =	shalt  }
0x86: {  	_ =	shalt  }
0x87: {  	_ =	shalt  }
.Lfunc_end0:
.L_simem_size_0:
called_computation.1_lowered:
.L_overlay_start_0:
0x88: {  	s2 =	sld [smem:$0x3FD9]  }
0x89: {  	s3 =	sld [smem:$0x3FFE];
	_ =	sdelay $0x1  }
0x8a: {  	s1 =	srdreg.scid  }
0x8b: {  	s0 =	sand.u32 $0x1, s1  }
0x8c: {  	s14 =	sshll.u32 s0, $0xA;
	s2 =	sadd.s32 s3, s2  }
0x8d: {  	s2 =	sadd.s32 s2, s14  }
0x8e: {  	[smem:$0x3FAA] =	sst s2  }
0x8f: {  	_ = 	snop  }
0x90: {  	s2 =	sld [smem:$0x3FD0];
	_ =	sdelay $0x2  }
0x91: {  	s15 =	simm.s32 $0xB;
	s4 =	simm.s32 $0x10  }
0x92: {  	[smem:s4], [sflag:s15] =	dma.local [hbm:s2], $0x1  }
0x93: {  	_ =	swait.eq [sflag:s15], $0x1  }
0x94: {  	[sflag:s15] =	ssyncset.done $0x0  }
0x95: {  	[sflag:s15] =	ssyncadd.s32 $0xFFFFFFFF  }
0x96: {  	s16 =	sld [smem:$0x10];
	(tm) =	ssettm $0x1  }
0x97: {  	s17 =	sld [smem:$0x3FFB];
	_ =	sdelay $0x3  }
0x98: {  	_ =	strace s17  }
0x99: {  	s3 =	sld [smem:$0x3FFC];
	_ =	sdelay $0x3  }
0x9a: {  	_ =	strace s3  }
0x9b: {  	s3 =	sld [smem:$0x3FFD];
	_ =	sdelay $0x3  }
0x9c: {  	_ =	strace s3  }
0x9d: {  	_ =	strace $0x8FFFFFFF  }
0x9e: {  	s18 =	sld [smem:$0x3FDB];
	_ =	sdelay $0x1  }
0x9f: {  	s19 =	simm.s32 $_scs_section_size  }
0xa0: {  	s5 =	simm.s32 $_size__tile_overlayer_lowered;
	s6 =	simm.s32 $_tile_overlayer_lowered  }
0xa1: {  	s22 =	simm.s32 $0x1BFF;
	s21 =	sshll.u32 s6, $0x1;
	s3 =	sadd.s32 s19, s18  }
0xa2: {  	s7 =	simm.s32 $0x0;
	s20 =	sshll.u32 s5, $0x1;
	s5 =	sadd.s32 s21, s3  }
0xa3: {  	[timem:s7], [sflag:s22] =	dma.local [hbm:s5], s20  }
0xa4: {  	_ =	swait.ge [sflag:s22], s20  }
0xa5: {  	s4 =	ssub.s32 $0x0, s20;
	[sflag:s22] =	ssyncset.done $0x0  }
0xa6: {  	[sflag:s22] =	ssyncadd.s32 s4;
	_ =	sdelay $0x1  }
0xa7: {  	s23 =	simm.s32 $0x1B8B  }
0xa8: {  	_ =	swait.ge [sflag:s23], $0x1  }
0xa9: {  	[sflag:s23] =	ssyncset.done $0x0  }
0xaa: {  	s25 =	simm.s32 $0x1B8E;
	s24 =	sld [smem:$0x3FFE];
	[sflag:s23] =	ssyncadd.s32 $0xFFFFFFFF  }
0xab: {  	s26 =	simm.s32 $execute0_lowered;
	[smem:$0x3FD2] =	sst s25  }
0xac: {  	s5 =	sshll.u32 s26, $0x1;
	_ =	strace $0x80000046;
	[dreg:$0x1] =	wrdreg $0xFFFFFFFF  }
0xad: {  	s28 =	simm.s32 $_size_execute0_lowered;
	s3 =	sadd.s32 s3, s5;
	[dreg:$0x0] =	wrdreg $0x0  }
0xae: {  	s5 =	sshll.u32 s28, $0x1;
	[dreg:$0x2] =	wrdreg s3  }
0xaf: {  	[dreg:$0x3] =	wrdreg s5  }
0xb0: {  	[dreg:$0x4] =	wrdreg $0xC0  }
0xb1: {  	_ =	task [dreg:s7], $0x5FFFF  }
0xb2: {  	[dreg:$0x1] =	wrdreg $0xFFFFFFFF  }
0xb3: {  	[dreg:$0x0] =	wrdreg $0x60  }
0xb4: {  	[dreg:$0x2] =	wrdreg s24  }
0xb5: {  	[dreg:$0x3] =	wrdreg s16  }
0xb6: {  	[dreg:$0x4] =	wrdreg $0xA  }
0xb7: {  	_ =	task.clear_ibuf [dreg:s7], $0x5FFFF;
	_ =	strace $0x90000046  }
0xb8: {  	s29 =	simm.s32 $0xA;
	_ =	strace $0x80000048  }
0xb9: {  	_ =	swait.ge [sflag:s29], $0x1  }
0xba: {  	[sflag:s29] =	ssyncadd.s32 $0xFFFFFFFF  }
0xbb: {  	_ =	strace $0x90000048  }
0xbc: {  	_ =	sfence  }
0xbd: {  	s30 =	sld [smem:$0x0];
	_ =	sdelay $0x2  }
0xbe: {  	s31 =	sshll.u32 s1, $0xD;
	s1 =	sshrl.u32 s1, $0x2  }
0xbf: {  	s3 =	sand.u32 $0x4000, s31;
	s1 =	sadd.s32 s1, s30  }
0xc0: {  	s0 =	sor.u32 s3, s0;
	s1 =	sshll.u32 s1, $0x11  }
0xc1: {  	s0 =	sor.u32 s1, s0  }
0xc2: {  	s0 =	sadd.s32 $0x8F2B, s0  }
0xc3: {  	[sflag:s0] =	ssyncadd.remote.s32 $0x1  }
0xc4: {  	_ =	sfence.sel $0xFFFF  }
0xc5: {  	[dreg:$0x0] =	wrdreg $0xFFFFFFFF;
	(pc) =	sbr.abs _section_cstart, $3  }
0xc6: {  	[dreg:$0x1] =	wrdreg $0xFFFFFFFF  }
0xc7: {  	_ =	task.clear_ibuf [dreg:s7], $0x2FFFF;
	_ =	strace $0x9FFFFFFF  }
0xc8: {  	(tm) =	ssettm $0x7FFFFFFF  }
0xc9: {  	_ =	shalt  }
tec
execute0_lowered:
.L_overlay_start_1:
0x0: {  	(tag) =	ssettag $0x1  }
0x1: {  	s4 =	rddreg [dreg:$0x0]  }
0x2: {  	s8 =	rddreg [dreg:$0x1]  }
0x3: {  	s0 =	rddreg [dreg:$0x2];
	s2 =	simm.s32 $0x0;
	s3 =	srdreg.scid  }
0x4: {  	s1 =	stileid.u32;
	s12 =	simm.s32 $0x100;
	s13 =	simm.s32 $0x6600  }
0x5: {  	s14 =	simm.s32 $0x1;
	s15 =	simm.s32 $0x2;
	s6 =	smul.u32 $0x4E20, s1  }
0x6: {  	s16 =	simm.s32 $0x0;
	s5 =	sand.u32 $0x1, s3;
	s9 =	smul.u32 $0x4E200, s1  }
0x7: {  	[smem:$0x7FF] =	sst s2;
	s3 =	sadd.s32 $0x1B600, s4;
	s7 =	smul.u32 $0x2710, s5  }
0x8: {  	_ =	strace $0x80000047;
	s10 =	ssub.s32 $0x2, s5;
	s5 =	smul.u32 $0x27100, s5  }
0x9: {  	s29 =	sshrl.u32 s10, $0x1;
	s30 =	sadd.s32 s9, s4;
	s6 =	sadd.s32 s7, s6  }
0xa: {  	s9 =	simm.s32 $0x3;
	s7 =	ssub.s32 s10, s29;
	s11 =	sshrl.u32 s6, $0x3  }
0xb: {  	s10 =	simm.s32 $0xC8;
	s6 =	sadd.s32 s5, s30;
	s31 =	sadd.s32 s11, s4  }
0xc: {  	s4 =	smax.u32 s7, $0x1;
	s5 =	sadd.s32 $0x42800, s6;
	s6 =	sadd.s32 $0x524800, s6  }
0xd: {  	s8 =	sadd.s32 s11, s8;
	s11 =	simm.s32 $0x200;
	s7 =	sadd.s32 $0x11800, s31  }
.LBB2_1:
0xe: {  	s17 =	sadd.s32 $0x0, s8  }
0xf: {  	[tilespmem:s2], [sflag:$0x3] =	stream.linear.gather [hbm4b:s17+s2], $0xC8, $0x38;
	[tilespmem:$0xCA00] =	vst v63  }
0x10: {  	_ =	swait.ge [sflag:s9], $0xC8  }
0x11: {  	[sflag:s9] =	ssyncset.done $0x0  }
0x12: {  	[sflag:s9] =	ssyncadd.s32 $0xFFFFFF38  }
0x13: {  	[tilespmem:s11], [sflag:$0x1] =	stream.indirect.gather [hbm4b:s3+s10], $0x80, s2, s10, $0xb8;
	[tilespmem:$0xCA00] =	vst v63  }
0x14: {  	s31 =	sadd.s32 $0x0, s7  }
0x15: {  	[tilespmem:s12], [sflag:$0x3] =	stream.linear.gather [hbm4b:s31+s2], $0xC8, $0x38;
	[tilespmem:$0xCA00] =	vst v63  }
0x16: {  	_ =	swait.ge [sflag:s9], $0xC8  }
0x17: {  	[sflag:s9] =	ssyncset.done $0x0  }
0x18: {  	[sflag:s9] =	ssyncadd.s32 $0xFFFFFF38  }
0x19: {  	[tilespmem:s13], [sflag:$0x2] =	stream.indirect.gather [hbm4b:s3+s10], $0x80, s12, s10, $0xb8;
	[tilespmem:$0xCA00] =	vst v63  }
0x1a: {  	_ =	swait.ge [sflag:s14], $0x6400  }
0x1b: {  	[sflag:s14] =	ssyncset.done $0x0  }
0x1c: {  	[sflag:s14] =	ssyncadd.s32 $0xFFFF9C00  }
0x1d: {  	[hbm4b:s5+s2] =	stream.linear.scatter [tilespmem:s11], [sflag:$0x3], $0x6400, $0x38;
	[tilespmem:$0xCA00] =	vst v63  }
0x1e: {  	_ =	swait.ge [sflag:s9], $0x6400  }
0x1f: {  	[sflag:s9] =	ssyncset.done $0x0  }
0x20: {  	[sflag:s9] =	ssyncadd.s32 $0xFFFF9C00  }
0x21: {  	_ =	swait.ge [sflag:s15], $0x6400  }
0x22: {  	[sflag:s15] =	ssyncset.done $0x0  }
0x23: {  	[sflag:s15] =	ssyncadd.s32 $0xFFFF9C00  }
0x24: {  	[hbm4b:s6+s2] =	stream.linear.scatter [tilespmem:s13], [sflag:$0x3], $0x6400, $0x38;
	[tilespmem:$0xCA00] =	vst v63  }
0x25: {  	s19 =	simm.s32 $0x19;
	s20 =	simm.s32 $0x32;
	_ =	swait.ge [sflag:s9], $0x6400  }
0x26: {  	s18 =	sadd.s32 $0xC80, s5;
	s17 =	sadd.s32 $0xC80, s6;
	[sflag:s9] =	ssyncset.done $0x0  }
.LBB2_2:
0x27: {  	s21 =	sadd.s32 s19, s8  }
0x28: {  	[sflag:s9] =	ssyncadd.s32 $0xFFFF9C00;
	s22 =	smov.u32 s20;
	s23 =	sadd.s32 $0x19, s20  }
0x29: {  	[tilespmem:s2], [sflag:$0x3] =	stream.linear.gather [hbm4b:s21+s2], $0xC8, $0x38;
	[tilespmem:$0xCA00] =	vst v63  }
0x2a: {  	p0 =	sne.s32 s20, $0x4C9;
	_ =	swait.ge [sflag:s9], $0xC8  }
0x2b: {  	[sflag:s9] =	ssyncset.done $0x0  }
0x2c: {  	[sflag:s9] =	ssyncadd.s32 $0xFFFFFF38  }
0x2d: {  	[tilespmem:s11], [sflag:$0x1] =	stream.indirect.gather [hbm4b:s3+s10], $0x80, s2, s10, $0xb8;
	[tilespmem:$0xCA00] =	vst v63  }
0x2e: {  	s20 =	sadd.s32 s19, s7;
	s19 =	smov.u32 s22  }
0x2f: {  	[tilespmem:s12], [sflag:$0x3] =	stream.linear.gather [hbm4b:s20+s2], $0xC8, $0x38;
	[tilespmem:$0xCA00] =	vst v63  }
0x30: {  	_ =	swait.ge [sflag:s9], $0xC8  }
0x31: {  	[sflag:s9] =	ssyncset.done $0x0  }
0x32: {  	[sflag:s9] =	ssyncadd.s32 $0xFFFFFF38  }
0x33: {  	[tilespmem:s13], [sflag:$0x2] =	stream.indirect.gather [hbm4b:s3+s10], $0x80, s12, s10, $0xb8;
	[tilespmem:$0xCA00] =	vst v63  }
0x34: {  	_ =	swait.ge [sflag:s14], $0x6400  }
0x35: {  	[sflag:s14] =	ssyncset.done $0x0  }
0x36: {  	[sflag:s14] =	ssyncadd.s32 $0xFFFF9C00  }
0x37: {  	[hbm4b:s18+s2] =	stream.linear.scatter [tilespmem:s11], [sflag:$0x3], $0x6400, $0x38;
	[tilespmem:$0xCA00] =	vst v63  }
0x38: {  	_ =	swait.ge [sflag:s9], $0x6400  }
0x39: {  	[sflag:s9] =	ssyncset.done $0x0  }
0x3a: {  	[sflag:s9] =	ssyncadd.s32 $0xFFFF9C00  }
0x3b: {  	_ =	swait.ge [sflag:s15], $0x6400  }
.Ltmp0:
0x3c: {  	[sflag:s15] =	ssyncset.done $0x0;
	(pc) =	sbr.rel @p0 .LBB2_2-.Ltmp0, $4  }
0x3d: {  	[sflag:s15] =	ssyncadd.s32 $0xFFFF9C00  }
0x3e: {  	[hbm4b:s17+s2] =	stream.linear.scatter [tilespmem:s13], [sflag:$0x3], $0x6400, $0x38;
	[tilespmem:$0xCA00] =	vst v63  }
0x3f: {  	s20 =	smov.u32 s23;
	_ =	swait.ge [sflag:s9], $0x6400  }
0x40: {  	s18 =	sadd.s32 $0xC80, s18;
	s17 =	sadd.s32 $0xC80, s17;
	[sflag:s9] =	ssyncset.done $0x0  }
0x41: {  	s20 =	sadd.s32 s19, s8;
	[sflag:s9] =	ssyncadd.s32 $0xFFFF9C00  }
0x42: {  	[tilespmem:s2], [sflag:$0x3] =	stream.linear.gather [hbm4b:s20+s2], $0xC8, $0x38;
	[tilespmem:$0xCA00] =	vst v63  }
0x43: {  	_ =	swait.ge [sflag:s9], $0xC8  }
0x44: {  	[sflag:s9] =	ssyncset.done $0x0  }
0x45: {  	[sflag:s9] =	ssyncadd.s32 $0xFFFFFF38  }
0x46: {  	[tilespmem:s11], [sflag:$0x1] =	stream.indirect.gather [hbm4b:s3+s10], $0x80, s2, s10, $0xb8;
	[tilespmem:$0xCA00] =	vst v63  }
0x47: {  	s31 =	sadd.s32 s19, s7  }
0x48: {  	[tilespmem:s12], [sflag:$0x3] =	stream.linear.gather [hbm4b:s31+s2], $0xC8, $0x38;
	[tilespmem:$0xCA00] =	vst v63  }
0x49: {  	_ =	swait.ge [sflag:s9], $0xC8  }
0x4a: {  	[sflag:s9] =	ssyncset.done $0x0  }
0x4b: {  	[sflag:s9] =	ssyncadd.s32 $0xFFFFFF38  }
0x4c: {  	[tilespmem:s13], [sflag:$0x2] =	stream.indirect.gather [hbm4b:s3+s10], $0x80, s12, s10, $0xb8;
	[tilespmem:$0xCA00] =	vst v63  }
0x4d: {  	_ =	swait.ge [sflag:s14], $0x6400  }
0x4e: {  	[sflag:s14] =	ssyncset.done $0x0  }
0x4f: {  	[sflag:s14] =	ssyncadd.s32 $0xFFFF9C00  }
0x50: {  	[hbm4b:s18+s2] =	stream.linear.scatter [tilespmem:s11], [sflag:$0x3], $0x6400, $0x38;
	[tilespmem:$0xCA00] =	vst v63  }
0x51: {  	_ =	swait.ge [sflag:s9], $0x6400  }
0x52: {  	[sflag:s9] =	ssyncset.done $0x0  }
0x53: {  	[sflag:s9] =	ssyncadd.s32 $0xFFFF9C00  }
0x54: {  	s16 =	sadd.s32 $0x1, s16;
	_ =	swait.ge [sflag:s15], $0x6400  }
0x55: {  	p0 =	sne.s32 s16, s4;
	[sflag:s15] =	ssyncset.done $0x0  }
.Ltmp1:
0x56: {  	[sflag:s15] =	ssyncadd.s32 $0xFFFF9C00;
	(pc) =	sbr.rel @p0 .LBB2_1-.Ltmp1, $4  }
0x57: {  	[hbm4b:s17+s2] =	stream.linear.scatter [tilespmem:s13], [sflag:$0x3], $0x6400, $0x38;
	[tilespmem:$0xCA00] =	vst v63  }
0x58: {  	_ =	swait.ge [sflag:s9], $0x6400  }
0x59: {  	[sflag:s9] =	ssyncset.done $0x0  }
0x5a: {  	[sflag:s9] =	ssyncadd.s32 $0xFFFF9C00  }
0x5b: {  	_ =	sfence.sel $0x180000  }
0x5c: {  	[bflag:$0x0] =	sbarrier.arrive $0xFFFF  }
0x5d: {  	p0 =	sne.s32 s1, $0x0;
	_ =	strace $0x90000047  }
0x5e: {  	s0 =	sadd.s32 @!p0 $0x100000, s0;
	[bflag:$0x2] =	sbarrier.arrive $0xFFFF  }
0x5f: {  	[sflag:s0] =	ssyncadd.tile.s32 @!p0 $0x1;
	_ =	shalt  }
.Lfunc_end2:
_tile_overlayer_lowered:
.L_overlay_start_2:
0x60: {  	(tag) =	ssettag $0x2  }
0x61: {  	s0 =	rddreg [dreg:$0x0];
	s2 =	stileid.u32  }
0x62: {  	s1 =	rddreg [dreg:$0x1];
	p0 =	sne.s32 s2, $0x0  }
0x63: {  	s3 =	rddreg [dreg:$0x2];
	[bflag:$0x3] =	sbarrier.arrive $0xFFFF;
	s2 =	simm.s32 @!p0 $0x1C03  }
0x64: {  	[timem:s3], [sflag:s2] =	dma.local @!p0 [hbm:s0], s1  }
0x65: {  	s0 =	simm.s32 @!p0 $0x3  }
0x66: {  	_ =	swait.ge @!p0 [sflag:s0], s1  }
0x67: {  	s1 =	ssub.s32 @!p0 $0x0, s1;
	[sflag:s0] =	ssyncset.done @!p0 $0x0  }
0x68: {  	[sflag:s0] =	ssyncadd.s32 @!p0 s1  }
0x69: {  	[bflag:$0x3] =	sbarrier.arrive $0xFFFF  }
0x6a: {  	_ =	shalt  }

// kernel: kernel.37.cloned.1.call-start
scs
__scs_entry_jumppad:
0x0: {  	(pc) =	sbr.rel $0x88, $3  }
0x1: {  	(tag) =	ssettag $0x0;
	lr =	simm.s32 $0x1  }
0x2: {  	[smem:$0x3F83] =	sst lr;
	_ =	strace $0xD0000000  }
0x3: {  	_ = 	snop  }
0x4: {  	_ = 	snop  }
0x5: {  	_ = 	snop  }
0x6: {  	_ = 	snop  }
0x7: {  	_ = 	snop  }
__scs_overlays_trampoline_lowered:
0x8: {  	[smem:$0x3F92] =	sst s0  }
0x9: {  	[smem:$0x3F93] =	sst s1  }
0xa: {  	[smem:$0x3F94] =	sst s2  }
0xb: {  	[smem:$0x3F95] =	sst s3  }
0xc: {  	[smem:$0x3F96] =	sst s4  }
0xd: {  	[smem:$0x3F97] =	sst s5  }
0xe: {  	[smem:$0x3F98] =	sst s6  }
0xf: {  	[smem:$0x3F99] =	sst s7  }
0x10: {  	[smem:$0x3F9A] =	sst s8  }
0x11: {  	[smem:$0x3F9B] =	sst s9;
	s0 =	simm.s32 @!p0 $0x0  }
0x12: {  	s1 =	sld [smem:$0x3F81];
	s0 =	simm.s32 @p0 $0x1  }
0x13: {  	[smem:$0x3F9C] =	sst s0;
	s0 =	simm.s32 @!p1 $0x0  }
0x14: {  	s2 =	sld [smem:$0x3F80];
	s0 =	simm.s32 @p1 $0x1  }
0x15: {  	[smem:$0x3F9D] =	sst s0;
	s0 =	simm.s32 @!p2 $0x0  }
0x16: {  	s3 =	sld [smem:$0x3FDB];
	s0 =	simm.s32 @p2 $0x1  }
0x17: {  	s4 =	simm.s32 $0x1BF5;
	[smem:$0x3F9F] =	sst s0  }
0x18: {  	s0 =	sld [smem:$0x3F82];
	_ =	swait.ge [sflag:s4], $0x0  }
0x19: {  	s7 =	sld [smem:$0x3F83]  }
0x1a: {  	s8 =	sadd.s32 $0xFFFFE003, lr  }
0x1b: {  	s9 =	sadd.s32 $0xFFFFFEF7, lr;
	s5 =	simm.s32 $0xFFFFFFFF;
	p2 =	slt.u32 s8, $0xFFFFF086  }
0x1c: {  	p1 =	slt.u32 s9, $0xF7A;
	s5 =	simm.s32 @!p2 $0x0  }
0x1d: {  	s5 =	simm.s32 @p1 $0x1;
	p0 =	seq.s32 s7, s2  }
0x1e: {  	s7 =	smul.u32 @!p0 $0xF7A, s2;
	p2 =	seq.s32 @!p0 s5, $0x0  }
0x1f: {  	s9 =	smul.u32 $0xF7A, s1;
	s8 =	simm.s32 @!p0 $0x1BF5;
	p2 =	por !p2, p0  }
0x20: {  	[sflag:s8] =	ssyncset.s32 @!p0 $0xFFFFF086;
	s6 =	sadd.s32 @!p0 s3, s7;
	s7 =	simm.s32 @!p0 $0x108  }
0x21: {  	s3 =	sadd.s32 s3, s9;
	s6 =	sadd.s32 @!p0 $0x88, s6;
	s7 =	simm.s32 @p2 $0x1082  }
0x22: {  	[simem:s7], [sflag:s8] =	dma.local @!p0 [hbm:s6], $0xF7A  }
0x23: {  	s9 =	sor.u32 $0xD0000000, s2;
	s6 =	simm.s32 $0x108;
	_ =	swait.ge @!p0 [sflag:s8], $0x0  }
0x24: {  	s3 =	sadd.s32 $0x88, s3;
	s6 =	simm.s32 @!p1 $0x1082;
	[sflag:s4] =	ssyncset.s32 $0xFFFFF086  }
0x25: {  	[simem:s6], [sflag:s4] =	dma.local [hbm:s3], $0xF7A  }
0x26: {  	[smem:$0x3F83] =	sst s1;
	(tag) =	ssettag s2;
	_ =	strace s9  }
0x27: {  	s1 =	sld [smem:$0x3F93]  }
0x28: {  	s2 =	sld [smem:$0x3F94]  }
0x29: {  	s4 =	sld [smem:$0x3F96]  }
0x2a: {  	p0 =	seq.s32 s5, $0x0;
	s5 =	sld [smem:$0x3F97]  }
0x2b: {  	s6 =	sld [smem:$0x3F98]  }
0x2c: {  	s7 =	sld [smem:$0x3F99]  }
0x2d: {  	s3 =	simm.s32 $0x108;
	s8 =	sld [smem:$0x3F9A]  }
0x2e: {  	s3 =	simm.s32 @!p0 $0x1082;
	s9 =	sld [smem:$0x3F9B]  }
0x2f: {  	lr =	sadd.s32 s0, s3;
	s0 =	sld [smem:$0x3F92]  }
0x30: {  	s3 =	sld [smem:$0x3F95]  }
0x31: {  	[smem:$0x3F9E] =	sst s10  }
0x32: {  	s10 =	sld [smem:$0x3F9C];
	_ =	sdelay $0x3  }
0x33: {  	p0 =	seq.s32 s10, $0x1;
	s10 =	sld [smem:$0x3F9E];
	_ =	sdelay $0x3  }
0x34: {  	[smem:$0x3F9E] =	sst s10  }
0x35: {  	s10 =	sld [smem:$0x3F9D];
	_ =	sdelay $0x3  }
0x36: {  	p1 =	seq.s32 s10, $0x1;
	s10 =	sld [smem:$0x3F9E];
	_ =	sdelay $0x3  }
0x37: {  	[smem:$0x3F9E] =	sst s10  }
0x38: {  	s10 =	sld [smem:$0x3F9F]  }
0x39: {  	_ = 	snop;
	(pc) =	sbr.ind lr, $3  }
0x3a: {  	_ = 	snop  }
0x3b: {  	_ = 	snop  }
0x3c: {  	p2 =	seq.s32 s10, $0x1;
	s10 =	sld [smem:$0x3F9E]  }
0x3d: {  	_ =	shalt  }
0x3e: {  	_ =	shalt  }
0x3f: {  	_ =	shalt  }
0x40: {  	_ =	shalt  }
0x41: {  	_ =	shalt  }
0x42: {  	_ =	shalt  }
0x43: {  	_ =	shalt  }
0x44: {  	_ =	shalt  }
0x45: {  	_ =	shalt  }
0x46: {  	_ =	shalt  }
0x47: {  	_ =	shalt  }
0x48: {  	_ =	shalt  }
0x49: {  	_ =	shalt  }
0x4a: {  	_ =	shalt  }
0x4b: {  	_ =	shalt  }
0x4c: {  	_ =	shalt  }
0x4d: {  	_ =	shalt  }
0x4e: {  	_ =	shalt  }
0x4f: {  	_ =	shalt  }
0x50: {  	_ =	shalt  }
0x51: {  	_ =	shalt  }
0x52: {  	_ =	shalt  }
0x53: {  	_ =	shalt  }
0x54: {  	_ =	shalt  }
0x55: {  	_ =	shalt  }
0x56: {  	_ =	shalt  }
0x57: {  	_ =	shalt  }
0x58: {  	_ =	shalt  }
0x59: {  	_ =	shalt  }
0x5a: {  	_ =	shalt  }
0x5b: {  	_ =	shalt  }
0x5c: {  	_ =	shalt  }
0x5d: {  	_ =	shalt  }
0x5e: {  	_ =	shalt  }
0x5f: {  	_ =	shalt  }
0x60: {  	_ =	shalt  }
0x61: {  	_ =	shalt  }
0x62: {  	_ =	shalt  }
0x63: {  	_ =	shalt  }
0x64: {  	_ =	shalt  }
0x65: {  	_ =	shalt  }
0x66: {  	_ =	shalt  }
0x67: {  	_ =	shalt  }
0x68: {  	_ =	shalt  }
0x69: {  	_ =	shalt  }
0x6a: {  	_ =	shalt  }
0x6b: {  	_ =	shalt  }
0x6c: {  	_ =	shalt  }
0x6d: {  	_ =	shalt  }
0x6e: {  	_ =	shalt  }
0x6f: {  	_ =	shalt  }
0x70: {  	_ =	shalt  }
0x71: {  	_ =	shalt  }
0x72: {  	_ =	shalt  }
0x73: {  	_ =	shalt  }
0x74: {  	_ =	shalt  }
0x75: {  	_ =	shalt  }
0x76: {  	_ =	shalt  }
0x77: {  	_ =	shalt  }
0x78: {  	_ =	shalt  }
0x79: {  	_ =	shalt  }
0x7a: {  	_ =	shalt  }
0x7b: {  	_ =	shalt  }
0x7c: {  	_ =	shalt  }
0x7d: {  	_ =	shalt  }
0x7e: {  	_ =	shalt  }
0x7f: {  	_ =	shalt  }
0x80: {  	_ =	shalt  }
0x81: {  	_ =	shalt  }
0x82: {  	_ =	shalt  }
0x83: {  	_ =	shalt  }
0x84: {  	_ =	shalt  }
0x85: {  	_ =	shalt  }
0x86: {  	_ =	shalt  }
0x87: {  	_ =	shalt  }
.Lfunc_end0:
.L_simem_size_0:
called_computation.2_lowered:
.L_overlay_start_0:
0x88: {  	s2 =	sld [smem:$0x3FD9]  }
0x89: {  	s3 =	sld [smem:$0x3FFE];
	_ =	sdelay $0x1  }
0x8a: {  	s1 =	srdreg.scid  }
0x8b: {  	s0 =	sand.u32 $0x1, s1  }
0x8c: {  	s16 =	sshll.u32 s0, $0xA;
	s2 =	sadd.s32 s3, s2  }
0x8d: {  	s2 =	sadd.s32 s2, s16  }
0x8e: {  	[smem:$0x3FAA] =	sst s2  }
0x8f: {  	_ = 	snop  }
0x90: {  	(tm) =	ssettm $0x1  }
0x91: {  	s17 =	sld [smem:$0x3FFB];
	_ =	sdelay $0x3  }
0x92: {  	_ =	strace s17  }
0x93: {  	s2 =	sld [smem:$0x3FFC];
	_ =	sdelay $0x3  }
0x94: {  	_ =	strace s2  }
0x95: {  	s2 =	sld [smem:$0x3FFD];
	_ =	sdelay $0x3  }
0x96: {  	_ =	strace s2  }
0x97: {  	_ =	strace $0x8FFFFFFF  }
0x98: {  	s18 =	sld [smem:$0x3FDB];
	_ =	sdelay $0x1  }
0x99: {  	s19 =	simm.s32 $_scs_section_size  }
0x9a: {  	s4 =	simm.s32 $_size__tile_overlayer_lowered;
	s5 =	simm.s32 $_tile_overlayer_lowered  }
0x9b: {  	s22 =	simm.s32 $0x1BFF;
	s21 =	sshll.u32 s5, $0x1;
	s2 =	sadd.s32 s19, s18  }
0x9c: {  	s6 =	simm.s32 $0x0;
	s20 =	sshll.u32 s4, $0x1;
	s4 =	sadd.s32 s21, s2  }
0x9d: {  	[timem:s6], [sflag:s22] =	dma.local [hbm:s4], s20  }
0x9e: {  	_ =	swait.ge [sflag:s22], s20  }
0x9f: {  	s3 =	ssub.s32 $0x0, s20;
	[sflag:s22] =	ssyncset.done $0x0  }
0xa0: {  	[sflag:s22] =	ssyncadd.s32 s3;
	_ =	sdelay $0x1  }
0xa1: {  	s23 =	simm.s32 $0x1B8B  }
0xa2: {  	_ =	swait.ge [sflag:s23], $0x1  }
0xa3: {  	[sflag:s23] =	ssyncset.done $0x0  }
0xa4: {  	s25 =	simm.s32 $0x1B8E;
	s24 =	sld [smem:$0x3FFE];
	[sflag:s23] =	ssyncadd.s32 $0xFFFFFFFF  }
0xa5: {  	s26 =	simm.s32 $execute0_lowered;
	[smem:$0x3FD2] =	sst s25  }
0xa6: {  	s4 =	sshll.u32 s26, $0x1;
	_ =	strace $0x8000004C;
	[dreg:$0x1] =	wrdreg $0xFFFFFFFF  }
0xa7: {  	s28 =	simm.s32 $_size_execute0_lowered;
	s2 =	sadd.s32 s2, s4;
	[dreg:$0x0] =	wrdreg $0x0  }
0xa8: {  	s4 =	sshll.u32 s28, $0x1;
	[dreg:$0x2] =	wrdreg s2  }
0xa9: {  	[dreg:$0x3] =	wrdreg s4  }
0xaa: {  	[dreg:$0x4] =	wrdreg $0xC0  }
0xab: {  	_ =	task [dreg:s6], $0x5FFFF  }
0xac: {  	[dreg:$0x1] =	wrdreg $0xFFFFFFFF  }
0xad: {  	[dreg:$0x0] =	wrdreg $0x60  }
0xae: {  	[dreg:$0x2] =	wrdreg s24  }
0xaf: {  	[dreg:$0x3] =	wrdreg $0x9  }
0xb0: {  	_ =	task.clear_ibuf [dreg:s6], $0x4FFFF;
	_ =	strace $0x9000004C  }
0xb1: {  	s29 =	simm.s32 $0x9;
	_ =	strace $0x8000004E  }
0xb2: {  	_ =	swait.ge [sflag:s29], $0x1  }
0xb3: {  	[sflag:s29] =	ssyncadd.s32 $0xFFFFFFFF  }
0xb4: {  	_ =	strace $0x9000004E  }
0xb5: {  	_ =	sfence  }
0xb6: {  	s30 =	sld [smem:$0x0];
	_ =	sdelay $0x2  }
0xb7: {  	s31 =	sshll.u32 s1, $0xD;
	s1 =	sshrl.u32 s1, $0x2  }
0xb8: {  	s3 =	sand.u32 $0x4000, s31;
	s1 =	sadd.s32 s1, s30  }
0xb9: {  	s0 =	sor.u32 s3, s0;
	s1 =	sshll.u32 s1, $0x11  }
0xba: {  	s0 =	sor.u32 s1, s0  }
0xbb: {  	s0 =	sadd.s32 $0x8F2B, s0  }
0xbc: {  	[sflag:s0] =	ssyncadd.remote.s32 $0x1  }
0xbd: {  	_ =	sfence.sel $0xFFFF  }
0xbe: {  	[dreg:$0x0] =	wrdreg $0xFFFFFFFF;
	(pc) =	sbr.abs _section_cstart, $3  }
0xbf: {  	[dreg:$0x1] =	wrdreg $0xFFFFFFFF  }
0xc0: {  	_ =	task.clear_ibuf [dreg:s6], $0x2FFFF;
	_ =	strace $0x9FFFFFFF  }
0xc1: {  	(tm) =	ssettm $0x7FFFFFFF  }
tec
execute0_lowered:
.L_overlay_start_1:
0x0: {  	(tag) =	ssettag $0x1  }
0x1: {  	s6 =	rddreg [dreg:$0x0]  }
0x2: {  	s0 =	rddreg [dreg:$0x1];
	s3 =	srdreg.scid  }
0x3: {  	s1 =	stileid.u32;
	s2 =	simm.s32 $0x0;
	s12 =	simm.s32 $0x2780  }
0x4: {  	s13 =	simm.s32 $0x4E90;
	s14 =	simm.s32 $0x75A0;
	s15 =	simm.s32 $0x9CB0  }
0x5: {  	s16 =	simm.s32 $0xC400;
	s3 =	sand.u32 $0x1, s3;
	s4 =	sshll.u32 s1, $0x1  }
0x6: {  	s17 =	simm.s32 $0x0;
	[smem:$0x7FF] =	sst s2;
	s4 =	sor.u32 s3, s4  }
0x7: {  	s5 =	sadd.s32 $0xA10600, s6;
	s8 =	ssub.s32 $0x2, s3;
	s7 =	smul.u32 $0x13C0, s4  }
0x8: {  	_ =	strace $0x8000004D;
	s9 =	sshrl.u32 s8, $0x1;
	s4 =	smul.u32 $0x138800, s4  }
0x9: {  	s3 =	sadd.s32 $0x42800, s6;
	s11 =	ssub.s32 s8, s9;
	s10 =	sadd.s32 s7, s6  }
0xa: {  	s6 =	sadd.s32 $0x4E200, s4;
	s7 =	sadd.s32 $0x9C400, s4;
	s8 =	sadd.s32 $0xEA600, s4  }
0xb: {  	v0 =	vimm.f32 $0.0e+00;
	s9 =	sadd.s32 $0x524800, s10;
	s10 =	smax.u32 s11, $0x1;
	s11 =	simm.s32 $0x1  }
.LBB2_1:
0xc: {  	s18 =	simm.s32 $0x40;
	s19 =	simm.s32 $0x0  }
.LBB2_2:
0xd: {  	p0 =	sne.s32 s18, $0x277C0;
	[tilespmem:s19+$0xC400] =	vst v0;
	s19 =	smov.u32 s18;
	s18 =	sadd.s32 $0x40, s18  }
.Ltmp0:
0xe: {  	(pc) =	sbr.rel @p0 .LBB2_2-.Ltmp0, $2  }
0xf: {  	_ =	sdelay $0x2  }
0x10: {  	s19 =	sshra.s32 s19, $0x2  }
0x11: {  	[tilespmem:s19+$0xC400] =	vst v0;
	s18 =	simm.s32 $0x0;
	s19 =	simm.s32 $0x0  }
.LBB2_4:
0x12: {  	s20 =	smul.u32 $0x2710, s19;
	_ =	sdelay $0x1  }
0x13: {  	s21 =	sshrl.u32 s20, $0x3  }
0x14: {  	s21 =	sadd.s32 s5, s21  }
0x15: {  	[tilespmem:s18], [sflag:$0x1] =	stream.linear.gather [hbm4b:s21+s18], $0x2710, $0x38;
	[tilespmem:$0x16200] =	vst v63  }
0x16: {  	s29 =	sadd.s32 s4, s20;
	_ =	swait.ge [sflag:s11], $0x2710  }
0x17: {  	s21 =	sshrl.u32 s29, $0x3;
	[sflag:s11] =	ssyncset.done $0x0  }
0x18: {  	s21 =	sadd.s32 s3, s21;
	[sflag:s11] =	ssyncadd.s32 $0xFFFFD8F0  }
0x19: {  	[tilespmem:s12], [sflag:$0x1] =	stream.linear.gather [hbm4b:s21+s18], $0x2710, $0x38;
	[tilespmem:$0x16200] =	vst v63  }
0x1a: {  	s30 =	sadd.s32 s6, s20;
	_ =	swait.ge [sflag:s11], $0x2710  }
0x1b: {  	s21 =	sshrl.u32 s30, $0x3;
	[sflag:s11] =	ssyncset.done $0x0  }
0x1c: {  	s21 =	sadd.s32 s3, s21;
	[sflag:s11] =	ssyncadd.s32 $0xFFFFD8F0  }
0x1d: {  	[tilespmem:s13], [sflag:$0x1] =	stream.linear.gather [hbm4b:s21+s18], $0x2710, $0x38;
	[tilespmem:$0x16200] =	vst v63  }
0x1e: {  	s31 =	sadd.s32 s7, s20;
	_ =	swait.ge [sflag:s11], $0x2710  }
0x1f: {  	s21 =	sshrl.u32 s31, $0x3;
	[sflag:s11] =	ssyncset.done $0x0  }
0x20: {  	s21 =	sadd.s32 s3, s21;
	[sflag:s11] =	ssyncadd.s32 $0xFFFFD8F0  }
0x21: {  	[tilespmem:s14], [sflag:$0x1] =	stream.linear.gather [hbm4b:s21+s18], $0x2710, $0x38;
	[tilespmem:$0x16200] =	vst v63  }
0x22: {  	s20 =	sadd.s32 s8, s20;
	_ =	swait.ge [sflag:s11], $0x2710  }
0x23: {  	s20 =	sshrl.u32 s20, $0x3;
	[sflag:s11] =	ssyncset.done $0x0  }
0x24: {  	s20 =	sadd.s32 s3, s20;
	[sflag:s11] =	ssyncadd.s32 $0xFFFFD8F0  }
0x25: {  	[tilespmem:s15], [sflag:$0x1] =	stream.linear.gather [hbm4b:s20+s18], $0x2710, $0x38;
	[tilespmem:$0x16200] =	vst v63  }
0x26: {  	_ =	swait.ge [sflag:s11], $0x2710  }
0x27: {  	[sflag:s11] =	ssyncset.done $0x0  }
0x28: {  	s21 =	simm.s32 $0x40;
	s20 =	simm.s32 $0x0;
	[sflag:s11] =	ssyncadd.s32 $0xFFFFD8F0  }
.LBB2_5:
0x29: {  	p0 =	sne.s32 s21, $0x9C00;
	v1 =	vld [tilespmem:s20+$0x0]  }
0x2a: {  	v2 =	vld [tilespmem:s20+$0x2780];
	_ =	sdelay $0x6  }
0x2b: {  	[tilespmem:v1+s16+$0x0] =	vst.idx.add.f32.msk $0xffff, v2  }
0x2c: {  	v3 =	vadd.s32 $0x2780, v1;
	v2 =	vld [tilespmem:s20+$0x4E90];
	_ =	sdelay $0x4  }
0x2d: {  	[tilespmem:v3+s16+$0x0] =	vst.idx.add.f32.msk $0xffff, v2  }
0x2e: {  	v3 =	vadd.s32 $0x4F00, v1;
	v2 =	vld [tilespmem:s20+$0x75A0];
	_ =	sdelay $0x4  }
0x2f: {  	[tilespmem:v3+s16+$0x0] =	vst.idx.add.f32.msk $0xffff, v2  }
0x30: {  	v1 =	vadd.s32 $0x7680, v1;
	v2 =	vld [tilespmem:s20+$0x9CB0]  }
.Ltmp1:
0x31: {  	(pc) =	sbr.rel @p0 .LBB2_5-.Ltmp1, $2  }
0x32: {  	_ =	sdelay $0x2  }
0x33: {  	s20 =	sshra.s32 s21, $0x2;
	s21 =	sadd.s32 $0x40, s21;
	[tilespmem:v1+s16+$0x0] =	vst.idx.add.f32.msk $0xffff, v2  }
0x34: {  	v1 =	vld [tilespmem:s20+$0x0];
	_ =	sdelay $0x2  }
0x35: {  	v2 =	vld [tilespmem:s20+$0x2780];
	_ =	sdelay $0x4  }
0x36: {  	[tilespmem:v1+s16+$0x0] =	vst.idx.add.f32.msk $0xffff, v2  }
0x37: {  	v3 =	vadd.s32 $0x2780, v1;
	v2 =	vld [tilespmem:s20+$0x4E90];
	_ =	sdelay $0x4  }
0x38: {  	[tilespmem:v3+s16+$0x0] =	vst.idx.add.f32.msk $0xffff, v2  }
0x39: {  	v3 =	vadd.s32 $0x4F00, v1;
	v2 =	vld [tilespmem:s20+$0x75A0];
	_ =	sdelay $0x4  }
0x3a: {  	s19 =	sadd.s32 $0x1, s19;
	[tilespmem:v3+s16+$0x0] =	vst.idx.add.f32.msk $0xffff, v2  }
0x3b: {  	p0 =	sne.s32 s19, $0x20;
	v1 =	vadd.s32 $0x7680, v1;
	v2 =	vld [tilespmem:s20+$0x9CB0]  }
.Ltmp2:
0x3c: {  	_ = 	snop;
	(pc) =	sbr.rel @p0 .LBB2_4-.Ltmp2, $2  }
0x3d: {  	_ =	sdelay $0x2  }
0x3e: {  	[tilespmem:v1+s16+$0x0] =	vst.idx.add.f32.msk $0xffff, v2  }
0x3f: {  	s17 =	sadd.s32 $0x1, s17  }
0x40: {  	p0 =	sne.s32 s17, s10  }
.Ltmp3:
0x41: {  	_ = 	snop;
	(pc) =	sbr.rel @p0 .LBB2_1-.Ltmp3, $4  }
0x42: {  	[hbm4b:s9+s2] =	stream.linear.scatter [tilespmem:s16], [sflag:$0x1], $0x9E00, $0x38;
	[tilespmem:$0x16200] =	vst v63  }
0x43: {  	_ =	swait.ge [sflag:s11], $0x9E00  }
0x44: {  	[sflag:s11] =	ssyncset.done $0x0  }
0x45: {  	[sflag:s11] =	ssyncadd.s32 $0xFFFF6200  }
0x46: {  	_ =	sfence.sel $0x180000  }
0x47: {  	[bflag:$0x0] =	sbarrier.arrive $0xFFFF  }
0x48: {  	p0 =	sne.s32 s1, $0x0;
	_ =	strace $0x9000004D  }
0x49: {  	s0 =	sadd.s32 @!p0 $0x100000, s0;
	[bflag:$0x2] =	sbarrier.arrive $0xFFFF  }
0x4a: {  	[sflag:s0] =	ssyncadd.tile.s32 @!p0 $0x1;
	_ =	shalt  }
.Lfunc_end2:
_tile_overlayer_lowered:
.L_overlay_start_2:
0x4b: {  	(tag) =	ssettag $0x2  }
0x4c: {  	s0 =	rddreg [dreg:$0x0];
	s2 =	stileid.u32  }
0x4d: {  	s1 =	rddreg [dreg:$0x1];
	p0 =	sne.s32 s2, $0x0  }
0x4e: {  	s3 =	rddreg [dreg:$0x2];
	[bflag:$0x3] =	sbarrier.arrive $0xFFFF;
	s2 =	simm.s32 @!p0 $0x1C01  }
0x4f: {  	[timem:s3], [sflag:s2] =	dma.local @!p0 [hbm:s0], s1  }
0x50: {  	s0 =	simm.s32 @!p0 $0x1  }
0x51: {  	_ =	swait.ge @!p0 [sflag:s0], s1  }
0x52: {  	s1 =	ssub.s32 @!p0 $0x0, s1;
	[sflag:s0] =	ssyncset.done @!p0 $0x0  }
0x53: {  	[sflag:s0] =	ssyncadd.s32 @!p0 s1  }
0x54: {  	[bflag:$0x3] =	sbarrier.arrive $0xFFFF  }
0x55: {  	_ =	shalt  }

// kernel: kernel.40.cloned.1.call-start
scs
__scs_entry_jumppad:
0x0: {  	(pc) =	sbr.rel $0x88, $3  }
0x1: {  	(tag) =	ssettag $0x0;
	lr =	simm.s32 $0x1  }
0x2: {  	[smem:$0x3F83] =	sst lr;
	_ =	strace $0xD0000000  }
0x3: {  	_ = 	snop  }
0x4: {  	_ = 	snop  }
0x5: {  	_ = 	snop  }
0x6: {  	_ = 	snop  }
0x7: {  	_ = 	snop  }
__scs_overlays_trampoline_lowered:
0x8: {  	[smem:$0x3F92] =	sst s0  }
0x9: {  	[smem:$0x3F93] =	sst s1  }
0xa: {  	[smem:$0x3F94] =	sst s2  }
0xb: {  	[smem:$0x3F95] =	sst s3  }
0xc: {  	[smem:$0x3F96] =	sst s4  }
0xd: {  	[smem:$0x3F97] =	sst s5  }
0xe: {  	[smem:$0x3F98] =	sst s6  }
0xf: {  	[smem:$0x3F99] =	sst s7  }
0x10: {  	[smem:$0x3F9A] =	sst s8  }
0x11: {  	[smem:$0x3F9B] =	sst s9;
	s0 =	simm.s32 @!p0 $0x0  }
0x12: {  	s1 =	sld [smem:$0x3F81];
	s0 =	simm.s32 @p0 $0x1  }
0x13: {  	[smem:$0x3F9C] =	sst s0;
	s0 =	simm.s32 @!p1 $0x0  }
0x14: {  	s2 =	sld [smem:$0x3F80];
	s0 =	simm.s32 @p1 $0x1  }
0x15: {  	[smem:$0x3F9D] =	sst s0;
	s0 =	simm.s32 @!p2 $0x0  }
0x16: {  	s3 =	sld [smem:$0x3FDB];
	s0 =	simm.s32 @p2 $0x1  }
0x17: {  	s4 =	simm.s32 $0x1BF5;
	[smem:$0x3F9F] =	sst s0  }
0x18: {  	s0 =	sld [smem:$0x3F82];
	_ =	swait.ge [sflag:s4], $0x0  }
0x19: {  	s7 =	sld [smem:$0x3F83]  }
0x1a: {  	s8 =	sadd.s32 $0xFFFFE003, lr  }
0x1b: {  	s9 =	sadd.s32 $0xFFFFFEF7, lr;
	s5 =	simm.s32 $0xFFFFFFFF;
	p2 =	slt.u32 s8, $0xFFFFF086  }
0x1c: {  	p1 =	slt.u32 s9, $0xF7A;
	s5 =	simm.s32 @!p2 $0x0  }
0x1d: {  	s5 =	simm.s32 @p1 $0x1;
	p0 =	seq.s32 s7, s2  }
0x1e: {  	s7 =	smul.u32 @!p0 $0xF7A, s2;
	p2 =	seq.s32 @!p0 s5, $0x0  }
0x1f: {  	s9 =	smul.u32 $0xF7A, s1;
	s8 =	simm.s32 @!p0 $0x1BF5;
	p2 =	por !p2, p0  }
0x20: {  	[sflag:s8] =	ssyncset.s32 @!p0 $0xFFFFF086;
	s6 =	sadd.s32 @!p0 s3, s7;
	s7 =	simm.s32 @!p0 $0x108  }
0x21: {  	s3 =	sadd.s32 s3, s9;
	s6 =	sadd.s32 @!p0 $0x88, s6;
	s7 =	simm.s32 @p2 $0x1082  }
0x22: {  	[simem:s7], [sflag:s8] =	dma.local @!p0 [hbm:s6], $0xF7A  }
0x23: {  	s9 =	sor.u32 $0xD0000000, s2;
	s6 =	simm.s32 $0x108;
	_ =	swait.ge @!p0 [sflag:s8], $0x0  }
0x24: {  	s3 =	sadd.s32 $0x88, s3;
	s6 =	simm.s32 @!p1 $0x1082;
	[sflag:s4] =	ssyncset.s32 $0xFFFFF086  }
0x25: {  	[simem:s6], [sflag:s4] =	dma.local [hbm:s3], $0xF7A  }
0x26: {  	[smem:$0x3F83] =	sst s1;
	(tag) =	ssettag s2;
	_ =	strace s9  }
0x27: {  	s1 =	sld [smem:$0x3F93]  }
0x28: {  	s2 =	sld [smem:$0x3F94]  }
0x29: {  	s4 =	sld [smem:$0x3F96]  }
0x2a: {  	p0 =	seq.s32 s5, $0x0;
	s5 =	sld [smem:$0x3F97]  }
0x2b: {  	s6 =	sld [smem:$0x3F98]  }
0x2c: {  	s7 =	sld [smem:$0x3F99]  }
0x2d: {  	s3 =	simm.s32 $0x108;
	s8 =	sld [smem:$0x3F9A]  }
0x2e: {  	s3 =	simm.s32 @!p0 $0x1082;
	s9 =	sld [smem:$0x3F9B]  }
0x2f: {  	lr =	sadd.s32 s0, s3;
	s0 =	sld [smem:$0x3F92]  }
0x30: {  	s3 =	sld [smem:$0x3F95]  }
0x31: {  	[smem:$0x3F9E] =	sst s10  }
0x32: {  	s10 =	sld [smem:$0x3F9C];
	_ =	sdelay $0x3  }
0x33: {  	p0 =	seq.s32 s10, $0x1;
	s10 =	sld [smem:$0x3F9E];
	_ =	sdelay $0x3  }
0x34: {  	[smem:$0x3F9E] =	sst s10  }
0x35: {  	s10 =	sld [smem:$0x3F9D];
	_ =	sdelay $0x3  }
0x36: {  	p1 =	seq.s32 s10, $0x1;
	s10 =	sld [smem:$0x3F9E];
	_ =	sdelay $0x3  }
0x37: {  	[smem:$0x3F9E] =	sst s10  }
0x38: {  	s10 =	sld [smem:$0x3F9F]  }
0x39: {  	_ = 	snop;
	(pc) =	sbr.ind lr, $3  }
0x3a: {  	_ = 	snop  }
0x3b: {  	_ = 	snop  }
0x3c: {  	p2 =	seq.s32 s10, $0x1;
	s10 =	sld [smem:$0x3F9E]  }
0x3d: {  	_ =	shalt  }
0x3e: {  	_ =	shalt  }
0x3f: {  	_ =	shalt  }
0x40: {  	_ =	shalt  }
0x41: {  	_ =	shalt  }
0x42: {  	_ =	shalt  }
0x43: {  	_ =	shalt  }
0x44: {  	_ =	shalt  }
0x45: {  	_ =	shalt  }
0x46: {  	_ =	shalt  }
0x47: {  	_ =	shalt  }
0x48: {  	_ =	shalt  }
0x49: {  	_ =	shalt  }
0x4a: {  	_ =	shalt  }
0x4b: {  	_ =	shalt  }
0x4c: {  	_ =	shalt  }
0x4d: {  	_ =	shalt  }
0x4e: {  	_ =	shalt  }
0x4f: {  	_ =	shalt  }
0x50: {  	_ =	shalt  }
0x51: {  	_ =	shalt  }
0x52: {  	_ =	shalt  }
0x53: {  	_ =	shalt  }
0x54: {  	_ =	shalt  }
0x55: {  	_ =	shalt  }
0x56: {  	_ =	shalt  }
0x57: {  	_ =	shalt  }
0x58: {  	_ =	shalt  }
0x59: {  	_ =	shalt  }
0x5a: {  	_ =	shalt  }
0x5b: {  	_ =	shalt  }
0x5c: {  	_ =	shalt  }
0x5d: {  	_ =	shalt  }
0x5e: {  	_ =	shalt  }
0x5f: {  	_ =	shalt  }
0x60: {  	_ =	shalt  }
0x61: {  	_ =	shalt  }
0x62: {  	_ =	shalt  }
0x63: {  	_ =	shalt  }
0x64: {  	_ =	shalt  }
0x65: {  	_ =	shalt  }
0x66: {  	_ =	shalt  }
0x67: {  	_ =	shalt  }
0x68: {  	_ =	shalt  }
0x69: {  	_ =	shalt  }
0x6a: {  	_ =	shalt  }
0x6b: {  	_ =	shalt  }
0x6c: {  	_ =	shalt  }
0x6d: {  	_ =	shalt  }
0x6e: {  	_ =	shalt  }
0x6f: {  	_ =	shalt  }
0x70: {  	_ =	shalt  }
0x71: {  	_ =	shalt  }
0x72: {  	_ =	shalt  }
0x73: {  	_ =	shalt  }
0x74: {  	_ =	shalt  }
0x75: {  	_ =	shalt  }
0x76: {  	_ =	shalt  }
0x77: {  	_ =	shalt  }
0x78: {  	_ =	shalt  }
0x79: {  	_ =	shalt  }
0x7a: {  	_ =	shalt  }
0x7b: {  	_ =	shalt  }
0x7c: {  	_ =	shalt  }
0x7d: {  	_ =	shalt  }
0x7e: {  	_ =	shalt  }
0x7f: {  	_ =	shalt  }
0x80: {  	_ =	shalt  }
0x81: {  	_ =	shalt  }
0x82: {  	_ =	shalt  }
0x83: {  	_ =	shalt  }
0x84: {  	_ =	shalt  }
0x85: {  	_ =	shalt  }
0x86: {  	_ =	shalt  }
0x87: {  	_ =	shalt  }
.Lfunc_end0:
.L_simem_size_0:
called_computation.3_lowered:
.L_overlay_start_0:
0x88: {  	s2 =	sld [smem:$0x3FD9]  }
0x89: {  	s3 =	sld [smem:$0x3FFE];
	_ =	sdelay $0x1  }
0x8a: {  	s1 =	srdreg.scid  }
0x8b: {  	s0 =	sand.u32 $0x1, s1  }
0x8c: {  	s14 =	sshll.u32 s0, $0xA;
	s2 =	sadd.s32 s3, s2  }
0x8d: {  	s2 =	sadd.s32 s2, s14  }
0x8e: {  	[smem:$0x3FAA] =	sst s2  }
0x8f: {  	_ = 	snop  }
0x90: {  	s2 =	sld [smem:$0x3FD0];
	_ =	sdelay $0x2  }
0x91: {  	s15 =	simm.s32 $0xB;
	s4 =	simm.s32 $0x10  }
0x92: {  	[smem:s4], [sflag:s15] =	dma.local [hbm:s2], $0x1  }
0x93: {  	_ =	swait.eq [sflag:s15], $0x1  }
0x94: {  	[sflag:s15] =	ssyncset.done $0x0  }
0x95: {  	[sflag:s15] =	ssyncadd.s32 $0xFFFFFFFF  }
0x96: {  	s16 =	sld [smem:$0x10];
	(tm) =	ssettm $0x1  }
0x97: {  	s17 =	sld [smem:$0x3FFB];
	_ =	sdelay $0x3  }
0x98: {  	_ =	strace s17  }
0x99: {  	s3 =	sld [smem:$0x3FFC];
	_ =	sdelay $0x3  }
0x9a: {  	_ =	strace s3  }
0x9b: {  	s3 =	sld [smem:$0x3FFD];
	_ =	sdelay $0x3  }
0x9c: {  	_ =	strace s3  }
0x9d: {  	_ =	strace $0x8FFFFFFF  }
0x9e: {  	s18 =	sld [smem:$0x3FDB];
	_ =	sdelay $0x1  }
0x9f: {  	s19 =	simm.s32 $_scs_section_size  }
0xa0: {  	s5 =	simm.s32 $_size__tile_overlayer_lowered;
	s6 =	simm.s32 $_tile_overlayer_lowered  }
0xa1: {  	s22 =	simm.s32 $0x1BFF;
	s21 =	sshll.u32 s6, $0x1;
	s3 =	sadd.s32 s19, s18  }
0xa2: {  	s7 =	simm.s32 $0x0;
	s20 =	sshll.u32 s5, $0x1;
	s5 =	sadd.s32 s21, s3  }
0xa3: {  	[timem:s7], [sflag:s22] =	dma.local [hbm:s5], s20  }
0xa4: {  	_ =	swait.ge [sflag:s22], s20  }
0xa5: {  	s4 =	ssub.s32 $0x0, s20;
	[sflag:s22] =	ssyncset.done $0x0  }
0xa6: {  	[sflag:s22] =	ssyncadd.s32 s4;
	_ =	sdelay $0x1  }
0xa7: {  	s23 =	simm.s32 $0x1B8B  }
0xa8: {  	_ =	swait.ge [sflag:s23], $0x1  }
0xa9: {  	[sflag:s23] =	ssyncset.done $0x0  }
0xaa: {  	s25 =	simm.s32 $0x1B8E;
	s24 =	sld [smem:$0x3FFE];
	[sflag:s23] =	ssyncadd.s32 $0xFFFFFFFF  }
0xab: {  	s26 =	simm.s32 $execute0_lowered;
	[smem:$0x3FD2] =	sst s25  }
0xac: {  	s5 =	sshll.u32 s26, $0x1;
	_ =	strace $0x8000004F;
	[dreg:$0x1] =	wrdreg $0xFFFFFFFF  }
0xad: {  	s28 =	simm.s32 $_size_execute0_lowered;
	s3 =	sadd.s32 s3, s5;
	[dreg:$0x0] =	wrdreg $0x0  }
0xae: {  	s5 =	sshll.u32 s28, $0x1;
	[dreg:$0x2] =	wrdreg s3  }
0xaf: {  	[dreg:$0x3] =	wrdreg s5  }
0xb0: {  	[dreg:$0x4] =	wrdreg $0xC0  }
0xb1: {  	_ =	task [dreg:s7], $0x5FFFF  }
0xb2: {  	[dreg:$0x1] =	wrdreg $0xFFFFFFFF  }
0xb3: {  	[dreg:$0x0] =	wrdreg $0x60  }
0xb4: {  	[dreg:$0x2] =	wrdreg s24  }
0xb5: {  	[dreg:$0x3] =	wrdreg s16  }
0xb6: {  	[dreg:$0x4] =	wrdreg $0x9  }
0xb7: {  	_ =	task.clear_ibuf [dreg:s7], $0x5FFFF;
	_ =	strace $0x9000004F  }
0xb8: {  	s29 =	simm.s32 $0x9;
	_ =	strace $0x80000051  }
0xb9: {  	_ =	swait.ge [sflag:s29], $0x1  }
0xba: {  	[sflag:s29] =	ssyncadd.s32 $0xFFFFFFFF  }
0xbb: {  	_ =	strace $0x90000051  }
0xbc: {  	_ =	sfence  }
0xbd: {  	s30 =	sld [smem:$0x0];
	_ =	sdelay $0x2  }
0xbe: {  	s31 =	sshll.u32 s1, $0xD;
	s1 =	sshrl.u32 s1, $0x2  }
0xbf: {  	s3 =	sand.u32 $0x4000, s31;
	s1 =	sadd.s32 s1, s30  }
0xc0: {  	s0 =	sor.u32 s3, s0;
	s1 =	sshll.u32 s1, $0x11  }
0xc1: {  	s0 =	sor.u32 s1, s0  }
0xc2: {  	s0 =	sadd.s32 $0x8F2B, s0  }
0xc3: {  	[sflag:s0] =	ssyncadd.remote.s32 $0x1  }
0xc4: {  	_ =	sfence.sel $0xFFFF  }
0xc5: {  	[dreg:$0x0] =	wrdreg $0xFFFFFFFF;
	(pc) =	sbr.abs _section_cstart, $3  }
0xc6: {  	[dreg:$0x1] =	wrdreg $0xFFFFFFFF  }
0xc7: {  	_ =	task.clear_ibuf [dreg:s7], $0x2FFFF;
	_ =	strace $0x9FFFFFFF  }
0xc8: {  	(tm) =	ssettm $0x7FFFFFFF  }
0xc9: {  	_ =	shalt  }
tec
execute0_lowered:
.L_overlay_start_1:
0x0: {  	(tag) =	ssettag $0x1  }
0x1: {  	s4 =	rddreg [dreg:$0x0]  }
0x2: {  	s8 =	rddreg [dreg:$0x1]  }
0x3: {  	s0 =	rddreg [dreg:$0x2];
	s2 =	simm.s32 $0x0;
	s3 =	srdreg.scid  }
0x4: {  	s1 =	stileid.u32;
	s12 =	simm.s32 $0x100;
	s13 =	simm.s32 $0x6600  }
0x5: {  	s14 =	simm.s32 $0x1;
	s15 =	simm.s32 $0x2;
	s6 =	smul.u32 $0x4E20, s1  }
0x6: {  	s16 =	simm.s32 $0x0;
	s5 =	sand.u32 $0x1, s3;
	s9 =	smul.u32 $0x4E200, s1  }
0x7: {  	[smem:$0x7FF] =	sst s2;
	s3 =	sadd.s32 $0x1B600, s4;
	s7 =	smul.u32 $0x2710, s5  }
0x8: {  	_ =	strace $0x80000050;
	s10 =	ssub.s32 $0x2, s5;
	s5 =	smul.u32 $0x27100, s5  }
0x9: {  	s29 =	sshrl.u32 s10, $0x1;
	s30 =	sadd.s32 s9, s4;
	s6 =	sadd.s32 s7, s6  }
0xa: {  	s9 =	simm.s32 $0x3;
	s7 =	ssub.s32 s10, s29;
	s11 =	sshrl.u32 s6, $0x3  }
0xb: {  	s10 =	simm.s32 $0xC8;
	s6 =	sadd.s32 s5, s30;
	s31 =	sadd.s32 s11, s4  }
0xc: {  	s4 =	smax.u32 s7, $0x1;
	s5 =	sadd.s32 $0x42800, s6;
	s6 =	sadd.s32 $0x524800, s6  }
0xd: {  	s8 =	sadd.s32 s11, s8;
	s11 =	simm.s32 $0x200;
	s7 =	sadd.s32 $0x11800, s31  }
.LBB2_1:
0xe: {  	s17 =	sadd.s32 $0x0, s8  }
0xf: {  	[tilespmem:s2], [sflag:$0x3] =	stream.linear.gather [hbm4b:s17+s2], $0xC8, $0x38;
	[tilespmem:$0xCA00] =	vst v63  }
0x10: {  	_ =	swait.ge [sflag:s9], $0xC8  }
0x11: {  	[sflag:s9] =	ssyncset.done $0x0  }
0x12: {  	[sflag:s9] =	ssyncadd.s32 $0xFFFFFF38  }
0x13: {  	[tilespmem:s11], [sflag:$0x1] =	stream.indirect.gather [hbm4b:s3+s10], $0x80, s2, s10, $0xb8;
	[tilespmem:$0xCA00] =	vst v63  }
0x14: {  	s31 =	sadd.s32 $0x0, s7  }
0x15: {  	[tilespmem:s12], [sflag:$0x3] =	stream.linear.gather [hbm4b:s31+s2], $0xC8, $0x38;
	[tilespmem:$0xCA00] =	vst v63  }
0x16: {  	_ =	swait.ge [sflag:s9], $0xC8  }
0x17: {  	[sflag:s9] =	ssyncset.done $0x0  }
0x18: {  	[sflag:s9] =	ssyncadd.s32 $0xFFFFFF38  }
0x19: {  	[tilespmem:s13], [sflag:$0x2] =	stream.indirect.gather [hbm4b:s3+s10], $0x80, s12, s10, $0xb8;
	[tilespmem:$0xCA00] =	vst v63  }
0x1a: {  	_ =	swait.ge [sflag:s14], $0x6400  }
0x1b: {  	[sflag:s14] =	ssyncset.done $0x0  }
0x1c: {  	[sflag:s14] =	ssyncadd.s32 $0xFFFF9C00  }
0x1d: {  	[hbm4b:s5+s2] =	stream.linear.scatter [tilespmem:s11], [sflag:$0x3], $0x6400, $0x38;
	[tilespmem:$0xCA00] =	vst v63  }
0x1e: {  	_ =	swait.ge [sflag:s9], $0x6400  }
0x1f: {  	[sflag:s9] =	ssyncset.done $0x0  }
0x20: {  	[sflag:s9] =	ssyncadd.s32 $0xFFFF9C00  }
0x21: {  	_ =	swait.ge [sflag:s15], $0x6400  }
0x22: {  	[sflag:s15] =	ssyncset.done $0x0  }
0x23: {  	[sflag:s15] =	ssyncadd.s32 $0xFFFF9C00  }
0x24: {  	[hbm4b:s6+s2] =	stream.linear.scatter [tilespmem:s13], [sflag:$0x3], $0x6400, $0x38;
	[tilespmem:$0xCA00] =	vst v63  }
0x25: {  	s19 =	simm.s32 $0x19;
	s20 =	simm.s32 $0x32;
	_ =	swait.ge [sflag:s9], $0x6400  }
0x26: {  	s18 =	sadd.s32 $0xC80, s5;
	s17 =	sadd.s32 $0xC80, s6;
	[sflag:s9] =	ssyncset.done $0x0  }
.LBB2_2:
0x27: {  	s21 =	sadd.s32 s19, s8  }
0x28: {  	[sflag:s9] =	ssyncadd.s32 $0xFFFF9C00;
	s22 =	smov.u32 s20;
	s23 =	sadd.s32 $0x19, s20  }
0x29: {  	[tilespmem:s2], [sflag:$0x3] =	stream.linear.gather [hbm4b:s21+s2], $0xC8, $0x38;
	[tilespmem:$0xCA00] =	vst v63  }
0x2a: {  	p0 =	sne.s32 s20, $0x4C9;
	_ =	swait.ge [sflag:s9], $0xC8  }
0x2b: {  	[sflag:s9] =	ssyncset.done $0x0  }
0x2c: {  	[sflag:s9] =	ssyncadd.s32 $0xFFFFFF38  }
0x2d: {  	[tilespmem:s11], [sflag:$0x1] =	stream.indirect.gather [hbm4b:s3+s10], $0x80, s2, s10, $0xb8;
	[tilespmem:$0xCA00] =	vst v63  }
0x2e: {  	s20 =	sadd.s32 s19, s7;
	s19 =	smov.u32 s22  }
0x2f: {  	[tilespmem:s12], [sflag:$0x3] =	stream.linear.gather [hbm4b:s20+s2], $0xC8, $0x38;
	[tilespmem:$0xCA00] =	vst v63  }
0x30: {  	_ =	swait.ge [sflag:s9], $0xC8  }
0x31: {  	[sflag:s9] =	ssyncset.done $0x0  }
0x32: {  	[sflag:s9] =	ssyncadd.s32 $0xFFFFFF38  }
0x33: {  	[tilespmem:s13], [sflag:$0x2] =	stream.indirect.gather [hbm4b:s3+s10], $0x80, s12, s10, $0xb8;
	[tilespmem:$0xCA00] =	vst v63  }
0x34: {  	_ =	swait.ge [sflag:s14], $0x6400  }
0x35: {  	[sflag:s14] =	ssyncset.done $0x0  }
0x36: {  	[sflag:s14] =	ssyncadd.s32 $0xFFFF9C00  }
0x37: {  	[hbm4b:s18+s2] =	stream.linear.scatter [tilespmem:s11], [sflag:$0x3], $0x6400, $0x38;
	[tilespmem:$0xCA00] =	vst v63  }
0x38: {  	_ =	swait.ge [sflag:s9], $0x6400  }
0x39: {  	[sflag:s9] =	ssyncset.done $0x0  }
0x3a: {  	[sflag:s9] =	ssyncadd.s32 $0xFFFF9C00  }
0x3b: {  	_ =	swait.ge [sflag:s15], $0x6400  }
.Ltmp0:
0x3c: {  	[sflag:s15] =	ssyncset.done $0x0;
	(pc) =	sbr.rel @p0 .LBB2_2-.Ltmp0, $4  }
0x3d: {  	[sflag:s15] =	ssyncadd.s32 $0xFFFF9C00  }
0x3e: {  	[hbm4b:s17+s2] =	stream.linear.scatter [tilespmem:s13], [sflag:$0x3], $0x6400, $0x38;
	[tilespmem:$0xCA00] =	vst v63  }
0x3f: {  	s20 =	smov.u32 s23;
	_ =	swait.ge [sflag:s9], $0x6400  }
0x40: {  	s18 =	sadd.s32 $0xC80, s18;
	s17 =	sadd.s32 $0xC80, s17;
	[sflag:s9] =	ssyncset.done $0x0  }
0x41: {  	s20 =	sadd.s32 s19, s8;
	[sflag:s9] =	ssyncadd.s32 $0xFFFF9C00  }
0x42: {  	[tilespmem:s2], [sflag:$0x3] =	stream.linear.gather [hbm4b:s20+s2], $0xC8, $0x38;
	[tilespmem:$0xCA00] =	vst v63  }
0x43: {  	_ =	swait.ge [sflag:s9], $0xC8  }
0x44: {  	[sflag:s9] =	ssyncset.done $0x0  }
0x45: {  	[sflag:s9] =	ssyncadd.s32 $0xFFFFFF38  }
0x46: {  	[tilespmem:s11], [sflag:$0x1] =	stream.indirect.gather [hbm4b:s3+s10], $0x80, s2, s10, $0xb8;
	[tilespmem:$0xCA00] =	vst v63  }
0x47: {  	s31 =	sadd.s32 s19, s7  }
0x48: {  	[tilespmem:s12], [sflag:$0x3] =	stream.linear.gather [hbm4b:s31+s2], $0xC8, $0x38;
	[tilespmem:$0xCA00] =	vst v63  }
0x49: {  	_ =	swait.ge [sflag:s9], $0xC8  }
0x4a: {  	[sflag:s9] =	ssyncset.done $0x0  }
0x4b: {  	[sflag:s9] =	ssyncadd.s32 $0xFFFFFF38  }
0x4c: {  	[tilespmem:s13], [sflag:$0x2] =	stream.indirect.gather [hbm4b:s3+s10], $0x80, s12, s10, $0xb8;
	[tilespmem:$0xCA00] =	vst v63  }
0x4d: {  	_ =	swait.ge [sflag:s14], $0x6400  }
0x4e: {  	[sflag:s14] =	ssyncset.done $0x0  }
0x4f: {  	[sflag:s14] =	ssyncadd.s32 $0xFFFF9C00  }
0x50: {  	[hbm4b:s18+s2] =	stream.linear.scatter [tilespmem:s11], [sflag:$0x3], $0x6400, $0x38;
	[tilespmem:$0xCA00] =	vst v63  }
0x51: {  	_ =	swait.ge [sflag:s9], $0x6400  }
0x52: {  	[sflag:s9] =	ssyncset.done $0x0  }
0x53: {  	[sflag:s9] =	ssyncadd.s32 $0xFFFF9C00  }
0x54: {  	s16 =	sadd.s32 $0x1, s16;
	_ =	swait.ge [sflag:s15], $0x6400  }
0x55: {  	p0 =	sne.s32 s16, s4;
	[sflag:s15] =	ssyncset.done $0x0  }
.Ltmp1:
0x56: {  	[sflag:s15] =	ssyncadd.s32 $0xFFFF9C00;
	(pc) =	sbr.rel @p0 .LBB2_1-.Ltmp1, $4  }
0x57: {  	[hbm4b:s17+s2] =	stream.linear.scatter [tilespmem:s13], [sflag:$0x3], $0x6400, $0x38;
	[tilespmem:$0xCA00] =	vst v63  }
0x58: {  	_ =	swait.ge [sflag:s9], $0x6400  }
0x59: {  	[sflag:s9] =	ssyncset.done $0x0  }
0x5a: {  	[sflag:s9] =	ssyncadd.s32 $0xFFFF9C00  }
0x5b: {  	_ =	sfence.sel $0x180000  }
0x5c: {  	[bflag:$0x0] =	sbarrier.arrive $0xFFFF  }
0x5d: {  	p0 =	sne.s32 s1, $0x0;
	_ =	strace $0x90000050  }
0x5e: {  	s0 =	sadd.s32 @!p0 $0x100000, s0;
	[bflag:$0x2] =	sbarrier.arrive $0xFFFF  }
0x5f: {  	[sflag:s0] =	ssyncadd.tile.s32 @!p0 $0x1;
	_ =	shalt  }
.Lfunc_end2:
_tile_overlayer_lowered:
.L_overlay_start_2:
0x60: {  	(tag) =	ssettag $0x2  }
0x61: {  	s0 =	rddreg [dreg:$0x0];
	s2 =	stileid.u32  }
0x62: {  	s1 =	rddreg [dreg:$0x1];
	p0 =	sne.s32 s2, $0x0  }
0x63: {  	s3 =	rddreg [dreg:$0x2];
	[bflag:$0x3] =	sbarrier.arrive $0xFFFF;
	s2 =	simm.s32 @!p0 $0x1C03  }
0x64: {  	[timem:s3], [sflag:s2] =	dma.local @!p0 [hbm:s0], s1  }
0x65: {  	s0 =	simm.s32 @!p0 $0x3  }
0x66: {  	_ =	swait.ge @!p0 [sflag:s0], s1  }
0x67: {  	s1 =	ssub.s32 @!p0 $0x0, s1;
	[sflag:s0] =	ssyncset.done @!p0 $0x0  }
0x68: {  	[sflag:s0] =	ssyncadd.s32 @!p0 s1  }
0x69: {  	[bflag:$0x3] =	sbarrier.arrive $0xFFFF  }
0x6a: {  	_ =	shalt  }

// kernel: kernel.43.cloned.1.call-start
scs
__scs_entry_jumppad:
0x0: {  	(pc) =	sbr.rel $0x88, $3  }
0x1: {  	(tag) =	ssettag $0x0;
	lr =	simm.s32 $0x1  }
0x2: {  	[smem:$0x3F83] =	sst lr;
	_ =	strace $0xD0000000  }
0x3: {  	_ = 	snop  }
0x4: {  	_ = 	snop  }
0x5: {  	_ = 	snop  }
0x6: {  	_ = 	snop  }
0x7: {  	_ = 	snop  }
__scs_overlays_trampoline_lowered:
0x8: {  	[smem:$0x3F92] =	sst s0  }
0x9: {  	[smem:$0x3F93] =	sst s1  }
0xa: {  	[smem:$0x3F94] =	sst s2  }
0xb: {  	[smem:$0x3F95] =	sst s3  }
0xc: {  	[smem:$0x3F96] =	sst s4  }
0xd: {  	[smem:$0x3F97] =	sst s5  }
0xe: {  	[smem:$0x3F98] =	sst s6  }
0xf: {  	[smem:$0x3F99] =	sst s7  }
0x10: {  	[smem:$0x3F9A] =	sst s8  }
0x11: {  	[smem:$0x3F9B] =	sst s9;
	s0 =	simm.s32 @!p0 $0x0  }
0x12: {  	s1 =	sld [smem:$0x3F81];
	s0 =	simm.s32 @p0 $0x1  }
0x13: {  	[smem:$0x3F9C] =	sst s0;
	s0 =	simm.s32 @!p1 $0x0  }
0x14: {  	s2 =	sld [smem:$0x3F80];
	s0 =	simm.s32 @p1 $0x1  }
0x15: {  	[smem:$0x3F9D] =	sst s0;
	s0 =	simm.s32 @!p2 $0x0  }
0x16: {  	s3 =	sld [smem:$0x3FDB];
	s0 =	simm.s32 @p2 $0x1  }
0x17: {  	s4 =	simm.s32 $0x1BF5;
	[smem:$0x3F9F] =	sst s0  }
0x18: {  	s0 =	sld [smem:$0x3F82];
	_ =	swait.ge [sflag:s4], $0x0  }
0x19: {  	s7 =	sld [smem:$0x3F83]  }
0x1a: {  	s8 =	sadd.s32 $0xFFFFE003, lr  }
0x1b: {  	s9 =	sadd.s32 $0xFFFFFEF7, lr;
	s5 =	simm.s32 $0xFFFFFFFF;
	p2 =	slt.u32 s8, $0xFFFFF086  }
0x1c: {  	p1 =	slt.u32 s9, $0xF7A;
	s5 =	simm.s32 @!p2 $0x0  }
0x1d: {  	s5 =	simm.s32 @p1 $0x1;
	p0 =	seq.s32 s7, s2  }
0x1e: {  	s7 =	smul.u32 @!p0 $0xF7A, s2;
	p2 =	seq.s32 @!p0 s5, $0x0  }
0x1f: {  	s9 =	smul.u32 $0xF7A, s1;
	s8 =	simm.s32 @!p0 $0x1BF5;
	p2 =	por !p2, p0  }
0x20: {  	[sflag:s8] =	ssyncset.s32 @!p0 $0xFFFFF086;
	s6 =	sadd.s32 @!p0 s3, s7;
	s7 =	simm.s32 @!p0 $0x108  }
0x21: {  	s3 =	sadd.s32 s3, s9;
	s6 =	sadd.s32 @!p0 $0x88, s6;
	s7 =	simm.s32 @p2 $0x1082  }
0x22: {  	[simem:s7], [sflag:s8] =	dma.local @!p0 [hbm:s6], $0xF7A  }
0x23: {  	s9 =	sor.u32 $0xD0000000, s2;
	s6 =	simm.s32 $0x108;
	_ =	swait.ge @!p0 [sflag:s8], $0x0  }
0x24: {  	s3 =	sadd.s32 $0x88, s3;
	s6 =	simm.s32 @!p1 $0x1082;
	[sflag:s4] =	ssyncset.s32 $0xFFFFF086  }
0x25: {  	[simem:s6], [sflag:s4] =	dma.local [hbm:s3], $0xF7A  }
0x26: {  	[smem:$0x3F83] =	sst s1;
	(tag) =	ssettag s2;
	_ =	strace s9  }
0x27: {  	s1 =	sld [smem:$0x3F93]  }
0x28: {  	s2 =	sld [smem:$0x3F94]  }
0x29: {  	s4 =	sld [smem:$0x3F96]  }
0x2a: {  	p0 =	seq.s32 s5, $0x0;
	s5 =	sld [smem:$0x3F97]  }
0x2b: {  	s6 =	sld [smem:$0x3F98]  }
0x2c: {  	s7 =	sld [smem:$0x3F99]  }
0x2d: {  	s3 =	simm.s32 $0x108;
	s8 =	sld [smem:$0x3F9A]  }
0x2e: {  	s3 =	simm.s32 @!p0 $0x1082;
	s9 =	sld [smem:$0x3F9B]  }
0x2f: {  	lr =	sadd.s32 s0, s3;
	s0 =	sld [smem:$0x3F92]  }
0x30: {  	s3 =	sld [smem:$0x3F95]  }
0x31: {  	[smem:$0x3F9E] =	sst s10  }
0x32: {  	s10 =	sld [smem:$0x3F9C];
	_ =	sdelay $0x3  }
0x33: {  	p0 =	seq.s32 s10, $0x1;
	s10 =	sld [smem:$0x3F9E];
	_ =	sdelay $0x3  }
0x34: {  	[smem:$0x3F9E] =	sst s10  }
0x35: {  	s10 =	sld [smem:$0x3F9D];
	_ =	sdelay $0x3  }
0x36: {  	p1 =	seq.s32 s10, $0x1;
	s10 =	sld [smem:$0x3F9E];
	_ =	sdelay $0x3  }
0x37: {  	[smem:$0x3F9E] =	sst s10  }
0x38: {  	s10 =	sld [smem:$0x3F9F]  }
0x39: {  	_ = 	snop;
	(pc) =	sbr.ind lr, $3  }
0x3a: {  	_ = 	snop  }
0x3b: {  	_ = 	snop  }
0x3c: {  	p2 =	seq.s32 s10, $0x1;
	s10 =	sld [smem:$0x3F9E]  }
0x3d: {  	_ =	shalt  }
0x3e: {  	_ =	shalt  }
0x3f: {  	_ =	shalt  }
0x40: {  	_ =	shalt  }
0x41: {  	_ =	shalt  }
0x42: {  	_ =	shalt  }
0x43: {  	_ =	shalt  }
0x44: {  	_ =	shalt  }
0x45: {  	_ =	shalt  }
0x46: {  	_ =	shalt  }
0x47: {  	_ =	shalt  }
0x48: {  	_ =	shalt  }
0x49: {  	_ =	shalt  }
0x4a: {  	_ =	shalt  }
0x4b: {  	_ =	shalt  }
0x4c: {  	_ =	shalt  }
0x4d: {  	_ =	shalt  }
0x4e: {  	_ =	shalt  }
0x4f: {  	_ =	shalt  }
0x50: {  	_ =	shalt  }
0x51: {  	_ =	shalt  }
0x52: {  	_ =	shalt  }
0x53: {  	_ =	shalt  }
0x54: {  	_ =	shalt  }
0x55: {  	_ =	shalt  }
0x56: {  	_ =	shalt  }
0x57: {  	_ =	shalt  }
0x58: {  	_ =	shalt  }
0x59: {  	_ =	shalt  }
0x5a: {  	_ =	shalt  }
0x5b: {  	_ =	shalt  }
0x5c: {  	_ =	shalt  }
0x5d: {  	_ =	shalt  }
0x5e: {  	_ =	shalt  }
0x5f: {  	_ =	shalt  }
0x60: {  	_ =	shalt  }
0x61: {  	_ =	shalt  }
0x62: {  	_ =	shalt  }
0x63: {  	_ =	shalt  }
0x64: {  	_ =	shalt  }
0x65: {  	_ =	shalt  }
0x66: {  	_ =	shalt  }
0x67: {  	_ =	shalt  }
0x68: {  	_ =	shalt  }
0x69: {  	_ =	shalt  }
0x6a: {  	_ =	shalt  }
0x6b: {  	_ =	shalt  }
0x6c: {  	_ =	shalt  }
0x6d: {  	_ =	shalt  }
0x6e: {  	_ =	shalt  }
0x6f: {  	_ =	shalt  }
0x70: {  	_ =	shalt  }
0x71: {  	_ =	shalt  }
0x72: {  	_ =	shalt  }
0x73: {  	_ =	shalt  }
0x74: {  	_ =	shalt  }
0x75: {  	_ =	shalt  }
0x76: {  	_ =	shalt  }
0x77: {  	_ =	shalt  }
0x78: {  	_ =	shalt  }
0x79: {  	_ =	shalt  }
0x7a: {  	_ =	shalt  }
0x7b: {  	_ =	shalt  }
0x7c: {  	_ =	shalt  }
0x7d: {  	_ =	shalt  }
0x7e: {  	_ =	shalt  }
0x7f: {  	_ =	shalt  }
0x80: {  	_ =	shalt  }
0x81: {  	_ =	shalt  }
0x82: {  	_ =	shalt  }
0x83: {  	_ =	shalt  }
0x84: {  	_ =	shalt  }
0x85: {  	_ =	shalt  }
0x86: {  	_ =	shalt  }
0x87: {  	_ =	shalt  }
.Lfunc_end0:
.L_simem_size_0:
called_computation.4_lowered:
.L_overlay_start_0:
0x88: {  	s2 =	sld [smem:$0x3FD9]  }
0x89: {  	s3 =	sld [smem:$0x3FFE];
	_ =	sdelay $0x1  }
0x8a: {  	s1 =	srdreg.scid  }
0x8b: {  	s0 =	sand.u32 $0x1, s1  }
0x8c: {  	s16 =	sshll.u32 s0, $0xA;
	s2 =	sadd.s32 s3, s2  }
0x8d: {  	s2 =	sadd.s32 s2, s16  }
0x8e: {  	[smem:$0x3FAA] =	sst s2  }
0x8f: {  	_ = 	snop  }
0x90: {  	(tm) =	ssettm $0x1  }
0x91: {  	s17 =	sld [smem:$0x3FFB];
	_ =	sdelay $0x3  }
0x92: {  	_ =	strace s17  }
0x93: {  	s2 =	sld [smem:$0x3FFC];
	_ =	sdelay $0x3  }
0x94: {  	_ =	strace s2  }
0x95: {  	s2 =	sld [smem:$0x3FFD];
	_ =	sdelay $0x3  }
0x96: {  	_ =	strace s2  }
0x97: {  	_ =	strace $0x8FFFFFFF  }
0x98: {  	s18 =	sld [smem:$0x3FDB];
	_ =	sdelay $0x1  }
0x99: {  	s19 =	simm.s32 $_scs_section_size  }
0x9a: {  	s4 =	simm.s32 $_size__tile_overlayer_lowered;
	s5 =	simm.s32 $_tile_overlayer_lowered  }
0x9b: {  	s22 =	simm.s32 $0x1BFF;
	s21 =	sshll.u32 s5, $0x1;
	s2 =	sadd.s32 s19, s18  }
0x9c: {  	s6 =	simm.s32 $0x0;
	s20 =	sshll.u32 s4, $0x1;
	s4 =	sadd.s32 s21, s2  }
0x9d: {  	[timem:s6], [sflag:s22] =	dma.local [hbm:s4], s20  }
0x9e: {  	_ =	swait.ge [sflag:s22], s20  }
0x9f: {  	s3 =	ssub.s32 $0x0, s20;
	[sflag:s22] =	ssyncset.done $0x0  }
0xa0: {  	[sflag:s22] =	ssyncadd.s32 s3;
	_ =	sdelay $0x1  }
0xa1: {  	s23 =	simm.s32 $0x1B8B  }
0xa2: {  	_ =	swait.ge [sflag:s23], $0x1  }
0xa3: {  	[sflag:s23] =	ssyncset.done $0x0  }
0xa4: {  	s25 =	simm.s32 $0x1B8E;
	s24 =	sld [smem:$0x3FFE];
	[sflag:s23] =	ssyncadd.s32 $0xFFFFFFFF  }
0xa5: {  	s26 =	simm.s32 $execute0_lowered;
	[smem:$0x3FD2] =	sst s25  }
0xa6: {  	s4 =	sshll.u32 s26, $0x1;
	_ =	strace $0x80000052;
	[dreg:$0x1] =	wrdreg $0xFFFFFFFF  }
0xa7: {  	s28 =	simm.s32 $_size_execute0_lowered;
	s2 =	sadd.s32 s2, s4;
	[dreg:$0x0] =	wrdreg $0x0  }
0xa8: {  	s4 =	sshll.u32 s28, $0x1;
	[dreg:$0x2] =	wrdreg s2  }
0xa9: {  	[dreg:$0x3] =	wrdreg s4  }
0xaa: {  	[dreg:$0x4] =	wrdreg $0xC0  }
0xab: {  	_ =	task [dreg:s6], $0x5FFFF  }
0xac: {  	[dreg:$0x1] =	wrdreg $0xFFFFFFFF  }
0xad: {  	[dreg:$0x0] =	wrdreg $0x60  }
0xae: {  	[dreg:$0x2] =	wrdreg s24  }
0xaf: {  	[dreg:$0x3] =	wrdreg $0x9  }
0xb0: {  	_ =	task.clear_ibuf [dreg:s6], $0x4FFFF;
	_ =	strace $0x90000052  }
0xb1: {  	s29 =	simm.s32 $0x9;
	_ =	strace $0x80000054  }
0xb2: {  	_ =	swait.ge [sflag:s29], $0x1  }
0xb3: {  	[sflag:s29] =	ssyncadd.s32 $0xFFFFFFFF  }
0xb4: {  	_ =	strace $0x90000054  }
0xb5: {  	_ =	sfence  }
0xb6: {  	s30 =	sld [smem:$0x0];
	_ =	sdelay $0x2  }
0xb7: {  	s31 =	sshll.u32 s1, $0xD;
	s1 =	sshrl.u32 s1, $0x2  }
0xb8: {  	s3 =	sand.u32 $0x4000, s31;
	s1 =	sadd.s32 s1, s30  }
0xb9: {  	s0 =	sor.u32 s3, s0;
	s1 =	sshll.u32 s1, $0x11  }
0xba: {  	s0 =	sor.u32 s1, s0  }
0xbb: {  	s0 =	sadd.s32 $0x8F2B, s0  }
0xbc: {  	[sflag:s0] =	ssyncadd.remote.s32 $0x1  }
0xbd: {  	_ =	sfence.sel $0xFFFF  }
0xbe: {  	[dreg:$0x0] =	wrdreg $0xFFFFFFFF;
	(pc) =	sbr.abs _section_cstart, $3  }
0xbf: {  	[dreg:$0x1] =	wrdreg $0xFFFFFFFF  }
0xc0: {  	_ =	task.clear_ibuf [dreg:s6], $0x2FFFF;
	_ =	strace $0x9FFFFFFF  }
0xc1: {  	(tm) =	ssettm $0x7FFFFFFF  }
tec
execute0_lowered:
.L_overlay_start_1:
0x0: {  	(tag) =	ssettag $0x1  }
0x1: {  	s6 =	rddreg [dreg:$0x0]  }
0x2: {  	s0 =	rddreg [dreg:$0x1];
	s3 =	srdreg.scid  }
0x3: {  	s1 =	stileid.u32;
	s2 =	simm.s32 $0x0;
	s12 =	simm.s32 $0x2780  }
0x4: {  	s13 =	simm.s32 $0x4E90;
	s14 =	simm.s32 $0x75A0;
	s15 =	simm.s32 $0x9CB0  }
0x5: {  	s16 =	simm.s32 $0xC400;
	s3 =	sand.u32 $0x1, s3;
	s4 =	sshll.u32 s1, $0x1  }
0x6: {  	s17 =	simm.s32 $0x0;
	[smem:$0x7FF] =	sst s2;
	s4 =	sor.u32 s3, s4  }
0x7: {  	s5 =	sadd.s32 $0xA1A400, s6;
	s8 =	ssub.s32 $0x2, s3;
	s7 =	smul.u32 $0x13C0, s4  }
0x8: {  	_ =	strace $0x80000053;
	s9 =	sshrl.u32 s8, $0x1;
	s4 =	smul.u32 $0x138800, s4  }
0x9: {  	s3 =	sadd.s32 $0xF08A00, s6;
	s11 =	ssub.s32 s8, s9;
	s10 =	sadd.s32 s7, s6  }
0xa: {  	s6 =	sadd.s32 $0x4E200, s4;
	s7 =	sadd.s32 $0x9C400, s4;
	s8 =	sadd.s32 $0xEA600, s4  }
0xb: {  	v0 =	vimm.f32 $0.0e+00;
	s9 =	sadd.s32 $0x42800, s10;
	s10 =	smax.u32 s11, $0x1;
	s11 =	simm.s32 $0x1  }
.LBB2_1:
0xc: {  	s18 =	simm.s32 $0x40;
	s19 =	simm.s32 $0x0  }
.LBB2_2:
0xd: {  	p0 =	sne.s32 s18, $0x277C0;
	[tilespmem:s19+$0xC400] =	vst v0;
	s19 =	smov.u32 s18;
	s18 =	sadd.s32 $0x40, s18  }
.Ltmp0:
0xe: {  	(pc) =	sbr.rel @p0 .LBB2_2-.Ltmp0, $2  }
0xf: {  	_ =	sdelay $0x2  }
0x10: {  	s19 =	sshra.s32 s19, $0x2  }
0x11: {  	[tilespmem:s19+$0xC400] =	vst v0;
	s18 =	simm.s32 $0x0;
	s19 =	simm.s32 $0x0  }
.LBB2_4:
0x12: {  	s20 =	smul.u32 $0x2710, s19;
	_ =	sdelay $0x1  }
0x13: {  	s21 =	sshrl.u32 s20, $0x3  }
0x14: {  	s21 =	sadd.s32 s5, s21  }
0x15: {  	[tilespmem:s18], [sflag:$0x1] =	stream.linear.gather [hbm4b:s21+s18], $0x2710, $0x38;
	[tilespmem:$0x16200] =	vst v63  }
0x16: {  	s29 =	sadd.s32 s4, s20;
	_ =	swait.ge [sflag:s11], $0x2710  }
0x17: {  	s21 =	sshrl.u32 s29, $0x3;
	[sflag:s11] =	ssyncset.done $0x0  }
0x18: {  	s21 =	sadd.s32 s3, s21;
	[sflag:s11] =	ssyncadd.s32 $0xFFFFD8F0  }
0x19: {  	[tilespmem:s12], [sflag:$0x1] =	stream.linear.gather [hbm4b:s21+s18], $0x2710, $0x38;
	[tilespmem:$0x16200] =	vst v63  }
0x1a: {  	s30 =	sadd.s32 s6, s20;
	_ =	swait.ge [sflag:s11], $0x2710  }
0x1b: {  	s21 =	sshrl.u32 s30, $0x3;
	[sflag:s11] =	ssyncset.done $0x0  }
0x1c: {  	s21 =	sadd.s32 s3, s21;
	[sflag:s11] =	ssyncadd.s32 $0xFFFFD8F0  }
0x1d: {  	[tilespmem:s13], [sflag:$0x1] =	stream.linear.gather [hbm4b:s21+s18], $0x2710, $0x38;
	[tilespmem:$0x16200] =	vst v63  }
0x1e: {  	s31 =	sadd.s32 s7, s20;
	_ =	swait.ge [sflag:s11], $0x2710  }
0x1f: {  	s21 =	sshrl.u32 s31, $0x3;
	[sflag:s11] =	ssyncset.done $0x0  }
0x20: {  	s21 =	sadd.s32 s3, s21;
	[sflag:s11] =	ssyncadd.s32 $0xFFFFD8F0  }
0x21: {  	[tilespmem:s14], [sflag:$0x1] =	stream.linear.gather [hbm4b:s21+s18], $0x2710, $0x38;
	[tilespmem:$0x16200] =	vst v63  }
0x22: {  	s20 =	sadd.s32 s8, s20;
	_ =	swait.ge [sflag:s11], $0x2710  }
0x23: {  	s20 =	sshrl.u32 s20, $0x3;
	[sflag:s11] =	ssyncset.done $0x0  }
0x24: {  	s20 =	sadd.s32 s3, s20;
	[sflag:s11] =	ssyncadd.s32 $0xFFFFD8F0  }
0x25: {  	[tilespmem:s15], [sflag:$0x1] =	stream.linear.gather [hbm4b:s20+s18], $0x2710, $0x38;
	[tilespmem:$0x16200] =	vst v63  }
0x26: {  	_ =	swait.ge [sflag:s11], $0x2710  }
0x27: {  	[sflag:s11] =	ssyncset.done $0x0  }
0x28: {  	s21 =	simm.s32 $0x40;
	s20 =	simm.s32 $0x0;
	[sflag:s11] =	ssyncadd.s32 $0xFFFFD8F0  }
.LBB2_5:
0x29: {  	p0 =	sne.s32 s21, $0x9C00;
	v1 =	vld [tilespmem:s20+$0x0]  }
0x2a: {  	v2 =	vld [tilespmem:s20+$0x2780];
	_ =	sdelay $0x6  }
0x2b: {  	[tilespmem:v1+s16+$0x0] =	vst.idx.add.f32.msk $0xffff, v2  }
0x2c: {  	v3 =	vadd.s32 $0x2780, v1;
	v2 =	vld [tilespmem:s20+$0x4E90];
	_ =	sdelay $0x4  }
0x2d: {  	[tilespmem:v3+s16+$0x0] =	vst.idx.add.f32.msk $0xffff, v2  }
0x2e: {  	v3 =	vadd.s32 $0x4F00, v1;
	v2 =	vld [tilespmem:s20+$0x75A0];
	_ =	sdelay $0x4  }
0x2f: {  	[tilespmem:v3+s16+$0x0] =	vst.idx.add.f32.msk $0xffff, v2  }
0x30: {  	v1 =	vadd.s32 $0x7680, v1;
	v2 =	vld [tilespmem:s20+$0x9CB0]  }
.Ltmp1:
0x31: {  	(pc) =	sbr.rel @p0 .LBB2_5-.Ltmp1, $2  }
0x32: {  	_ =	sdelay $0x2  }
0x33: {  	s20 =	sshra.s32 s21, $0x2;
	s21 =	sadd.s32 $0x40, s21;
	[tilespmem:v1+s16+$0x0] =	vst.idx.add.f32.msk $0xffff, v2  }
0x34: {  	v1 =	vld [tilespmem:s20+$0x0];
	_ =	sdelay $0x2  }
0x35: {  	v2 =	vld [tilespmem:s20+$0x2780];
	_ =	sdelay $0x4  }
0x36: {  	[tilespmem:v1+s16+$0x0] =	vst.idx.add.f32.msk $0xffff, v2  }
0x37: {  	v3 =	vadd.s32 $0x2780, v1;
	v2 =	vld [tilespmem:s20+$0x4E90];
	_ =	sdelay $0x4  }
0x38: {  	[tilespmem:v3+s16+$0x0] =	vst.idx.add.f32.msk $0xffff, v2  }
0x39: {  	v3 =	vadd.s32 $0x4F00, v1;
	v2 =	vld [tilespmem:s20+$0x75A0];
	_ =	sdelay $0x4  }
0x3a: {  	s19 =	sadd.s32 $0x1, s19;
	[tilespmem:v3+s16+$0x0] =	vst.idx.add.f32.msk $0xffff, v2  }
0x3b: {  	p0 =	sne.s32 s19, $0x20;
	v1 =	vadd.s32 $0x7680, v1;
	v2 =	vld [tilespmem:s20+$0x9CB0]  }
.Ltmp2:
0x3c: {  	_ = 	snop;
	(pc) =	sbr.rel @p0 .LBB2_4-.Ltmp2, $2  }
0x3d: {  	_ =	sdelay $0x2  }
0x3e: {  	[tilespmem:v1+s16+$0x0] =	vst.idx.add.f32.msk $0xffff, v2  }
0x3f: {  	s17 =	sadd.s32 $0x1, s17  }
0x40: {  	p0 =	sne.s32 s17, s10  }
.Ltmp3:
0x41: {  	_ = 	snop;
	(pc) =	sbr.rel @p0 .LBB2_1-.Ltmp3, $4  }
0x42: {  	[hbm4b:s9+s2] =	stream.linear.scatter [tilespmem:s16], [sflag:$0x1], $0x9E00, $0x38;
	[tilespmem:$0x16200] =	vst v63  }
0x43: {  	_ =	swait.ge [sflag:s11], $0x9E00  }
0x44: {  	[sflag:s11] =	ssyncset.done $0x0  }
0x45: {  	[sflag:s11] =	ssyncadd.s32 $0xFFFF6200  }
0x46: {  	_ =	sfence.sel $0x180000  }
0x47: {  	[bflag:$0x0] =	sbarrier.arrive $0xFFFF  }
0x48: {  	p0 =	sne.s32 s1, $0x0;
	_ =	strace $0x90000053  }
0x49: {  	s0 =	sadd.s32 @!p0 $0x100000, s0;
	[bflag:$0x2] =	sbarrier.arrive $0xFFFF  }
0x4a: {  	[sflag:s0] =	ssyncadd.tile.s32 @!p0 $0x1;
	_ =	shalt  }
.Lfunc_end2:
_tile_overlayer_lowered:
.L_overlay_start_2:
0x4b: {  	(tag) =	ssettag $0x2  }
0x4c: {  	s0 =	rddreg [dreg:$0x0];
	s2 =	stileid.u32  }
0x4d: {  	s1 =	rddreg [dreg:$0x1];
	p0 =	sne.s32 s2, $0x0  }
0x4e: {  	s3 =	rddreg [dreg:$0x2];
	[bflag:$0x3] =	sbarrier.arrive $0xFFFF;
	s2 =	simm.s32 @!p0 $0x1C01  }
0x4f: {  	[timem:s3], [sflag:s2] =	dma.local @!p0 [hbm:s0], s1  }
0x50: {  	s0 =	simm.s32 @!p0 $0x1  }
0x51: {  	_ =	swait.ge @!p0 [sflag:s0], s1  }
0x52: {  	s1 =	ssub.s32 @!p0 $0x0, s1;
	[sflag:s0] =	ssyncset.done @!p0 $0x0  }
0x53: {  	[sflag:s0] =	ssyncadd.s32 @!p0 s1  }
0x54: {  	[bflag:$0x3] =	sbarrier.arrive $0xFFFF  }
0x55: {  	_ =	shalt  }

// kernel: kernel.46.cloned.1.call-start
scs
__scs_entry_jumppad:
0x0: {  	(pc) =	sbr.rel $0x88, $3  }
0x1: {  	(tag) =	ssettag $0x0;
	lr =	simm.s32 $0x1  }
0x2: {  	[smem:$0x3F83] =	sst lr;
	_ =	strace $0xD0000000  }
0x3: {  	_ = 	snop  }
0x4: {  	_ = 	snop  }
0x5: {  	_ = 	snop  }
0x6: {  	_ = 	snop  }
0x7: {  	_ = 	snop  }
__scs_overlays_trampoline_lowered:
0x8: {  	[smem:$0x3F92] =	sst s0  }
0x9: {  	[smem:$0x3F93] =	sst s1  }
0xa: {  	[smem:$0x3F94] =	sst s2  }
0xb: {  	[smem:$0x3F95] =	sst s3  }
0xc: {  	[smem:$0x3F96] =	sst s4  }
0xd: {  	[smem:$0x3F97] =	sst s5  }
0xe: {  	[smem:$0x3F98] =	sst s6  }
0xf: {  	[smem:$0x3F99] =	sst s7  }
0x10: {  	[smem:$0x3F9A] =	sst s8  }
0x11: {  	[smem:$0x3F9B] =	sst s9;
	s0 =	simm.s32 @!p0 $0x0  }
0x12: {  	s1 =	sld [smem:$0x3F81];
	s0 =	simm.s32 @p0 $0x1  }
0x13: {  	[smem:$0x3F9C] =	sst s0;
	s0 =	simm.s32 @!p1 $0x0  }
0x14: {  	s2 =	sld [smem:$0x3F80];
	s0 =	simm.s32 @p1 $0x1  }
0x15: {  	[smem:$0x3F9D] =	sst s0;
	s0 =	simm.s32 @!p2 $0x0  }
0x16: {  	s3 =	sld [smem:$0x3FDB];
	s0 =	simm.s32 @p2 $0x1  }
0x17: {  	s4 =	simm.s32 $0x1BF5;
	[smem:$0x3F9F] =	sst s0  }
0x18: {  	s0 =	sld [smem:$0x3F82];
	_ =	swait.ge [sflag:s4], $0x0  }
0x19: {  	s7 =	sld [smem:$0x3F83]  }
0x1a: {  	s8 =	sadd.s32 $0xFFFFE003, lr  }
0x1b: {  	s9 =	sadd.s32 $0xFFFFFEF7, lr;
	s5 =	simm.s32 $0xFFFFFFFF;
	p2 =	slt.u32 s8, $0xFFFFF086  }
0x1c: {  	p1 =	slt.u32 s9, $0xF7A;
	s5 =	simm.s32 @!p2 $0x0  }
0x1d: {  	s5 =	simm.s32 @p1 $0x1;
	p0 =	seq.s32 s7, s2  }
0x1e: {  	s7 =	smul.u32 @!p0 $0xF7A, s2;
	p2 =	seq.s32 @!p0 s5, $0x0  }
0x1f: {  	s9 =	smul.u32 $0xF7A, s1;
	s8 =	simm.s32 @!p0 $0x1BF5;
	p2 =	por !p2, p0  }
0x20: {  	[sflag:s8] =	ssyncset.s32 @!p0 $0xFFFFF086;
	s6 =	sadd.s32 @!p0 s3, s7;
	s7 =	simm.s32 @!p0 $0x108  }
0x21: {  	s3 =	sadd.s32 s3, s9;
	s6 =	sadd.s32 @!p0 $0x88, s6;
	s7 =	simm.s32 @p2 $0x1082  }
0x22: {  	[simem:s7], [sflag:s8] =	dma.local @!p0 [hbm:s6], $0xF7A  }
0x23: {  	s9 =	sor.u32 $0xD0000000, s2;
	s6 =	simm.s32 $0x108;
	_ =	swait.ge @!p0 [sflag:s8], $0x0  }
0x24: {  	s3 =	sadd.s32 $0x88, s3;
	s6 =	simm.s32 @!p1 $0x1082;
	[sflag:s4] =	ssyncset.s32 $0xFFFFF086  }
0x25: {  	[simem:s6], [sflag:s4] =	dma.local [hbm:s3], $0xF7A  }
0x26: {  	[smem:$0x3F83] =	sst s1;
	(tag) =	ssettag s2;
	_ =	strace s9  }
0x27: {  	s1 =	sld [smem:$0x3F93]  }
0x28: {  	s2 =	sld [smem:$0x3F94]  }
0x29: {  	s4 =	sld [smem:$0x3F96]  }
0x2a: {  	p0 =	seq.s32 s5, $0x0;
	s5 =	sld [smem:$0x3F97]  }
0x2b: {  	s6 =	sld [smem:$0x3F98]  }
0x2c: {  	s7 =	sld [smem:$0x3F99]  }
0x2d: {  	s3 =	simm.s32 $0x108;
	s8 =	sld [smem:$0x3F9A]  }
0x2e: {  	s3 =	simm.s32 @!p0 $0x1082;
	s9 =	sld [smem:$0x3F9B]  }
0x2f: {  	lr =	sadd.s32 s0, s3;
	s0 =	sld [smem:$0x3F92]  }
0x30: {  	s3 =	sld [smem:$0x3F95]  }
0x31: {  	[smem:$0x3F9E] =	sst s10  }
0x32: {  	s10 =	sld [smem:$0x3F9C];
	_ =	sdelay $0x3  }
0x33: {  	p0 =	seq.s32 s10, $0x1;
	s10 =	sld [smem:$0x3F9E];
	_ =	sdelay $0x3  }
0x34: {  	[smem:$0x3F9E] =	sst s10  }
0x35: {  	s10 =	sld [smem:$0x3F9D];
	_ =	sdelay $0x3  }
0x36: {  	p1 =	seq.s32 s10, $0x1;
	s10 =	sld [smem:$0x3F9E];
	_ =	sdelay $0x3  }
0x37: {  	[smem:$0x3F9E] =	sst s10  }
0x38: {  	s10 =	sld [smem:$0x3F9F]  }
0x39: {  	_ = 	snop;
	(pc) =	sbr.ind lr, $3  }
0x3a: {  	_ = 	snop  }
0x3b: {  	_ = 	snop  }
0x3c: {  	p2 =	seq.s32 s10, $0x1;
	s10 =	sld [smem:$0x3F9E]  }
0x3d: {  	_ =	shalt  }
0x3e: {  	_ =	shalt  }
0x3f: {  	_ =	shalt  }
0x40: {  	_ =	shalt  }
0x41: {  	_ =	shalt  }
0x42: {  	_ =	shalt  }
0x43: {  	_ =	shalt  }
0x44: {  	_ =	shalt  }
0x45: {  	_ =	shalt  }
0x46: {  	_ =	shalt  }
0x47: {  	_ =	shalt  }
0x48: {  	_ =	shalt  }
0x49: {  	_ =	shalt  }
0x4a: {  	_ =	shalt  }
0x4b: {  	_ =	shalt  }
0x4c: {  	_ =	shalt  }
0x4d: {  	_ =	shalt  }
0x4e: {  	_ =	shalt  }
0x4f: {  	_ =	shalt  }
0x50: {  	_ =	shalt  }
0x51: {  	_ =	shalt  }
0x52: {  	_ =	shalt  }
0x53: {  	_ =	shalt  }
0x54: {  	_ =	shalt  }
0x55: {  	_ =	shalt  }
0x56: {  	_ =	shalt  }
0x57: {  	_ =	shalt  }
0x58: {  	_ =	shalt  }
0x59: {  	_ =	shalt  }
0x5a: {  	_ =	shalt  }
0x5b: {  	_ =	shalt  }
0x5c: {  	_ =	shalt  }
0x5d: {  	_ =	shalt  }
0x5e: {  	_ =	shalt  }
0x5f: {  	_ =	shalt  }
0x60: {  	_ =	shalt  }
0x61: {  	_ =	shalt  }
0x62: {  	_ =	shalt  }
0x63: {  	_ =	shalt  }
0x64: {  	_ =	shalt  }
0x65: {  	_ =	shalt  }
0x66: {  	_ =	shalt  }
0x67: {  	_ =	shalt  }
0x68: {  	_ =	shalt  }
0x69: {  	_ =	shalt  }
0x6a: {  	_ =	shalt  }
0x6b: {  	_ =	shalt  }
0x6c: {  	_ =	shalt  }
0x6d: {  	_ =	shalt  }
0x6e: {  	_ =	shalt  }
0x6f: {  	_ =	shalt  }
0x70: {  	_ =	shalt  }
0x71: {  	_ =	shalt  }
0x72: {  	_ =	shalt  }
0x73: {  	_ =	shalt  }
0x74: {  	_ =	shalt  }
0x75: {  	_ =	shalt  }
0x76: {  	_ =	shalt  }
0x77: {  	_ =	shalt  }
0x78: {  	_ =	shalt  }
0x79: {  	_ =	shalt  }
0x7a: {  	_ =	shalt  }
0x7b: {  	_ =	shalt  }
0x7c: {  	_ =	shalt  }
0x7d: {  	_ =	shalt  }
0x7e: {  	_ =	shalt  }
0x7f: {  	_ =	shalt  }
0x80: {  	_ =	shalt  }
0x81: {  	_ =	shalt  }
0x82: {  	_ =	shalt  }
0x83: {  	_ =	shalt  }
0x84: {  	_ =	shalt  }
0x85: {  	_ =	shalt  }
0x86: {  	_ =	shalt  }
0x87: {  	_ =	shalt  }
.Lfunc_end0:
.L_simem_size_0:
called_computation.5_lowered:
.L_overlay_start_0:
0x88: {  	s2 =	sld [smem:$0x3FD9]  }
0x89: {  	s3 =	sld [smem:$0x3FFE];
	_ =	sdelay $0x1  }
0x8a: {  	s1 =	srdreg.scid  }
0x8b: {  	s0 =	sand.u32 $0x1, s1  }
0x8c: {  	s14 =	sshll.u32 s0, $0xA;
	s2 =	sadd.s32 s3, s2  }
0x8d: {  	s2 =	sadd.s32 s2, s14  }
0x8e: {  	[smem:$0x3FAA] =	sst s2  }
0x8f: {  	_ = 	snop  }
0x90: {  	s2 =	sld [smem:$0x3FD0];
	_ =	sdelay $0x2  }
0x91: {  	s15 =	simm.s32 $0xB;
	s4 =	simm.s32 $0x10  }
0x92: {  	[smem:s4], [sflag:s15] =	dma.local [hbm:s2], $0x1  }
0x93: {  	_ =	swait.eq [sflag:s15], $0x1  }
0x94: {  	[sflag:s15] =	ssyncset.done $0x0  }
0x95: {  	[sflag:s15] =	ssyncadd.s32 $0xFFFFFFFF  }
0x96: {  	s16 =	sld [smem:$0x10];
	(tm) =	ssettm $0x1  }
0x97: {  	s17 =	sld [smem:$0x3FFB];
	_ =	sdelay $0x3  }
0x98: {  	_ =	strace s17  }
0x99: {  	s3 =	sld [smem:$0x3FFC];
	_ =	sdelay $0x3  }
0x9a: {  	_ =	strace s3  }
0x9b: {  	s3 =	sld [smem:$0x3FFD];
	_ =	sdelay $0x3  }
0x9c: {  	_ =	strace s3  }
0x9d: {  	_ =	strace $0x8FFFFFFF  }
0x9e: {  	s18 =	sld [smem:$0x3FDB];
	_ =	sdelay $0x1  }
0x9f: {  	s19 =	simm.s32 $_scs_section_size  }
0xa0: {  	s5 =	simm.s32 $_size__tile_overlayer_lowered;
	s6 =	simm.s32 $_tile_overlayer_lowered  }
0xa1: {  	s22 =	simm.s32 $0x1BFF;
	s21 =	sshll.u32 s6, $0x1;
	s3 =	sadd.s32 s19, s18  }
0xa2: {  	s7 =	simm.s32 $0x0;
	s20 =	sshll.u32 s5, $0x1;
	s5 =	sadd.s32 s21, s3  }
0xa3: {  	[timem:s7], [sflag:s22] =	dma.local [hbm:s5], s20  }
0xa4: {  	_ =	swait.ge [sflag:s22], s20  }
0xa5: {  	s4 =	ssub.s32 $0x0, s20;
	[sflag:s22] =	ssyncset.done $0x0  }
0xa6: {  	[sflag:s22] =	ssyncadd.s32 s4;
	_ =	sdelay $0x1  }
0xa7: {  	s23 =	simm.s32 $0x1B8B  }
0xa8: {  	_ =	swait.ge [sflag:s23], $0x1  }
0xa9: {  	[sflag:s23] =	ssyncset.done $0x0  }
0xaa: {  	s25 =	simm.s32 $0x1B8E;
	s24 =	sld [smem:$0x3FFE];
	[sflag:s23] =	ssyncadd.s32 $0xFFFFFFFF  }
0xab: {  	s26 =	simm.s32 $execute0_lowered;
	[smem:$0x3FD2] =	sst s25  }
0xac: {  	s5 =	sshll.u32 s26, $0x1;
	_ =	strace $0x80000055;
	[dreg:$0x1] =	wrdreg $0xFFFFFFFF  }
0xad: {  	s28 =	simm.s32 $_size_execute0_lowered;
	s3 =	sadd.s32 s3, s5;
	[dreg:$0x0] =	wrdreg $0x0  }
0xae: {  	s5 =	sshll.u32 s28, $0x1;
	[dreg:$0x2] =	wrdreg s3  }
0xaf: {  	[dreg:$0x3] =	wrdreg s5  }
0xb0: {  	[dreg:$0x4] =	wrdreg $0xC0  }
0xb1: {  	_ =	task [dreg:s7], $0x5FFFF  }
0xb2: {  	[dreg:$0x1] =	wrdreg $0xFFFFFFFF  }
0xb3: {  	[dreg:$0x0] =	wrdreg $0x60  }
0xb4: {  	[dreg:$0x2] =	wrdreg s24  }
0xb5: {  	[dreg:$0x3] =	wrdreg s16  }
0xb6: {  	[dreg:$0x4] =	wrdreg $0x9  }
0xb7: {  	_ =	task.clear_ibuf [dreg:s7], $0x5FFFF;
	_ =	strace $0x90000055  }
0xb8: {  	s29 =	simm.s32 $0x9;
	_ =	strace $0x80000057  }
0xb9: {  	_ =	swait.ge [sflag:s29], $0x1  }
0xba: {  	[sflag:s29] =	ssyncadd.s32 $0xFFFFFFFF  }
0xbb: {  	_ =	strace $0x90000057  }
0xbc: {  	_ =	sfence  }
0xbd: {  	s30 =	sld [smem:$0x0];
	_ =	sdelay $0x2  }
0xbe: {  	s31 =	sshll.u32 s1, $0xD;
	s1 =	sshrl.u32 s1, $0x2  }
0xbf: {  	s3 =	sand.u32 $0x4000, s31;
	s1 =	sadd.s32 s1, s30  }
0xc0: {  	s0 =	sor.u32 s3, s0;
	s1 =	sshll.u32 s1, $0x11  }
0xc1: {  	s0 =	sor.u32 s1, s0  }
0xc2: {  	s0 =	sadd.s32 $0x8F2B, s0  }
0xc3: {  	[sflag:s0] =	ssyncadd.remote.s32 $0x1  }
0xc4: {  	_ =	sfence.sel $0xFFFF  }
0xc5: {  	[dreg:$0x0] =	wrdreg $0xFFFFFFFF;
	(pc) =	sbr.abs _section_cstart, $3  }
0xc6: {  	[dreg:$0x1] =	wrdreg $0xFFFFFFFF  }
0xc7: {  	_ =	task.clear_ibuf [dreg:s7], $0x2FFFF;
	_ =	strace $0x9FFFFFFF  }
0xc8: {  	(tm) =	ssettm $0x7FFFFFFF  }
0xc9: {  	_ =	shalt  }
tec
execute0_lowered:
.L_overlay_start_1:
0x0: {  	(tag) =	ssettag $0x1  }
0x1: {  	s4 =	rddreg [dreg:$0x0]  }
0x2: {  	s8 =	rddreg [dreg:$0x1]  }
0x3: {  	s0 =	rddreg [dreg:$0x2];
	s2 =	simm.s32 $0x0;
	s3 =	srdreg.scid  }
0x4: {  	s1 =	stileid.u32;
	s12 =	simm.s32 $0x100;
	s13 =	simm.s32 $0x6600  }
0x5: {  	s14 =	simm.s32 $0x1;
	s15 =	simm.s32 $0x2;
	s6 =	smul.u32 $0x4E20, s1  }
0x6: {  	s16 =	simm.s32 $0x0;
	s5 =	sand.u32 $0x1, s3;
	s9 =	smul.u32 $0x4E200, s1  }
0x7: {  	[smem:$0x7FF] =	sst s2;
	s3 =	sadd.s32 $0xF08A00, s4;
	s7 =	smul.u32 $0x2710, s5  }
0x8: {  	_ =	strace $0x80000056;
	s10 =	ssub.s32 $0x2, s5;
	s5 =	smul.u32 $0x27100, s5  }
0x9: {  	s29 =	sshrl.u32 s10, $0x1;
	s30 =	sadd.s32 s9, s4;
	s6 =	sadd.s32 s7, s6  }
0xa: {  	s9 =	simm.s32 $0x3;
	s7 =	ssub.s32 s10, s29;
	s11 =	sshrl.u32 s6, $0x3  }
0xb: {  	s10 =	simm.s32 $0xC8;
	s6 =	sadd.s32 s5, s30;
	s31 =	sadd.s32 s11, s4  }
0xc: {  	s4 =	smax.u32 s7, $0x1;
	s5 =	sadd.s32 $0x1B600, s6;
	s6 =	sadd.s32 $0x4FD600, s6  }
0xd: {  	s8 =	sadd.s32 s11, s8;
	s11 =	simm.s32 $0x200;
	s7 =	sadd.s32 $0x11800, s31  }
.LBB2_1:
0xe: {  	s17 =	sadd.s32 $0x0, s8  }
0xf: {  	[tilespmem:s2], [sflag:$0x3] =	stream.linear.gather [hbm4b:s17+s2], $0xC8, $0x38;
	[tilespmem:$0xCA00] =	vst v63  }
0x10: {  	_ =	swait.ge [sflag:s9], $0xC8  }
0x11: {  	[sflag:s9] =	ssyncset.done $0x0  }
0x12: {  	[sflag:s9] =	ssyncadd.s32 $0xFFFFFF38  }
0x13: {  	[tilespmem:s11], [sflag:$0x1] =	stream.indirect.gather [hbm4b:s3+s10], $0x80, s2, s10, $0xb8;
	[tilespmem:$0xCA00] =	vst v63  }
0x14: {  	s31 =	sadd.s32 $0x0, s7  }
0x15: {  	[tilespmem:s12], [sflag:$0x3] =	stream.linear.gather [hbm4b:s31+s2], $0xC8, $0x38;
	[tilespmem:$0xCA00] =	vst v63  }
0x16: {  	_ =	swait.ge [sflag:s9], $0xC8  }
0x17: {  	[sflag:s9] =	ssyncset.done $0x0  }
0x18: {  	[sflag:s9] =	ssyncadd.s32 $0xFFFFFF38  }
0x19: {  	[tilespmem:s13], [sflag:$0x2] =	stream.indirect.gather [hbm4b:s3+s10], $0x80, s12, s10, $0xb8;
	[tilespmem:$0xCA00] =	vst v63  }
0x1a: {  	_ =	swait.ge [sflag:s14], $0x6400  }
0x1b: {  	[sflag:s14] =	ssyncset.done $0x0  }
0x1c: {  	[sflag:s14] =	ssyncadd.s32 $0xFFFF9C00  }
0x1d: {  	[hbm4b:s5+s2] =	stream.linear.scatter [tilespmem:s11], [sflag:$0x3], $0x6400, $0x38;
	[tilespmem:$0xCA00] =	vst v63  }
0x1e: {  	_ =	swait.ge [sflag:s9], $0x6400  }
0x1f: {  	[sflag:s9] =	ssyncset.done $0x0  }
0x20: {  	[sflag:s9] =	ssyncadd.s32 $0xFFFF9C00  }
0x21: {  	_ =	swait.ge [sflag:s15], $0x6400  }
0x22: {  	[sflag:s15] =	ssyncset.done $0x0  }
0x23: {  	[sflag:s15] =	ssyncadd.s32 $0xFFFF9C00  }
0x24: {  	[hbm4b:s6+s2] =	stream.linear.scatter [tilespmem:s13], [sflag:$0x3], $0x6400, $0x38;
	[tilespmem:$0xCA00] =	vst v63  }
0x25: {  	s19 =	simm.s32 $0x19;
	s20 =	simm.s32 $0x32;
	_ =	swait.ge [sflag:s9], $0x6400  }
0x26: {  	s18 =	sadd.s32 $0xC80, s5;
	s17 =	sadd.s32 $0xC80, s6;
	[sflag:s9] =	ssyncset.done $0x0  }
.LBB2_2:
0x27: {  	s21 =	sadd.s32 s19, s8  }
0x28: {  	[sflag:s9] =	ssyncadd.s32 $0xFFFF9C00;
	s22 =	smov.u32 s20;
	s23 =	sadd.s32 $0x19, s20  }
0x29: {  	[tilespmem:s2], [sflag:$0x3] =	stream.linear.gather [hbm4b:s21+s2], $0xC8, $0x38;
	[tilespmem:$0xCA00] =	vst v63  }
0x2a: {  	p0 =	sne.s32 s20, $0x4C9;
	_ =	swait.ge [sflag:s9], $0xC8  }
0x2b: {  	[sflag:s9] =	ssyncset.done $0x0  }
0x2c: {  	[sflag:s9] =	ssyncadd.s32 $0xFFFFFF38  }
0x2d: {  	[tilespmem:s11], [sflag:$0x1] =	stream.indirect.gather [hbm4b:s3+s10], $0x80, s2, s10, $0xb8;
	[tilespmem:$0xCA00] =	vst v63  }
0x2e: {  	s20 =	sadd.s32 s19, s7;
	s19 =	smov.u32 s22  }
0x2f: {  	[tilespmem:s12], [sflag:$0x3] =	stream.linear.gather [hbm4b:s20+s2], $0xC8, $0x38;
	[tilespmem:$0xCA00] =	vst v63  }
0x30: {  	_ =	swait.ge [sflag:s9], $0xC8  }
0x31: {  	[sflag:s9] =	ssyncset.done $0x0  }
0x32: {  	[sflag:s9] =	ssyncadd.s32 $0xFFFFFF38  }
0x33: {  	[tilespmem:s13], [sflag:$0x2] =	stream.indirect.gather [hbm4b:s3+s10], $0x80, s12, s10, $0xb8;
	[tilespmem:$0xCA00] =	vst v63  }
0x34: {  	_ =	swait.ge [sflag:s14], $0x6400  }
0x35: {  	[sflag:s14] =	ssyncset.done $0x0  }
0x36: {  	[sflag:s14] =	ssyncadd.s32 $0xFFFF9C00  }
0x37: {  	[hbm4b:s18+s2] =	stream.linear.scatter [tilespmem:s11], [sflag:$0x3], $0x6400, $0x38;
	[tilespmem:$0xCA00] =	vst v63  }
0x38: {  	_ =	swait.ge [sflag:s9], $0x6400  }
0x39: {  	[sflag:s9] =	ssyncset.done $0x0  }
0x3a: {  	[sflag:s9] =	ssyncadd.s32 $0xFFFF9C00  }
0x3b: {  	_ =	swait.ge [sflag:s15], $0x6400  }
.Ltmp0:
0x3c: {  	[sflag:s15] =	ssyncset.done $0x0;
	(pc) =	sbr.rel @p0 .LBB2_2-.Ltmp0, $4  }
0x3d: {  	[sflag:s15] =	ssyncadd.s32 $0xFFFF9C00  }
0x3e: {  	[hbm4b:s17+s2] =	stream.linear.scatter [tilespmem:s13], [sflag:$0x3], $0x6400, $0x38;
	[tilespmem:$0xCA00] =	vst v63  }
0x3f: {  	s20 =	smov.u32 s23;
	_ =	swait.ge [sflag:s9], $0x6400  }
0x40: {  	s18 =	sadd.s32 $0xC80, s18;
	s17 =	sadd.s32 $0xC80, s17;
	[sflag:s9] =	ssyncset.done $0x0  }
0x41: {  	s20 =	sadd.s32 s19, s8;
	[sflag:s9] =	ssyncadd.s32 $0xFFFF9C00  }
0x42: {  	[tilespmem:s2], [sflag:$0x3] =	stream.linear.gather [hbm4b:s20+s2], $0xC8, $0x38;
	[tilespmem:$0xCA00] =	vst v63  }
0x43: {  	_ =	swait.ge [sflag:s9], $0xC8  }
0x44: {  	[sflag:s9] =	ssyncset.done $0x0  }
0x45: {  	[sflag:s9] =	ssyncadd.s32 $0xFFFFFF38  }
0x46: {  	[tilespmem:s11], [sflag:$0x1] =	stream.indirect.gather [hbm4b:s3+s10], $0x80, s2, s10, $0xb8;
	[tilespmem:$0xCA00] =	vst v63  }
0x47: {  	s31 =	sadd.s32 s19, s7  }
0x48: {  	[tilespmem:s12], [sflag:$0x3] =	stream.linear.gather [hbm4b:s31+s2], $0xC8, $0x38;
	[tilespmem:$0xCA00] =	vst v63  }
0x49: {  	_ =	swait.ge [sflag:s9], $0xC8  }
0x4a: {  	[sflag:s9] =	ssyncset.done $0x0  }
0x4b: {  	[sflag:s9] =	ssyncadd.s32 $0xFFFFFF38  }
0x4c: {  	[tilespmem:s13], [sflag:$0x2] =	stream.indirect.gather [hbm4b:s3+s10], $0x80, s12, s10, $0xb8;
	[tilespmem:$0xCA00] =	vst v63  }
0x4d: {  	_ =	swait.ge [sflag:s14], $0x6400  }
0x4e: {  	[sflag:s14] =	ssyncset.done $0x0  }
0x4f: {  	[sflag:s14] =	ssyncadd.s32 $0xFFFF9C00  }
0x50: {  	[hbm4b:s18+s2] =	stream.linear.scatter [tilespmem:s11], [sflag:$0x3], $0x6400, $0x38;
	[tilespmem:$0xCA00] =	vst v63  }
0x51: {  	_ =	swait.ge [sflag:s9], $0x6400  }
0x52: {  	[sflag:s9] =	ssyncset.done $0x0  }
0x53: {  	[sflag:s9] =	ssyncadd.s32 $0xFFFF9C00  }
0x54: {  	s16 =	sadd.s32 $0x1, s16;
	_ =	swait.ge [sflag:s15], $0x6400  }
0x55: {  	p0 =	sne.s32 s16, s4;
	[sflag:s15] =	ssyncset.done $0x0  }
.Ltmp1:
0x56: {  	[sflag:s15] =	ssyncadd.s32 $0xFFFF9C00;
	(pc) =	sbr.rel @p0 .LBB2_1-.Ltmp1, $4  }
0x57: {  	[hbm4b:s17+s2] =	stream.linear.scatter [tilespmem:s13], [sflag:$0x3], $0x6400, $0x38;
	[tilespmem:$0xCA00] =	vst v63  }
0x58: {  	_ =	swait.ge [sflag:s9], $0x6400  }
0x59: {  	[sflag:s9] =	ssyncset.done $0x0  }
0x5a: {  	[sflag:s9] =	ssyncadd.s32 $0xFFFF9C00  }
0x5b: {  	_ =	sfence.sel $0x180000  }
0x5c: {  	[bflag:$0x0] =	sbarrier.arrive $0xFFFF  }
0x5d: {  	p0 =	sne.s32 s1, $0x0;
	_ =	strace $0x90000056  }
0x5e: {  	s0 =	sadd.s32 @!p0 $0x100000, s0;
	[bflag:$0x2] =	sbarrier.arrive $0xFFFF  }
0x5f: {  	[sflag:s0] =	ssyncadd.tile.s32 @!p0 $0x1;
	_ =	shalt  }
.Lfunc_end2:
_tile_overlayer_lowered:
.L_overlay_start_2:
0x60: {  	(tag) =	ssettag $0x2  }
0x61: {  	s0 =	rddreg [dreg:$0x0];
	s2 =	stileid.u32  }
0x62: {  	s1 =	rddreg [dreg:$0x1];
	p0 =	sne.s32 s2, $0x0  }
0x63: {  	s3 =	rddreg [dreg:$0x2];
	[bflag:$0x3] =	sbarrier.arrive $0xFFFF;
	s2 =	simm.s32 @!p0 $0x1C03  }
0x64: {  	[timem:s3], [sflag:s2] =	dma.local @!p0 [hbm:s0], s1  }
0x65: {  	s0 =	simm.s32 @!p0 $0x3  }
0x66: {  	_ =	swait.ge @!p0 [sflag:s0], s1  }
0x67: {  	s1 =	ssub.s32 @!p0 $0x0, s1;
	[sflag:s0] =	ssyncset.done @!p0 $0x0  }
0x68: {  	[sflag:s0] =	ssyncadd.s32 @!p0 s1  }
0x69: {  	[bflag:$0x3] =	sbarrier.arrive $0xFFFF  }
0x6a: {  	_ =	shalt  }

// kernel: kernel.49.cloned.1.call-start
scs
__scs_entry_jumppad:
0x0: {  	(pc) =	sbr.rel $0x88, $3  }
0x1: {  	(tag) =	ssettag $0x0;
	lr =	simm.s32 $0x1  }
0x2: {  	[smem:$0x3F83] =	sst lr;
	_ =	strace $0xD0000000  }
0x3: {  	_ = 	snop  }
0x4: {  	_ = 	snop  }
0x5: {  	_ = 	snop  }
0x6: {  	_ = 	snop  }
0x7: {  	_ = 	snop  }
__scs_overlays_trampoline_lowered:
0x8: {  	[smem:$0x3F92] =	sst s0  }
0x9: {  	[smem:$0x3F93] =	sst s1  }
0xa: {  	[smem:$0x3F94] =	sst s2  }
0xb: {  	[smem:$0x3F95] =	sst s3  }
0xc: {  	[smem:$0x3F96] =	sst s4  }
0xd: {  	[smem:$0x3F97] =	sst s5  }
0xe: {  	[smem:$0x3F98] =	sst s6  }
0xf: {  	[smem:$0x3F99] =	sst s7  }
0x10: {  	[smem:$0x3F9A] =	sst s8  }
0x11: {  	[smem:$0x3F9B] =	sst s9;
	s0 =	simm.s32 @!p0 $0x0  }
0x12: {  	s1 =	sld [smem:$0x3F81];
	s0 =	simm.s32 @p0 $0x1  }
0x13: {  	[smem:$0x3F9C] =	sst s0;
	s0 =	simm.s32 @!p1 $0x0  }
0x14: {  	s2 =	sld [smem:$0x3F80];
	s0 =	simm.s32 @p1 $0x1  }
0x15: {  	[smem:$0x3F9D] =	sst s0;
	s0 =	simm.s32 @!p2 $0x0  }
0x16: {  	s3 =	sld [smem:$0x3FDB];
	s0 =	simm.s32 @p2 $0x1  }
0x17: {  	s4 =	simm.s32 $0x1BF5;
	[smem:$0x3F9F] =	sst s0  }
0x18: {  	s0 =	sld [smem:$0x3F82];
	_ =	swait.ge [sflag:s4], $0x0  }
0x19: {  	s7 =	sld [smem:$0x3F83]  }
0x1a: {  	s8 =	sadd.s32 $0xFFFFE003, lr  }
0x1b: {  	s9 =	sadd.s32 $0xFFFFFEF7, lr;
	s5 =	simm.s32 $0xFFFFFFFF;
	p2 =	slt.u32 s8, $0xFFFFF086  }
0x1c: {  	p1 =	slt.u32 s9, $0xF7A;
	s5 =	simm.s32 @!p2 $0x0  }
0x1d: {  	s5 =	simm.s32 @p1 $0x1;
	p0 =	seq.s32 s7, s2  }
0x1e: {  	s7 =	smul.u32 @!p0 $0xF7A, s2;
	p2 =	seq.s32 @!p0 s5, $0x0  }
0x1f: {  	s9 =	smul.u32 $0xF7A, s1;
	s8 =	simm.s32 @!p0 $0x1BF5;
	p2 =	por !p2, p0  }
0x20: {  	[sflag:s8] =	ssyncset.s32 @!p0 $0xFFFFF086;
	s6 =	sadd.s32 @!p0 s3, s7;
	s7 =	simm.s32 @!p0 $0x108  }
0x21: {  	s3 =	sadd.s32 s3, s9;
	s6 =	sadd.s32 @!p0 $0x88, s6;
	s7 =	simm.s32 @p2 $0x1082  }
0x22: {  	[simem:s7], [sflag:s8] =	dma.local @!p0 [hbm:s6], $0xF7A  }
0x23: {  	s9 =	sor.u32 $0xD0000000, s2;
	s6 =	simm.s32 $0x108;
	_ =	swait.ge @!p0 [sflag:s8], $0x0  }
0x24: {  	s3 =	sadd.s32 $0x88, s3;
	s6 =	simm.s32 @!p1 $0x1082;
	[sflag:s4] =	ssyncset.s32 $0xFFFFF086  }
0x25: {  	[simem:s6], [sflag:s4] =	dma.local [hbm:s3], $0xF7A  }
0x26: {  	[smem:$0x3F83] =	sst s1;
	(tag) =	ssettag s2;
	_ =	strace s9  }
0x27: {  	s1 =	sld [smem:$0x3F93]  }
0x28: {  	s2 =	sld [smem:$0x3F94]  }
0x29: {  	s4 =	sld [smem:$0x3F96]  }
0x2a: {  	p0 =	seq.s32 s5, $0x0;
	s5 =	sld [smem:$0x3F97]  }
0x2b: {  	s6 =	sld [smem:$0x3F98]  }
0x2c: {  	s7 =	sld [smem:$0x3F99]  }
0x2d: {  	s3 =	simm.s32 $0x108;
	s8 =	sld [smem:$0x3F9A]  }
0x2e: {  	s3 =	simm.s32 @!p0 $0x1082;
	s9 =	sld [smem:$0x3F9B]  }
0x2f: {  	lr =	sadd.s32 s0, s3;
	s0 =	sld [smem:$0x3F92]  }
0x30: {  	s3 =	sld [smem:$0x3F95]  }
0x31: {  	[smem:$0x3F9E] =	sst s10  }
0x32: {  	s10 =	sld [smem:$0x3F9C];
	_ =	sdelay $0x3  }
0x33: {  	p0 =	seq.s32 s10, $0x1;
	s10 =	sld [smem:$0x3F9E];
	_ =	sdelay $0x3  }
0x34: {  	[smem:$0x3F9E] =	sst s10  }
0x35: {  	s10 =	sld [smem:$0x3F9D];
	_ =	sdelay $0x3  }
0x36: {  	p1 =	seq.s32 s10, $0x1;
	s10 =	sld [smem:$0x3F9E];
	_ =	sdelay $0x3  }
0x37: {  	[smem:$0x3F9E] =	sst s10  }
0x38: {  	s10 =	sld [smem:$0x3F9F]  }
0x39: {  	_ = 	snop;
	(pc) =	sbr.ind lr, $3  }
0x3a: {  	_ = 	snop  }
0x3b: {  	_ = 	snop  }
0x3c: {  	p2 =	seq.s32 s10, $0x1;
	s10 =	sld [smem:$0x3F9E]  }
0x3d: {  	_ =	shalt  }
0x3e: {  	_ =	shalt  }
0x3f: {  	_ =	shalt  }
0x40: {  	_ =	shalt  }
0x41: {  	_ =	shalt  }
0x42: {  	_ =	shalt  }
0x43: {  	_ =	shalt  }
0x44: {  	_ =	shalt  }
0x45: {  	_ =	shalt  }
0x46: {  	_ =	shalt  }
0x47: {  	_ =	shalt  }
0x48: {  	_ =	shalt  }
0x49: {  	_ =	shalt  }
0x4a: {  	_ =	shalt  }
0x4b: {  	_ =	shalt  }
0x4c: {  	_ =	shalt  }
0x4d: {  	_ =	shalt  }
0x4e: {  	_ =	shalt  }
0x4f: {  	_ =	shalt  }
0x50: {  	_ =	shalt  }
0x51: {  	_ =	shalt  }
0x52: {  	_ =	shalt  }
0x53: {  	_ =	shalt  }
0x54: {  	_ =	shalt  }
0x55: {  	_ =	shalt  }
0x56: {  	_ =	shalt  }
0x57: {  	_ =	shalt  }
0x58: {  	_ =	shalt  }
0x59: {  	_ =	shalt  }
0x5a: {  	_ =	shalt  }
0x5b: {  	_ =	shalt  }
0x5c: {  	_ =	shalt  }
0x5d: {  	_ =	shalt  }
0x5e: {  	_ =	shalt  }
0x5f: {  	_ =	shalt  }
0x60: {  	_ =	shalt  }
0x61: {  	_ =	shalt  }
0x62: {  	_ =	shalt  }
0x63: {  	_ =	shalt  }
0x64: {  	_ =	shalt  }
0x65: {  	_ =	shalt  }
0x66: {  	_ =	shalt  }
0x67: {  	_ =	shalt  }
0x68: {  	_ =	shalt  }
0x69: {  	_ =	shalt  }
0x6a: {  	_ =	shalt  }
0x6b: {  	_ =	shalt  }
0x6c: {  	_ =	shalt  }
0x6d: {  	_ =	shalt  }
0x6e: {  	_ =	shalt  }
0x6f: {  	_ =	shalt  }
0x70: {  	_ =	shalt  }
0x71: {  	_ =	shalt  }
0x72: {  	_ =	shalt  }
0x73: {  	_ =	shalt  }
0x74: {  	_ =	shalt  }
0x75: {  	_ =	shalt  }
0x76: {  	_ =	shalt  }
0x77: {  	_ =	shalt  }
0x78: {  	_ =	shalt  }
0x79: {  	_ =	shalt  }
0x7a: {  	_ =	shalt  }
0x7b: {  	_ =	shalt  }
0x7c: {  	_ =	shalt  }
0x7d: {  	_ =	shalt  }
0x7e: {  	_ =	shalt  }
0x7f: {  	_ =	shalt  }
0x80: {  	_ =	shalt  }
0x81: {  	_ =	shalt  }
0x82: {  	_ =	shalt  }
0x83: {  	_ =	shalt  }
0x84: {  	_ =	shalt  }
0x85: {  	_ =	shalt  }
0x86: {  	_ =	shalt  }
0x87: {  	_ =	shalt  }
.Lfunc_end0:
.L_simem_size_0:
called_computation.6_lowered:
.L_overlay_start_0:
0x88: {  	s2 =	sld [smem:$0x3FD9]  }
0x89: {  	s3 =	sld [smem:$0x3FFE];
	_ =	sdelay $0x1  }
0x8a: {  	s1 =	srdreg.scid  }
0x8b: {  	s0 =	sand.u32 $0x1, s1  }
0x8c: {  	s16 =	sshll.u32 s0, $0xA;
	s2 =	sadd.s32 s3, s2  }
0x8d: {  	s2 =	sadd.s32 s2, s16  }
0x8e: {  	[smem:$0x3FAA] =	sst s2  }
0x8f: {  	_ = 	snop  }
0x90: {  	(tm) =	ssettm $0x1  }
0x91: {  	s17 =	sld [smem:$0x3FFB];
	_ =	sdelay $0x3  }
0x92: {  	_ =	strace s17  }
0x93: {  	s2 =	sld [smem:$0x3FFC];
	_ =	sdelay $0x3  }
0x94: {  	_ =	strace s2  }
0x95: {  	s2 =	sld [smem:$0x3FFD];
	_ =	sdelay $0x3  }
0x96: {  	_ =	strace s2  }
0x97: {  	_ =	strace $0x8FFFFFFF  }
0x98: {  	s18 =	sld [smem:$0x3FDB];
	_ =	sdelay $0x1  }
0x99: {  	s19 =	simm.s32 $_scs_section_size  }
0x9a: {  	s4 =	simm.s32 $_size__tile_overlayer_lowered;
	s5 =	simm.s32 $_tile_overlayer_lowered  }
0x9b: {  	s22 =	simm.s32 $0x1BFF;
	s21 =	sshll.u32 s5, $0x1;
	s2 =	sadd.s32 s19, s18  }
0x9c: {  	s6 =	simm.s32 $0x0;
	s20 =	sshll.u32 s4, $0x1;
	s4 =	sadd.s32 s21, s2  }
0x9d: {  	[timem:s6], [sflag:s22] =	dma.local [hbm:s4], s20  }
0x9e: {  	_ =	swait.ge [sflag:s22], s20  }
0x9f: {  	s3 =	ssub.s32 $0x0, s20;
	[sflag:s22] =	ssyncset.done $0x0  }
0xa0: {  	[sflag:s22] =	ssyncadd.s32 s3;
	_ =	sdelay $0x1  }
0xa1: {  	s23 =	simm.s32 $0x1B8B  }
0xa2: {  	_ =	swait.ge [sflag:s23], $0x1  }
0xa3: {  	[sflag:s23] =	ssyncset.done $0x0  }
0xa4: {  	s25 =	simm.s32 $0x1B8E;
	s24 =	sld [smem:$0x3FFE];
	[sflag:s23] =	ssyncadd.s32 $0xFFFFFFFF  }
0xa5: {  	s26 =	simm.s32 $execute0_lowered;
	[smem:$0x3FD2] =	sst s25  }
0xa6: {  	s4 =	sshll.u32 s26, $0x1;
	_ =	strace $0x80000058;
	[dreg:$0x1] =	wrdreg $0xFFFFFFFF  }
0xa7: {  	s28 =	simm.s32 $_size_execute0_lowered;
	s2 =	sadd.s32 s2, s4;
	[dreg:$0x0] =	wrdreg $0x0  }
0xa8: {  	s4 =	sshll.u32 s28, $0x1;
	[dreg:$0x2] =	wrdreg s2  }
0xa9: {  	[dreg:$0x3] =	wrdreg s4  }
0xaa: {  	[dreg:$0x4] =	wrdreg $0xC0  }
0xab: {  	_ =	task [dreg:s6], $0x5FFFF  }
0xac: {  	[dreg:$0x1] =	wrdreg $0xFFFFFFFF  }
0xad: {  	[dreg:$0x0] =	wrdreg $0x60  }
0xae: {  	[dreg:$0x2] =	wrdreg s24  }
0xaf: {  	[dreg:$0x3] =	wrdreg $0x9  }
0xb0: {  	_ =	task.clear_ibuf [dreg:s6], $0x4FFFF;
	_ =	strace $0x90000058  }
0xb1: {  	s29 =	simm.s32 $0x9;
	_ =	strace $0x8000005A  }
0xb2: {  	_ =	swait.ge [sflag:s29], $0x1  }
0xb3: {  	[sflag:s29] =	ssyncadd.s32 $0xFFFFFFFF  }
0xb4: {  	_ =	strace $0x9000005A  }
0xb5: {  	_ =	sfence  }
0xb6: {  	s30 =	sld [smem:$0x0];
	_ =	sdelay $0x2  }
0xb7: {  	s31 =	sshll.u32 s1, $0xD;
	s1 =	sshrl.u32 s1, $0x2  }
0xb8: {  	s3 =	sand.u32 $0x4000, s31;
	s1 =	sadd.s32 s1, s30  }
0xb9: {  	s0 =	sor.u32 s3, s0;
	s1 =	sshll.u32 s1, $0x11  }
0xba: {  	s0 =	sor.u32 s1, s0  }
0xbb: {  	s0 =	sadd.s32 $0x8F2B, s0  }
0xbc: {  	[sflag:s0] =	ssyncadd.remote.s32 $0x1  }
0xbd: {  	_ =	sfence.sel $0xFFFF  }
0xbe: {  	[dreg:$0x0] =	wrdreg $0xFFFFFFFF;
	(pc) =	sbr.abs _section_cstart, $3  }
0xbf: {  	[dreg:$0x1] =	wrdreg $0xFFFFFFFF  }
0xc0: {  	_ =	task.clear_ibuf [dreg:s6], $0x2FFFF;
	_ =	strace $0x9FFFFFFF  }
0xc1: {  	(tm) =	ssettm $0x7FFFFFFF  }
tec
execute0_lowered:
.L_overlay_start_1:
0x0: {  	(tag) =	ssettag $0x1  }
0x1: {  	s6 =	rddreg [dreg:$0x0]  }
0x2: {  	s0 =	rddreg [dreg:$0x1];
	s3 =	srdreg.scid  }
0x3: {  	s1 =	stileid.u32;
	s2 =	simm.s32 $0x0;
	s12 =	simm.s32 $0x2780  }
0x4: {  	s13 =	simm.s32 $0x4E90;
	s14 =	simm.s32 $0x75A0;
	s15 =	simm.s32 $0x9CB0  }
0x5: {  	s16 =	simm.s32 $0xC400;
	s3 =	sand.u32 $0x1, s3;
	s4 =	sshll.u32 s1, $0x1  }
0x6: {  	s17 =	simm.s32 $0x0;
	[smem:$0x7FF] =	sst s2;
	s4 =	sor.u32 s3, s4  }
0x7: {  	s5 =	sadd.s32 $0xA10600, s6;
	s8 =	ssub.s32 $0x2, s3;
	s7 =	smul.u32 $0x13C0, s4  }
0x8: {  	_ =	strace $0x80000059;
	s9 =	sshrl.u32 s8, $0x1;
	s4 =	smul.u32 $0x138800, s4  }
0x9: {  	s3 =	sadd.s32 $0x1B600, s6;
	s11 =	ssub.s32 s8, s9;
	s10 =	sadd.s32 s7, s6  }
0xa: {  	s6 =	sadd.s32 $0x4E200, s4;
	s7 =	sadd.s32 $0x9C400, s4;
	s8 =	sadd.s32 $0xEA600, s4  }
0xb: {  	v0 =	vimm.f32 $0.0e+00;
	s9 =	sadd.s32 $0xF2FC00, s10;
	s10 =	smax.u32 s11, $0x1;
	s11 =	simm.s32 $0x1  }
.LBB2_1:
0xc: {  	s18 =	simm.s32 $0x40;
	s19 =	simm.s32 $0x0  }
.LBB2_2:
0xd: {  	p0 =	sne.s32 s18, $0x277C0;
	[tilespmem:s19+$0xC400] =	vst v0;
	s19 =	smov.u32 s18;
	s18 =	sadd.s32 $0x40, s18  }
.Ltmp0:
0xe: {  	(pc) =	sbr.rel @p0 .LBB2_2-.Ltmp0, $2  }
0xf: {  	_ =	sdelay $0x2  }
0x10: {  	s19 =	sshra.s32 s19, $0x2  }
0x11: {  	[tilespmem:s19+$0xC400] =	vst v0;
	s18 =	simm.s32 $0x0;
	s19 =	simm.s32 $0x0  }
.LBB2_4:
0x12: {  	s20 =	smul.u32 $0x2710, s19;
	_ =	sdelay $0x1  }
0x13: {  	s21 =	sshrl.u32 s20, $0x3  }
0x14: {  	s21 =	sadd.s32 s5, s21  }
0x15: {  	[tilespmem:s18], [sflag:$0x1] =	stream.linear.gather [hbm4b:s21+s18], $0x2710, $0x38;
	[tilespmem:$0x16200] =	vst v63  }
0x16: {  	s29 =	sadd.s32 s4, s20;
	_ =	swait.ge [sflag:s11], $0x2710  }
0x17: {  	s21 =	sshrl.u32 s29, $0x3;
	[sflag:s11] =	ssyncset.done $0x0  }
0x18: {  	s21 =	sadd.s32 s3, s21;
	[sflag:s11] =	ssyncadd.s32 $0xFFFFD8F0  }
0x19: {  	[tilespmem:s12], [sflag:$0x1] =	stream.linear.gather [hbm4b:s21+s18], $0x2710, $0x38;
	[tilespmem:$0x16200] =	vst v63  }
0x1a: {  	s30 =	sadd.s32 s6, s20;
	_ =	swait.ge [sflag:s11], $0x2710  }
0x1b: {  	s21 =	sshrl.u32 s30, $0x3;
	[sflag:s11] =	ssyncset.done $0x0  }
0x1c: {  	s21 =	sadd.s32 s3, s21;
	[sflag:s11] =	ssyncadd.s32 $0xFFFFD8F0  }
0x1d: {  	[tilespmem:s13], [sflag:$0x1] =	stream.linear.gather [hbm4b:s21+s18], $0x2710, $0x38;
	[tilespmem:$0x16200] =	vst v63  }
0x1e: {  	s31 =	sadd.s32 s7, s20;
	_ =	swait.ge [sflag:s11], $0x2710  }
0x1f: {  	s21 =	sshrl.u32 s31, $0x3;
	[sflag:s11] =	ssyncset.done $0x0  }
0x20: {  	s21 =	sadd.s32 s3, s21;
	[sflag:s11] =	ssyncadd.s32 $0xFFFFD8F0  }
0x21: {  	[tilespmem:s14], [sflag:$0x1] =	stream.linear.gather [hbm4b:s21+s18], $0x2710, $0x38;
	[tilespmem:$0x16200] =	vst v63  }
0x22: {  	s20 =	sadd.s32 s8, s20;
	_ =	swait.ge [sflag:s11], $0x2710  }
0x23: {  	s20 =	sshrl.u32 s20, $0x3;
	[sflag:s11] =	ssyncset.done $0x0  }
0x24: {  	s20 =	sadd.s32 s3, s20;
	[sflag:s11] =	ssyncadd.s32 $0xFFFFD8F0  }
0x25: {  	[tilespmem:s15], [sflag:$0x1] =	stream.linear.gather [hbm4b:s20+s18], $0x2710, $0x38;
	[tilespmem:$0x16200] =	vst v63  }
0x26: {  	_ =	swait.ge [sflag:s11], $0x2710  }
0x27: {  	[sflag:s11] =	ssyncset.done $0x0  }
0x28: {  	s21 =	simm.s32 $0x40;
	s20 =	simm.s32 $0x0;
	[sflag:s11] =	ssyncadd.s32 $0xFFFFD8F0  }
.LBB2_5:
0x29: {  	p0 =	sne.s32 s21, $0x9C00;
	v1 =	vld [tilespmem:s20+$0x0]  }
0x2a: {  	v2 =	vld [tilespmem:s20+$0x2780];
	_ =	sdelay $0x6  }
0x2b: {  	[tilespmem:v1+s16+$0x0] =	vst.idx.add.f32.msk $0xffff, v2  }
0x2c: {  	v3 =	vadd.s32 $0x2780, v1;
	v2 =	vld [tilespmem:s20+$0x4E90];
	_ =	sdelay $0x4  }
0x2d: {  	[tilespmem:v3+s16+$0x0] =	vst.idx.add.f32.msk $0xffff, v2  }
0x2e: {  	v3 =	vadd.s32 $0x4F00, v1;
	v2 =	vld [tilespmem:s20+$0x75A0];
	_ =	sdelay $0x4  }
0x2f: {  	[tilespmem:v3+s16+$0x0] =	vst.idx.add.f32.msk $0xffff, v2  }
0x30: {  	v1 =	vadd.s32 $0x7680, v1;
	v2 =	vld [tilespmem:s20+$0x9CB0]  }
.Ltmp1:
0x31: {  	(pc) =	sbr.rel @p0 .LBB2_5-.Ltmp1, $2  }
0x32: {  	_ =	sdelay $0x2  }
0x33: {  	s20 =	sshra.s32 s21, $0x2;
	s21 =	sadd.s32 $0x40, s21;
	[tilespmem:v1+s16+$0x0] =	vst.idx.add.f32.msk $0xffff, v2  }
0x34: {  	v1 =	vld [tilespmem:s20+$0x0];
	_ =	sdelay $0x2  }
0x35: {  	v2 =	vld [tilespmem:s20+$0x2780];
	_ =	sdelay $0x4  }
0x36: {  	[tilespmem:v1+s16+$0x0] =	vst.idx.add.f32.msk $0xffff, v2  }
0x37: {  	v3 =	vadd.s32 $0x2780, v1;
	v2 =	vld [tilespmem:s20+$0x4E90];
	_ =	sdelay $0x4  }
0x38: {  	[tilespmem:v3+s16+$0x0] =	vst.idx.add.f32.msk $0xffff, v2  }
0x39: {  	v3 =	vadd.s32 $0x4F00, v1;
	v2 =	vld [tilespmem:s20+$0x75A0];
	_ =	sdelay $0x4  }
0x3a: {  	s19 =	sadd.s32 $0x1, s19;
	[tilespmem:v3+s16+$0x0] =	vst.idx.add.f32.msk $0xffff, v2  }
0x3b: {  	p0 =	sne.s32 s19, $0x20;
	v1 =	vadd.s32 $0x7680, v1;
	v2 =	vld [tilespmem:s20+$0x9CB0]  }
.Ltmp2:
0x3c: {  	_ = 	snop;
	(pc) =	sbr.rel @p0 .LBB2_4-.Ltmp2, $2  }
0x3d: {  	_ =	sdelay $0x2  }
0x3e: {  	[tilespmem:v1+s16+$0x0] =	vst.idx.add.f32.msk $0xffff, v2  }
0x3f: {  	s17 =	sadd.s32 $0x1, s17  }
0x40: {  	p0 =	sne.s32 s17, s10  }
.Ltmp3:
0x41: {  	_ = 	snop;
	(pc) =	sbr.rel @p0 .LBB2_1-.Ltmp3, $4  }
0x42: {  	[hbm4b:s9+s2] =	stream.linear.scatter [tilespmem:s16], [sflag:$0x1], $0x9E00, $0x38;
	[tilespmem:$0x16200] =	vst v63  }
0x43: {  	_ =	swait.ge [sflag:s11], $0x9E00  }
0x44: {  	[sflag:s11] =	ssyncset.done $0x0  }
0x45: {  	[sflag:s11] =	ssyncadd.s32 $0xFFFF6200  }
0x46: {  	_ =	sfence.sel $0x180000  }
0x47: {  	[bflag:$0x0] =	sbarrier.arrive $0xFFFF  }
0x48: {  	p0 =	sne.s32 s1, $0x0;
	_ =	strace $0x90000059  }
0x49: {  	s0 =	sadd.s32 @!p0 $0x100000, s0;
	[bflag:$0x2] =	sbarrier.arrive $0xFFFF  }
0x4a: {  	[sflag:s0] =	ssyncadd.tile.s32 @!p0 $0x1;
	_ =	shalt  }
.Lfunc_end2:
_tile_overlayer_lowered:
.L_overlay_start_2:
0x4b: {  	(tag) =	ssettag $0x2  }
0x4c: {  	s0 =	rddreg [dreg:$0x0];
	s2 =	stileid.u32  }
0x4d: {  	s1 =	rddreg [dreg:$0x1];
	p0 =	sne.s32 s2, $0x0  }
0x4e: {  	s3 =	rddreg [dreg:$0x2];
	[bflag:$0x3] =	sbarrier.arrive $0xFFFF;
	s2 =	simm.s32 @!p0 $0x1C01  }
0x4f: {  	[timem:s3], [sflag:s2] =	dma.local @!p0 [hbm:s0], s1  }
0x50: {  	s0 =	simm.s32 @!p0 $0x1  }
0x51: {  	_ =	swait.ge @!p0 [sflag:s0], s1  }
0x52: {  	s1 =	ssub.s32 @!p0 $0x0, s1;
	[sflag:s0] =	ssyncset.done @!p0 $0x0  }
0x53: {  	[sflag:s0] =	ssyncadd.s32 @!p0 s1  }
0x54: {  	[bflag:$0x3] =	sbarrier.arrive $0xFFFF  }
0x55: {  	_ =	shalt  }

// kernel: kernel.52.cloned.1.call-start
scs
__scs_entry_jumppad:
0x0: {  	(pc) =	sbr.rel $0x88, $3  }
0x1: {  	(tag) =	ssettag $0x0;
	lr =	simm.s32 $0x1  }
0x2: {  	[smem:$0x3F83] =	sst lr;
	_ =	strace $0xD0000000  }
0x3: {  	_ = 	snop  }
0x4: {  	_ = 	snop  }
0x5: {  	_ = 	snop  }
0x6: {  	_ = 	snop  }
0x7: {  	_ = 	snop  }
__scs_overlays_trampoline_lowered:
0x8: {  	[smem:$0x3F92] =	sst s0  }
0x9: {  	[smem:$0x3F93] =	sst s1  }
0xa: {  	[smem:$0x3F94] =	sst s2  }
0xb: {  	[smem:$0x3F95] =	sst s3  }
0xc: {  	[smem:$0x3F96] =	sst s4  }
0xd: {  	[smem:$0x3F97] =	sst s5  }
0xe: {  	[smem:$0x3F98] =	sst s6  }
0xf: {  	[smem:$0x3F99] =	sst s7  }
0x10: {  	[smem:$0x3F9A] =	sst s8  }
0x11: {  	[smem:$0x3F9B] =	sst s9;
	s0 =	simm.s32 @!p0 $0x0  }
0x12: {  	s1 =	sld [smem:$0x3F81];
	s0 =	simm.s32 @p0 $0x1  }
0x13: {  	[smem:$0x3F9C] =	sst s0;
	s0 =	simm.s32 @!p1 $0x0  }
0x14: {  	s2 =	sld [smem:$0x3F80];
	s0 =	simm.s32 @p1 $0x1  }
0x15: {  	[smem:$0x3F9D] =	sst s0;
	s0 =	simm.s32 @!p2 $0x0  }
0x16: {  	s3 =	sld [smem:$0x3FDB];
	s0 =	simm.s32 @p2 $0x1  }
0x17: {  	s4 =	simm.s32 $0x1BF5;
	[smem:$0x3F9F] =	sst s0  }
0x18: {  	s0 =	sld [smem:$0x3F82];
	_ =	swait.ge [sflag:s4], $0x0  }
0x19: {  	s7 =	sld [smem:$0x3F83]  }
0x1a: {  	s8 =	sadd.s32 $0xFFFFE003, lr  }
0x1b: {  	s9 =	sadd.s32 $0xFFFFFEF7, lr;
	s5 =	simm.s32 $0xFFFFFFFF;
	p2 =	slt.u32 s8, $0xFFFFF086  }
0x1c: {  	p1 =	slt.u32 s9, $0xF7A;
	s5 =	simm.s32 @!p2 $0x0  }
0x1d: {  	s5 =	simm.s32 @p1 $0x1;
	p0 =	seq.s32 s7, s2  }
0x1e: {  	s7 =	smul.u32 @!p0 $0xF7A, s2;
	p2 =	seq.s32 @!p0 s5, $0x0  }
0x1f: {  	s9 =	smul.u32 $0xF7A, s1;
	s8 =	simm.s32 @!p0 $0x1BF5;
	p2 =	por !p2, p0  }
0x20: {  	[sflag:s8] =	ssyncset.s32 @!p0 $0xFFFFF086;
	s6 =	sadd.s32 @!p0 s3, s7;
	s7 =	simm.s32 @!p0 $0x108  }
0x21: {  	s3 =	sadd.s32 s3, s9;
	s6 =	sadd.s32 @!p0 $0x88, s6;
	s7 =	simm.s32 @p2 $0x1082  }
0x22: {  	[simem:s7], [sflag:s8] =	dma.local @!p0 [hbm:s6], $0xF7A  }
0x23: {  	s9 =	sor.u32 $0xD0000000, s2;
	s6 =	simm.s32 $0x108;
	_ =	swait.ge @!p0 [sflag:s8], $0x0  }
0x24: {  	s3 =	sadd.s32 $0x88, s3;
	s6 =	simm.s32 @!p1 $0x1082;
	[sflag:s4] =	ssyncset.s32 $0xFFFFF086  }
0x25: {  	[simem:s6], [sflag:s4] =	dma.local [hbm:s3], $0xF7A  }
0x26: {  	[smem:$0x3F83] =	sst s1;
	(tag) =	ssettag s2;
	_ =	strace s9  }
0x27: {  	s1 =	sld [smem:$0x3F93]  }
0x28: {  	s2 =	sld [smem:$0x3F94]  }
0x29: {  	s4 =	sld [smem:$0x3F96]  }
0x2a: {  	p0 =	seq.s32 s5, $0x0;
	s5 =	sld [smem:$0x3F97]  }
0x2b: {  	s6 =	sld [smem:$0x3F98]  }
0x2c: {  	s7 =	sld [smem:$0x3F99]  }
0x2d: {  	s3 =	simm.s32 $0x108;
	s8 =	sld [smem:$0x3F9A]  }
0x2e: {  	s3 =	simm.s32 @!p0 $0x1082;
	s9 =	sld [smem:$0x3F9B]  }
0x2f: {  	lr =	sadd.s32 s0, s3;
	s0 =	sld [smem:$0x3F92]  }
0x30: {  	s3 =	sld [smem:$0x3F95]  }
0x31: {  	[smem:$0x3F9E] =	sst s10  }
0x32: {  	s10 =	sld [smem:$0x3F9C];
	_ =	sdelay $0x3  }
0x33: {  	p0 =	seq.s32 s10, $0x1;
	s10 =	sld [smem:$0x3F9E];
	_ =	sdelay $0x3  }
0x34: {  	[smem:$0x3F9E] =	sst s10  }
0x35: {  	s10 =	sld [smem:$0x3F9D];
	_ =	sdelay $0x3  }
0x36: {  	p1 =	seq.s32 s10, $0x1;
	s10 =	sld [smem:$0x3F9E];
	_ =	sdelay $0x3  }
0x37: {  	[smem:$0x3F9E] =	sst s10  }
0x38: {  	s10 =	sld [smem:$0x3F9F]  }
0x39: {  	_ = 	snop;
	(pc) =	sbr.ind lr, $3  }
0x3a: {  	_ = 	snop  }
0x3b: {  	_ = 	snop  }
0x3c: {  	p2 =	seq.s32 s10, $0x1;
	s10 =	sld [smem:$0x3F9E]  }
0x3d: {  	_ =	shalt  }
0x3e: {  	_ =	shalt  }
0x3f: {  	_ =	shalt  }
0x40: {  	_ =	shalt  }
0x41: {  	_ =	shalt  }
0x42: {  	_ =	shalt  }
0x43: {  	_ =	shalt  }
0x44: {  	_ =	shalt  }
0x45: {  	_ =	shalt  }
0x46: {  	_ =	shalt  }
0x47: {  	_ =	shalt  }
0x48: {  	_ =	shalt  }
0x49: {  	_ =	shalt  }
0x4a: {  	_ =	shalt  }
0x4b: {  	_ =	shalt  }
0x4c: {  	_ =	shalt  }
0x4d: {  	_ =	shalt  }
0x4e: {  	_ =	shalt  }
0x4f: {  	_ =	shalt  }
0x50: {  	_ =	shalt  }
0x51: {  	_ =	shalt  }
0x52: {  	_ =	shalt  }
0x53: {  	_ =	shalt  }
0x54: {  	_ =	shalt  }
0x55: {  	_ =	shalt  }
0x56: {  	_ =	shalt  }
0x57: {  	_ =	shalt  }
0x58: {  	_ =	shalt  }
0x59: {  	_ =	shalt  }
0x5a: {  	_ =	shalt  }
0x5b: {  	_ =	shalt  }
0x5c: {  	_ =	shalt  }
0x5d: {  	_ =	shalt  }
0x5e: {  	_ =	shalt  }
0x5f: {  	_ =	shalt  }
0x60: {  	_ =	shalt  }
0x61: {  	_ =	shalt  }
0x62: {  	_ =	shalt  }
0x63: {  	_ =	shalt  }
0x64: {  	_ =	shalt  }
0x65: {  	_ =	shalt  }
0x66: {  	_ =	shalt  }
0x67: {  	_ =	shalt  }
0x68: {  	_ =	shalt  }
0x69: {  	_ =	shalt  }
0x6a: {  	_ =	shalt  }
0x6b: {  	_ =	shalt  }
0x6c: {  	_ =	shalt  }
0x6d: {  	_ =	shalt  }
0x6e: {  	_ =	shalt  }
0x6f: {  	_ =	shalt  }
0x70: {  	_ =	shalt  }
0x71: {  	_ =	shalt  }
0x72: {  	_ =	shalt  }
0x73: {  	_ =	shalt  }
0x74: {  	_ =	shalt  }
0x75: {  	_ =	shalt  }
0x76: {  	_ =	shalt  }
0x77: {  	_ =	shalt  }
0x78: {  	_ =	shalt  }
0x79: {  	_ =	shalt  }
0x7a: {  	_ =	shalt  }
0x7b: {  	_ =	shalt  }
0x7c: {  	_ =	shalt  }
0x7d: {  	_ =	shalt  }
0x7e: {  	_ =	shalt  }
0x7f: {  	_ =	shalt  }
0x80: {  	_ =	shalt  }
0x81: {  	_ =	shalt  }
0x82: {  	_ =	shalt  }
0x83: {  	_ =	shalt  }
0x84: {  	_ =	shalt  }
0x85: {  	_ =	shalt  }
0x86: {  	_ =	shalt  }
0x87: {  	_ =	shalt  }
.Lfunc_end0:
.L_simem_size_0:
called_computation.7_lowered:
.L_overlay_start_0:
0x88: {  	s2 =	sld [smem:$0x3FD9]  }
0x89: {  	s3 =	sld [smem:$0x3FFE];
	_ =	sdelay $0x1  }
0x8a: {  	s1 =	srdreg.scid  }
0x8b: {  	s0 =	sand.u32 $0x1, s1  }
0x8c: {  	s14 =	sshll.u32 s0, $0xA;
	s2 =	sadd.s32 s3, s2  }
0x8d: {  	s2 =	sadd.s32 s2, s14  }
0x8e: {  	[smem:$0x3FAA] =	sst s2  }
0x8f: {  	_ = 	snop  }
0x90: {  	s2 =	sld [smem:$0x3FD0];
	_ =	sdelay $0x2  }
0x91: {  	s15 =	simm.s32 $0xB;
	s4 =	simm.s32 $0x10  }
0x92: {  	[smem:s4], [sflag:s15] =	dma.local [hbm:s2], $0x1  }
0x93: {  	_ =	swait.eq [sflag:s15], $0x1  }
0x94: {  	[sflag:s15] =	ssyncset.done $0x0  }
0x95: {  	[sflag:s15] =	ssyncadd.s32 $0xFFFFFFFF  }
0x96: {  	s16 =	sld [smem:$0x10];
	(tm) =	ssettm $0x1  }
0x97: {  	s17 =	sld [smem:$0x3FFB];
	_ =	sdelay $0x3  }
0x98: {  	_ =	strace s17  }
0x99: {  	s3 =	sld [smem:$0x3FFC];
	_ =	sdelay $0x3  }
0x9a: {  	_ =	strace s3  }
0x9b: {  	s3 =	sld [smem:$0x3FFD];
	_ =	sdelay $0x3  }
0x9c: {  	_ =	strace s3  }
0x9d: {  	_ =	strace $0x8FFFFFFF  }
0x9e: {  	s18 =	sld [smem:$0x3FDB];
	_ =	sdelay $0x1  }
0x9f: {  	s19 =	simm.s32 $_scs_section_size  }
0xa0: {  	s5 =	simm.s32 $_size__tile_overlayer_lowered;
	s6 =	simm.s32 $_tile_overlayer_lowered  }
0xa1: {  	s22 =	simm.s32 $0x1BFF;
	s21 =	sshll.u32 s6, $0x1;
	s3 =	sadd.s32 s19, s18  }
0xa2: {  	s7 =	simm.s32 $0x0;
	s20 =	sshll.u32 s5, $0x1;
	s5 =	sadd.s32 s21, s3  }
0xa3: {  	[timem:s7], [sflag:s22] =	dma.local [hbm:s5], s20  }
0xa4: {  	_ =	swait.ge [sflag:s22], s20  }
0xa5: {  	s4 =	ssub.s32 $0x0, s20;
	[sflag:s22] =	ssyncset.done $0x0  }
0xa6: {  	[sflag:s22] =	ssyncadd.s32 s4;
	_ =	sdelay $0x1  }
0xa7: {  	s23 =	simm.s32 $0x1B8B  }
0xa8: {  	_ =	swait.ge [sflag:s23], $0x1  }
0xa9: {  	[sflag:s23] =	ssyncset.done $0x0  }
0xaa: {  	s25 =	simm.s32 $0x1B8E;
	s24 =	sld [smem:$0x3FFE];
	[sflag:s23] =	ssyncadd.s32 $0xFFFFFFFF  }
0xab: {  	s26 =	simm.s32 $execute0_lowered;
	[smem:$0x3FD2] =	sst s25  }
0xac: {  	s5 =	sshll.u32 s26, $0x1;
	_ =	strace $0x8000005B;
	[dreg:$0x1] =	wrdreg $0xFFFFFFFF  }
0xad: {  	s28 =	simm.s32 $_size_execute0_lowered;
	s3 =	sadd.s32 s3, s5;
	[dreg:$0x0] =	wrdreg $0x0  }
0xae: {  	s5 =	sshll.u32 s28, $0x1;
	[dreg:$0x2] =	wrdreg s3  }
0xaf: {  	[dreg:$0x3] =	wrdreg s5  }
0xb0: {  	[dreg:$0x4] =	wrdreg $0xC0  }
0xb1: {  	_ =	task [dreg:s7], $0x5FFFF  }
0xb2: {  	[dreg:$0x1] =	wrdreg $0xFFFFFFFF  }
0xb3: {  	[dreg:$0x0] =	wrdreg $0x60  }
0xb4: {  	[dreg:$0x2] =	wrdreg s24  }
0xb5: {  	[dreg:$0x3] =	wrdreg s16  }
0xb6: {  	[dreg:$0x4] =	wrdreg $0x9  }
0xb7: {  	_ =	task.clear_ibuf [dreg:s7], $0x5FFFF;
	_ =	strace $0x9000005B  }
0xb8: {  	s29 =	simm.s32 $0x9;
	_ =	strace $0x8000005D  }
0xb9: {  	_ =	swait.ge [sflag:s29], $0x1  }
0xba: {  	[sflag:s29] =	ssyncadd.s32 $0xFFFFFFFF  }
0xbb: {  	_ =	strace $0x9000005D  }
0xbc: {  	_ =	sfence  }
0xbd: {  	s30 =	sld [smem:$0x0];
	_ =	sdelay $0x2  }
0xbe: {  	s31 =	sshll.u32 s1, $0xD;
	s1 =	sshrl.u32 s1, $0x2  }
0xbf: {  	s3 =	sand.u32 $0x4000, s31;
	s1 =	sadd.s32 s1, s30  }
0xc0: {  	s0 =	sor.u32 s3, s0;
	s1 =	sshll.u32 s1, $0x11  }
0xc1: {  	s0 =	sor.u32 s1, s0  }
0xc2: {  	s0 =	sadd.s32 $0x8F2B, s0  }
0xc3: {  	[sflag:s0] =	ssyncadd.remote.s32 $0x1  }
0xc4: {  	_ =	sfence.sel $0xFFFF  }
0xc5: {  	[dreg:$0x0] =	wrdreg $0xFFFFFFFF;
	(pc) =	sbr.abs _section_cstart, $3  }
0xc6: {  	[dreg:$0x1] =	wrdreg $0xFFFFFFFF  }
0xc7: {  	_ =	task.clear_ibuf [dreg:s7], $0x2FFFF;
	_ =	strace $0x9FFFFFFF  }
0xc8: {  	(tm) =	ssettm $0x7FFFFFFF  }
0xc9: {  	_ =	shalt  }
tec
execute0_lowered:
.L_overlay_start_1:
0x0: {  	(tag) =	ssettag $0x1  }
0x1: {  	s4 =	rddreg [dreg:$0x0]  }
0x2: {  	s8 =	rddreg [dreg:$0x1]  }
0x3: {  	s0 =	rddreg [dreg:$0x2];
	s2 =	simm.s32 $0x0;
	s3 =	srdreg.scid  }
0x4: {  	s1 =	stileid.u32;
	s12 =	simm.s32 $0x100;
	s13 =	simm.s32 $0x6600  }
0x5: {  	s14 =	simm.s32 $0x1;
	s15 =	simm.s32 $0x2;
	s6 =	smul.u32 $0x4E20, s1  }
0x6: {  	s16 =	simm.s32 $0x0;
	s5 =	sand.u32 $0x1, s3;
	s9 =	smul.u32 $0x4E200, s1  }
0x7: {  	[smem:$0x7FF] =	sst s2;
	s3 =	sadd.s32 $0x9E9400, s4;
	s7 =	smul.u32 $0x2710, s5  }
0x8: {  	_ =	strace $0x8000005C;
	s10 =	ssub.s32 $0x2, s5;
	s5 =	smul.u32 $0x27100, s5  }
0x9: {  	s29 =	sshrl.u32 s10, $0x1;
	s30 =	sadd.s32 s9, s4;
	s6 =	sadd.s32 s7, s6  }
0xa: {  	s9 =	simm.s32 $0x3;
	s7 =	ssub.s32 s10, s29;
	s11 =	sshrl.u32 s6, $0x3  }
0xb: {  	s10 =	simm.s32 $0xC8;
	s6 =	sadd.s32 s5, s30;
	s31 =	sadd.s32 s11, s4  }
0xc: {  	s4 =	smax.u32 s7, $0x1;
	s5 =	sadd.s32 $0xF08A00, s6;
	s6 =	sadd.s32 $0x1B600, s6  }
0xd: {  	s8 =	sadd.s32 s11, s8;
	s11 =	simm.s32 $0x200;
	s7 =	sadd.s32 $0x11800, s31  }
.LBB2_1:
0xe: {  	s17 =	sadd.s32 $0x0, s8  }
0xf: {  	[tilespmem:s2], [sflag:$0x3] =	stream.linear.gather [hbm4b:s17+s2], $0xC8, $0x38;
	[tilespmem:$0xCA00] =	vst v63  }
0x10: {  	_ =	swait.ge [sflag:s9], $0xC8  }
0x11: {  	[sflag:s9] =	ssyncset.done $0x0  }
0x12: {  	[sflag:s9] =	ssyncadd.s32 $0xFFFFFF38  }
0x13: {  	[tilespmem:s11], [sflag:$0x1] =	stream.indirect.gather [hbm4b:s3+s10], $0x80, s2, s10, $0xb8;
	[tilespmem:$0xCA00] =	vst v63  }
0x14: {  	s31 =	sadd.s32 $0x0, s7  }
0x15: {  	[tilespmem:s12], [sflag:$0x3] =	stream.linear.gather [hbm4b:s31+s2], $0xC8, $0x38;
	[tilespmem:$0xCA00] =	vst v63  }
0x16: {  	_ =	swait.ge [sflag:s9], $0xC8  }
0x17: {  	[sflag:s9] =	ssyncset.done $0x0  }
0x18: {  	[sflag:s9] =	ssyncadd.s32 $0xFFFFFF38  }
0x19: {  	[tilespmem:s13], [sflag:$0x2] =	stream.indirect.gather [hbm4b:s3+s10], $0x80, s12, s10, $0xb8;
	[tilespmem:$0xCA00] =	vst v63  }
0x1a: {  	_ =	swait.ge [sflag:s14], $0x6400  }
0x1b: {  	[sflag:s14] =	ssyncset.done $0x0  }
0x1c: {  	[sflag:s14] =	ssyncadd.s32 $0xFFFF9C00  }
0x1d: {  	[hbm4b:s5+s2] =	stream.linear.scatter [tilespmem:s11], [sflag:$0x3], $0x6400, $0x38;
	[tilespmem:$0xCA00] =	vst v63  }
0x1e: {  	_ =	swait.ge [sflag:s9], $0x6400  }
0x1f: {  	[sflag:s9] =	ssyncset.done $0x0  }
0x20: {  	[sflag:s9] =	ssyncadd.s32 $0xFFFF9C00  }
0x21: {  	_ =	swait.ge [sflag:s15], $0x6400  }
0x22: {  	[sflag:s15] =	ssyncset.done $0x0  }
0x23: {  	[sflag:s15] =	ssyncadd.s32 $0xFFFF9C00  }
0x24: {  	[hbm4b:s6+s2] =	stream.linear.scatter [tilespmem:s13], [sflag:$0x3], $0x6400, $0x38;
	[tilespmem:$0xCA00] =	vst v63  }
0x25: {  	s19 =	simm.s32 $0x19;
	s20 =	simm.s32 $0x32;
	_ =	swait.ge [sflag:s9], $0x6400  }
0x26: {  	s18 =	sadd.s32 $0xC80, s5;
	s17 =	sadd.s32 $0xC80, s6;
	[sflag:s9] =	ssyncset.done $0x0  }
.LBB2_2:
0x27: {  	s21 =	sadd.s32 s19, s8  }
0x28: {  	[sflag:s9] =	ssyncadd.s32 $0xFFFF9C00;
	s22 =	smov.u32 s20;
	s23 =	sadd.s32 $0x19, s20  }
0x29: {  	[tilespmem:s2], [sflag:$0x3] =	stream.linear.gather [hbm4b:s21+s2], $0xC8, $0x38;
	[tilespmem:$0xCA00] =	vst v63  }
0x2a: {  	p0 =	sne.s32 s20, $0x4C9;
	_ =	swait.ge [sflag:s9], $0xC8  }
0x2b: {  	[sflag:s9] =	ssyncset.done $0x0  }
0x2c: {  	[sflag:s9] =	ssyncadd.s32 $0xFFFFFF38  }
0x2d: {  	[tilespmem:s11], [sflag:$0x1] =	stream.indirect.gather [hbm4b:s3+s10], $0x80, s2, s10, $0xb8;
	[tilespmem:$0xCA00] =	vst v63  }
0x2e: {  	s20 =	sadd.s32 s19, s7;
	s19 =	smov.u32 s22  }
0x2f: {  	[tilespmem:s12], [sflag:$0x3] =	stream.linear.gather [hbm4b:s20+s2], $0xC8, $0x38;
	[tilespmem:$0xCA00] =	vst v63  }
0x30: {  	_ =	swait.ge [sflag:s9], $0xC8  }
0x31: {  	[sflag:s9] =	ssyncset.done $0x0  }
0x32: {  	[sflag:s9] =	ssyncadd.s32 $0xFFFFFF38  }
0x33: {  	[tilespmem:s13], [sflag:$0x2] =	stream.indirect.gather [hbm4b:s3+s10], $0x80, s12, s10, $0xb8;
	[tilespmem:$0xCA00] =	vst v63  }
0x34: {  	_ =	swait.ge [sflag:s14], $0x6400  }
0x35: {  	[sflag:s14] =	ssyncset.done $0x0  }
0x36: {  	[sflag:s14] =	ssyncadd.s32 $0xFFFF9C00  }
0x37: {  	[hbm4b:s18+s2] =	stream.linear.scatter [tilespmem:s11], [sflag:$0x3], $0x6400, $0x38;
	[tilespmem:$0xCA00] =	vst v63  }
0x38: {  	_ =	swait.ge [sflag:s9], $0x6400  }
0x39: {  	[sflag:s9] =	ssyncset.done $0x0  }
0x3a: {  	[sflag:s9] =	ssyncadd.s32 $0xFFFF9C00  }
0x3b: {  	_ =	swait.ge [sflag:s15], $0x6400  }
.Ltmp0:
0x3c: {  	[sflag:s15] =	ssyncset.done $0x0;
	(pc) =	sbr.rel @p0 .LBB2_2-.Ltmp0, $4  }
0x3d: {  	[sflag:s15] =	ssyncadd.s32 $0xFFFF9C00  }
0x3e: {  	[hbm4b:s17+s2] =	stream.linear.scatter [tilespmem:s13], [sflag:$0x3], $0x6400, $0x38;
	[tilespmem:$0xCA00] =	vst v63  }
0x3f: {  	s20 =	smov.u32 s23;
	_ =	swait.ge [sflag:s9], $0x6400  }
0x40: {  	s18 =	sadd.s32 $0xC80, s18;
	s17 =	sadd.s32 $0xC80, s17;
	[sflag:s9] =	ssyncset.done $0x0  }
0x41: {  	s20 =	sadd.s32 s19, s8;
	[sflag:s9] =	ssyncadd.s32 $0xFFFF9C00  }
0x42: {  	[tilespmem:s2], [sflag:$0x3] =	stream.linear.gather [hbm4b:s20+s2], $0xC8, $0x38;
	[tilespmem:$0xCA00] =	vst v63  }
0x43: {  	_ =	swait.ge [sflag:s9], $0xC8  }
0x44: {  	[sflag:s9] =	ssyncset.done $0x0  }
0x45: {  	[sflag:s9] =	ssyncadd.s32 $0xFFFFFF38  }
0x46: {  	[tilespmem:s11], [sflag:$0x1] =	stream.indirect.gather [hbm4b:s3+s10], $0x80, s2, s10, $0xb8;
	[tilespmem:$0xCA00] =	vst v63  }
0x47: {  	s31 =	sadd.s32 s19, s7  }
0x48: {  	[tilespmem:s12], [sflag:$0x3] =	stream.linear.gather [hbm4b:s31+s2], $0xC8, $0x38;
	[tilespmem:$0xCA00] =	vst v63  }
0x49: {  	_ =	swait.ge [sflag:s9], $0xC8  }
0x4a: {  	[sflag:s9] =	ssyncset.done $0x0  }
0x4b: {  	[sflag:s9] =	ssyncadd.s32 $0xFFFFFF38  }
0x4c: {  	[tilespmem:s13], [sflag:$0x2] =	stream.indirect.gather [hbm4b:s3+s10], $0x80, s12, s10, $0xb8;
	[tilespmem:$0xCA00] =	vst v63  }
0x4d: {  	_ =	swait.ge [sflag:s14], $0x6400  }
0x4e: {  	[sflag:s14] =	ssyncset.done $0x0  }
0x4f: {  	[sflag:s14] =	ssyncadd.s32 $0xFFFF9C00  }
0x50: {  	[hbm4b:s18+s2] =	stream.linear.scatter [tilespmem:s11], [sflag:$0x3], $0x6400, $0x38;
	[tilespmem:$0xCA00] =	vst v63  }
0x51: {  	_ =	swait.ge [sflag:s9], $0x6400  }
0x52: {  	[sflag:s9] =	ssyncset.done $0x0  }
0x53: {  	[sflag:s9] =	ssyncadd.s32 $0xFFFF9C00  }
0x54: {  	s16 =	sadd.s32 $0x1, s16;
	_ =	swait.ge [sflag:s15], $0x6400  }
0x55: {  	p0 =	sne.s32 s16, s4;
	[sflag:s15] =	ssyncset.done $0x0  }
.Ltmp1:
0x56: {  	[sflag:s15] =	ssyncadd.s32 $0xFFFF9C00;
	(pc) =	sbr.rel @p0 .LBB2_1-.Ltmp1, $4  }
0x57: {  	[hbm4b:s17+s2] =	stream.linear.scatter [tilespmem:s13], [sflag:$0x3], $0x6400, $0x38;
	[tilespmem:$0xCA00] =	vst v63  }
0x58: {  	_ =	swait.ge [sflag:s9], $0x6400  }
0x59: {  	[sflag:s9] =	ssyncset.done $0x0  }
0x5a: {  	[sflag:s9] =	ssyncadd.s32 $0xFFFF9C00  }
0x5b: {  	_ =	sfence.sel $0x180000  }
0x5c: {  	[bflag:$0x0] =	sbarrier.arrive $0xFFFF  }
0x5d: {  	p0 =	sne.s32 s1, $0x0;
	_ =	strace $0x9000005C  }
0x5e: {  	s0 =	sadd.s32 @!p0 $0x100000, s0;
	[bflag:$0x2] =	sbarrier.arrive $0xFFFF  }
0x5f: {  	[sflag:s0] =	ssyncadd.tile.s32 @!p0 $0x1;
	_ =	shalt  }
.Lfunc_end2:
_tile_overlayer_lowered:
.L_overlay_start_2:
0x60: {  	(tag) =	ssettag $0x2  }
0x61: {  	s0 =	rddreg [dreg:$0x0];
	s2 =	stileid.u32  }
0x62: {  	s1 =	rddreg [dreg:$0x1];
	p0 =	sne.s32 s2, $0x0  }
0x63: {  	s3 =	rddreg [dreg:$0x2];
	[bflag:$0x3] =	sbarrier.arrive $0xFFFF;
	s2 =	simm.s32 @!p0 $0x1C03  }
0x64: {  	[timem:s3], [sflag:s2] =	dma.local @!p0 [hbm:s0], s1  }
0x65: {  	s0 =	simm.s32 @!p0 $0x3  }
0x66: {  	_ =	swait.ge @!p0 [sflag:s0], s1  }
0x67: {  	s1 =	ssub.s32 @!p0 $0x0, s1;
	[sflag:s0] =	ssyncset.done @!p0 $0x0  }
0x68: {  	[sflag:s0] =	ssyncadd.s32 @!p0 s1  }
0x69: {  	[bflag:$0x3] =	sbarrier.arrive $0xFFFF  }
0x6a: {  	_ =	shalt  }

// kernel: kernel.55.cloned.1.call-start
scs
__scs_entry_jumppad:
0x0: {  	(pc) =	sbr.rel $0x88, $3  }
0x1: {  	(tag) =	ssettag $0x0;
	lr =	simm.s32 $0x1  }
0x2: {  	[smem:$0x3F83] =	sst lr;
	_ =	strace $0xD0000000  }
0x3: {  	_ = 	snop  }
0x4: {  	_ = 	snop  }
0x5: {  	_ = 	snop  }
0x6: {  	_ = 	snop  }
0x7: {  	_ = 	snop  }
__scs_overlays_trampoline_lowered:
0x8: {  	[smem:$0x3F92] =	sst s0  }
0x9: {  	[smem:$0x3F93] =	sst s1  }
0xa: {  	[smem:$0x3F94] =	sst s2  }
0xb: {  	[smem:$0x3F95] =	sst s3  }
0xc: {  	[smem:$0x3F96] =	sst s4  }
0xd: {  	[smem:$0x3F97] =	sst s5  }
0xe: {  	[smem:$0x3F98] =	sst s6  }
0xf: {  	[smem:$0x3F99] =	sst s7  }
0x10: {  	[smem:$0x3F9A] =	sst s8  }
0x11: {  	[smem:$0x3F9B] =	sst s9;
	s0 =	simm.s32 @!p0 $0x0  }
0x12: {  	s1 =	sld [smem:$0x3F81];
	s0 =	simm.s32 @p0 $0x1  }
0x13: {  	[smem:$0x3F9C] =	sst s0;
	s0 =	simm.s32 @!p1 $0x0  }
0x14: {  	s2 =	sld [smem:$0x3F80];
	s0 =	simm.s32 @p1 $0x1  }
0x15: {  	[smem:$0x3F9D] =	sst s0;
	s0 =	simm.s32 @!p2 $0x0  }
0x16: {  	s3 =	sld [smem:$0x3FDB];
	s0 =	simm.s32 @p2 $0x1  }
0x17: {  	s4 =	simm.s32 $0x1BF5;
	[smem:$0x3F9F] =	sst s0  }
0x18: {  	s0 =	sld [smem:$0x3F82];
	_ =	swait.ge [sflag:s4], $0x0  }
0x19: {  	s7 =	sld [smem:$0x3F83]  }
0x1a: {  	s8 =	sadd.s32 $0xFFFFE003, lr  }
0x1b: {  	s9 =	sadd.s32 $0xFFFFFEF7, lr;
	s5 =	simm.s32 $0xFFFFFFFF;
	p2 =	slt.u32 s8, $0xFFFFF086  }
0x1c: {  	p1 =	slt.u32 s9, $0xF7A;
	s5 =	simm.s32 @!p2 $0x0  }
0x1d: {  	s5 =	simm.s32 @p1 $0x1;
	p0 =	seq.s32 s7, s2  }
0x1e: {  	s7 =	smul.u32 @!p0 $0xF7A, s2;
	p2 =	seq.s32 @!p0 s5, $0x0  }
0x1f: {  	s9 =	smul.u32 $0xF7A, s1;
	s8 =	simm.s32 @!p0 $0x1BF5;
	p2 =	por !p2, p0  }
0x20: {  	[sflag:s8] =	ssyncset.s32 @!p0 $0xFFFFF086;
	s6 =	sadd.s32 @!p0 s3, s7;
	s7 =	simm.s32 @!p0 $0x108  }
0x21: {  	s3 =	sadd.s32 s3, s9;
	s6 =	sadd.s32 @!p0 $0x88, s6;
	s7 =	simm.s32 @p2 $0x1082  }
0x22: {  	[simem:s7], [sflag:s8] =	dma.local @!p0 [hbm:s6], $0xF7A  }
0x23: {  	s9 =	sor.u32 $0xD0000000, s2;
	s6 =	simm.s32 $0x108;
	_ =	swait.ge @!p0 [sflag:s8], $0x0  }
0x24: {  	s3 =	sadd.s32 $0x88, s3;
	s6 =	simm.s32 @!p1 $0x1082;
	[sflag:s4] =	ssyncset.s32 $0xFFFFF086  }
0x25: {  	[simem:s6], [sflag:s4] =	dma.local [hbm:s3], $0xF7A  }
0x26: {  	[smem:$0x3F83] =	sst s1;
	(tag) =	ssettag s2;
	_ =	strace s9  }
0x27: {  	s1 =	sld [smem:$0x3F93]  }
0x28: {  	s2 =	sld [smem:$0x3F94]  }
0x29: {  	s4 =	sld [smem:$0x3F96]  }
0x2a: {  	p0 =	seq.s32 s5, $0x0;
	s5 =	sld [smem:$0x3F97]  }
0x2b: {  	s6 =	sld [smem:$0x3F98]  }
0x2c: {  	s7 =	sld [smem:$0x3F99]  }
0x2d: {  	s3 =	simm.s32 $0x108;
	s8 =	sld [smem:$0x3F9A]  }
0x2e: {  	s3 =	simm.s32 @!p0 $0x1082;
	s9 =	sld [smem:$0x3F9B]  }
0x2f: {  	lr =	sadd.s32 s0, s3;
	s0 =	sld [smem:$0x3F92]  }
0x30: {  	s3 =	sld [smem:$0x3F95]  }
0x31: {  	[smem:$0x3F9E] =	sst s10  }
0x32: {  	s10 =	sld [smem:$0x3F9C];
	_ =	sdelay $0x3  }
0x33: {  	p0 =	seq.s32 s10, $0x1;
	s10 =	sld [smem:$0x3F9E];
	_ =	sdelay $0x3  }
0x34: {  	[smem:$0x3F9E] =	sst s10  }
0x35: {  	s10 =	sld [smem:$0x3F9D];
	_ =	sdelay $0x3  }
0x36: {  	p1 =	seq.s32 s10, $0x1;
	s10 =	sld [smem:$0x3F9E];
	_ =	sdelay $0x3  }
0x37: {  	[smem:$0x3F9E] =	sst s10  }
0x38: {  	s10 =	sld [smem:$0x3F9F]  }
0x39: {  	_ = 	snop;
	(pc) =	sbr.ind lr, $3  }
0x3a: {  	_ = 	snop  }
0x3b: {  	_ = 	snop  }
0x3c: {  	p2 =	seq.s32 s10, $0x1;
	s10 =	sld [smem:$0x3F9E]  }
0x3d: {  	_ =	shalt  }
0x3e: {  	_ =	shalt  }
0x3f: {  	_ =	shalt  }
0x40: {  	_ =	shalt  }
0x41: {  	_ =	shalt  }
0x42: {  	_ =	shalt  }
0x43: {  	_ =	shalt  }
0x44: {  	_ =	shalt  }
0x45: {  	_ =	shalt  }
0x46: {  	_ =	shalt  }
0x47: {  	_ =	shalt  }
0x48: {  	_ =	shalt  }
0x49: {  	_ =	shalt  }
0x4a: {  	_ =	shalt  }
0x4b: {  	_ =	shalt  }
0x4c: {  	_ =	shalt  }
0x4d: {  	_ =	shalt  }
0x4e: {  	_ =	shalt  }
0x4f: {  	_ =	shalt  }
0x50: {  	_ =	shalt  }
0x51: {  	_ =	shalt  }
0x52: {  	_ =	shalt  }
0x53: {  	_ =	shalt  }
0x54: {  	_ =	shalt  }
0x55: {  	_ =	shalt  }
0x56: {  	_ =	shalt  }
0x57: {  	_ =	shalt  }
0x58: {  	_ =	shalt  }
0x59: {  	_ =	shalt  }
0x5a: {  	_ =	shalt  }
0x5b: {  	_ =	shalt  }
0x5c: {  	_ =	shalt  }
0x5d: {  	_ =	shalt  }
0x5e: {  	_ =	shalt  }
0x5f: {  	_ =	shalt  }
0x60: {  	_ =	shalt  }
0x61: {  	_ =	shalt  }
0x62: {  	_ =	shalt  }
0x63: {  	_ =	shalt  }
0x64: {  	_ =	shalt  }
0x65: {  	_ =	shalt  }
0x66: {  	_ =	shalt  }
0x67: {  	_ =	shalt  }
0x68: {  	_ =	shalt  }
0x69: {  	_ =	shalt  }
0x6a: {  	_ =	shalt  }
0x6b: {  	_ =	shalt  }
0x6c: {  	_ =	shalt  }
0x6d: {  	_ =	shalt  }
0x6e: {  	_ =	shalt  }
0x6f: {  	_ =	shalt  }
0x70: {  	_ =	shalt  }
0x71: {  	_ =	shalt  }
0x72: {  	_ =	shalt  }
0x73: {  	_ =	shalt  }
0x74: {  	_ =	shalt  }
0x75: {  	_ =	shalt  }
0x76: {  	_ =	shalt  }
0x77: {  	_ =	shalt  }
0x78: {  	_ =	shalt  }
0x79: {  	_ =	shalt  }
0x7a: {  	_ =	shalt  }
0x7b: {  	_ =	shalt  }
0x7c: {  	_ =	shalt  }
0x7d: {  	_ =	shalt  }
0x7e: {  	_ =	shalt  }
0x7f: {  	_ =	shalt  }
0x80: {  	_ =	shalt  }
0x81: {  	_ =	shalt  }
0x82: {  	_ =	shalt  }
0x83: {  	_ =	shalt  }
0x84: {  	_ =	shalt  }
0x85: {  	_ =	shalt  }
0x86: {  	_ =	shalt  }
0x87: {  	_ =	shalt  }
.Lfunc_end0:
.L_simem_size_0:
called_computation.8_lowered:
.L_overlay_start_0:
0x88: {  	s2 =	sld [smem:$0x3FD9]  }
0x89: {  	s3 =	sld [smem:$0x3FFE];
	_ =	sdelay $0x1  }
0x8a: {  	s1 =	srdreg.scid  }
0x8b: {  	s0 =	sand.u32 $0x1, s1  }
0x8c: {  	s16 =	sshll.u32 s0, $0xA;
	s2 =	sadd.s32 s3, s2  }
0x8d: {  	s2 =	sadd.s32 s2, s16  }
0x8e: {  	[smem:$0x3FAA] =	sst s2  }
0x8f: {  	_ = 	snop  }
0x90: {  	(tm) =	ssettm $0x1  }
0x91: {  	s17 =	sld [smem:$0x3FFB];
	_ =	sdelay $0x3  }
0x92: {  	_ =	strace s17  }
0x93: {  	s2 =	sld [smem:$0x3FFC];
	_ =	sdelay $0x3  }
0x94: {  	_ =	strace s2  }
0x95: {  	s2 =	sld [smem:$0x3FFD];
	_ =	sdelay $0x3  }
0x96: {  	_ =	strace s2  }
0x97: {  	_ =	strace $0x8FFFFFFF  }
0x98: {  	s18 =	sld [smem:$0x3FDB];
	_ =	sdelay $0x1  }
0x99: {  	s19 =	simm.s32 $_scs_section_size  }
0x9a: {  	s4 =	simm.s32 $_size__tile_overlayer_lowered;
	s5 =	simm.s32 $_tile_overlayer_lowered  }
0x9b: {  	s22 =	simm.s32 $0x1BFF;
	s21 =	sshll.u32 s5, $0x1;
	s2 =	sadd.s32 s19, s18  }
0x9c: {  	s6 =	simm.s32 $0x0;
	s20 =	sshll.u32 s4, $0x1;
	s4 =	sadd.s32 s21, s2  }
0x9d: {  	[timem:s6], [sflag:s22] =	dma.local [hbm:s4], s20  }
0x9e: {  	_ =	swait.ge [sflag:s22], s20  }
0x9f: {  	s3 =	ssub.s32 $0x0, s20;
	[sflag:s22] =	ssyncset.done $0x0  }
0xa0: {  	[sflag:s22] =	ssyncadd.s32 s3;
	_ =	sdelay $0x1  }
0xa1: {  	s23 =	simm.s32 $0x1B8B  }
0xa2: {  	_ =	swait.ge [sflag:s23], $0x1  }
0xa3: {  	[sflag:s23] =	ssyncset.done $0x0  }
0xa4: {  	s25 =	simm.s32 $0x1B8E;
	s24 =	sld [smem:$0x3FFE];
	[sflag:s23] =	ssyncadd.s32 $0xFFFFFFFF  }
0xa5: {  	s26 =	simm.s32 $execute0_lowered;
	[smem:$0x3FD2] =	sst s25  }
0xa6: {  	s4 =	sshll.u32 s26, $0x1;
	_ =	strace $0x8000005E;
	[dreg:$0x1] =	wrdreg $0xFFFFFFFF  }
0xa7: {  	s28 =	simm.s32 $_size_execute0_lowered;
	s2 =	sadd.s32 s2, s4;
	[dreg:$0x0] =	wrdreg $0x0  }
0xa8: {  	s4 =	sshll.u32 s28, $0x1;
	[dreg:$0x2] =	wrdreg s2  }
0xa9: {  	[dreg:$0x3] =	wrdreg s4  }
0xaa: {  	[dreg:$0x4] =	wrdreg $0xC0  }
0xab: {  	_ =	task [dreg:s6], $0x5FFFF  }
0xac: {  	[dreg:$0x1] =	wrdreg $0xFFFFFFFF  }
0xad: {  	[dreg:$0x0] =	wrdreg $0x60  }
0xae: {  	[dreg:$0x2] =	wrdreg s24  }
0xaf: {  	[dreg:$0x3] =	wrdreg $0x9  }
0xb0: {  	_ =	task.clear_ibuf [dreg:s6], $0x4FFFF;
	_ =	strace $0x9000005E  }
0xb1: {  	s29 =	simm.s32 $0x9;
	_ =	strace $0x80000060  }
0xb2: {  	_ =	swait.ge [sflag:s29], $0x1  }
0xb3: {  	[sflag:s29] =	ssyncadd.s32 $0xFFFFFFFF  }
0xb4: {  	_ =	strace $0x90000060  }
0xb5: {  	_ =	sfence  }
0xb6: {  	s30 =	sld [smem:$0x0];
	_ =	sdelay $0x2  }
0xb7: {  	s31 =	sshll.u32 s1, $0xD;
	s1 =	sshrl.u32 s1, $0x2  }
0xb8: {  	s3 =	sand.u32 $0x4000, s31;
	s1 =	sadd.s32 s1, s30  }
0xb9: {  	s0 =	sor.u32 s3, s0;
	s1 =	sshll.u32 s1, $0x11  }
0xba: {  	s0 =	sor.u32 s1, s0  }
0xbb: {  	s0 =	sadd.s32 $0x8F2B, s0  }
0xbc: {  	[sflag:s0] =	ssyncadd.remote.s32 $0x1  }
0xbd: {  	_ =	sfence.sel $0xFFFF  }
0xbe: {  	[dreg:$0x0] =	wrdreg $0xFFFFFFFF;
	(pc) =	sbr.abs _section_cstart, $3  }
0xbf: {  	[dreg:$0x1] =	wrdreg $0xFFFFFFFF  }
0xc0: {  	_ =	task.clear_ibuf [dreg:s6], $0x2FFFF;
	_ =	strace $0x9FFFFFFF  }
0xc1: {  	(tm) =	ssettm $0x7FFFFFFF  }
tec
execute0_lowered:
.L_overlay_start_1:
0x0: {  	(tag) =	ssettag $0x1  }
0x1: {  	s6 =	rddreg [dreg:$0x0]  }
0x2: {  	s0 =	rddreg [dreg:$0x1];
	s3 =	srdreg.scid  }
0x3: {  	s1 =	stileid.u32;
	s2 =	simm.s32 $0x0;
	s12 =	simm.s32 $0x2780  }
0x4: {  	s13 =	simm.s32 $0x4E90;
	s14 =	simm.s32 $0x75A0;
	s15 =	simm.s32 $0x9CB0  }
0x5: {  	s16 =	simm.s32 $0xC400;
	s3 =	sand.u32 $0x1, s3;
	s4 =	sshll.u32 s1, $0x1  }
0x6: {  	s17 =	simm.s32 $0x0;
	[smem:$0x7FF] =	sst s2;
	s4 =	sor.u32 s3, s4  }
0x7: {  	s5 =	sadd.s32 $0xA1A400, s6;
	s8 =	ssub.s32 $0x2, s3;
	s7 =	smul.u32 $0x13C0, s4  }
0x8: {  	_ =	strace $0x8000005F;
	s9 =	sshrl.u32 s8, $0x1;
	s4 =	smul.u32 $0x138800, s4  }
0x9: {  	s3 =	sadd.s32 $0x1B600, s6;
	s11 =	ssub.s32 s8, s9;
	s10 =	sadd.s32 s7, s6  }
0xa: {  	s6 =	sadd.s32 $0x4E200, s4;
	s7 =	sadd.s32 $0x9C400, s4;
	s8 =	sadd.s32 $0xEA600, s4  }
0xb: {  	v0 =	vimm.f32 $0.0e+00;
	s9 =	sadd.s32 $0xA26A00, s10;
	s10 =	smax.u32 s11, $0x1;
	s11 =	simm.s32 $0x1  }
.LBB2_1:
0xc: {  	s18 =	simm.s32 $0x40;
	s19 =	simm.s32 $0x0  }
.LBB2_2:
0xd: {  	p0 =	sne.s32 s18, $0x277C0;
	[tilespmem:s19+$0xC400] =	vst v0;
	s19 =	smov.u32 s18;
	s18 =	sadd.s32 $0x40, s18  }
.Ltmp0:
0xe: {  	(pc) =	sbr.rel @p0 .LBB2_2-.Ltmp0, $2  }
0xf: {  	_ =	sdelay $0x2  }
0x10: {  	s19 =	sshra.s32 s19, $0x2  }
0x11: {  	[tilespmem:s19+$0xC400] =	vst v0;
	s18 =	simm.s32 $0x0;
	s19 =	simm.s32 $0x0  }
.LBB2_4:
0x12: {  	s20 =	smul.u32 $0x2710, s19;
	_ =	sdelay $0x1  }
0x13: {  	s21 =	sshrl.u32 s20, $0x3  }
0x14: {  	s21 =	sadd.s32 s5, s21  }
0x15: {  	[tilespmem:s18], [sflag:$0x1] =	stream.linear.gather [hbm4b:s21+s18], $0x2710, $0x38;
	[tilespmem:$0x16200] =	vst v63  }
0x16: {  	s29 =	sadd.s32 s4, s20;
	_ =	swait.ge [sflag:s11], $0x2710  }
0x17: {  	s21 =	sshrl.u32 s29, $0x3;
	[sflag:s11] =	ssyncset.done $0x0  }
0x18: {  	s21 =	sadd.s32 s3, s21;
	[sflag:s11] =	ssyncadd.s32 $0xFFFFD8F0  }
0x19: {  	[tilespmem:s12], [sflag:$0x1] =	stream.linear.gather [hbm4b:s21+s18], $0x2710, $0x38;
	[tilespmem:$0x16200] =	vst v63  }
0x1a: {  	s30 =	sadd.s32 s6, s20;
	_ =	swait.ge [sflag:s11], $0x2710  }
0x1b: {  	s21 =	sshrl.u32 s30, $0x3;
	[sflag:s11] =	ssyncset.done $0x0  }
0x1c: {  	s21 =	sadd.s32 s3, s21;
	[sflag:s11] =	ssyncadd.s32 $0xFFFFD8F0  }
0x1d: {  	[tilespmem:s13], [sflag:$0x1] =	stream.linear.gather [hbm4b:s21+s18], $0x2710, $0x38;
	[tilespmem:$0x16200] =	vst v63  }
0x1e: {  	s31 =	sadd.s32 s7, s20;
	_ =	swait.ge [sflag:s11], $0x2710  }
0x1f: {  	s21 =	sshrl.u32 s31, $0x3;
	[sflag:s11] =	ssyncset.done $0x0  }
0x20: {  	s21 =	sadd.s32 s3, s21;
	[sflag:s11] =	ssyncadd.s32 $0xFFFFD8F0  }
0x21: {  	[tilespmem:s14], [sflag:$0x1] =	stream.linear.gather [hbm4b:s21+s18], $0x2710, $0x38;
	[tilespmem:$0x16200] =	vst v63  }
0x22: {  	s20 =	sadd.s32 s8, s20;
	_ =	swait.ge [sflag:s11], $0x2710  }
0x23: {  	s20 =	sshrl.u32 s20, $0x3;
	[sflag:s11] =	ssyncset.done $0x0  }
0x24: {  	s20 =	sadd.s32 s3, s20;
	[sflag:s11] =	ssyncadd.s32 $0xFFFFD8F0  }
0x25: {  	[tilespmem:s15], [sflag:$0x1] =	stream.linear.gather [hbm4b:s20+s18], $0x2710, $0x38;
	[tilespmem:$0x16200] =	vst v63  }
0x26: {  	_ =	swait.ge [sflag:s11], $0x2710  }
0x27: {  	[sflag:s11] =	ssyncset.done $0x0  }
0x28: {  	s21 =	simm.s32 $0x40;
	s20 =	simm.s32 $0x0;
	[sflag:s11] =	ssyncadd.s32 $0xFFFFD8F0  }
.LBB2_5:
0x29: {  	p0 =	sne.s32 s21, $0x9C00;
	v1 =	vld [tilespmem:s20+$0x0]  }
0x2a: {  	v2 =	vld [tilespmem:s20+$0x2780];
	_ =	sdelay $0x6  }
0x2b: {  	[tilespmem:v1+s16+$0x0] =	vst.idx.add.f32.msk $0xffff, v2  }
0x2c: {  	v3 =	vadd.s32 $0x2780, v1;
	v2 =	vld [tilespmem:s20+$0x4E90];
	_ =	sdelay $0x4  }
0x2d: {  	[tilespmem:v3+s16+$0x0] =	vst.idx.add.f32.msk $0xffff, v2  }
0x2e: {  	v3 =	vadd.s32 $0x4F00, v1;
	v2 =	vld [tilespmem:s20+$0x75A0];
	_ =	sdelay $0x4  }
0x2f: {  	[tilespmem:v3+s16+$0x0] =	vst.idx.add.f32.msk $0xffff, v2  }
0x30: {  	v1 =	vadd.s32 $0x7680, v1;
	v2 =	vld [tilespmem:s20+$0x9CB0]  }
.Ltmp1:
0x31: {  	(pc) =	sbr.rel @p0 .LBB2_5-.Ltmp1, $2  }
0x32: {  	_ =	sdelay $0x2  }
0x33: {  	s20 =	sshra.s32 s21, $0x2;
	s21 =	sadd.s32 $0x40, s21;
	[tilespmem:v1+s16+$0x0] =	vst.idx.add.f32.msk $0xffff, v2  }
0x34: {  	v1 =	vld [tilespmem:s20+$0x0];
	_ =	sdelay $0x2  }
0x35: {  	v2 =	vld [tilespmem:s20+$0x2780];
	_ =	sdelay $0x4  }
0x36: {  	[tilespmem:v1+s16+$0x0] =	vst.idx.add.f32.msk $0xffff, v2  }
0x37: {  	v3 =	vadd.s32 $0x2780, v1;
	v2 =	vld [tilespmem:s20+$0x4E90];
	_ =	sdelay $0x4  }
0x38: {  	[tilespmem:v3+s16+$0x0] =	vst.idx.add.f32.msk $0xffff, v2  }
0x39: {  	v3 =	vadd.s32 $0x4F00, v1;
	v2 =	vld [tilespmem:s20+$0x75A0];
	_ =	sdelay $0x4  }
0x3a: {  	s19 =	sadd.s32 $0x1, s19;
	[tilespmem:v3+s16+$0x0] =	vst.idx.add.f32.msk $0xffff, v2  }
0x3b: {  	p0 =	sne.s32 s19, $0x20;
	v1 =	vadd.s32 $0x7680, v1;
	v2 =	vld [tilespmem:s20+$0x9CB0]  }
.Ltmp2:
0x3c: {  	_ = 	snop;
	(pc) =	sbr.rel @p0 .LBB2_4-.Ltmp2, $2  }
0x3d: {  	_ =	sdelay $0x2  }
0x3e: {  	[tilespmem:v1+s16+$0x0] =	vst.idx.add.f32.msk $0xffff, v2  }
0x3f: {  	s17 =	sadd.s32 $0x1, s17  }
0x40: {  	p0 =	sne.s32 s17, s10  }
.Ltmp3:
0x41: {  	_ = 	snop;
	(pc) =	sbr.rel @p0 .LBB2_1-.Ltmp3, $4  }
0x42: {  	[hbm4b:s9+s2] =	stream.linear.scatter [tilespmem:s16], [sflag:$0x1], $0x9E00, $0x38;
	[tilespmem:$0x16200] =	vst v63  }
0x43: {  	_ =	swait.ge [sflag:s11], $0x9E00  }
0x44: {  	[sflag:s11] =	ssyncset.done $0x0  }
0x45: {  	[sflag:s11] =	ssyncadd.s32 $0xFFFF6200  }
0x46: {  	_ =	sfence.sel $0x180000  }
0x47: {  	[bflag:$0x0] =	sbarrier.arrive $0xFFFF  }
0x48: {  	p0 =	sne.s32 s1, $0x0;
	_ =	strace $0x9000005F  }
0x49: {  	s0 =	sadd.s32 @!p0 $0x100000, s0;
	[bflag:$0x2] =	sbarrier.arrive $0xFFFF  }
0x4a: {  	[sflag:s0] =	ssyncadd.tile.s32 @!p0 $0x1;
	_ =	shalt  }
.Lfunc_end2:
_tile_overlayer_lowered:
.L_overlay_start_2:
0x4b: {  	(tag) =	ssettag $0x2  }
0x4c: {  	s0 =	rddreg [dreg:$0x0];
	s2 =	stileid.u32  }
0x4d: {  	s1 =	rddreg [dreg:$0x1];
	p0 =	sne.s32 s2, $0x0  }
0x4e: {  	s3 =	rddreg [dreg:$0x2];
	[bflag:$0x3] =	sbarrier.arrive $0xFFFF;
	s2 =	simm.s32 @!p0 $0x1C01  }
0x4f: {  	[timem:s3], [sflag:s2] =	dma.local @!p0 [hbm:s0], s1  }
0x50: {  	s0 =	simm.s32 @!p0 $0x1  }
0x51: {  	_ =	swait.ge @!p0 [sflag:s0], s1  }
0x52: {  	s1 =	ssub.s32 @!p0 $0x0, s1;
	[sflag:s0] =	ssyncset.done @!p0 $0x0  }
0x53: {  	[sflag:s0] =	ssyncadd.s32 @!p0 s1  }
0x54: {  	[bflag:$0x3] =	sbarrier.arrive $0xFFFF  }
0x55: {  	_ =	shalt  }

// kernel: kernel.58.cloned.1.call-start
scs
__scs_entry_jumppad:
0x0: {  	(pc) =	sbr.rel $0x88, $3  }
0x1: {  	(tag) =	ssettag $0x0;
	lr =	simm.s32 $0x1  }
0x2: {  	[smem:$0x3F83] =	sst lr;
	_ =	strace $0xD0000000  }
0x3: {  	_ = 	snop  }
0x4: {  	_ = 	snop  }
0x5: {  	_ = 	snop  }
0x6: {  	_ = 	snop  }
0x7: {  	_ = 	snop  }
__scs_overlays_trampoline_lowered:
0x8: {  	[smem:$0x3F92] =	sst s0  }
0x9: {  	[smem:$0x3F93] =	sst s1  }
0xa: {  	[smem:$0x3F94] =	sst s2  }
0xb: {  	[smem:$0x3F95] =	sst s3  }
0xc: {  	[smem:$0x3F96] =	sst s4  }
0xd: {  	[smem:$0x3F97] =	sst s5  }
0xe: {  	[smem:$0x3F98] =	sst s6  }
0xf: {  	[smem:$0x3F99] =	sst s7  }
0x10: {  	[smem:$0x3F9A] =	sst s8  }
0x11: {  	[smem:$0x3F9B] =	sst s9;
	s0 =	simm.s32 @!p0 $0x0  }
0x12: {  	s1 =	sld [smem:$0x3F81];
	s0 =	simm.s32 @p0 $0x1  }
0x13: {  	[smem:$0x3F9C] =	sst s0;
	s0 =	simm.s32 @!p1 $0x0  }
0x14: {  	s2 =	sld [smem:$0x3F80];
	s0 =	simm.s32 @p1 $0x1  }
0x15: {  	[smem:$0x3F9D] =	sst s0;
	s0 =	simm.s32 @!p2 $0x0  }
0x16: {  	s3 =	sld [smem:$0x3FDB];
	s0 =	simm.s32 @p2 $0x1  }
0x17: {  	s4 =	simm.s32 $0x1BF5;
	[smem:$0x3F9F] =	sst s0  }
0x18: {  	s0 =	sld [smem:$0x3F82];
	_ =	swait.ge [sflag:s4], $0x0  }
0x19: {  	s7 =	sld [smem:$0x3F83]  }
0x1a: {  	s8 =	sadd.s32 $0xFFFFE003, lr  }
0x1b: {  	s9 =	sadd.s32 $0xFFFFFEF7, lr;
	s5 =	simm.s32 $0xFFFFFFFF;
	p2 =	slt.u32 s8, $0xFFFFF086  }
0x1c: {  	p1 =	slt.u32 s9, $0xF7A;
	s5 =	simm.s32 @!p2 $0x0  }
0x1d: {  	s5 =	simm.s32 @p1 $0x1;
	p0 =	seq.s32 s7, s2  }
0x1e: {  	s7 =	smul.u32 @!p0 $0xF7A, s2;
	p2 =	seq.s32 @!p0 s5, $0x0  }
0x1f: {  	s9 =	smul.u32 $0xF7A, s1;
	s8 =	simm.s32 @!p0 $0x1BF5;
	p2 =	por !p2, p0  }
0x20: {  	[sflag:s8] =	ssyncset.s32 @!p0 $0xFFFFF086;
	s6 =	sadd.s32 @!p0 s3, s7;
	s7 =	simm.s32 @!p0 $0x108  }
0x21: {  	s3 =	sadd.s32 s3, s9;
	s6 =	sadd.s32 @!p0 $0x88, s6;
	s7 =	simm.s32 @p2 $0x1082  }
0x22: {  	[simem:s7], [sflag:s8] =	dma.local @!p0 [hbm:s6], $0xF7A  }
0x23: {  	s9 =	sor.u32 $0xD0000000, s2;
	s6 =	simm.s32 $0x108;
	_ =	swait.ge @!p0 [sflag:s8], $0x0  }
0x24: {  	s3 =	sadd.s32 $0x88, s3;
	s6 =	simm.s32 @!p1 $0x1082;
	[sflag:s4] =	ssyncset.s32 $0xFFFFF086  }
0x25: {  	[simem:s6], [sflag:s4] =	dma.local [hbm:s3], $0xF7A  }
0x26: {  	[smem:$0x3F83] =	sst s1;
	(tag) =	ssettag s2;
	_ =	strace s9  }
0x27: {  	s1 =	sld [smem:$0x3F93]  }
0x28: {  	s2 =	sld [smem:$0x3F94]  }
0x29: {  	s4 =	sld [smem:$0x3F96]  }
0x2a: {  	p0 =	seq.s32 s5, $0x0;
	s5 =	sld [smem:$0x3F97]  }
0x2b: {  	s6 =	sld [smem:$0x3F98]  }
0x2c: {  	s7 =	sld [smem:$0x3F99]  }
0x2d: {  	s3 =	simm.s32 $0x108;
	s8 =	sld [smem:$0x3F9A]  }
0x2e: {  	s3 =	simm.s32 @!p0 $0x1082;
	s9 =	sld [smem:$0x3F9B]  }
0x2f: {  	lr =	sadd.s32 s0, s3;
	s0 =	sld [smem:$0x3F92]  }
0x30: {  	s3 =	sld [smem:$0x3F95]  }
0x31: {  	[smem:$0x3F9E] =	sst s10  }
0x32: {  	s10 =	sld [smem:$0x3F9C];
	_ =	sdelay $0x3  }
0x33: {  	p0 =	seq.s32 s10, $0x1;
	s10 =	sld [smem:$0x3F9E];
	_ =	sdelay $0x3  }
0x34: {  	[smem:$0x3F9E] =	sst s10  }
0x35: {  	s10 =	sld [smem:$0x3F9D];
	_ =	sdelay $0x3  }
0x36: {  	p1 =	seq.s32 s10, $0x1;
	s10 =	sld [smem:$0x3F9E];
	_ =	sdelay $0x3  }
0x37: {  	[smem:$0x3F9E] =	sst s10  }
0x38: {  	s10 =	sld [smem:$0x3F9F]  }
0x39: {  	_ = 	snop;
	(pc) =	sbr.ind lr, $3  }
0x3a: {  	_ = 	snop  }
0x3b: {  	_ = 	snop  }
0x3c: {  	p2 =	seq.s32 s10, $0x1;
	s10 =	sld [smem:$0x3F9E]  }
0x3d: {  	_ =	shalt  }
0x3e: {  	_ =	shalt  }
0x3f: {  	_ =	shalt  }
0x40: {  	_ =	shalt  }
0x41: {  	_ =	shalt  }
0x42: {  	_ =	shalt  }
0x43: {  	_ =	shalt  }
0x44: {  	_ =	shalt  }
0x45: {  	_ =	shalt  }
0x46: {  	_ =	shalt  }
0x47: {  	_ =	shalt  }
0x48: {  	_ =	shalt  }
0x49: {  	_ =	shalt  }
0x4a: {  	_ =	shalt  }
0x4b: {  	_ =	shalt  }
0x4c: {  	_ =	shalt  }
0x4d: {  	_ =	shalt  }
0x4e: {  	_ =	shalt  }
0x4f: {  	_ =	shalt  }
0x50: {  	_ =	shalt  }
0x51: {  	_ =	shalt  }
0x52: {  	_ =	shalt  }
0x53: {  	_ =	shalt  }
0x54: {  	_ =	shalt  }
0x55: {  	_ =	shalt  }
0x56: {  	_ =	shalt  }
0x57: {  	_ =	shalt  }
0x58: {  	_ =	shalt  }
0x59: {  	_ =	shalt  }
0x5a: {  	_ =	shalt  }
0x5b: {  	_ =	shalt  }
0x5c: {  	_ =	shalt  }
0x5d: {  	_ =	shalt  }
0x5e: {  	_ =	shalt  }
0x5f: {  	_ =	shalt  }
0x60: {  	_ =	shalt  }
0x61: {  	_ =	shalt  }
0x62: {  	_ =	shalt  }
0x63: {  	_ =	shalt  }
0x64: {  	_ =	shalt  }
0x65: {  	_ =	shalt  }
0x66: {  	_ =	shalt  }
0x67: {  	_ =	shalt  }
0x68: {  	_ =	shalt  }
0x69: {  	_ =	shalt  }
0x6a: {  	_ =	shalt  }
0x6b: {  	_ =	shalt  }
0x6c: {  	_ =	shalt  }
0x6d: {  	_ =	shalt  }
0x6e: {  	_ =	shalt  }
0x6f: {  	_ =	shalt  }
0x70: {  	_ =	shalt  }
0x71: {  	_ =	shalt  }
0x72: {  	_ =	shalt  }
0x73: {  	_ =	shalt  }
0x74: {  	_ =	shalt  }
0x75: {  	_ =	shalt  }
0x76: {  	_ =	shalt  }
0x77: {  	_ =	shalt  }
0x78: {  	_ =	shalt  }
0x79: {  	_ =	shalt  }
0x7a: {  	_ =	shalt  }
0x7b: {  	_ =	shalt  }
0x7c: {  	_ =	shalt  }
0x7d: {  	_ =	shalt  }
0x7e: {  	_ =	shalt  }
0x7f: {  	_ =	shalt  }
0x80: {  	_ =	shalt  }
0x81: {  	_ =	shalt  }
0x82: {  	_ =	shalt  }
0x83: {  	_ =	shalt  }
0x84: {  	_ =	shalt  }
0x85: {  	_ =	shalt  }
0x86: {  	_ =	shalt  }
0x87: {  	_ =	shalt  }
.Lfunc_end0:
.L_simem_size_0:
called_computation.9_lowered:
.L_overlay_start_0:
0x88: {  	s2 =	sld [smem:$0x3FD9]  }
0x89: {  	s3 =	sld [smem:$0x3FFE];
	_ =	sdelay $0x1  }
0x8a: {  	s1 =	srdreg.scid  }
0x8b: {  	s0 =	sand.u32 $0x1, s1  }
0x8c: {  	s14 =	sshll.u32 s0, $0xA;
	s2 =	sadd.s32 s3, s2  }
0x8d: {  	s2 =	sadd.s32 s2, s14  }
0x8e: {  	[smem:$0x3FAA] =	sst s2  }
0x8f: {  	_ = 	snop  }
0x90: {  	s2 =	sld [smem:$0x3FD0];
	_ =	sdelay $0x2  }
0x91: {  	s15 =	simm.s32 $0xB;
	s4 =	simm.s32 $0x10  }
0x92: {  	[smem:s4], [sflag:s15] =	dma.local [hbm:s2], $0x1  }
0x93: {  	_ =	swait.eq [sflag:s15], $0x1  }
0x94: {  	[sflag:s15] =	ssyncset.done $0x0  }
0x95: {  	[sflag:s15] =	ssyncadd.s32 $0xFFFFFFFF  }
0x96: {  	s16 =	sld [smem:$0x10];
	(tm) =	ssettm $0x1  }
0x97: {  	s17 =	sld [smem:$0x3FFB];
	_ =	sdelay $0x3  }
0x98: {  	_ =	strace s17  }
0x99: {  	s3 =	sld [smem:$0x3FFC];
	_ =	sdelay $0x3  }
0x9a: {  	_ =	strace s3  }
0x9b: {  	s3 =	sld [smem:$0x3FFD];
	_ =	sdelay $0x3  }
0x9c: {  	_ =	strace s3  }
0x9d: {  	_ =	strace $0x8FFFFFFF  }
0x9e: {  	s18 =	sld [smem:$0x3FDB];
	_ =	sdelay $0x1  }
0x9f: {  	s19 =	simm.s32 $_scs_section_size  }
0xa0: {  	s5 =	simm.s32 $_size__tile_overlayer_lowered;
	s6 =	simm.s32 $_tile_overlayer_lowered  }
0xa1: {  	s22 =	simm.s32 $0x1BFF;
	s21 =	sshll.u32 s6, $0x1;
	s3 =	sadd.s32 s19, s18  }
0xa2: {  	s7 =	simm.s32 $0x0;
	s20 =	sshll.u32 s5, $0x1;
	s5 =	sadd.s32 s21, s3  }
0xa3: {  	[timem:s7], [sflag:s22] =	dma.local [hbm:s5], s20  }
0xa4: {  	_ =	swait.ge [sflag:s22], s20  }
0xa5: {  	s4 =	ssub.s32 $0x0, s20;
	[sflag:s22] =	ssyncset.done $0x0  }
0xa6: {  	[sflag:s22] =	ssyncadd.s32 s4;
	_ =	sdelay $0x1  }
0xa7: {  	s23 =	simm.s32 $0x1B8B  }
0xa8: {  	_ =	swait.ge [sflag:s23], $0x1  }
0xa9: {  	[sflag:s23] =	ssyncset.done $0x0  }
0xaa: {  	s25 =	simm.s32 $0x1B8E;
	s24 =	sld [smem:$0x3FFE];
	[sflag:s23] =	ssyncadd.s32 $0xFFFFFFFF  }
0xab: {  	s26 =	simm.s32 $execute0_lowered;
	[smem:$0x3FD2] =	sst s25  }
0xac: {  	s5 =	sshll.u32 s26, $0x1;
	_ =	strace $0x80000061;
	[dreg:$0x1] =	wrdreg $0xFFFFFFFF  }
0xad: {  	s28 =	simm.s32 $_size_execute0_lowered;
	s3 =	sadd.s32 s3, s5;
	[dreg:$0x0] =	wrdreg $0x0  }
0xae: {  	s5 =	sshll.u32 s28, $0x1;
	[dreg:$0x2] =	wrdreg s3  }
0xaf: {  	[dreg:$0x3] =	wrdreg s5  }
0xb0: {  	[dreg:$0x4] =	wrdreg $0xC0  }
0xb1: {  	_ =	task [dreg:s7], $0x5FFFF  }
0xb2: {  	[dreg:$0x1] =	wrdreg $0xFFFFFFFF  }
0xb3: {  	[dreg:$0x0] =	wrdreg $0x60  }
0xb4: {  	[dreg:$0x2] =	wrdreg s24  }
0xb5: {  	[dreg:$0x3] =	wrdreg s16  }
0xb6: {  	[dreg:$0x4] =	wrdreg $0x9  }
0xb7: {  	_ =	task.clear_ibuf [dreg:s7], $0x5FFFF;
	_ =	strace $0x90000061  }
0xb8: {  	s29 =	simm.s32 $0x9;
	_ =	strace $0x80000063  }
0xb9: {  	_ =	swait.ge [sflag:s29], $0x1  }
0xba: {  	[sflag:s29] =	ssyncadd.s32 $0xFFFFFFFF  }
0xbb: {  	_ =	strace $0x90000063  }
0xbc: {  	_ =	sfence  }
0xbd: {  	s30 =	sld [smem:$0x0];
	_ =	sdelay $0x2  }
0xbe: {  	s31 =	sshll.u32 s1, $0xD;
	s1 =	sshrl.u32 s1, $0x2  }
0xbf: {  	s3 =	sand.u32 $0x4000, s31;
	s1 =	sadd.s32 s1, s30  }
0xc0: {  	s0 =	sor.u32 s3, s0;
	s1 =	sshll.u32 s1, $0x11  }
0xc1: {  	s0 =	sor.u32 s1, s0  }
0xc2: {  	s0 =	sadd.s32 $0x8F2B, s0  }
0xc3: {  	[sflag:s0] =	ssyncadd.remote.s32 $0x1  }
0xc4: {  	_ =	sfence.sel $0xFFFF  }
0xc5: {  	[dreg:$0x0] =	wrdreg $0xFFFFFFFF;
	(pc) =	sbr.abs _section_cstart, $3  }
0xc6: {  	[dreg:$0x1] =	wrdreg $0xFFFFFFFF  }
0xc7: {  	_ =	task.clear_ibuf [dreg:s7], $0x2FFFF;
	_ =	strace $0x9FFFFFFF  }
0xc8: {  	(tm) =	ssettm $0x7FFFFFFF  }
0xc9: {  	_ =	shalt  }
tec
execute0_lowered:
.L_overlay_start_1:
0x0: {  	(tag) =	ssettag $0x1  }
0x1: {  	s4 =	rddreg [dreg:$0x0]  }
0x2: {  	s8 =	rddreg [dreg:$0x1]  }
0x3: {  	s0 =	rddreg [dreg:$0x2];
	s2 =	simm.s32 $0x0;
	s3 =	srdreg.scid  }
0x4: {  	s1 =	stileid.u32;
	s12 =	simm.s32 $0x100;
	s13 =	simm.s32 $0x6600  }
0x5: {  	s14 =	simm.s32 $0x1;
	s15 =	simm.s32 $0x2;
	s6 =	smul.u32 $0x4E20, s1  }
0x6: {  	s16 =	simm.s32 $0x0;
	s5 =	sand.u32 $0x1, s3;
	s9 =	smul.u32 $0x4E200, s1  }
0x7: {  	[smem:$0x7FF] =	sst s2;
	s3 =	sadd.s32 $0x9E9400, s4;
	s7 =	smul.u32 $0x2710, s5  }
0x8: {  	_ =	strace $0x80000062;
	s10 =	ssub.s32 $0x2, s5;
	s5 =	smul.u32 $0x27100, s5  }
0x9: {  	s29 =	sshrl.u32 s10, $0x1;
	s30 =	sadd.s32 s9, s4;
	s6 =	sadd.s32 s7, s6  }
0xa: {  	s9 =	simm.s32 $0x3;
	s7 =	ssub.s32 s10, s29;
	s11 =	sshrl.u32 s6, $0x3  }
0xb: {  	s10 =	simm.s32 $0xC8;
	s6 =	sadd.s32 s5, s30;
	s31 =	sadd.s32 s11, s4  }
0xc: {  	s4 =	smax.u32 s7, $0x1;
	s5 =	sadd.s32 $0x1B600, s6;
	s6 =	sadd.s32 $0xA26A00, s6  }
0xd: {  	s8 =	sadd.s32 s11, s8;
	s11 =	simm.s32 $0x200;
	s7 =	sadd.s32 $0x11800, s31  }
.LBB2_1:
0xe: {  	s17 =	sadd.s32 $0x0, s8  }
0xf: {  	[tilespmem:s2], [sflag:$0x3] =	stream.linear.gather [hbm4b:s17+s2], $0xC8, $0x38;
	[tilespmem:$0xCA00] =	vst v63  }
0x10: {  	_ =	swait.ge [sflag:s9], $0xC8  }
0x11: {  	[sflag:s9] =	ssyncset.done $0x0  }
0x12: {  	[sflag:s9] =	ssyncadd.s32 $0xFFFFFF38  }
0x13: {  	[tilespmem:s11], [sflag:$0x1] =	stream.indirect.gather [hbm4b:s3+s10], $0x80, s2, s10, $0xb8;
	[tilespmem:$0xCA00] =	vst v63  }
0x14: {  	s31 =	sadd.s32 $0x0, s7  }
0x15: {  	[tilespmem:s12], [sflag:$0x3] =	stream.linear.gather [hbm4b:s31+s2], $0xC8, $0x38;
	[tilespmem:$0xCA00] =	vst v63  }
0x16: {  	_ =	swait.ge [sflag:s9], $0xC8  }
0x17: {  	[sflag:s9] =	ssyncset.done $0x0  }
0x18: {  	[sflag:s9] =	ssyncadd.s32 $0xFFFFFF38  }
0x19: {  	[tilespmem:s13], [sflag:$0x2] =	stream.indirect.gather [hbm4b:s3+s10], $0x80, s12, s10, $0xb8;
	[tilespmem:$0xCA00] =	vst v63  }
0x1a: {  	_ =	swait.ge [sflag:s14], $0x6400  }
0x1b: {  	[sflag:s14] =	ssyncset.done $0x0  }
0x1c: {  	[sflag:s14] =	ssyncadd.s32 $0xFFFF9C00  }
0x1d: {  	[hbm4b:s5+s2] =	stream.linear.scatter [tilespmem:s11], [sflag:$0x3], $0x6400, $0x38;
	[tilespmem:$0xCA00] =	vst v63  }
0x1e: {  	_ =	swait.ge [sflag:s9], $0x6400  }
0x1f: {  	[sflag:s9] =	ssyncset.done $0x0  }
0x20: {  	[sflag:s9] =	ssyncadd.s32 $0xFFFF9C00  }
0x21: {  	_ =	swait.ge [sflag:s15], $0x6400  }
0x22: {  	[sflag:s15] =	ssyncset.done $0x0  }
0x23: {  	[sflag:s15] =	ssyncadd.s32 $0xFFFF9C00  }
0x24: {  	[hbm4b:s6+s2] =	stream.linear.scatter [tilespmem:s13], [sflag:$0x3], $0x6400, $0x38;
	[tilespmem:$0xCA00] =	vst v63  }
0x25: {  	s19 =	simm.s32 $0x19;
	s20 =	simm.s32 $0x32;
	_ =	swait.ge [sflag:s9], $0x6400  }
0x26: {  	s18 =	sadd.s32 $0xC80, s5;
	s17 =	sadd.s32 $0xC80, s6;
	[sflag:s9] =	ssyncset.done $0x0  }
.LBB2_2:
0x27: {  	s21 =	sadd.s32 s19, s8  }
0x28: {  	[sflag:s9] =	ssyncadd.s32 $0xFFFF9C00;
	s22 =	smov.u32 s20;
	s23 =	sadd.s32 $0x19, s20  }
0x29: {  	[tilespmem:s2], [sflag:$0x3] =	stream.linear.gather [hbm4b:s21+s2], $0xC8, $0x38;
	[tilespmem:$0xCA00] =	vst v63  }
0x2a: {  	p0 =	sne.s32 s20, $0x4C9;
	_ =	swait.ge [sflag:s9], $0xC8  }
0x2b: {  	[sflag:s9] =	ssyncset.done $0x0  }
0x2c: {  	[sflag:s9] =	ssyncadd.s32 $0xFFFFFF38  }
0x2d: {  	[tilespmem:s11], [sflag:$0x1] =	stream.indirect.gather [hbm4b:s3+s10], $0x80, s2, s10, $0xb8;
	[tilespmem:$0xCA00] =	vst v63  }
0x2e: {  	s20 =	sadd.s32 s19, s7;
	s19 =	smov.u32 s22  }
0x2f: {  	[tilespmem:s12], [sflag:$0x3] =	stream.linear.gather [hbm4b:s20+s2], $0xC8, $0x38;
	[tilespmem:$0xCA00] =	vst v63  }
0x30: {  	_ =	swait.ge [sflag:s9], $0xC8  }
0x31: {  	[sflag:s9] =	ssyncset.done $0x0  }
0x32: {  	[sflag:s9] =	ssyncadd.s32 $0xFFFFFF38  }
0x33: {  	[tilespmem:s13], [sflag:$0x2] =	stream.indirect.gather [hbm4b:s3+s10], $0x80, s12, s10, $0xb8;
	[tilespmem:$0xCA00] =	vst v63  }
0x34: {  	_ =	swait.ge [sflag:s14], $0x6400  }
0x35: {  	[sflag:s14] =	ssyncset.done $0x0  }
0x36: {  	[sflag:s14] =	ssyncadd.s32 $0xFFFF9C00  }
0x37: {  	[hbm4b:s18+s2] =	stream.linear.scatter [tilespmem:s11], [sflag:$0x3], $0x6400, $0x38;
	[tilespmem:$0xCA00] =	vst v63  }
0x38: {  	_ =	swait.ge [sflag:s9], $0x6400  }
0x39: {  	[sflag:s9] =	ssyncset.done $0x0  }
0x3a: {  	[sflag:s9] =	ssyncadd.s32 $0xFFFF9C00  }
0x3b: {  	_ =	swait.ge [sflag:s15], $0x6400  }
.Ltmp0:
0x3c: {  	[sflag:s15] =	ssyncset.done $0x0;
	(pc) =	sbr.rel @p0 .LBB2_2-.Ltmp0, $4  }
0x3d: {  	[sflag:s15] =	ssyncadd.s32 $0xFFFF9C00  }
0x3e: {  	[hbm4b:s17+s2] =	stream.linear.scatter [tilespmem:s13], [sflag:$0x3], $0x6400, $0x38;
	[tilespmem:$0xCA00] =	vst v63  }
0x3f: {  	s20 =	smov.u32 s23;
	_ =	swait.ge [sflag:s9], $0x6400  }
0x40: {  	s18 =	sadd.s32 $0xC80, s18;
	s17 =	sadd.s32 $0xC80, s17;
	[sflag:s9] =	ssyncset.done $0x0  }
0x41: {  	s20 =	sadd.s32 s19, s8;
	[sflag:s9] =	ssyncadd.s32 $0xFFFF9C00  }
0x42: {  	[tilespmem:s2], [sflag:$0x3] =	stream.linear.gather [hbm4b:s20+s2], $0xC8, $0x38;
	[tilespmem:$0xCA00] =	vst v63  }
0x43: {  	_ =	swait.ge [sflag:s9], $0xC8  }
0x44: {  	[sflag:s9] =	ssyncset.done $0x0  }
0x45: {  	[sflag:s9] =	ssyncadd.s32 $0xFFFFFF38  }
0x46: {  	[tilespmem:s11], [sflag:$0x1] =	stream.indirect.gather [hbm4b:s3+s10], $0x80, s2, s10, $0xb8;
	[tilespmem:$0xCA00] =	vst v63  }
0x47: {  	s31 =	sadd.s32 s19, s7  }
0x48: {  	[tilespmem:s12], [sflag:$0x3] =	stream.linear.gather [hbm4b:s31+s2], $0xC8, $0x38;
	[tilespmem:$0xCA00] =	vst v63  }
0x49: {  	_ =	swait.ge [sflag:s9], $0xC8  }
0x4a: {  	[sflag:s9] =	ssyncset.done $0x0  }
0x4b: {  	[sflag:s9] =	ssyncadd.s32 $0xFFFFFF38  }
0x4c: {  	[tilespmem:s13], [sflag:$0x2] =	stream.indirect.gather [hbm4b:s3+s10], $0x80, s12, s10, $0xb8;
	[tilespmem:$0xCA00] =	vst v63  }
0x4d: {  	_ =	swait.ge [sflag:s14], $0x6400  }
0x4e: {  	[sflag:s14] =	ssyncset.done $0x0  }
0x4f: {  	[sflag:s14] =	ssyncadd.s32 $0xFFFF9C00  }
0x50: {  	[hbm4b:s18+s2] =	stream.linear.scatter [tilespmem:s11], [sflag:$0x3], $0x6400, $0x38;
	[tilespmem:$0xCA00] =	vst v63  }
0x51: {  	_ =	swait.ge [sflag:s9], $0x6400  }
0x52: {  	[sflag:s9] =	ssyncset.done $0x0  }
0x53: {  	[sflag:s9] =	ssyncadd.s32 $0xFFFF9C00  }
0x54: {  	s16 =	sadd.s32 $0x1, s16;
	_ =	swait.ge [sflag:s15], $0x6400  }
0x55: {  	p0 =	sne.s32 s16, s4;
	[sflag:s15] =	ssyncset.done $0x0  }
.Ltmp1:
0x56: {  	[sflag:s15] =	ssyncadd.s32 $0xFFFF9C00;
	(pc) =	sbr.rel @p0 .LBB2_1-.Ltmp1, $4  }
0x57: {  	[hbm4b:s17+s2] =	stream.linear.scatter [tilespmem:s13], [sflag:$0x3], $0x6400, $0x38;
	[tilespmem:$0xCA00] =	vst v63  }
0x58: {  	_ =	swait.ge [sflag:s9], $0x6400  }
0x59: {  	[sflag:s9] =	ssyncset.done $0x0  }
0x5a: {  	[sflag:s9] =	ssyncadd.s32 $0xFFFF9C00  }
0x5b: {  	_ =	sfence.sel $0x180000  }
0x5c: {  	[bflag:$0x0] =	sbarrier.arrive $0xFFFF  }
0x5d: {  	p0 =	sne.s32 s1, $0x0;
	_ =	strace $0x90000062  }
0x5e: {  	s0 =	sadd.s32 @!p0 $0x100000, s0;
	[bflag:$0x2] =	sbarrier.arrive $0xFFFF  }
0x5f: {  	[sflag:s0] =	ssyncadd.tile.s32 @!p0 $0x1;
	_ =	shalt  }
.Lfunc_end2:
_tile_overlayer_lowered:
.L_overlay_start_2:
0x60: {  	(tag) =	ssettag $0x2  }
0x61: {  	s0 =	rddreg [dreg:$0x0];
	s2 =	stileid.u32  }
0x62: {  	s1 =	rddreg [dreg:$0x1];
	p0 =	sne.s32 s2, $0x0  }
0x63: {  	s3 =	rddreg [dreg:$0x2];
	[bflag:$0x3] =	sbarrier.arrive $0xFFFF;
	s2 =	simm.s32 @!p0 $0x1C03  }
0x64: {  	[timem:s3], [sflag:s2] =	dma.local @!p0 [hbm:s0], s1  }
0x65: {  	s0 =	simm.s32 @!p0 $0x3  }
0x66: {  	_ =	swait.ge @!p0 [sflag:s0], s1  }
0x67: {  	s1 =	ssub.s32 @!p0 $0x0, s1;
	[sflag:s0] =	ssyncset.done @!p0 $0x0  }
0x68: {  	[sflag:s0] =	ssyncadd.s32 @!p0 s1  }
0x69: {  	[bflag:$0x3] =	sbarrier.arrive $0xFFFF  }
0x6a: {  	_ =	shalt  }

// kernel: kernel.61.cloned.1.call-start
scs
__scs_entry_jumppad:
0x0: {  	(pc) =	sbr.rel $0x88, $3  }
0x1: {  	(tag) =	ssettag $0x0;
	lr =	simm.s32 $0x1  }
0x2: {  	[smem:$0x3F83] =	sst lr;
	_ =	strace $0xD0000000  }
0x3: {  	_ = 	snop  }
0x4: {  	_ = 	snop  }
0x5: {  	_ = 	snop  }
0x6: {  	_ = 	snop  }
0x7: {  	_ = 	snop  }
__scs_overlays_trampoline_lowered:
0x8: {  	[smem:$0x3F92] =	sst s0  }
0x9: {  	[smem:$0x3F93] =	sst s1  }
0xa: {  	[smem:$0x3F94] =	sst s2  }
0xb: {  	[smem:$0x3F95] =	sst s3  }
0xc: {  	[smem:$0x3F96] =	sst s4  }
0xd: {  	[smem:$0x3F97] =	sst s5  }
0xe: {  	[smem:$0x3F98] =	sst s6  }
0xf: {  	[smem:$0x3F99] =	sst s7  }
0x10: {  	[smem:$0x3F9A] =	sst s8  }
0x11: {  	[smem:$0x3F9B] =	sst s9;
	s0 =	simm.s32 @!p0 $0x0  }
0x12: {  	s1 =	sld [smem:$0x3F81];
	s0 =	simm.s32 @p0 $0x1  }
0x13: {  	[smem:$0x3F9C] =	sst s0;
	s0 =	simm.s32 @!p1 $0x0  }
0x14: {  	s2 =	sld [smem:$0x3F80];
	s0 =	simm.s32 @p1 $0x1  }
0x15: {  	[smem:$0x3F9D] =	sst s0;
	s0 =	simm.s32 @!p2 $0x0  }
0x16: {  	s3 =	sld [smem:$0x3FDB];
	s0 =	simm.s32 @p2 $0x1  }
0x17: {  	s4 =	simm.s32 $0x1BF5;
	[smem:$0x3F9F] =	sst s0  }
0x18: {  	s0 =	sld [smem:$0x3F82];
	_ =	swait.ge [sflag:s4], $0x0  }
0x19: {  	s7 =	sld [smem:$0x3F83]  }
0x1a: {  	s8 =	sadd.s32 $0xFFFFE003, lr  }
0x1b: {  	s9 =	sadd.s32 $0xFFFFFEF7, lr;
	s5 =	simm.s32 $0xFFFFFFFF;
	p2 =	slt.u32 s8, $0xFFFFF086  }
0x1c: {  	p1 =	slt.u32 s9, $0xF7A;
	s5 =	simm.s32 @!p2 $0x0  }
0x1d: {  	s5 =	simm.s32 @p1 $0x1;
	p0 =	seq.s32 s7, s2  }
0x1e: {  	s7 =	smul.u32 @!p0 $0xF7A, s2;
	p2 =	seq.s32 @!p0 s5, $0x0  }
0x1f: {  	s9 =	smul.u32 $0xF7A, s1;
	s8 =	simm.s32 @!p0 $0x1BF5;
	p2 =	por !p2, p0  }
0x20: {  	[sflag:s8] =	ssyncset.s32 @!p0 $0xFFFFF086;
	s6 =	sadd.s32 @!p0 s3, s7;
	s7 =	simm.s32 @!p0 $0x108  }
0x21: {  	s3 =	sadd.s32 s3, s9;
	s6 =	sadd.s32 @!p0 $0x88, s6;
	s7 =	simm.s32 @p2 $0x1082  }
0x22: {  	[simem:s7], [sflag:s8] =	dma.local @!p0 [hbm:s6], $0xF7A  }
0x23: {  	s9 =	sor.u32 $0xD0000000, s2;
	s6 =	simm.s32 $0x108;
	_ =	swait.ge @!p0 [sflag:s8], $0x0  }
0x24: {  	s3 =	sadd.s32 $0x88, s3;
	s6 =	simm.s32 @!p1 $0x1082;
	[sflag:s4] =	ssyncset.s32 $0xFFFFF086  }
0x25: {  	[simem:s6], [sflag:s4] =	dma.local [hbm:s3], $0xF7A  }
0x26: {  	[smem:$0x3F83] =	sst s1;
	(tag) =	ssettag s2;
	_ =	strace s9  }
0x27: {  	s1 =	sld [smem:$0x3F93]  }
0x28: {  	s2 =	sld [smem:$0x3F94]  }
0x29: {  	s4 =	sld [smem:$0x3F96]  }
0x2a: {  	p0 =	seq.s32 s5, $0x0;
	s5 =	sld [smem:$0x3F97]  }
0x2b: {  	s6 =	sld [smem:$0x3F98]  }
0x2c: {  	s7 =	sld [smem:$0x3F99]  }
0x2d: {  	s3 =	simm.s32 $0x108;
	s8 =	sld [smem:$0x3F9A]  }
0x2e: {  	s3 =	simm.s32 @!p0 $0x1082;
	s9 =	sld [smem:$0x3F9B]  }
0x2f: {  	lr =	sadd.s32 s0, s3;
	s0 =	sld [smem:$0x3F92]  }
0x30: {  	s3 =	sld [smem:$0x3F95]  }
0x31: {  	[smem:$0x3F9E] =	sst s10  }
0x32: {  	s10 =	sld [smem:$0x3F9C];
	_ =	sdelay $0x3  }
0x33: {  	p0 =	seq.s32 s10, $0x1;
	s10 =	sld [smem:$0x3F9E];
	_ =	sdelay $0x3  }
0x34: {  	[smem:$0x3F9E] =	sst s10  }
0x35: {  	s10 =	sld [smem:$0x3F9D];
	_ =	sdelay $0x3  }
0x36: {  	p1 =	seq.s32 s10, $0x1;
	s10 =	sld [smem:$0x3F9E];
	_ =	sdelay $0x3  }
0x37: {  	[smem:$0x3F9E] =	sst s10  }
0x38: {  	s10 =	sld [smem:$0x3F9F]  }
0x39: {  	_ = 	snop;
	(pc) =	sbr.ind lr, $3  }
0x3a: {  	_ = 	snop  }
0x3b: {  	_ = 	snop  }
0x3c: {  	p2 =	seq.s32 s10, $0x1;
	s10 =	sld [smem:$0x3F9E]  }
0x3d: {  	_ =	shalt  }
0x3e: {  	_ =	shalt  }
0x3f: {  	_ =	shalt  }
0x40: {  	_ =	shalt  }
0x41: {  	_ =	shalt  }
0x42: {  	_ =	shalt  }
0x43: {  	_ =	shalt  }
0x44: {  	_ =	shalt  }
0x45: {  	_ =	shalt  }
0x46: {  	_ =	shalt  }
0x47: {  	_ =	shalt  }
0x48: {  	_ =	shalt  }
0x49: {  	_ =	shalt  }
0x4a: {  	_ =	shalt  }
0x4b: {  	_ =	shalt  }
0x4c: {  	_ =	shalt  }
0x4d: {  	_ =	shalt  }
0x4e: {  	_ =	shalt  }
0x4f: {  	_ =	shalt  }
0x50: {  	_ =	shalt  }
0x51: {  	_ =	shalt  }
0x52: {  	_ =	shalt  }
0x53: {  	_ =	shalt  }
0x54: {  	_ =	shalt  }
0x55: {  	_ =	shalt  }
0x56: {  	_ =	shalt  }
0x57: {  	_ =	shalt  }
0x58: {  	_ =	shalt  }
0x59: {  	_ =	shalt  }
0x5a: {  	_ =	shalt  }
0x5b: {  	_ =	shalt  }
0x5c: {  	_ =	shalt  }
0x5d: {  	_ =	shalt  }
0x5e: {  	_ =	shalt  }
0x5f: {  	_ =	shalt  }
0x60: {  	_ =	shalt  }
0x61: {  	_ =	shalt  }
0x62: {  	_ =	shalt  }
0x63: {  	_ =	shalt  }
0x64: {  	_ =	shalt  }
0x65: {  	_ =	shalt  }
0x66: {  	_ =	shalt  }
0x67: {  	_ =	shalt  }
0x68: {  	_ =	shalt  }
0x69: {  	_ =	shalt  }
0x6a: {  	_ =	shalt  }
0x6b: {  	_ =	shalt  }
0x6c: {  	_ =	shalt  }
0x6d: {  	_ =	shalt  }
0x6e: {  	_ =	shalt  }
0x6f: {  	_ =	shalt  }
0x70: {  	_ =	shalt  }
0x71: {  	_ =	shalt  }
0x72: {  	_ =	shalt  }
0x73: {  	_ =	shalt  }
0x74: {  	_ =	shalt  }
0x75: {  	_ =	shalt  }
0x76: {  	_ =	shalt  }
0x77: {  	_ =	shalt  }
0x78: {  	_ =	shalt  }
0x79: {  	_ =	shalt  }
0x7a: {  	_ =	shalt  }
0x7b: {  	_ =	shalt  }
0x7c: {  	_ =	shalt  }
0x7d: {  	_ =	shalt  }
0x7e: {  	_ =	shalt  }
0x7f: {  	_ =	shalt  }
0x80: {  	_ =	shalt  }
0x81: {  	_ =	shalt  }
0x82: {  	_ =	shalt  }
0x83: {  	_ =	shalt  }
0x84: {  	_ =	shalt  }
0x85: {  	_ =	shalt  }
0x86: {  	_ =	shalt  }
0x87: {  	_ =	shalt  }
.Lfunc_end0:
.L_simem_size_0:
called_computation.10_lowered:
.L_overlay_start_0:
0x88: {  	s2 =	sld [smem:$0x3FD9]  }
0x89: {  	s3 =	sld [smem:$0x3FFE];
	_ =	sdelay $0x1  }
0x8a: {  	s1 =	srdreg.scid  }
0x8b: {  	s0 =	sand.u32 $0x1, s1  }
0x8c: {  	s16 =	sshll.u32 s0, $0xA;
	s2 =	sadd.s32 s3, s2  }
0x8d: {  	s2 =	sadd.s32 s2, s16  }
0x8e: {  	[smem:$0x3FAA] =	sst s2  }
0x8f: {  	_ = 	snop  }
0x90: {  	(tm) =	ssettm $0x1  }
0x91: {  	s17 =	sld [smem:$0x3FFB];
	_ =	sdelay $0x3  }
0x92: {  	_ =	strace s17  }
0x93: {  	s2 =	sld [smem:$0x3FFC];
	_ =	sdelay $0x3  }
0x94: {  	_ =	strace s2  }
0x95: {  	s2 =	sld [smem:$0x3FFD];
	_ =	sdelay $0x3  }
0x96: {  	_ =	strace s2  }
0x97: {  	_ =	strace $0x8FFFFFFF  }
0x98: {  	s18 =	sld [smem:$0x3FDB];
	_ =	sdelay $0x1  }
0x99: {  	s19 =	simm.s32 $_scs_section_size  }
0x9a: {  	s4 =	simm.s32 $_size__tile_overlayer_lowered;
	s5 =	simm.s32 $_tile_overlayer_lowered  }
0x9b: {  	s22 =	simm.s32 $0x1BFF;
	s21 =	sshll.u32 s5, $0x1;
	s2 =	sadd.s32 s19, s18  }
0x9c: {  	s6 =	simm.s32 $0x0;
	s20 =	sshll.u32 s4, $0x1;
	s4 =	sadd.s32 s21, s2  }
0x9d: {  	[timem:s6], [sflag:s22] =	dma.local [hbm:s4], s20  }
0x9e: {  	_ =	swait.ge [sflag:s22], s20  }
0x9f: {  	s3 =	ssub.s32 $0x0, s20;
	[sflag:s22] =	ssyncset.done $0x0  }
0xa0: {  	[sflag:s22] =	ssyncadd.s32 s3;
	_ =	sdelay $0x1  }
0xa1: {  	s23 =	simm.s32 $0x1B8B  }
0xa2: {  	_ =	swait.ge [sflag:s23], $0x1  }
0xa3: {  	[sflag:s23] =	ssyncset.done $0x0  }
0xa4: {  	s25 =	simm.s32 $0x1B8E;
	s24 =	sld [smem:$0x3FFE];
	[sflag:s23] =	ssyncadd.s32 $0xFFFFFFFF  }
0xa5: {  	s26 =	simm.s32 $execute0_lowered;
	[smem:$0x3FD2] =	sst s25  }
0xa6: {  	s4 =	sshll.u32 s26, $0x1;
	_ =	strace $0x80000064;
	[dreg:$0x1] =	wrdreg $0xFFFFFFFF  }
0xa7: {  	s28 =	simm.s32 $_size_execute0_lowered;
	s2 =	sadd.s32 s2, s4;
	[dreg:$0x0] =	wrdreg $0x0  }
0xa8: {  	s4 =	sshll.u32 s28, $0x1;
	[dreg:$0x2] =	wrdreg s2  }
0xa9: {  	[dreg:$0x3] =	wrdreg s4  }
0xaa: {  	[dreg:$0x4] =	wrdreg $0xC0  }
0xab: {  	_ =	task [dreg:s6], $0x5FFFF  }
0xac: {  	[dreg:$0x1] =	wrdreg $0xFFFFFFFF  }
0xad: {  	[dreg:$0x0] =	wrdreg $0x60  }
0xae: {  	[dreg:$0x2] =	wrdreg s24  }
0xaf: {  	[dreg:$0x3] =	wrdreg $0x9  }
0xb0: {  	_ =	task.clear_ibuf [dreg:s6], $0x4FFFF;
	_ =	strace $0x90000064  }
0xb1: {  	s29 =	simm.s32 $0x9;
	_ =	strace $0x80000066  }
0xb2: {  	_ =	swait.ge [sflag:s29], $0x1  }
0xb3: {  	[sflag:s29] =	ssyncadd.s32 $0xFFFFFFFF  }
0xb4: {  	_ =	strace $0x90000066  }
0xb5: {  	_ =	sfence  }
0xb6: {  	s30 =	sld [smem:$0x0];
	_ =	sdelay $0x2  }
0xb7: {  	s31 =	sshll.u32 s1, $0xD;
	s1 =	sshrl.u32 s1, $0x2  }
0xb8: {  	s3 =	sand.u32 $0x4000, s31;
	s1 =	sadd.s32 s1, s30  }
0xb9: {  	s0 =	sor.u32 s3, s0;
	s1 =	sshll.u32 s1, $0x11  }
0xba: {  	s0 =	sor.u32 s1, s0  }
0xbb: {  	s0 =	sadd.s32 $0x8F2B, s0  }
0xbc: {  	[sflag:s0] =	ssyncadd.remote.s32 $0x1  }
0xbd: {  	_ =	sfence.sel $0xFFFF  }
0xbe: {  	[dreg:$0x0] =	wrdreg $0xFFFFFFFF;
	(pc) =	sbr.abs _section_cstart, $3  }
0xbf: {  	[dreg:$0x1] =	wrdreg $0xFFFFFFFF  }
0xc0: {  	_ =	task.clear_ibuf [dreg:s6], $0x2FFFF;
	_ =	strace $0x9FFFFFFF  }
0xc1: {  	(tm) =	ssettm $0x7FFFFFFF  }
tec
execute0_lowered:
.L_overlay_start_1:
0x0: {  	(tag) =	ssettag $0x1  }
0x1: {  	s6 =	rddreg [dreg:$0x0]  }
0x2: {  	s0 =	rddreg [dreg:$0x1];
	s3 =	srdreg.scid  }
0x3: {  	s1 =	stileid.u32;
	s2 =	simm.s32 $0x0;
	s12 =	simm.s32 $0x2780  }
0x4: {  	s13 =	simm.s32 $0x4E90;
	s14 =	simm.s32 $0x75A0;
	s15 =	simm.s32 $0x9CB0  }
0x5: {  	s16 =	simm.s32 $0xC400;
	s3 =	sand.u32 $0x1, s3;
	s4 =	sshll.u32 s1, $0x1  }
0x6: {  	s17 =	simm.s32 $0x0;
	[smem:$0x7FF] =	sst s2;
	s4 =	sor.u32 s3, s4  }
0x7: {  	s5 =	sadd.s32 $0x11800, s6;
	s8 =	ssub.s32 $0x2, s3;
	s7 =	smul.u32 $0x13C0, s4  }
0x8: {  	_ =	strace $0x80000065;
	s9 =	sshrl.u32 s8, $0x1;
	s4 =	smul.u32 $0x138800, s4  }
0x9: {  	s3 =	sadd.s32 $0x1B600, s6;
	s11 =	ssub.s32 s8, s9;
	s10 =	sadd.s32 s7, s6  }
0xa: {  	s6 =	sadd.s32 $0x4E200, s4;
	s7 =	sadd.s32 $0x9C400, s4;
	s8 =	sadd.s32 $0xEA600, s4  }
0xb: {  	v0 =	vimm.f32 $0.0e+00;
	s9 =	sadd.s32 $0xA26A00, s10;
	s10 =	smax.u32 s11, $0x1;
	s11 =	simm.s32 $0x1  }
.LBB2_1:
0xc: {  	s18 =	simm.s32 $0x40;
	s19 =	simm.s32 $0x0  }
.LBB2_2:
0xd: {  	p0 =	sne.s32 s18, $0x277C0;
	[tilespmem:s19+$0xC400] =	vst v0;
	s19 =	smov.u32 s18;
	s18 =	sadd.s32 $0x40, s18  }
.Ltmp0:
0xe: {  	(pc) =	sbr.rel @p0 .LBB2_2-.Ltmp0, $2  }
0xf: {  	_ =	sdelay $0x2  }
0x10: {  	s19 =	sshra.s32 s19, $0x2  }
0x11: {  	[tilespmem:s19+$0xC400] =	vst v0;
	s18 =	simm.s32 $0x0;
	s19 =	simm.s32 $0x0  }
.LBB2_4:
0x12: {  	s20 =	smul.u32 $0x2710, s19;
	_ =	sdelay $0x1  }
0x13: {  	s21 =	sshrl.u32 s20, $0x3  }
0x14: {  	s21 =	sadd.s32 s5, s21  }
0x15: {  	[tilespmem:s18], [sflag:$0x1] =	stream.linear.gather [hbm4b:s21+s18], $0x2710, $0x38;
	[tilespmem:$0x16200] =	vst v63  }
0x16: {  	s29 =	sadd.s32 s4, s20;
	_ =	swait.ge [sflag:s11], $0x2710  }
0x17: {  	s21 =	sshrl.u32 s29, $0x3;
	[sflag:s11] =	ssyncset.done $0x0  }
0x18: {  	s21 =	sadd.s32 s3, s21;
	[sflag:s11] =	ssyncadd.s32 $0xFFFFD8F0  }
0x19: {  	[tilespmem:s12], [sflag:$0x1] =	stream.linear.gather [hbm4b:s21+s18], $0x2710, $0x38;
	[tilespmem:$0x16200] =	vst v63  }
0x1a: {  	s30 =	sadd.s32 s6, s20;
	_ =	swait.ge [sflag:s11], $0x2710  }
0x1b: {  	s21 =	sshrl.u32 s30, $0x3;
	[sflag:s11] =	ssyncset.done $0x0  }
0x1c: {  	s21 =	sadd.s32 s3, s21;
	[sflag:s11] =	ssyncadd.s32 $0xFFFFD8F0  }
0x1d: {  	[tilespmem:s13], [sflag:$0x1] =	stream.linear.gather [hbm4b:s21+s18], $0x2710, $0x38;
	[tilespmem:$0x16200] =	vst v63  }
0x1e: {  	s31 =	sadd.s32 s7, s20;
	_ =	swait.ge [sflag:s11], $0x2710  }
0x1f: {  	s21 =	sshrl.u32 s31, $0x3;
	[sflag:s11] =	ssyncset.done $0x0  }
0x20: {  	s21 =	sadd.s32 s3, s21;
	[sflag:s11] =	ssyncadd.s32 $0xFFFFD8F0  }
0x21: {  	[tilespmem:s14], [sflag:$0x1] =	stream.linear.gather [hbm4b:s21+s18], $0x2710, $0x38;
	[tilespmem:$0x16200] =	vst v63  }
0x22: {  	s20 =	sadd.s32 s8, s20;
	_ =	swait.ge [sflag:s11], $0x2710  }
0x23: {  	s20 =	sshrl.u32 s20, $0x3;
	[sflag:s11] =	ssyncset.done $0x0  }
0x24: {  	s20 =	sadd.s32 s3, s20;
	[sflag:s11] =	ssyncadd.s32 $0xFFFFD8F0  }
0x25: {  	[tilespmem:s15], [sflag:$0x1] =	stream.linear.gather [hbm4b:s20+s18], $0x2710, $0x38;
	[tilespmem:$0x16200] =	vst v63  }
0x26: {  	_ =	swait.ge [sflag:s11], $0x2710  }
0x27: {  	[sflag:s11] =	ssyncset.done $0x0  }
0x28: {  	s21 =	simm.s32 $0x40;
	s20 =	simm.s32 $0x0;
	[sflag:s11] =	ssyncadd.s32 $0xFFFFD8F0  }
.LBB2_5:
0x29: {  	p0 =	sne.s32 s21, $0x9C00;
	v1 =	vld [tilespmem:s20+$0x0]  }
0x2a: {  	v2 =	vld [tilespmem:s20+$0x2780];
	_ =	sdelay $0x6  }
0x2b: {  	[tilespmem:v1+s16+$0x0] =	vst.idx.add.f32.msk $0xffff, v2  }
0x2c: {  	v3 =	vadd.s32 $0x2780, v1;
	v2 =	vld [tilespmem:s20+$0x4E90];
	_ =	sdelay $0x4  }
0x2d: {  	[tilespmem:v3+s16+$0x0] =	vst.idx.add.f32.msk $0xffff, v2  }
0x2e: {  	v3 =	vadd.s32 $0x4F00, v1;
	v2 =	vld [tilespmem:s20+$0x75A0];
	_ =	sdelay $0x4  }
0x2f: {  	[tilespmem:v3+s16+$0x0] =	vst.idx.add.f32.msk $0xffff, v2  }
0x30: {  	v1 =	vadd.s32 $0x7680, v1;
	v2 =	vld [tilespmem:s20+$0x9CB0]  }
.Ltmp1:
0x31: {  	(pc) =	sbr.rel @p0 .LBB2_5-.Ltmp1, $2  }
0x32: {  	_ =	sdelay $0x2  }
0x33: {  	s20 =	sshra.s32 s21, $0x2;
	s21 =	sadd.s32 $0x40, s21;
	[tilespmem:v1+s16+$0x0] =	vst.idx.add.f32.msk $0xffff, v2  }
0x34: {  	v1 =	vld [tilespmem:s20+$0x0];
	_ =	sdelay $0x2  }
0x35: {  	v2 =	vld [tilespmem:s20+$0x2780];
	_ =	sdelay $0x4  }
0x36: {  	[tilespmem:v1+s16+$0x0] =	vst.idx.add.f32.msk $0xffff, v2  }
0x37: {  	v3 =	vadd.s32 $0x2780, v1;
	v2 =	vld [tilespmem:s20+$0x4E90];
	_ =	sdelay $0x4  }
0x38: {  	[tilespmem:v3+s16+$0x0] =	vst.idx.add.f32.msk $0xffff, v2  }
0x39: {  	v3 =	vadd.s32 $0x4F00, v1;
	v2 =	vld [tilespmem:s20+$0x75A0];
	_ =	sdelay $0x4  }
0x3a: {  	s19 =	sadd.s32 $0x1, s19;
	[tilespmem:v3+s16+$0x0] =	vst.idx.add.f32.msk $0xffff, v2  }
0x3b: {  	p0 =	sne.s32 s19, $0x20;
	v1 =	vadd.s32 $0x7680, v1;
	v2 =	vld [tilespmem:s20+$0x9CB0]  }
.Ltmp2:
0x3c: {  	_ = 	snop;
	(pc) =	sbr.rel @p0 .LBB2_4-.Ltmp2, $2  }
0x3d: {  	_ =	sdelay $0x2  }
0x3e: {  	[tilespmem:v1+s16+$0x0] =	vst.idx.add.f32.msk $0xffff, v2  }
0x3f: {  	s17 =	sadd.s32 $0x1, s17  }
0x40: {  	p0 =	sne.s32 s17, s10  }
.Ltmp3:
0x41: {  	_ = 	snop;
	(pc) =	sbr.rel @p0 .LBB2_1-.Ltmp3, $4  }
0x42: {  	[hbm4b:s9+s2] =	stream.linear.scatter [tilespmem:s16], [sflag:$0x1], $0x9E00, $0x38;
	[tilespmem:$0x16200] =	vst v63  }
0x43: {  	_ =	swait.ge [sflag:s11], $0x9E00  }
0x44: {  	[sflag:s11] =	ssyncset.done $0x0  }
0x45: {  	[sflag:s11] =	ssyncadd.s32 $0xFFFF6200  }
0x46: {  	_ =	sfence.sel $0x180000  }
0x47: {  	[bflag:$0x0] =	sbarrier.arrive $0xFFFF  }
0x48: {  	p0 =	sne.s32 s1, $0x0;
	_ =	strace $0x90000065  }
0x49: {  	s0 =	sadd.s32 @!p0 $0x100000, s0;
	[bflag:$0x2] =	sbarrier.arrive $0xFFFF  }
0x4a: {  	[sflag:s0] =	ssyncadd.tile.s32 @!p0 $0x1;
	_ =	shalt  }
.Lfunc_end2:
_tile_overlayer_lowered:
.L_overlay_start_2:
0x4b: {  	(tag) =	ssettag $0x2  }
0x4c: {  	s0 =	rddreg [dreg:$0x0];
	s2 =	stileid.u32  }
0x4d: {  	s1 =	rddreg [dreg:$0x1];
	p0 =	sne.s32 s2, $0x0  }
0x4e: {  	s3 =	rddreg [dreg:$0x2];
	[bflag:$0x3] =	sbarrier.arrive $0xFFFF;
	s2 =	simm.s32 @!p0 $0x1C01  }
0x4f: {  	[timem:s3], [sflag:s2] =	dma.local @!p0 [hbm:s0], s1  }
0x50: {  	s0 =	simm.s32 @!p0 $0x1  }
0x51: {  	_ =	swait.ge @!p0 [sflag:s0], s1  }
0x52: {  	s1 =	ssub.s32 @!p0 $0x0, s1;
	[sflag:s0] =	ssyncset.done @!p0 $0x0  }
0x53: {  	[sflag:s0] =	ssyncadd.s32 @!p0 s1  }
0x54: {  	[bflag:$0x3] =	sbarrier.arrive $0xFFFF  }
0x55: {  	_ =	shalt  }

// kernel: kernel.64.cloned.1.call-start
scs
__scs_entry_jumppad:
0x0: {  	(pc) =	sbr.rel $0x88, $3  }
0x1: {  	(tag) =	ssettag $0x0;
	lr =	simm.s32 $0x1  }
0x2: {  	[smem:$0x3F83] =	sst lr;
	_ =	strace $0xD0000000  }
0x3: {  	_ = 	snop  }
0x4: {  	_ = 	snop  }
0x5: {  	_ = 	snop  }
0x6: {  	_ = 	snop  }
0x7: {  	_ = 	snop  }
__scs_overlays_trampoline_lowered:
0x8: {  	[smem:$0x3F92] =	sst s0  }
0x9: {  	[smem:$0x3F93] =	sst s1  }
0xa: {  	[smem:$0x3F94] =	sst s2  }
0xb: {  	[smem:$0x3F95] =	sst s3  }
0xc: {  	[smem:$0x3F96] =	sst s4  }
0xd: {  	[smem:$0x3F97] =	sst s5  }
0xe: {  	[smem:$0x3F98] =	sst s6  }
0xf: {  	[smem:$0x3F99] =	sst s7  }
0x10: {  	[smem:$0x3F9A] =	sst s8  }
0x11: {  	[smem:$0x3F9B] =	sst s9;
	s0 =	simm.s32 @!p0 $0x0  }
0x12: {  	s1 =	sld [smem:$0x3F81];
	s0 =	simm.s32 @p0 $0x1  }
0x13: {  	[smem:$0x3F9C] =	sst s0;
	s0 =	simm.s32 @!p1 $0x0  }
0x14: {  	s2 =	sld [smem:$0x3F80];
	s0 =	simm.s32 @p1 $0x1  }
0x15: {  	[smem:$0x3F9D] =	sst s0;
	s0 =	simm.s32 @!p2 $0x0  }
0x16: {  	s3 =	sld [smem:$0x3FDB];
	s0 =	simm.s32 @p2 $0x1  }
0x17: {  	s4 =	simm.s32 $0x1BF5;
	[smem:$0x3F9F] =	sst s0  }
0x18: {  	s0 =	sld [smem:$0x3F82];
	_ =	swait.ge [sflag:s4], $0x0  }
0x19: {  	s7 =	sld [smem:$0x3F83]  }
0x1a: {  	s8 =	sadd.s32 $0xFFFFE003, lr  }
0x1b: {  	s9 =	sadd.s32 $0xFFFFFEF7, lr;
	s5 =	simm.s32 $0xFFFFFFFF;
	p2 =	slt.u32 s8, $0xFFFFF086  }
0x1c: {  	p1 =	slt.u32 s9, $0xF7A;
	s5 =	simm.s32 @!p2 $0x0  }
0x1d: {  	s5 =	simm.s32 @p1 $0x1;
	p0 =	seq.s32 s7, s2  }
0x1e: {  	s7 =	smul.u32 @!p0 $0xF7A, s2;
	p2 =	seq.s32 @!p0 s5, $0x0  }
0x1f: {  	s9 =	smul.u32 $0xF7A, s1;
	s8 =	simm.s32 @!p0 $0x1BF5;
	p2 =	por !p2, p0  }
0x20: {  	[sflag:s8] =	ssyncset.s32 @!p0 $0xFFFFF086;
	s6 =	sadd.s32 @!p0 s3, s7;
	s7 =	simm.s32 @!p0 $0x108  }
0x21: {  	s3 =	sadd.s32 s3, s9;
	s6 =	sadd.s32 @!p0 $0x88, s6;
	s7 =	simm.s32 @p2 $0x1082  }
0x22: {  	[simem:s7], [sflag:s8] =	dma.local @!p0 [hbm:s6], $0xF7A  }
0x23: {  	s9 =	sor.u32 $0xD0000000, s2;
	s6 =	simm.s32 $0x108;
	_ =	swait.ge @!p0 [sflag:s8], $0x0  }
0x24: {  	s3 =	sadd.s32 $0x88, s3;
	s6 =	simm.s32 @!p1 $0x1082;
	[sflag:s4] =	ssyncset.s32 $0xFFFFF086  }
0x25: {  	[simem:s6], [sflag:s4] =	dma.local [hbm:s3], $0xF7A  }
0x26: {  	[smem:$0x3F83] =	sst s1;
	(tag) =	ssettag s2;
	_ =	strace s9  }
0x27: {  	s1 =	sld [smem:$0x3F93]  }
0x28: {  	s2 =	sld [smem:$0x3F94]  }
0x29: {  	s4 =	sld [smem:$0x3F96]  }
0x2a: {  	p0 =	seq.s32 s5, $0x0;
	s5 =	sld [smem:$0x3F97]  }
0x2b: {  	s6 =	sld [smem:$0x3F98]  }
0x2c: {  	s7 =	sld [smem:$0x3F99]  }
0x2d: {  	s3 =	simm.s32 $0x108;
	s8 =	sld [smem:$0x3F9A]  }
0x2e: {  	s3 =	simm.s32 @!p0 $0x1082;
	s9 =	sld [smem:$0x3F9B]  }
0x2f: {  	lr =	sadd.s32 s0, s3;
	s0 =	sld [smem:$0x3F92]  }
0x30: {  	s3 =	sld [smem:$0x3F95]  }
0x31: {  	[smem:$0x3F9E] =	sst s10  }
0x32: {  	s10 =	sld [smem:$0x3F9C];
	_ =	sdelay $0x3  }
0x33: {  	p0 =	seq.s32 s10, $0x1;
	s10 =	sld [smem:$0x3F9E];
	_ =	sdelay $0x3  }
0x34: {  	[smem:$0x3F9E] =	sst s10  }
0x35: {  	s10 =	sld [smem:$0x3F9D];
	_ =	sdelay $0x3  }
0x36: {  	p1 =	seq.s32 s10, $0x1;
	s10 =	sld [smem:$0x3F9E];
	_ =	sdelay $0x3  }
0x37: {  	[smem:$0x3F9E] =	sst s10  }
0x38: {  	s10 =	sld [smem:$0x3F9F]  }
0x39: {  	_ = 	snop;
	(pc) =	sbr.ind lr, $3  }
0x3a: {  	_ = 	snop  }
0x3b: {  	_ = 	snop  }
0x3c: {  	p2 =	seq.s32 s10, $0x1;
	s10 =	sld [smem:$0x3F9E]  }
0x3d: {  	_ =	shalt  }
0x3e: {  	_ =	shalt  }
0x3f: {  	_ =	shalt  }
0x40: {  	_ =	shalt  }
0x41: {  	_ =	shalt  }
0x42: {  	_ =	shalt  }
0x43: {  	_ =	shalt  }
0x44: {  	_ =	shalt  }
0x45: {  	_ =	shalt  }
0x46: {  	_ =	shalt  }
0x47: {  	_ =	shalt  }
0x48: {  	_ =	shalt  }
0x49: {  	_ =	shalt  }
0x4a: {  	_ =	shalt  }
0x4b: {  	_ =	shalt  }
0x4c: {  	_ =	shalt  }
0x4d: {  	_ =	shalt  }
0x4e: {  	_ =	shalt  }
0x4f: {  	_ =	shalt  }
0x50: {  	_ =	shalt  }
0x51: {  	_ =	shalt  }
0x52: {  	_ =	shalt  }
0x53: {  	_ =	shalt  }
0x54: {  	_ =	shalt  }
0x55: {  	_ =	shalt  }
0x56: {  	_ =	shalt  }
0x57: {  	_ =	shalt  }
0x58: {  	_ =	shalt  }
0x59: {  	_ =	shalt  }
0x5a: {  	_ =	shalt  }
0x5b: {  	_ =	shalt  }
0x5c: {  	_ =	shalt  }
0x5d: {  	_ =	shalt  }
0x5e: {  	_ =	shalt  }
0x5f: {  	_ =	shalt  }
0x60: {  	_ =	shalt  }
0x61: {  	_ =	shalt  }
0x62: {  	_ =	shalt  }
0x63: {  	_ =	shalt  }
0x64: {  	_ =	shalt  }
0x65: {  	_ =	shalt  }
0x66: {  	_ =	shalt  }
0x67: {  	_ =	shalt  }
0x68: {  	_ =	shalt  }
0x69: {  	_ =	shalt  }
0x6a: {  	_ =	shalt  }
0x6b: {  	_ =	shalt  }
0x6c: {  	_ =	shalt  }
0x6d: {  	_ =	shalt  }
0x6e: {  	_ =	shalt  }
0x6f: {  	_ =	shalt  }
0x70: {  	_ =	shalt  }
0x71: {  	_ =	shalt  }
0x72: {  	_ =	shalt  }
0x73: {  	_ =	shalt  }
0x74: {  	_ =	shalt  }
0x75: {  	_ =	shalt  }
0x76: {  	_ =	shalt  }
0x77: {  	_ =	shalt  }
0x78: {  	_ =	shalt  }
0x79: {  	_ =	shalt  }
0x7a: {  	_ =	shalt  }
0x7b: {  	_ =	shalt  }
0x7c: {  	_ =	shalt  }
0x7d: {  	_ =	shalt  }
0x7e: {  	_ =	shalt  }
0x7f: {  	_ =	shalt  }
0x80: {  	_ =	shalt  }
0x81: {  	_ =	shalt  }
0x82: {  	_ =	shalt  }
0x83: {  	_ =	shalt  }
0x84: {  	_ =	shalt  }
0x85: {  	_ =	shalt  }
0x86: {  	_ =	shalt  }
0x87: {  	_ =	shalt  }
.Lfunc_end0:
.L_simem_size_0:
called_computation.11_lowered:
.L_overlay_start_0:
0x88: {  	s2 =	sld [smem:$0x3FD9]  }
0x89: {  	s3 =	sld [smem:$0x3FFE];
	_ =	sdelay $0x1  }
0x8a: {  	s1 =	srdreg.scid  }
0x8b: {  	s0 =	sand.u32 $0x1, s1  }
0x8c: {  	s14 =	sshll.u32 s0, $0xA;
	s2 =	sadd.s32 s3, s2  }
0x8d: {  	s2 =	sadd.s32 s2, s14  }
0x8e: {  	[smem:$0x3FAA] =	sst s2  }
0x8f: {  	_ = 	snop  }
0x90: {  	s2 =	sld [smem:$0x3FD0];
	_ =	sdelay $0x2  }
0x91: {  	s15 =	simm.s32 $0xB;
	s4 =	simm.s32 $0x10  }
0x92: {  	[smem:s4], [sflag:s15] =	dma.local [hbm:s2], $0x1  }
0x93: {  	_ =	swait.eq [sflag:s15], $0x1  }
0x94: {  	[sflag:s15] =	ssyncset.done $0x0  }
0x95: {  	[sflag:s15] =	ssyncadd.s32 $0xFFFFFFFF  }
0x96: {  	s16 =	sld [smem:$0x10];
	(tm) =	ssettm $0x1  }
0x97: {  	s17 =	sld [smem:$0x3FFB];
	_ =	sdelay $0x3  }
0x98: {  	_ =	strace s17  }
0x99: {  	s3 =	sld [smem:$0x3FFC];
	_ =	sdelay $0x3  }
0x9a: {  	_ =	strace s3  }
0x9b: {  	s3 =	sld [smem:$0x3FFD];
	_ =	sdelay $0x3  }
0x9c: {  	_ =	strace s3  }
0x9d: {  	_ =	strace $0x8FFFFFFF  }
0x9e: {  	s18 =	sld [smem:$0x3FDB];
	_ =	sdelay $0x1  }
0x9f: {  	s19 =	simm.s32 $_scs_section_size  }
0xa0: {  	s5 =	simm.s32 $_size__tile_overlayer_lowered;
	s6 =	simm.s32 $_tile_overlayer_lowered  }
0xa1: {  	s22 =	simm.s32 $0x1BFF;
	s21 =	sshll.u32 s6, $0x1;
	s3 =	sadd.s32 s19, s18  }
0xa2: {  	s7 =	simm.s32 $0x0;
	s20 =	sshll.u32 s5, $0x1;
	s5 =	sadd.s32 s21, s3  }
0xa3: {  	[timem:s7], [sflag:s22] =	dma.local [hbm:s5], s20  }
0xa4: {  	_ =	swait.ge [sflag:s22], s20  }
0xa5: {  	s4 =	ssub.s32 $0x0, s20;
	[sflag:s22] =	ssyncset.done $0x0  }
0xa6: {  	[sflag:s22] =	ssyncadd.s32 s4;
	_ =	sdelay $0x1  }
0xa7: {  	s23 =	simm.s32 $0x1B8B  }
0xa8: {  	_ =	swait.ge [sflag:s23], $0x1  }
0xa9: {  	[sflag:s23] =	ssyncset.done $0x0  }
0xaa: {  	s25 =	simm.s32 $0x1B8E;
	s24 =	sld [smem:$0x3FFE];
	[sflag:s23] =	ssyncadd.s32 $0xFFFFFFFF  }
0xab: {  	s26 =	simm.s32 $execute0_lowered;
	[smem:$0x3FD2] =	sst s25  }
0xac: {  	s5 =	sshll.u32 s26, $0x1;
	_ =	strace $0x80000067;
	[dreg:$0x1] =	wrdreg $0xFFFFFFFF  }
0xad: {  	s28 =	simm.s32 $_size_execute0_lowered;
	s3 =	sadd.s32 s3, s5;
	[dreg:$0x0] =	wrdreg $0x0  }
0xae: {  	s5 =	sshll.u32 s28, $0x1;
	[dreg:$0x2] =	wrdreg s3  }
0xaf: {  	[dreg:$0x3] =	wrdreg s5  }
0xb0: {  	[dreg:$0x4] =	wrdreg $0xC0  }
0xb1: {  	_ =	task [dreg:s7], $0x5FFFF  }
0xb2: {  	[dreg:$0x1] =	wrdreg $0xFFFFFFFF  }
0xb3: {  	[dreg:$0x0] =	wrdreg $0x60  }
0xb4: {  	[dreg:$0x2] =	wrdreg s24  }
0xb5: {  	[dreg:$0x3] =	wrdreg s16  }
0xb6: {  	[dreg:$0x4] =	wrdreg $0x9  }
0xb7: {  	_ =	task.clear_ibuf [dreg:s7], $0x5FFFF;
	_ =	strace $0x90000067  }
0xb8: {  	s29 =	simm.s32 $0x9;
	_ =	strace $0x80000069  }
0xb9: {  	_ =	swait.ge [sflag:s29], $0x1  }
0xba: {  	[sflag:s29] =	ssyncadd.s32 $0xFFFFFFFF  }
0xbb: {  	_ =	strace $0x90000069  }
0xbc: {  	_ =	sfence  }
0xbd: {  	s30 =	sld [smem:$0x0];
	_ =	sdelay $0x2  }
0xbe: {  	s31 =	sshll.u32 s1, $0xD;
	s1 =	sshrl.u32 s1, $0x2  }
0xbf: {  	s3 =	sand.u32 $0x4000, s31;
	s1 =	sadd.s32 s1, s30  }
0xc0: {  	s0 =	sor.u32 s3, s0;
	s1 =	sshll.u32 s1, $0x11  }
0xc1: {  	s0 =	sor.u32 s1, s0  }
0xc2: {  	s0 =	sadd.s32 $0x8F2B, s0  }
0xc3: {  	[sflag:s0] =	ssyncadd.remote.s32 $0x1  }
0xc4: {  	_ =	sfence.sel $0xFFFF  }
0xc5: {  	[dreg:$0x0] =	wrdreg $0xFFFFFFFF;
	(pc) =	sbr.abs _section_cstart, $3  }
0xc6: {  	[dreg:$0x1] =	wrdreg $0xFFFFFFFF  }
0xc7: {  	_ =	task.clear_ibuf [dreg:s7], $0x2FFFF;
	_ =	strace $0x9FFFFFFF  }
0xc8: {  	(tm) =	ssettm $0x7FFFFFFF  }
0xc9: {  	_ =	shalt  }
tec
execute0_lowered:
.L_overlay_start_1:
0x0: {  	(tag) =	ssettag $0x1  }
0x1: {  	s4 =	rddreg [dreg:$0x0]  }
0x2: {  	s8 =	rddreg [dreg:$0x1]  }
0x3: {  	s0 =	rddreg [dreg:$0x2];
	s2 =	simm.s32 $0x0;
	s3 =	srdreg.scid  }
0x4: {  	s1 =	stileid.u32;
	s12 =	simm.s32 $0x100;
	s13 =	simm.s32 $0x6600  }
0x5: {  	s14 =	simm.s32 $0x1;
	s15 =	simm.s32 $0x2;
	s6 =	smul.u32 $0x4E20, s1  }
0x6: {  	s16 =	simm.s32 $0x0;
	s5 =	sand.u32 $0x1, s3;
	s9 =	smul.u32 $0x4E200, s1  }
0x7: {  	[smem:$0x7FF] =	sst s2;
	s3 =	sadd.s32 $0x9E9400, s4;
	s7 =	smul.u32 $0x2710, s5  }
0x8: {  	_ =	strace $0x80000068;
	s10 =	ssub.s32 $0x2, s5;
	s5 =	smul.u32 $0x27100, s5  }
0x9: {  	s29 =	sshrl.u32 s10, $0x1;
	s30 =	sadd.s32 s9, s4;
	s6 =	sadd.s32 s7, s6  }
0xa: {  	s9 =	simm.s32 $0x3;
	s7 =	ssub.s32 s10, s29;
	s11 =	sshrl.u32 s6, $0x3  }
0xb: {  	s10 =	simm.s32 $0xC8;
	s6 =	sadd.s32 s5, s30;
	s31 =	sadd.s32 s11, s4  }
0xc: {  	s4 =	smax.u32 s7, $0x1;
	s5 =	sadd.s32 $0x1B600, s6;
	s6 =	sadd.s32 $0xA26A00, s6  }
0xd: {  	s8 =	sadd.s32 s11, s8;
	s11 =	simm.s32 $0x200;
	s7 =	sadd.s32 $0x11800, s31  }
.LBB2_1:
0xe: {  	s17 =	sadd.s32 $0x0, s8  }
0xf: {  	[tilespmem:s2], [sflag:$0x3] =	stream.linear.gather [hbm4b:s17+s2], $0xC8, $0x38;
	[tilespmem:$0xCA00] =	vst v63  }
0x10: {  	_ =	swait.ge [sflag:s9], $0xC8  }
0x11: {  	[sflag:s9] =	ssyncset.done $0x0  }
0x12: {  	[sflag:s9] =	ssyncadd.s32 $0xFFFFFF38  }
0x13: {  	[tilespmem:s11], [sflag:$0x1] =	stream.indirect.gather [hbm4b:s3+s10], $0x80, s2, s10, $0xb8;
	[tilespmem:$0xCA00] =	vst v63  }
0x14: {  	s31 =	sadd.s32 $0x0, s7  }
0x15: {  	[tilespmem:s12], [sflag:$0x3] =	stream.linear.gather [hbm4b:s31+s2], $0xC8, $0x38;
	[tilespmem:$0xCA00] =	vst v63  }
0x16: {  	_ =	swait.ge [sflag:s9], $0xC8  }
0x17: {  	[sflag:s9] =	ssyncset.done $0x0  }
0x18: {  	[sflag:s9] =	ssyncadd.s32 $0xFFFFFF38  }
0x19: {  	[tilespmem:s13], [sflag:$0x2] =	stream.indirect.gather [hbm4b:s3+s10], $0x80, s12, s10, $0xb8;
	[tilespmem:$0xCA00] =	vst v63  }
0x1a: {  	_ =	swait.ge [sflag:s14], $0x6400  }
0x1b: {  	[sflag:s14] =	ssyncset.done $0x0  }
0x1c: {  	[sflag:s14] =	ssyncadd.s32 $0xFFFF9C00  }
0x1d: {  	[hbm4b:s5+s2] =	stream.linear.scatter [tilespmem:s11], [sflag:$0x3], $0x6400, $0x38;
	[tilespmem:$0xCA00] =	vst v63  }
0x1e: {  	_ =	swait.ge [sflag:s9], $0x6400  }
0x1f: {  	[sflag:s9] =	ssyncset.done $0x0  }
0x20: {  	[sflag:s9] =	ssyncadd.s32 $0xFFFF9C00  }
0x21: {  	_ =	swait.ge [sflag:s15], $0x6400  }
0x22: {  	[sflag:s15] =	ssyncset.done $0x0  }
0x23: {  	[sflag:s15] =	ssyncadd.s32 $0xFFFF9C00  }
0x24: {  	[hbm4b:s6+s2] =	stream.linear.scatter [tilespmem:s13], [sflag:$0x3], $0x6400, $0x38;
	[tilespmem:$0xCA00] =	vst v63  }
0x25: {  	s19 =	simm.s32 $0x19;
	s20 =	simm.s32 $0x32;
	_ =	swait.ge [sflag:s9], $0x6400  }
0x26: {  	s18 =	sadd.s32 $0xC80, s5;
	s17 =	sadd.s32 $0xC80, s6;
	[sflag:s9] =	ssyncset.done $0x0  }
.LBB2_2:
0x27: {  	s21 =	sadd.s32 s19, s8  }
0x28: {  	[sflag:s9] =	ssyncadd.s32 $0xFFFF9C00;
	s22 =	smov.u32 s20;
	s23 =	sadd.s32 $0x19, s20  }
0x29: {  	[tilespmem:s2], [sflag:$0x3] =	stream.linear.gather [hbm4b:s21+s2], $0xC8, $0x38;
	[tilespmem:$0xCA00] =	vst v63  }
0x2a: {  	p0 =	sne.s32 s20, $0x4C9;
	_ =	swait.ge [sflag:s9], $0xC8  }
0x2b: {  	[sflag:s9] =	ssyncset.done $0x0  }
0x2c: {  	[sflag:s9] =	ssyncadd.s32 $0xFFFFFF38  }
0x2d: {  	[tilespmem:s11], [sflag:$0x1] =	stream.indirect.gather [hbm4b:s3+s10], $0x80, s2, s10, $0xb8;
	[tilespmem:$0xCA00] =	vst v63  }
0x2e: {  	s20 =	sadd.s32 s19, s7;
	s19 =	smov.u32 s22  }
0x2f: {  	[tilespmem:s12], [sflag:$0x3] =	stream.linear.gather [hbm4b:s20+s2], $0xC8, $0x38;
	[tilespmem:$0xCA00] =	vst v63  }
0x30: {  	_ =	swait.ge [sflag:s9], $0xC8  }
0x31: {  	[sflag:s9] =	ssyncset.done $0x0  }
0x32: {  	[sflag:s9] =	ssyncadd.s32 $0xFFFFFF38  }
0x33: {  	[tilespmem:s13], [sflag:$0x2] =	stream.indirect.gather [hbm4b:s3+s10], $0x80, s12, s10, $0xb8;
	[tilespmem:$0xCA00] =	vst v63  }
0x34: {  	_ =	swait.ge [sflag:s14], $0x6400  }
0x35: {  	[sflag:s14] =	ssyncset.done $0x0  }
0x36: {  	[sflag:s14] =	ssyncadd.s32 $0xFFFF9C00  }
0x37: {  	[hbm4b:s18+s2] =	stream.linear.scatter [tilespmem:s11], [sflag:$0x3], $0x6400, $0x38;
	[tilespmem:$0xCA00] =	vst v63  }
0x38: {  	_ =	swait.ge [sflag:s9], $0x6400  }
0x39: {  	[sflag:s9] =	ssyncset.done $0x0  }
0x3a: {  	[sflag:s9] =	ssyncadd.s32 $0xFFFF9C00  }
0x3b: {  	_ =	swait.ge [sflag:s15], $0x6400  }
.Ltmp0:
0x3c: {  	[sflag:s15] =	ssyncset.done $0x0;
	(pc) =	sbr.rel @p0 .LBB2_2-.Ltmp0, $4  }
0x3d: {  	[sflag:s15] =	ssyncadd.s32 $0xFFFF9C00  }
0x3e: {  	[hbm4b:s17+s2] =	stream.linear.scatter [tilespmem:s13], [sflag:$0x3], $0x6400, $0x38;
	[tilespmem:$0xCA00] =	vst v63  }
0x3f: {  	s20 =	smov.u32 s23;
	_ =	swait.ge [sflag:s9], $0x6400  }
0x40: {  	s18 =	sadd.s32 $0xC80, s18;
	s17 =	sadd.s32 $0xC80, s17;
	[sflag:s9] =	ssyncset.done $0x0  }
0x41: {  	s20 =	sadd.s32 s19, s8;
	[sflag:s9] =	ssyncadd.s32 $0xFFFF9C00  }
0x42: {  	[tilespmem:s2], [sflag:$0x3] =	stream.linear.gather [hbm4b:s20+s2], $0xC8, $0x38;
	[tilespmem:$0xCA00] =	vst v63  }
0x43: {  	_ =	swait.ge [sflag:s9], $0xC8  }
0x44: {  	[sflag:s9] =	ssyncset.done $0x0  }
0x45: {  	[sflag:s9] =	ssyncadd.s32 $0xFFFFFF38  }
0x46: {  	[tilespmem:s11], [sflag:$0x1] =	stream.indirect.gather [hbm4b:s3+s10], $0x80, s2, s10, $0xb8;
	[tilespmem:$0xCA00] =	vst v63  }
0x47: {  	s31 =	sadd.s32 s19, s7  }
0x48: {  	[tilespmem:s12], [sflag:$0x3] =	stream.linear.gather [hbm4b:s31+s2], $0xC8, $0x38;
	[tilespmem:$0xCA00] =	vst v63  }
0x49: {  	_ =	swait.ge [sflag:s9], $0xC8  }
0x4a: {  	[sflag:s9] =	ssyncset.done $0x0  }
0x4b: {  	[sflag:s9] =	ssyncadd.s32 $0xFFFFFF38  }
0x4c: {  	[tilespmem:s13], [sflag:$0x2] =	stream.indirect.gather [hbm4b:s3+s10], $0x80, s12, s10, $0xb8;
	[tilespmem:$0xCA00] =	vst v63  }
0x4d: {  	_ =	swait.ge [sflag:s14], $0x6400  }
0x4e: {  	[sflag:s14] =	ssyncset.done $0x0  }
0x4f: {  	[sflag:s14] =	ssyncadd.s32 $0xFFFF9C00  }
0x50: {  	[hbm4b:s18+s2] =	stream.linear.scatter [tilespmem:s11], [sflag:$0x3], $0x6400, $0x38;
	[tilespmem:$0xCA00] =	vst v63  }
0x51: {  	_ =	swait.ge [sflag:s9], $0x6400  }
0x52: {  	[sflag:s9] =	ssyncset.done $0x0  }
0x53: {  	[sflag:s9] =	ssyncadd.s32 $0xFFFF9C00  }
0x54: {  	s16 =	sadd.s32 $0x1, s16;
	_ =	swait.ge [sflag:s15], $0x6400  }
0x55: {  	p0 =	sne.s32 s16, s4;
	[sflag:s15] =	ssyncset.done $0x0  }
.Ltmp1:
0x56: {  	[sflag:s15] =	ssyncadd.s32 $0xFFFF9C00;
	(pc) =	sbr.rel @p0 .LBB2_1-.Ltmp1, $4  }
0x57: {  	[hbm4b:s17+s2] =	stream.linear.scatter [tilespmem:s13], [sflag:$0x3], $0x6400, $0x38;
	[tilespmem:$0xCA00] =	vst v63  }
0x58: {  	_ =	swait.ge [sflag:s9], $0x6400  }
0x59: {  	[sflag:s9] =	ssyncset.done $0x0  }
0x5a: {  	[sflag:s9] =	ssyncadd.s32 $0xFFFF9C00  }
0x5b: {  	_ =	sfence.sel $0x180000  }
0x5c: {  	[bflag:$0x0] =	sbarrier.arrive $0xFFFF  }
0x5d: {  	p0 =	sne.s32 s1, $0x0;
	_ =	strace $0x90000068  }
0x5e: {  	s0 =	sadd.s32 @!p0 $0x100000, s0;
	[bflag:$0x2] =	sbarrier.arrive $0xFFFF  }
0x5f: {  	[sflag:s0] =	ssyncadd.tile.s32 @!p0 $0x1;
	_ =	shalt  }
.Lfunc_end2:
_tile_overlayer_lowered:
.L_overlay_start_2:
0x60: {  	(tag) =	ssettag $0x2  }
0x61: {  	s0 =	rddreg [dreg:$0x0];
	s2 =	stileid.u32  }
0x62: {  	s1 =	rddreg [dreg:$0x1];
	p0 =	sne.s32 s2, $0x0  }
0x63: {  	s3 =	rddreg [dreg:$0x2];
	[bflag:$0x3] =	sbarrier.arrive $0xFFFF;
	s2 =	simm.s32 @!p0 $0x1C03  }
0x64: {  	[timem:s3], [sflag:s2] =	dma.local @!p0 [hbm:s0], s1  }
0x65: {  	s0 =	simm.s32 @!p0 $0x3  }
0x66: {  	_ =	swait.ge @!p0 [sflag:s0], s1  }
0x67: {  	s1 =	ssub.s32 @!p0 $0x0, s1;
	[sflag:s0] =	ssyncset.done @!p0 $0x0  }
0x68: {  	[sflag:s0] =	ssyncadd.s32 @!p0 s1  }
0x69: {  	[bflag:$0x3] =	sbarrier.arrive $0xFFFF  }
0x6a: {  	_ =	shalt  }

// kernel: kernel.67.cloned.1.call-start
scs
__scs_entry_jumppad:
0x0: {  	(pc) =	sbr.rel $0x88, $3  }
0x1: {  	(tag) =	ssettag $0x0;
	lr =	simm.s32 $0x1  }
0x2: {  	[smem:$0x3F83] =	sst lr;
	_ =	strace $0xD0000000  }
0x3: {  	_ = 	snop  }
0x4: {  	_ = 	snop  }
0x5: {  	_ = 	snop  }
0x6: {  	_ = 	snop  }
0x7: {  	_ = 	snop  }
__scs_overlays_trampoline_lowered:
0x8: {  	[smem:$0x3F92] =	sst s0  }
0x9: {  	[smem:$0x3F93] =	sst s1  }
0xa: {  	[smem:$0x3F94] =	sst s2  }
0xb: {  	[smem:$0x3F95] =	sst s3  }
0xc: {  	[smem:$0x3F96] =	sst s4  }
0xd: {  	[smem:$0x3F97] =	sst s5  }
0xe: {  	[smem:$0x3F98] =	sst s6  }
0xf: {  	[smem:$0x3F99] =	sst s7  }
0x10: {  	[smem:$0x3F9A] =	sst s8  }
0x11: {  	[smem:$0x3F9B] =	sst s9;
	s0 =	simm.s32 @!p0 $0x0  }
0x12: {  	s1 =	sld [smem:$0x3F81];
	s0 =	simm.s32 @p0 $0x1  }
0x13: {  	[smem:$0x3F9C] =	sst s0;
	s0 =	simm.s32 @!p1 $0x0  }
0x14: {  	s2 =	sld [smem:$0x3F80];
	s0 =	simm.s32 @p1 $0x1  }
0x15: {  	[smem:$0x3F9D] =	sst s0;
	s0 =	simm.s32 @!p2 $0x0  }
0x16: {  	s3 =	sld [smem:$0x3FDB];
	s0 =	simm.s32 @p2 $0x1  }
0x17: {  	s4 =	simm.s32 $0x1BF5;
	[smem:$0x3F9F] =	sst s0  }
0x18: {  	s0 =	sld [smem:$0x3F82];
	_ =	swait.ge [sflag:s4], $0x0  }
0x19: {  	s7 =	sld [smem:$0x3F83]  }
0x1a: {  	s8 =	sadd.s32 $0xFFFFE003, lr  }
0x1b: {  	s9 =	sadd.s32 $0xFFFFFEF7, lr;
	s5 =	simm.s32 $0xFFFFFFFF;
	p2 =	slt.u32 s8, $0xFFFFF086  }
0x1c: {  	p1 =	slt.u32 s9, $0xF7A;
	s5 =	simm.s32 @!p2 $0x0  }
0x1d: {  	s5 =	simm.s32 @p1 $0x1;
	p0 =	seq.s32 s7, s2  }
0x1e: {  	s7 =	smul.u32 @!p0 $0xF7A, s2;
	p2 =	seq.s32 @!p0 s5, $0x0  }
0x1f: {  	s9 =	smul.u32 $0xF7A, s1;
	s8 =	simm.s32 @!p0 $0x1BF5;
	p2 =	por !p2, p0  }
0x20: {  	[sflag:s8] =	ssyncset.s32 @!p0 $0xFFFFF086;
	s6 =	sadd.s32 @!p0 s3, s7;
	s7 =	simm.s32 @!p0 $0x108  }
0x21: {  	s3 =	sadd.s32 s3, s9;
	s6 =	sadd.s32 @!p0 $0x88, s6;
	s7 =	simm.s32 @p2 $0x1082  }
0x22: {  	[simem:s7], [sflag:s8] =	dma.local @!p0 [hbm:s6], $0xF7A  }
0x23: {  	s9 =	sor.u32 $0xD0000000, s2;
	s6 =	simm.s32 $0x108;
	_ =	swait.ge @!p0 [sflag:s8], $0x0  }
0x24: {  	s3 =	sadd.s32 $0x88, s3;
	s6 =	simm.s32 @!p1 $0x1082;
	[sflag:s4] =	ssyncset.s32 $0xFFFFF086  }
0x25: {  	[simem:s6], [sflag:s4] =	dma.local [hbm:s3], $0xF7A  }
0x26: {  	[smem:$0x3F83] =	sst s1;
	(tag) =	ssettag s2;
	_ =	strace s9  }
0x27: {  	s1 =	sld [smem:$0x3F93]  }
0x28: {  	s2 =	sld [smem:$0x3F94]  }
0x29: {  	s4 =	sld [smem:$0x3F96]  }
0x2a: {  	p0 =	seq.s32 s5, $0x0;
	s5 =	sld [smem:$0x3F97]  }
0x2b: {  	s6 =	sld [smem:$0x3F98]  }
0x2c: {  	s7 =	sld [smem:$0x3F99]  }
0x2d: {  	s3 =	simm.s32 $0x108;
	s8 =	sld [smem:$0x3F9A]  }
0x2e: {  	s3 =	simm.s32 @!p0 $0x1082;
	s9 =	sld [smem:$0x3F9B]  }
0x2f: {  	lr =	sadd.s32 s0, s3;
	s0 =	sld [smem:$0x3F92]  }
0x30: {  	s3 =	sld [smem:$0x3F95]  }
0x31: {  	[smem:$0x3F9E] =	sst s10  }
0x32: {  	s10 =	sld [smem:$0x3F9C];
	_ =	sdelay $0x3  }
0x33: {  	p0 =	seq.s32 s10, $0x1;
	s10 =	sld [smem:$0x3F9E];
	_ =	sdelay $0x3  }
0x34: {  	[smem:$0x3F9E] =	sst s10  }
0x35: {  	s10 =	sld [smem:$0x3F9D];
	_ =	sdelay $0x3  }
0x36: {  	p1 =	seq.s32 s10, $0x1;
	s10 =	sld [smem:$0x3F9E];
	_ =	sdelay $0x3  }
0x37: {  	[smem:$0x3F9E] =	sst s10  }
0x38: {  	s10 =	sld [smem:$0x3F9F]  }
0x39: {  	_ = 	snop;
	(pc) =	sbr.ind lr, $3  }
0x3a: {  	_ = 	snop  }
0x3b: {  	_ = 	snop  }
0x3c: {  	p2 =	seq.s32 s10, $0x1;
	s10 =	sld [smem:$0x3F9E]  }
0x3d: {  	_ =	shalt  }
0x3e: {  	_ =	shalt  }
0x3f: {  	_ =	shalt  }
0x40: {  	_ =	shalt  }
0x41: {  	_ =	shalt  }
0x42: {  	_ =	shalt  }
0x43: {  	_ =	shalt  }
0x44: {  	_ =	shalt  }
0x45: {  	_ =	shalt  }
0x46: {  	_ =	shalt  }
0x47: {  	_ =	shalt  }
0x48: {  	_ =	shalt  }
0x49: {  	_ =	shalt  }
0x4a: {  	_ =	shalt  }
0x4b: {  	_ =	shalt  }
0x4c: {  	_ =	shalt  }
0x4d: {  	_ =	shalt  }
0x4e: {  	_ =	shalt  }
0x4f: {  	_ =	shalt  }
0x50: {  	_ =	shalt  }
0x51: {  	_ =	shalt  }
0x52: {  	_ =	shalt  }
0x53: {  	_ =	shalt  }
0x54: {  	_ =	shalt  }
0x55: {  	_ =	shalt  }
0x56: {  	_ =	shalt  }
0x57: {  	_ =	shalt  }
0x58: {  	_ =	shalt  }
0x59: {  	_ =	shalt  }
0x5a: {  	_ =	shalt  }
0x5b: {  	_ =	shalt  }
0x5c: {  	_ =	shalt  }
0x5d: {  	_ =	shalt  }
0x5e: {  	_ =	shalt  }
0x5f: {  	_ =	shalt  }
0x60: {  	_ =	shalt  }
0x61: {  	_ =	shalt  }
0x62: {  	_ =	shalt  }
0x63: {  	_ =	shalt  }
0x64: {  	_ =	shalt  }
0x65: {  	_ =	shalt  }
0x66: {  	_ =	shalt  }
0x67: {  	_ =	shalt  }
0x68: {  	_ =	shalt  }
0x69: {  	_ =	shalt  }
0x6a: {  	_ =	shalt  }
0x6b: {  	_ =	shalt  }
0x6c: {  	_ =	shalt  }
0x6d: {  	_ =	shalt  }
0x6e: {  	_ =	shalt  }
0x6f: {  	_ =	shalt  }
0x70: {  	_ =	shalt  }
0x71: {  	_ =	shalt  }
0x72: {  	_ =	shalt  }
0x73: {  	_ =	shalt  }
0x74: {  	_ =	shalt  }
0x75: {  	_ =	shalt  }
0x76: {  	_ =	shalt  }
0x77: {  	_ =	shalt  }
0x78: {  	_ =	shalt  }
0x79: {  	_ =	shalt  }
0x7a: {  	_ =	shalt  }
0x7b: {  	_ =	shalt  }
0x7c: {  	_ =	shalt  }
0x7d: {  	_ =	shalt  }
0x7e: {  	_ =	shalt  }
0x7f: {  	_ =	shalt  }
0x80: {  	_ =	shalt  }
0x81: {  	_ =	shalt  }
0x82: {  	_ =	shalt  }
0x83: {  	_ =	shalt  }
0x84: {  	_ =	shalt  }
0x85: {  	_ =	shalt  }
0x86: {  	_ =	shalt  }
0x87: {  	_ =	shalt  }
.Lfunc_end0:
.L_simem_size_0:
called_computation.12_lowered:
.L_overlay_start_0:
0x88: {  	s2 =	sld [smem:$0x3FD9]  }
0x89: {  	s3 =	sld [smem:$0x3FFE];
	_ =	sdelay $0x1  }
0x8a: {  	s1 =	srdreg.scid  }
0x8b: {  	s0 =	sand.u32 $0x1, s1  }
0x8c: {  	s16 =	sshll.u32 s0, $0xA;
	s2 =	sadd.s32 s3, s2  }
0x8d: {  	s2 =	sadd.s32 s2, s16  }
0x8e: {  	[smem:$0x3FAA] =	sst s2  }
0x8f: {  	_ = 	snop  }
0x90: {  	(tm) =	ssettm $0x1  }
0x91: {  	s17 =	sld [smem:$0x3FFB];
	_ =	sdelay $0x3  }
0x92: {  	_ =	strace s17  }
0x93: {  	s2 =	sld [smem:$0x3FFC];
	_ =	sdelay $0x3  }
0x94: {  	_ =	strace s2  }
0x95: {  	s2 =	sld [smem:$0x3FFD];
	_ =	sdelay $0x3  }
0x96: {  	_ =	strace s2  }
0x97: {  	_ =	strace $0x8FFFFFFF  }
0x98: {  	s18 =	sld [smem:$0x3FDB];
	_ =	sdelay $0x1  }
0x99: {  	s19 =	simm.s32 $_scs_section_size  }
0x9a: {  	s4 =	simm.s32 $_size__tile_overlayer_lowered;
	s5 =	simm.s32 $_tile_overlayer_lowered  }
0x9b: {  	s22 =	simm.s32 $0x1BFF;
	s21 =	sshll.u32 s5, $0x1;
	s2 =	sadd.s32 s19, s18  }
0x9c: {  	s6 =	simm.s32 $0x0;
	s20 =	sshll.u32 s4, $0x1;
	s4 =	sadd.s32 s21, s2  }
0x9d: {  	[timem:s6], [sflag:s22] =	dma.local [hbm:s4], s20  }
0x9e: {  	_ =	swait.ge [sflag:s22], s20  }
0x9f: {  	s3 =	ssub.s32 $0x0, s20;
	[sflag:s22] =	ssyncset.done $0x0  }
0xa0: {  	[sflag:s22] =	ssyncadd.s32 s3;
	_ =	sdelay $0x1  }
0xa1: {  	s23 =	simm.s32 $0x1B8B  }
0xa2: {  	_ =	swait.ge [sflag:s23], $0x1  }
0xa3: {  	[sflag:s23] =	ssyncset.done $0x0  }
0xa4: {  	s25 =	simm.s32 $0x1B8E;
	s24 =	sld [smem:$0x3FFE];
	[sflag:s23] =	ssyncadd.s32 $0xFFFFFFFF  }
0xa5: {  	s26 =	simm.s32 $execute0_lowered;
	[smem:$0x3FD2] =	sst s25  }
0xa6: {  	s4 =	sshll.u32 s26, $0x1;
	_ =	strace $0x8000006A;
	[dreg:$0x1] =	wrdreg $0xFFFFFFFF  }
0xa7: {  	s28 =	simm.s32 $_size_execute0_lowered;
	s2 =	sadd.s32 s2, s4;
	[dreg:$0x0] =	wrdreg $0x0  }
0xa8: {  	s4 =	sshll.u32 s28, $0x1;
	[dreg:$0x2] =	wrdreg s2  }
0xa9: {  	[dreg:$0x3] =	wrdreg s4  }
0xaa: {  	[dreg:$0x4] =	wrdreg $0xC0  }
0xab: {  	_ =	task [dreg:s6], $0x5FFFF  }
0xac: {  	[dreg:$0x1] =	wrdreg $0xFFFFFFFF  }
0xad: {  	[dreg:$0x0] =	wrdreg $0x60  }
0xae: {  	[dreg:$0x2] =	wrdreg s24  }
0xaf: {  	[dreg:$0x3] =	wrdreg $0x9  }
0xb0: {  	_ =	task.clear_ibuf [dreg:s6], $0x4FFFF;
	_ =	strace $0x9000006A  }
0xb1: {  	s29 =	simm.s32 $0x9;
	_ =	strace $0x8000006C  }
0xb2: {  	_ =	swait.ge [sflag:s29], $0x1  }
0xb3: {  	[sflag:s29] =	ssyncadd.s32 $0xFFFFFFFF  }
0xb4: {  	_ =	strace $0x9000006C  }
0xb5: {  	_ =	sfence  }
0xb6: {  	s30 =	sld [smem:$0x0];
	_ =	sdelay $0x2  }
0xb7: {  	s31 =	sshll.u32 s1, $0xD;
	s1 =	sshrl.u32 s1, $0x2  }
0xb8: {  	s3 =	sand.u32 $0x4000, s31;
	s1 =	sadd.s32 s1, s30  }
0xb9: {  	s0 =	sor.u32 s3, s0;
	s1 =	sshll.u32 s1, $0x11  }
0xba: {  	s0 =	sor.u32 s1, s0  }
0xbb: {  	s0 =	sadd.s32 $0x8F2B, s0  }
0xbc: {  	[sflag:s0] =	ssyncadd.remote.s32 $0x1  }
0xbd: {  	_ =	sfence.sel $0xFFFF  }
0xbe: {  	[dreg:$0x0] =	wrdreg $0xFFFFFFFF;
	(pc) =	sbr.abs _section_cstart, $3  }
0xbf: {  	[dreg:$0x1] =	wrdreg $0xFFFFFFFF  }
0xc0: {  	_ =	task.clear_ibuf [dreg:s6], $0x2FFFF;
	_ =	strace $0x9FFFFFFF  }
0xc1: {  	(tm) =	ssettm $0x7FFFFFFF  }
tec
execute0_lowered:
.L_overlay_start_1:
0x0: {  	(tag) =	ssettag $0x1  }
0x1: {  	s6 =	rddreg [dreg:$0x0]  }
0x2: {  	s0 =	rddreg [dreg:$0x1];
	s3 =	srdreg.scid  }
0x3: {  	s1 =	stileid.u32;
	s2 =	simm.s32 $0x0;
	s12 =	simm.s32 $0x2780  }
0x4: {  	s13 =	simm.s32 $0x4E90;
	s14 =	simm.s32 $0x75A0;
	s15 =	simm.s32 $0x9CB0  }
0x5: {  	s16 =	simm.s32 $0xC400;
	s3 =	sand.u32 $0x1, s3;
	s4 =	sshll.u32 s1, $0x1  }
0x6: {  	s17 =	simm.s32 $0x0;
	[smem:$0x7FF] =	sst s2;
	s4 =	sor.u32 s3, s4  }
0x7: {  	s5 =	sadd.s32 $0x11800, s6;
	s8 =	ssub.s32 $0x2, s3;
	s7 =	smul.u32 $0x13C0, s4  }
0x8: {  	_ =	strace $0x8000006B;
	s9 =	sshrl.u32 s8, $0x1;
	s4 =	smul.u32 $0x138800, s4  }
0x9: {  	s3 =	sadd.s32 $0x1B600, s6;
	s11 =	ssub.s32 s8, s9;
	s10 =	sadd.s32 s7, s6  }
0xa: {  	s6 =	sadd.s32 $0x4E200, s4;
	s7 =	sadd.s32 $0x9C400, s4;
	s8 =	sadd.s32 $0xEA600, s4  }
0xb: {  	v0 =	vimm.f32 $0.0e+00;
	s9 =	sadd.s32 $0xA10600, s10;
	s10 =	smax.u32 s11, $0x1;
	s11 =	simm.s32 $0x1  }
.LBB2_1:
0xc: {  	s18 =	simm.s32 $0x40;
	s19 =	simm.s32 $0x0  }
.LBB2_2:
0xd: {  	p0 =	sne.s32 s18, $0x277C0;
	[tilespmem:s19+$0xC400] =	vst v0;
	s19 =	smov.u32 s18;
	s18 =	sadd.s32 $0x40, s18  }
.Ltmp0:
0xe: {  	(pc) =	sbr.rel @p0 .LBB2_2-.Ltmp0, $2  }
0xf: {  	_ =	sdelay $0x2  }
0x10: {  	s19 =	sshra.s32 s19, $0x2  }
0x11: {  	[tilespmem:s19+$0xC400] =	vst v0;
	s18 =	simm.s32 $0x0;
	s19 =	simm.s32 $0x0  }
.LBB2_4:
0x12: {  	s20 =	smul.u32 $0x2710, s19;
	_ =	sdelay $0x1  }
0x13: {  	s21 =	sshrl.u32 s20, $0x3  }
0x14: {  	s21 =	sadd.s32 s5, s21  }
0x15: {  	[tilespmem:s18], [sflag:$0x1] =	stream.linear.gather [hbm4b:s21+s18], $0x2710, $0x38;
	[tilespmem:$0x16200] =	vst v63  }
0x16: {  	s29 =	sadd.s32 s4, s20;
	_ =	swait.ge [sflag:s11], $0x2710  }
0x17: {  	s21 =	sshrl.u32 s29, $0x3;
	[sflag:s11] =	ssyncset.done $0x0  }
0x18: {  	s21 =	sadd.s32 s3, s21;
	[sflag:s11] =	ssyncadd.s32 $0xFFFFD8F0  }
0x19: {  	[tilespmem:s12], [sflag:$0x1] =	stream.linear.gather [hbm4b:s21+s18], $0x2710, $0x38;
	[tilespmem:$0x16200] =	vst v63  }
0x1a: {  	s30 =	sadd.s32 s6, s20;
	_ =	swait.ge [sflag:s11], $0x2710  }
0x1b: {  	s21 =	sshrl.u32 s30, $0x3;
	[sflag:s11] =	ssyncset.done $0x0  }
0x1c: {  	s21 =	sadd.s32 s3, s21;
	[sflag:s11] =	ssyncadd.s32 $0xFFFFD8F0  }
0x1d: {  	[tilespmem:s13], [sflag:$0x1] =	stream.linear.gather [hbm4b:s21+s18], $0x2710, $0x38;
	[tilespmem:$0x16200] =	vst v63  }
0x1e: {  	s31 =	sadd.s32 s7, s20;
	_ =	swait.ge [sflag:s11], $0x2710  }
0x1f: {  	s21 =	sshrl.u32 s31, $0x3;
	[sflag:s11] =	ssyncset.done $0x0  }
0x20: {  	s21 =	sadd.s32 s3, s21;
	[sflag:s11] =	ssyncadd.s32 $0xFFFFD8F0  }
0x21: {  	[tilespmem:s14], [sflag:$0x1] =	stream.linear.gather [hbm4b:s21+s18], $0x2710, $0x38;
	[tilespmem:$0x16200] =	vst v63  }
0x22: {  	s20 =	sadd.s32 s8, s20;
	_ =	swait.ge [sflag:s11], $0x2710  }
0x23: {  	s20 =	sshrl.u32 s20, $0x3;
	[sflag:s11] =	ssyncset.done $0x0  }
0x24: {  	s20 =	sadd.s32 s3, s20;
	[sflag:s11] =	ssyncadd.s32 $0xFFFFD8F0  }
0x25: {  	[tilespmem:s15], [sflag:$0x1] =	stream.linear.gather [hbm4b:s20+s18], $0x2710, $0x38;
	[tilespmem:$0x16200] =	vst v63  }
0x26: {  	_ =	swait.ge [sflag:s11], $0x2710  }
0x27: {  	[sflag:s11] =	ssyncset.done $0x0  }
0x28: {  	s21 =	simm.s32 $0x40;
	s20 =	simm.s32 $0x0;
	[sflag:s11] =	ssyncadd.s32 $0xFFFFD8F0  }
.LBB2_5:
0x29: {  	p0 =	sne.s32 s21, $0x9C00;
	v1 =	vld [tilespmem:s20+$0x0]  }
0x2a: {  	v2 =	vld [tilespmem:s20+$0x2780];
	_ =	sdelay $0x6  }
0x2b: {  	[tilespmem:v1+s16+$0x0] =	vst.idx.add.f32.msk $0xffff, v2  }
0x2c: {  	v3 =	vadd.s32 $0x2780, v1;
	v2 =	vld [tilespmem:s20+$0x4E90];
	_ =	sdelay $0x4  }
0x2d: {  	[tilespmem:v3+s16+$0x0] =	vst.idx.add.f32.msk $0xffff, v2  }
0x2e: {  	v3 =	vadd.s32 $0x4F00, v1;
	v2 =	vld [tilespmem:s20+$0x75A0];
	_ =	sdelay $0x4  }
0x2f: {  	[tilespmem:v3+s16+$0x0] =	vst.idx.add.f32.msk $0xffff, v2  }
0x30: {  	v1 =	vadd.s32 $0x7680, v1;
	v2 =	vld [tilespmem:s20+$0x9CB0]  }
.Ltmp1:
0x31: {  	(pc) =	sbr.rel @p0 .LBB2_5-.Ltmp1, $2  }
0x32: {  	_ =	sdelay $0x2  }
0x33: {  	s20 =	sshra.s32 s21, $0x2;
	s21 =	sadd.s32 $0x40, s21;
	[tilespmem:v1+s16+$0x0] =	vst.idx.add.f32.msk $0xffff, v2  }
0x34: {  	v1 =	vld [tilespmem:s20+$0x0];
	_ =	sdelay $0x2  }
0x35: {  	v2 =	vld [tilespmem:s20+$0x2780];
	_ =	sdelay $0x4  }
0x36: {  	[tilespmem:v1+s16+$0x0] =	vst.idx.add.f32.msk $0xffff, v2  }
0x37: {  	v3 =	vadd.s32 $0x2780, v1;
	v2 =	vld [tilespmem:s20+$0x4E90];
	_ =	sdelay $0x4  }
0x38: {  	[tilespmem:v3+s16+$0x0] =	vst.idx.add.f32.msk $0xffff, v2  }
0x39: {  	v3 =	vadd.s32 $0x4F00, v1;
	v2 =	vld [tilespmem:s20+$0x75A0];
	_ =	sdelay $0x4  }
0x3a: {  	s19 =	sadd.s32 $0x1, s19;
	[tilespmem:v3+s16+$0x0] =	vst.idx.add.f32.msk $0xffff, v2  }
0x3b: {  	p0 =	sne.s32 s19, $0x20;
	v1 =	vadd.s32 $0x7680, v1;
	v2 =	vld [tilespmem:s20+$0x9CB0]  }
.Ltmp2:
0x3c: {  	_ = 	snop;
	(pc) =	sbr.rel @p0 .LBB2_4-.Ltmp2, $2  }
0x3d: {  	_ =	sdelay $0x2  }
0x3e: {  	[tilespmem:v1+s16+$0x0] =	vst.idx.add.f32.msk $0xffff, v2  }
0x3f: {  	s17 =	sadd.s32 $0x1, s17  }
0x40: {  	p0 =	sne.s32 s17, s10  }
.Ltmp3:
0x41: {  	_ = 	snop;
	(pc) =	sbr.rel @p0 .LBB2_1-.Ltmp3, $4  }
0x42: {  	[hbm4b:s9+s2] =	stream.linear.scatter [tilespmem:s16], [sflag:$0x1], $0x9E00, $0x38;
	[tilespmem:$0x16200] =	vst v63  }
0x43: {  	_ =	swait.ge [sflag:s11], $0x9E00  }
0x44: {  	[sflag:s11] =	ssyncset.done $0x0  }
0x45: {  	[sflag:s11] =	ssyncadd.s32 $0xFFFF6200  }
0x46: {  	_ =	sfence.sel $0x180000  }
0x47: {  	[bflag:$0x0] =	sbarrier.arrive $0xFFFF  }
0x48: {  	p0 =	sne.s32 s1, $0x0;
	_ =	strace $0x9000006B  }
0x49: {  	s0 =	sadd.s32 @!p0 $0x100000, s0;
	[bflag:$0x2] =	sbarrier.arrive $0xFFFF  }
0x4a: {  	[sflag:s0] =	ssyncadd.tile.s32 @!p0 $0x1;
	_ =	shalt  }
.Lfunc_end2:
_tile_overlayer_lowered:
.L_overlay_start_2:
0x4b: {  	(tag) =	ssettag $0x2  }
0x4c: {  	s0 =	rddreg [dreg:$0x0];
	s2 =	stileid.u32  }
0x4d: {  	s1 =	rddreg [dreg:$0x1];
	p0 =	sne.s32 s2, $0x0  }
0x4e: {  	s3 =	rddreg [dreg:$0x2];
	[bflag:$0x3] =	sbarrier.arrive $0xFFFF;
	s2 =	simm.s32 @!p0 $0x1C01  }
0x4f: {  	[timem:s3], [sflag:s2] =	dma.local @!p0 [hbm:s0], s1  }
0x50: {  	s0 =	simm.s32 @!p0 $0x1  }
0x51: {  	_ =	swait.ge @!p0 [sflag:s0], s1  }
0x52: {  	s1 =	ssub.s32 @!p0 $0x0, s1;
	[sflag:s0] =	ssyncset.done @!p0 $0x0  }
0x53: {  	[sflag:s0] =	ssyncadd.s32 @!p0 s1  }
0x54: {  	[bflag:$0x3] =	sbarrier.arrive $0xFFFF  }
0x55: {  	_ =	shalt  }

</sc_bundles>
